<compile_context>
chip_gen: v7x
topology: tpu7x:2x2x1
jax: 0.10.2.dev20260603
libtpu: 0.0.44.dev20260713+nightly
codegen_flags: <defaults>
</compile_context>

<pallas_src>
import functools
import numpy as np
import jax
import jax.numpy as jnp
from jax import lax
from jax.experimental import pallas as pl
from jax.experimental.pallas import tpu as pltpu
from jax.experimental.pallas import tpu_sc as plsc

H = 4
D = 32



def _proj_body(x_ref, wt_ref, b_ref, p_ref, whl_ref, whh_ref, al_ref):
    xb = x_ref[...]
    wh = jnp.dot(xb, wt_ref[...], preferred_element_type=jnp.float32) + b_ref[...]
    whl_ref[...] = wh[:, :64]
    whh_ref[...] = wh[:, 64:]
    al_ref[...] = jnp.dot(wh, p_ref[...], preferred_element_type=jnp.float32)


def _node_proj(node_feats, wt, bias, pmat):
    n, f = node_feats.shape
    blk = 400
    grid = (n // blk,)
    return pl.pallas_call(
        _proj_body,
        grid=grid,
        in_specs=[
            pl.BlockSpec((blk, f), lambda i: (i, 0)),
            pl.BlockSpec((f, f), lambda i: (0, 0)),
            pl.BlockSpec((1, f), lambda i: (0, 0)),
            pl.BlockSpec((f, 16), lambda i: (0, 0)),
        ],
        out_specs=[
            pl.BlockSpec((blk, 64), lambda i: (i, 0)),
            pl.BlockSpec((blk, 64), lambda i: (i, 0)),
            pl.BlockSpec((blk, 16), lambda i: (i, 0)),
        ],
        out_shape=[
            jax.ShapeDtypeStruct((n, 64), jnp.float32),
            jax.ShapeDtypeStruct((n, 64), jnp.float32),
            jax.ShapeDtypeStruct((n, 16), jnp.float32),
        ],
    )(node_feats, wt, bias, pmat)




def _edge_body(x_ref, v_ref, c_ref, o_ref):
    o_ref[...] = (
        jnp.dot(x_ref[...], v_ref[...], preferred_element_type=jnp.float32)
        + c_ref[...]
    )


def _edge_proj(edge_feats_r, vbig, cbig):
    m, f = edge_feats_r.shape
    blk = 2000
    return pl.pallas_call(
        _edge_body,
        grid=(m // blk,),
        in_specs=[
            pl.BlockSpec((blk, f), lambda i: (i, 0)),
            pl.BlockSpec((f, 64), lambda i: (0, 0)),
            pl.BlockSpec((1, 64), lambda i: (0, 0)),
        ],
        out_specs=pl.BlockSpec((blk, 64), lambda i: (i, 0)),
        out_shape=jax.ShapeDtypeStruct((m, 64), jnp.float32),
    )(edge_feats_r, vbig, cbig)




def _combine_body(r0_ref, r1_ref, d_ref, rmat_ref, o_ref):
    r = jnp.concatenate([r0_ref[...], r1_ref[...]], axis=1)
    d128 = jnp.dot(d_ref[...], rmat_ref[...], preferred_element_type=jnp.float32)
    safe = jnp.where(d128 > 0.0, d128, 1.0)
    o_ref[...] = jnp.where(d128 > 0.0, r / safe, 0.0)


def _combine(raw0, raw1, den, rmat):
    n = raw0.shape[0]
    f = 128
    blk = 1000
    return pl.pallas_call(
        _combine_body,
        grid=(n // blk,),
        in_specs=[
            pl.BlockSpec((blk, 64), lambda i: (i, 0)),
            pl.BlockSpec((blk, 64), lambda i: (i, 0)),
            pl.BlockSpec((blk, 16), lambda i: (i, 0)),
            pl.BlockSpec((16, f), lambda i: (0, 0)),
        ],
        out_specs=pl.BlockSpec((blk, f), lambda i: (i, 0)),
        out_shape=jax.ShapeDtypeStruct((n, f), jnp.float32),
    )(raw0, raw1, den, rmat)



NS = 16
NW = 32
SUB = 100
NSUB = 4
CHUNK = SUB * NSUB
GRP = CHUNK // 16


def _sc_edge_body(whl_hbm, whh_hbm, al_hbm, ee_hbm, src_hbm, dst_hbm,
                  raw0_hbm, raw1_hbm, den_hbm,
                  srcbuf, dstbuf, eebuf, asrcbuf, adstbuf, rowsbuf, pbuf,
                  raw_sp, den_sp, sem):
    n = whl_hbm.shape[0]
    e_rows, sub = src_hbm.shape
    c = lax.axis_index("c")
    s = lax.axis_index("s")
    rows_tile = e_rows // NS
    nchunks = rows_tile // NSUB
    nblk = 10
    rows_blk = n // nblk
    sub_rows = 200
    nsub_rows = rows_blk // sub_rows

    lane = lax.iota(jnp.int32, 16)
    zeros16 = jnp.zeros((16,), jnp.float32)

    def zrow(i, carry):
        for jj in range(4):
            rowsbuf[i, pl.ds(jj * 16, 16)] = zeros16
        pbuf[i, pl.ds(0, 16)] = zeros16
        return carry
    lax.fori_loop(0, CHUNK, zrow, 0)

    @pl.when(s < nblk)
    def _zero():
        def zcopy(b, carry):
            r0 = s * rows_blk + b * sub_rows
            pltpu.sync_copy(rowsbuf.at[pl.ds(0, sub_rows)],
                            raw_sp.at[pl.ds(r0, sub_rows)])
            pltpu.sync_copy(pbuf.at[pl.ds(0, sub_rows)],
                            den_sp.at[pl.ds(r0, sub_rows)])
            return carry
        lax.fori_loop(0, nsub_rows, zcopy, 0)
    plsc.subcore_barrier()

    def chunk_body(i, carry):
        rowbase = s * rows_tile + i * NSUB
        ebase = rowbase * SUB
        pltpu.sync_copy(src_hbm.at[pl.ds(rowbase, NSUB)], srcbuf)
        pltpu.sync_copy(dst_hbm.at[pl.ds(rowbase, NSUB)], dstbuf)
        pltpu.sync_copy(ee_hbm.at[pl.ds(ebase, CHUNK)], eebuf)
        for q in range(NSUB):
            d = pl.ds(q * SUB, SUB)
            pltpu.async_copy(al_hbm.at[srcbuf.at[q]], asrcbuf.at[d], sem).wait()
            pltpu.async_copy(al_hbm.at[dstbuf.at[q]], adstbuf.at[d], sem).wait()

            @pl.when(c == 0)
            def _g0():
                pltpu.async_copy(whl_hbm.at[srcbuf.at[q]], rowsbuf.at[d], sem).wait()

            @pl.when(c == 1)
            def _g1():
                pltpu.async_copy(whh_hbm.at[srcbuf.at[q]], rowsbuf.at[d], sem).wait()

        for g in range(GRP):
            gl = lane + g * 16

            def _p_head(h):
                hs = jnp.full((16,), h, jnp.int32)
                a1 = plsc.load_gather(asrcbuf, [gl, hs])
                a2 = plsc.load_gather(adstbuf, [gl, hs + 4])
                e3 = plsc.load_gather(eebuf, [gl, hs])
                ev = a1 + a2 + e3
                ev = jnp.where(ev >= 0.0, ev, 0.2 * ev)
                plsc.store_scatter(pbuf, [gl, hs], jnp.exp(ev))

            @pl.when(c == 0)
            def _p01():
                _p_head(0)
                _p_head(1)

            _p_head(2)
            _p_head(3)

        hb = jnp.full((16,), 2, jnp.int32) * c
        def scale(j, carry):
            js = jnp.full((16,), j, jnp.int32)
            pa = plsc.load_gather(pbuf, [js, hb])
            pb = plsc.load_gather(pbuf, [js, hb + 1])
            for jj in range(4):
                ph = pa if jj < 2 else pb
                seg = rowsbuf[j, pl.ds(jj * 16, 16)]
                rowsbuf[j, pl.ds(jj * 16, 16)] = seg * ph
            return carry
        lax.fori_loop(0, CHUNK, scale, 0)

        for q in range(NSUB):
            d = pl.ds(q * SUB, SUB)
            pltpu.sync_copy(rowsbuf.at[d], raw_sp.at[dstbuf.at[q]], add=True)

            @pl.when(c == 0)
            def _dadd():
                pltpu.sync_copy(pbuf.at[d], den_sp.at[dstbuf.at[q]], add=True)
        return carry
    lax.fori_loop(0, nchunks, chunk_body, 0)
    plsc.subcore_barrier()

    @pl.when(s < nblk)
    def _out():
        def out_copy(b, carry):
            r0 = s * rows_blk + b * sub_rows
            dsub = pl.ds(0, sub_rows)
            dsp = pl.ds(r0, sub_rows)
            pltpu.sync_copy(raw_sp.at[dsp], rowsbuf.at[dsub])

            @pl.when(c == 0)
            def _w0():
                pltpu.sync_copy(rowsbuf.at[dsub], raw0_hbm.at[dsp])
                pltpu.sync_copy(den_sp.at[dsp], pbuf.at[dsub])
                pltpu.sync_copy(pbuf.at[dsub], den_hbm.at[dsp])

            @pl.when(c == 1)
            def _w1():
                pltpu.sync_copy(rowsbuf.at[dsub], raw1_hbm.at[dsp])
            return carry
        lax.fori_loop(0, nsub_rows, out_copy, 0)


def _sc_edge(whl, whh, alphas, ee, src, dst):
    n = whl.shape[0]
    src = src.reshape(-1, SUB)
    dst = dst.reshape(-1, SUB)
    mesh = plsc.VectorSubcoreMesh(core_axis_name="c", subcore_axis_name="s",
                                  num_cores=2, num_subcores=NS)
    f = pl.kernel(
        _sc_edge_body,
        mesh=mesh,
        out_type=[
            jax.ShapeDtypeStruct((n, 64), jnp.float32),
            jax.ShapeDtypeStruct((n, 64), jnp.float32),
            jax.ShapeDtypeStruct((n, 16), jnp.float32),
        ],
        scratch_types=[
            pltpu.VMEM((NSUB, SUB), jnp.int32),
            pltpu.VMEM((NSUB, SUB), jnp.int32),
            pltpu.VMEM((CHUNK, 8), jnp.float32),
            pltpu.VMEM((CHUNK, 16), jnp.float32),
            pltpu.VMEM((CHUNK, 16), jnp.float32),
            pltpu.VMEM((CHUNK, 64), jnp.float32),
            pltpu.VMEM((CHUNK, 16), jnp.float32),
            pltpu.VMEM_SHARED((n, 64), jnp.float32),
            pltpu.VMEM_SHARED((n, 16), jnp.float32),
            pltpu.SemaphoreType.DMA,
        ],
        compiler_params=pltpu.CompilerParams(needs_layout_passes=False,
                                             use_tc_tiling_on_sc=False),
    )
    return f(whl, whh, alphas, ee, src, dst)




def kernel(node_feats, edge_feats, edge_index, node_fc_w, node_fc_b,
           edge_fc_w, edge_fc_b, attn):
    n, in_f = node_feats.shape
    e_num, ef = edge_feats.shape

    src = edge_index[0].astype(jnp.int32)
    dst = edge_index[1].astype(jnp.int32)

    a = attn.reshape(H, 3 * D)
    a1 = a[:, :D]
    a2 = a[:, D:2 * D]
    a3 = a[:, 2 * D:]
    eye = jnp.eye(H, dtype=jnp.float32)
    p1 = jnp.einsum("hd,hg->hdg", a1, eye).reshape(H * D, H)
    p2 = jnp.einsum("hd,hg->hdg", a2, eye).reshape(H * D, H)
    pmat = jnp.concatenate([p1, p2, jnp.zeros((H * D, 8), jnp.float32)], axis=1)

    w_r = edge_fc_w.reshape(H, D, ef)
    v = jnp.einsum("hdk,hd->kh", w_r, a3)
    cvec = jnp.einsum("hd,hd->h", edge_fc_b.reshape(H, D), a3)
    vpad = jnp.concatenate([v, jnp.zeros((ef, 4), jnp.float32)], axis=1)
    vbig = jnp.kron(jnp.eye(8, dtype=jnp.float32), vpad)
    cbig = jnp.tile(jnp.concatenate([cvec, jnp.zeros((4,), jnp.float32)]), 8)

    rmat = jnp.kron(
        jnp.concatenate([jnp.eye(H, dtype=jnp.float32),
                         jnp.zeros((12, H), jnp.float32)], axis=0),
        jnp.ones((1, D), jnp.float32),
    )

    BIS_PROJ, BIS_EDGE, BIS_COMB = True, True, True
    if BIS_PROJ:
        whl, whh, alphas = _node_proj(node_feats, node_fc_w.T,
                                      node_fc_b.reshape(1, -1), pmat)
    else:
        wh_full = node_feats @ node_fc_w.T + node_fc_b
        whl, whh = wh_full[:, :64], wh_full[:, 64:]
        alphas = wh_full @ pmat
    if BIS_EDGE:
        ee64 = _edge_proj(edge_feats.reshape(e_num // 8, 8 * ef), vbig,
                          cbig.reshape(1, -1))
        ee = ee64.reshape(e_num, 8)
    else:
        ee = jnp.concatenate(
            [edge_feats @ v + cvec, jnp.zeros((e_num, 4), jnp.float32)], axis=1)

    BIS_SC = True
    if BIS_SC:
        raw0, raw1, den = _sc_edge(whl, whh, alphas, ee, src, dst)
    else:
        ev = alphas[src, :4] + alphas[dst, 4:8] + ee[:, :4]
        ev = jnp.where(ev >= 0.0, ev, 0.2 * ev)
        p = jnp.exp(ev)
        raw0 = jax.ops.segment_sum(
            p[:, :2].repeat(32, axis=1) * whl[src], dst, num_segments=n)
        raw1 = jax.ops.segment_sum(
            p[:, 2:].repeat(32, axis=1) * whh[src], dst, num_segments=n)
        den = jnp.concatenate(
            [jax.ops.segment_sum(p, dst, num_segments=n),
             jnp.zeros((n, 12), jnp.float32)], axis=1)

    if BIS_COMB:
        return _combine(raw0, raw1, den, rmat)
    r = jnp.concatenate([raw0, raw1], axis=1)
    d128 = den @ rmat
    safe = jnp.where(d128 > 0.0, d128, 1.0)
    return jnp.where(d128 > 0.0, r / safe, 0.0)

# --- scband reference (transcript-rebuilt; emitter-appended) ---
"""Pipeline reference for scband-edge-enhanced-gatconv-2697239462579 (READ-ONLY COPY).

The authoritative reference and input builder live on the scoring server;
editing this copy changes nothing except your own understanding.
"""

import jax, jax.numpy as jnp
import numpy as np

N = 10000
E = 320000
IN_FEATS = 128
OUT_FEATS = 128
EDGE_FEATS = 16
H = 4
D = OUT_FEATS // H


def setup_inputs(seed: int = 0) -> dict:
    key = jax.random.key(seed)
    ks = jax.random.split(key, 8)
    node_feats = jax.random.normal(ks[0], (N, IN_FEATS), dtype=jnp.float32)
    edge_feats = jax.random.normal(ks[1], (E, EDGE_FEATS), dtype=jnp.float32)
    edge_index = jax.random.randint(ks[2], (2, E), 0, N, dtype=jnp.int64)
    node_fc_w = jax.random.normal(ks[3], (OUT_FEATS, IN_FEATS), dtype=jnp.float32) * 0.05
    node_fc_b = jnp.zeros((OUT_FEATS,), dtype=jnp.float32)
    edge_fc_w = jax.random.normal(ks[4], (OUT_FEATS, EDGE_FEATS), dtype=jnp.float32) * 0.05
    edge_fc_b = jnp.zeros((OUT_FEATS,), dtype=jnp.float32)
    attn = jax.random.normal(ks[5], (1, H, 3 * D), dtype=jnp.float32) * 0.05
    return {
        "node_feats": node_feats,
        "edge_feats": edge_feats,
        "edge_index": edge_index,
        "node_fc_w": node_fc_w,
        "node_fc_b": node_fc_b,
        "edge_fc_w": edge_fc_w,
        "edge_fc_b": edge_fc_b,
        "attn": attn,
    }


def reference(node_feats, edge_feats, edge_index, node_fc_w, node_fc_b, edge_fc_w, edge_fc_b, attn):
    src = edge_index[0]
    dst = edge_index[1]
    # node/edge linear projections
    Wh = (node_feats @ node_fc_w.T + node_fc_b).reshape(N, H, D)
    We = (edge_feats @ edge_fc_w.T + edge_fc_b).reshape(E, H, D)
    # gather src/dst node features per edge
    Wh_src = Wh[src]              # [E, H, D]
    Wh_dst = Wh[dst]              # [E, H, D]
    combined = jnp.concatenate([Wh_src, Wh_dst, We], axis=-1)  # [E, H, 3D]
    e = jnp.sum(combined * attn, axis=-1)  # [E, H]
    e = jax.nn.leaky_relu(e, negative_slope=0.2)
    # edge softmax over incoming edges of each dst node
    m = jax.ops.segment_max(e, dst, num_segments=N)  # [N, H]
    e_exp = jnp.exp(e - m[dst])
    denom = jax.ops.segment_sum(e_exp, dst, num_segments=N)  # [N, H]
    a = e_exp / denom[dst]  # [E, H]
    # weighted message aggregation (sum over incoming edges)
    msgs = a[:, :, None] * Wh_src  # [E, H, D]
    h = jax.ops.segment_sum(msgs, dst, num_segments=N)  # [N, H, D]
    return h.reshape(N, H * D)

if __name__ == "__main__":
    import jax
    _d = setup_inputs()
    print(jax.jit(kernel)(*tuple(_d.values())))

</pallas_src>

<mosaic_0001>
#map = affine_map<(d0, d1) -> (0, 0)>
module attributes {stable_mosaic.version = 14 : i64} {
  func.func @_sc_edge_body(%arg0: i32, %arg1: i32, %arg2: memref<10000x64xf32, #tpu.memory_space<hbm>>, %arg3: memref<10000x64xf32, #tpu.memory_space<hbm>>, %arg4: memref<10000x16xf32, #tpu.memory_space<hbm>>, %arg5: memref<320000x8xf32, #tpu.memory_space<hbm>>, %arg6: memref<3200x100xi32, #tpu.memory_space<hbm>>, %arg7: memref<3200x100xi32, #tpu.memory_space<hbm>>, %arg8: memref<10000x64xf32, #tpu.memory_space<hbm>>, %arg9: memref<10000x64xf32, #tpu.memory_space<hbm>>, %arg10: memref<10000x16xf32, #tpu.memory_space<hbm>>, %arg11: memref<4x100xi32, #tpu.memory_space<vmem>>, %arg12: memref<4x100xi32, #tpu.memory_space<vmem>>, %arg13: memref<400x8xf32, #tpu.memory_space<vmem>>, %arg14: memref<400x16xf32, #tpu.memory_space<vmem>>, %arg15: memref<400x16xf32, #tpu.memory_space<vmem>>, %arg16: memref<400x64xf32, #tpu.memory_space<vmem>>, %arg17: memref<400x16xf32, #tpu.memory_space<vmem>>, %arg18: memref<10000x64xf32, #tpu.memory_space<vmem_shared>>, %arg19: memref<10000x16xf32, #tpu.memory_space<vmem_shared>>, %arg20: memref<!tpu.dma_semaphore, #tpu.memory_space<semaphore_mem>>) attributes {dimension_semantics = [#tpu.dimension_semantics<core_parallel>, #tpu.dimension_semantics<subcore_parallel>], iteration_bounds = array<i64: 2, 16>, scalar_prefetch = 0 : i64, scratch_operands = 10 : i64, tpu.core_type = #tpu.core_type<sc_vector_subcore>, window_params = [{transform_indices = #map}, {transform_indices = #map}, {transform_indices = #map}, {transform_indices = #map}, {transform_indices = #map}, {transform_indices = #map}, {transform_indices = #map}, {transform_indices = #map}, {transform_indices = #map}]} {
    %iota3A = tpu.iota {dimensions = array<i32: 0>} : vector<16xi32>
    %broadcast_in_dim3A = arith.constant 0.000000e+00 : f32
    %broadcast_in_dim3A_0 = vector.broadcast %broadcast_in_dim3A : f32 to vector<16xf32>
    %scan3A = arith.constant 0 : i32
    %scan3A_1 = arith.constant 0 : i32
    %scan3A_2 = arith.constant 400 : i32
    %scan3A_3 = arith.addi %scan3A_1, %scan3A_2 : i32
    %scan3A_4 = arith.constant 1 : i32
    scf.for %scan3A_20 = %scan3A_1 to %scan3A_3 step %scan3A_4  : i32 {
      %swap3A = arith.index_cast %scan3A_20 : i32 to index
      %swap3A_21 = arith.constant 0 : index
      %swap3A_22 = tpu.vector_load %arg16[%swap3A, %swap3A_21] {strides = array<i32>} : memref<400x64xf32, #tpu.memory_space<vmem>>, vector<16xf32>,
      tpu.vector_store %arg16[%swap3A, %swap3A_21], %broadcast_in_dim3A_0 {strides = array<i32>} : memref<400x64xf32, #tpu.memory_space<vmem>>, vector<16xf32>,
      %swap3A_23 = arith.index_cast %scan3A_20 : i32 to index
      %swap3A_24 = arith.constant 16 : index
      %swap3A_25 = tpu.vector_load %arg16[%swap3A_23, %swap3A_24] {strides = array<i32>} : memref<400x64xf32, #tpu.memory_space<vmem>>, vector<16xf32>,
      tpu.vector_store %arg16[%swap3A_23, %swap3A_24], %broadcast_in_dim3A_0 {strides = array<i32>} : memref<400x64xf32, #tpu.memory_space<vmem>>, vector<16xf32>,
      %swap3A_26 = arith.index_cast %scan3A_20 : i32 to index
      %swap3A_27 = arith.constant 32 : index
      %swap3A_28 = tpu.vector_load %arg16[%swap3A_26, %swap3A_27] {strides = array<i32>} : memref<400x64xf32, #tpu.memory_space<vmem>>, vector<16xf32>,
      tpu.vector_store %arg16[%swap3A_26, %swap3A_27], %broadcast_in_dim3A_0 {strides = array<i32>} : memref<400x64xf32, #tpu.memory_space<vmem>>, vector<16xf32>,
      %swap3A_29 = arith.index_cast %scan3A_20 : i32 to index
      %swap3A_30 = arith.constant 48 : index
      %swap3A_31 = tpu.vector_load %arg16[%swap3A_29, %swap3A_30] {strides = array<i32>} : memref<400x64xf32, #tpu.memory_space<vmem>>, vector<16xf32>,
      tpu.vector_store %arg16[%swap3A_29, %swap3A_30], %broadcast_in_dim3A_0 {strides = array<i32>} : memref<400x64xf32, #tpu.memory_space<vmem>>, vector<16xf32>,
      %swap3A_32 = arith.index_cast %scan3A_20 : i32 to index
      %swap3A_33 = arith.constant 0 : index
      %swap3A_34 = tpu.vector_load %arg17[%swap3A_32, %swap3A_33] {strides = array<i32>} : memref<400x16xf32, #tpu.memory_space<vmem>>, vector<16xf32>,
      tpu.vector_store %arg17[%swap3A_32, %swap3A_33], %broadcast_in_dim3A_0 {strides = array<i32>} : memref<400x16xf32, #tpu.memory_space<vmem>>, vector<16xf32>,
    }
    %scan3A_5 = arith.constant 400 : i32
    %lt3A = arith.constant 10 : i32
    %lt3A_6 = arith.cmpi slt, %arg1, %lt3A : i32
    %convert_element_type3A = arith.extui %lt3A_6 : i1 to i32
    %cond3A = arith.constant 0 : i32
    %cond3A_7 = arith.cmpi ne, %convert_element_type3A, %cond3A : i32
    scf.if %cond3A_7 {
      %scan3A_20 = arith.constant 0 : i32
      %scan3A_21 = arith.constant 0 : i32
      %scan3A_22 = arith.constant 5 : i32
      %scan3A_23 = arith.addi %scan3A_21, %scan3A_22 : i32
      %scan3A_24 = arith.constant 1 : i32
      scf.for %scan3A_26 = %scan3A_21 to %scan3A_23 step %scan3A_24  : i32 {
        %mul3A = arith.constant 1000 : i32
        %mul3A_27 = arith.muli %arg1, %mul3A : i32
        %mul3A_28 = arith.constant 200 : i32
        %mul3A_29 = arith.muli %scan3A_26, %mul3A_28 : i32
        %add3A = arith.addi %mul3A_27, %mul3A_29 : i32
        "tpu.region"() ({
          %run_scoped3A = tpu.sem_alloc : memref<!tpu.dma_semaphore, #tpu.memory_space<semaphore_mem>>
          %dma_start3A = arith.constant 0 : i32
          %dma_start3A_30 = arith.constant 0 : i32
          %dma_start3A_31 = tpu.memref_slice %arg16[%dma_start3A, %dma_start3A_30] : memref<400x64xf32, #tpu.memory_space<vmem>> -> memref<200x64xf32, #tpu.memory_space<vmem>>
          %dma_start3A_32 = arith.constant 0 : i32
          %dma_start3A_33 = tpu.memref_slice %arg18[%add3A, %dma_start3A_32] : memref<10000x64xf32, #tpu.memory_space<vmem_shared>> -> memref<200x64xf32, #tpu.memory_space<vmem_shared>>
          %dma_start3A_34 = arith.constant 0 : i32
          %dma_start3A_35 = tpu.memref_slice %arg18[%add3A, %dma_start3A_34] : memref<10000x64xf32, #tpu.memory_space<vmem_shared>> -> memref<200x64xf32, #tpu.memory_space<vmem_shared>>
          %dma_start3A_36 = arith.constant 0 : i32
          %dma_start3A_37 = arith.constant 0 : i32
          %dma_start3A_38 = tpu.memref_slice %arg16[%dma_start3A_36, %dma_start3A_37] : memref<400x64xf32, #tpu.memory_space<vmem>> -> memref<200x64xf32, #tpu.memory_space<vmem>>
          tpu.enqueue_dma source(%dma_start3A_38 : memref<200x64xf32, #tpu.memory_space<vmem>>) target(%dma_start3A_35 : memref<200x64xf32, #tpu.memory_space<vmem_shared>>) target_semaphore(%run_scoped3A : memref<!tpu.dma_semaphore, #tpu.memory_space<semaphore_mem>>)
          %dma_wait3A = arith.constant 0 : i32
          %dma_wait3A_39 = arith.constant 0 : i32
          %dma_wait3A_40 = tpu.memref_slice %arg16[%dma_wait3A, %dma_wait3A_39] : memref<400x64xf32, #tpu.memory_space<vmem>> -> memref<200x64xf32, #tpu.memory_space<vmem>>
          %dma_wait3A_41 = arith.constant 0 : i32
          %dma_wait3A_42 = tpu.memref_slice %arg18[%add3A, %dma_wait3A_41] : memref<10000x64xf32, #tpu.memory_space<vmem_shared>> -> memref<200x64xf32, #tpu.memory_space<vmem_shared>>
          %dma_wait3A_43 = arith.constant 0 : i32
          %dma_wait3A_44 = tpu.memref_slice %arg18[%add3A, %dma_wait3A_43] : memref<10000x64xf32, #tpu.memory_space<vmem_shared>> -> memref<200x64xf32, #tpu.memory_space<vmem_shared>>
          %dma_wait3A_45 = arith.constant 0 : i32
          %dma_wait3A_46 = arith.constant 0 : i32
          %dma_wait3A_47 = tpu.memref_slice %arg16[%dma_wait3A_45, %dma_wait3A_46] : memref<400x64xf32, #tpu.memory_space<vmem>> -> memref<200x64xf32, #tpu.memory_space<vmem>>
          tpu.wait_dma2 semaphore(%run_scoped3A : memref<!tpu.dma_semaphore, #tpu.memory_space<semaphore_mem>>) src(%dma_wait3A_47 : memref<200x64xf32, #tpu.memory_space<vmem>>) dst(%dma_wait3A_44 : memref<200x64xf32, #tpu.memory_space<vmem_shared>>)
          tpu.yield
        }) : () -> ()
        "tpu.region"() ({
          %run_scoped3A = tpu.sem_alloc : memref<!tpu.dma_semaphore, #tpu.memory_space<semaphore_mem>>
          %dma_start3A = arith.constant 0 : i32
          %dma_start3A_30 = arith.constant 0 : i32
          %dma_start3A_31 = tpu.memref_slice %arg17[%dma_start3A, %dma_start3A_30] : memref<400x16xf32, #tpu.memory_space<vmem>> -> memref<200x16xf32, #tpu.memory_space<vmem>>
          %dma_start3A_32 = arith.constant 0 : i32
          %dma_start3A_33 = tpu.memref_slice %arg19[%add3A, %dma_start3A_32] : memref<10000x16xf32, #tpu.memory_space<vmem_shared>> -> memref<200x16xf32, #tpu.memory_space<vmem_shared>>
          %dma_start3A_34 = arith.constant 0 : i32
          %dma_start3A_35 = tpu.memref_slice %arg19[%add3A, %dma_start3A_34] : memref<10000x16xf32, #tpu.memory_space<vmem_shared>> -> memref<200x16xf32, #tpu.memory_space<vmem_shared>>
          %dma_start3A_36 = arith.constant 0 : i32
          %dma_start3A_37 = arith.constant 0 : i32
          %dma_start3A_38 = tpu.memref_slice %arg17[%dma_start3A_36, %dma_start3A_37] : memref<400x16xf32, #tpu.memory_space<vmem>> -> memref<200x16xf32, #tpu.memory_space<vmem>>
          tpu.enqueue_dma source(%dma_start3A_38 : memref<200x16xf32, #tpu.memory_space<vmem>>) target(%dma_start3A_35 : memref<200x16xf32, #tpu.memory_space<vmem_shared>>) target_semaphore(%run_scoped3A : memref<!tpu.dma_semaphore, #tpu.memory_space<semaphore_mem>>)
          %dma_wait3A = arith.constant 0 : i32
          %dma_wait3A_39 = arith.constant 0 : i32
          %dma_wait3A_40 = tpu.memref_slice %arg17[%dma_wait3A, %dma_wait3A_39] : memref<400x16xf32, #tpu.memory_space<vmem>> -> memref<200x16xf32, #tpu.memory_space<vmem>>
          %dma_wait3A_41 = arith.constant 0 : i32
          %dma_wait3A_42 = tpu.memref_slice %arg19[%add3A, %dma_wait3A_41] : memref<10000x16xf32, #tpu.memory_space<vmem_shared>> -> memref<200x16xf32, #tpu.memory_space<vmem_shared>>
          %dma_wait3A_43 = arith.constant 0 : i32
          %dma_wait3A_44 = tpu.memref_slice %arg19[%add3A, %dma_wait3A_43] : memref<10000x16xf32, #tpu.memory_space<vmem_shared>> -> memref<200x16xf32, #tpu.memory_space<vmem_shared>>
          %dma_wait3A_45 = arith.constant 0 : i32
          %dma_wait3A_46 = arith.constant 0 : i32
          %dma_wait3A_47 = tpu.memref_slice %arg17[%dma_wait3A_45, %dma_wait3A_46] : memref<400x16xf32, #tpu.memory_space<vmem>> -> memref<200x16xf32, #tpu.memory_space<vmem>>
          tpu.wait_dma2 semaphore(%run_scoped3A : memref<!tpu.dma_semaphore, #tpu.memory_space<semaphore_mem>>) src(%dma_wait3A_47 : memref<200x16xf32, #tpu.memory_space<vmem>>) dst(%dma_wait3A_44 : memref<200x16xf32, #tpu.memory_space<vmem_shared>>)
          tpu.yield
        }) : () -> ()
      }
      %scan3A_25 = arith.constant 5 : i32
    } else {
    }
    %barrier3A = arith.constant 0 : index
    tpu.barrier barrier_id(%barrier3A)
    %scan3A_8 = arith.constant 0 : i32
    %scan3A_9 = arith.constant 0 : i32
    %scan3A_10 = arith.constant 50 : i32
    %scan3A_11 = arith.addi %scan3A_9, %scan3A_10 : i32
    %scan3A_12 = arith.constant 1 : i32
    scf.for %scan3A_20 = %scan3A_9 to %scan3A_11 step %scan3A_12  : i32 {
      %mul3A = arith.constant 200 : i32
      %mul3A_21 = arith.muli %arg1, %mul3A : i32
      %mul3A_22 = arith.constant 4 : i32
      %mul3A_23 = arith.muli %scan3A_20, %mul3A_22 : i32
      %add3A = arith.addi %mul3A_21, %mul3A_23 : i32
      %mul3A_24 = arith.constant 100 : i32
      %mul3A_25 = arith.muli %add3A, %mul3A_24 : i32
      "tpu.region"() ({
        %run_scoped3A_1352 = tpu.sem_alloc : memref<!tpu.dma_semaphore, #tpu.memory_space<semaphore_mem>>
        %dma_start3A_1353 = arith.constant 0 : i32
        %dma_start3A_1354 = tpu.memref_slice %arg6[%add3A, %dma_start3A_1353] : memref<3200x100xi32, #tpu.memory_space<hbm>> -> memref<4x100xi32, #tpu.memory_space<hbm>>
        %dma_start3A_1355 = arith.constant 0 : i32
        %dma_start3A_1356 = tpu.memref_slice %arg6[%add3A, %dma_start3A_1355] : memref<3200x100xi32, #tpu.memory_space<hbm>> -> memref<4x100xi32, #tpu.memory_space<hbm>>
        tpu.enqueue_dma source(%dma_start3A_1356 : memref<4x100xi32, #tpu.memory_space<hbm>>) target(%arg11 : memref<4x100xi32, #tpu.memory_space<vmem>>) target_semaphore(%run_scoped3A_1352 : memref<!tpu.dma_semaphore, #tpu.memory_space<semaphore_mem>>)
        %dma_wait3A_1357 = arith.constant 0 : i32
        %dma_wait3A_1358 = tpu.memref_slice %arg6[%add3A, %dma_wait3A_1357] : memref<3200x100xi32, #tpu.memory_space<hbm>> -> memref<4x100xi32, #tpu.memory_space<hbm>>
        %dma_wait3A_1359 = arith.constant 0 : i32
        %dma_wait3A_1360 = tpu.memref_slice %arg6[%add3A, %dma_wait3A_1359] : memref<3200x100xi32, #tpu.memory_space<hbm>> -> memref<4x100xi32, #tpu.memory_space<hbm>>
        tpu.wait_dma2 semaphore(%run_scoped3A_1352 : memref<!tpu.dma_semaphore, #tpu.memory_space<semaphore_mem>>) src(%dma_wait3A_1360 : memref<4x100xi32, #tpu.memory_space<hbm>>) dst(%arg11 : memref<4x100xi32, #tpu.memory_space<vmem>>)
        tpu.yield
      }) : () -> ()
      "tpu.region"() ({
        %run_scoped3A_1352 = tpu.sem_alloc : memref<!tpu.dma_semaphore, #tpu.memory_space<semaphore_mem>>
        %dma_start3A_1353 = arith.constant 0 : i32
        %dma_start3A_1354 = tpu.memref_slice %arg7[%add3A, %dma_start3A_1353] : memref<3200x100xi32, #tpu.memory_space<hbm>> -> memref<4x100xi32, #tpu.memory_space<hbm>>
        %dma_start3A_1355 = arith.constant 0 : i32
        %dma_start3A_1356 = tpu.memref_slice %arg7[%add3A, %dma_start3A_1355] : memref<3200x100xi32, #tpu.memory_space<hbm>> -> memref<4x100xi32, #tpu.memory_space<hbm>>
        tpu.enqueue_dma source(%dma_start3A_1356 : memref<4x100xi32, #tpu.memory_space<hbm>>) target(%arg12 : memref<4x100xi32, #tpu.memory_space<vmem>>) target_semaphore(%run_scoped3A_1352 : memref<!tpu.dma_semaphore, #tpu.memory_space<semaphore_mem>>)
        %dma_wait3A_1357 = arith.constant 0 : i32
        %dma_wait3A_1358 = tpu.memref_slice %arg7[%add3A, %dma_wait3A_1357] : memref<3200x100xi32, #tpu.memory_space<hbm>> -> memref<4x100xi32, #tpu.memory_space<hbm>>
        %dma_wait3A_1359 = arith.constant 0 : i32
        %dma_wait3A_1360 = tpu.memref_slice %arg7[%add3A, %dma_wait3A_1359] : memref<3200x100xi32, #tpu.memory_space<hbm>> -> memref<4x100xi32, #tpu.memory_space<hbm>>
        tpu.wait_dma2 semaphore(%run_scoped3A_1352 : memref<!tpu.dma_semaphore, #tpu.memory_space<semaphore_mem>>) src(%dma_wait3A_1360 : memref<4x100xi32, #tpu.memory_space<hbm>>) dst(%arg12 : memref<4x100xi32, #tpu.memory_space<vmem>>)
        tpu.yield
      }) : () -> ()
      "tpu.region"() ({
        %run_scoped3A_1352 = tpu.sem_alloc : memref<!tpu.dma_semaphore, #tpu.memory_space<semaphore_mem>>
        %dma_start3A_1353 = arith.constant 0 : i32
        %dma_start3A_1354 = tpu.memref_slice %arg5[%mul3A_25, %dma_start3A_1353] : memref<320000x8xf32, #tpu.memory_space<hbm>> -> memref<400x8xf32, #tpu.memory_space<hbm>>
        %dma_start3A_1355 = arith.constant 0 : i32
        %dma_start3A_1356 = tpu.memref_slice %arg5[%mul3A_25, %dma_start3A_1355] : memref<320000x8xf32, #tpu.memory_space<hbm>> -> memref<400x8xf32, #tpu.memory_space<hbm>>
        tpu.enqueue_dma source(%dma_start3A_1356 : memref<400x8xf32, #tpu.memory_space<hbm>>) target(%arg13 : memref<400x8xf32, #tpu.memory_space<vmem>>) target_semaphore(%run_scoped3A_1352 : memref<!tpu.dma_semaphore, #tpu.memory_space<semaphore_mem>>)
        %dma_wait3A_1357 = arith.constant 0 : i32
        %dma_wait3A_1358 = tpu.memref_slice %arg5[%mul3A_25, %dma_wait3A_1357] : memref<320000x8xf32, #tpu.memory_space<hbm>> -> memref<400x8xf32, #tpu.memory_space<hbm>>
        %dma_wait3A_1359 = arith.constant 0 : i32
        %dma_wait3A_1360 = tpu.memref_slice %arg5[%mul3A_25, %dma_wait3A_1359] : memref<320000x8xf32, #tpu.memory_space<hbm>> -> memref<400x8xf32, #tpu.memory_space<hbm>>
        tpu.wait_dma2 semaphore(%run_scoped3A_1352 : memref<!tpu.dma_semaphore, #tpu.memory_space<semaphore_mem>>) src(%dma_wait3A_1360 : memref<400x8xf32, #tpu.memory_space<hbm>>) dst(%arg13 : memref<400x8xf32, #tpu.memory_space<vmem>>)
        tpu.yield
      }) : () -> ()
      %dma_start3A = arith.constant 0 : i32
      %dma_start3A_26 = arith.constant 0 : i32
      %dma_start3A_27 = arith.constant 0 : i32
      %dma_start3A_28 = tpu.memref_slice %arg14[%dma_start3A_26, %dma_start3A_27] : memref<400x16xf32, #tpu.memory_space<vmem>> -> memref<100x16xf32, #tpu.memory_space<vmem>>
      %dma_start3A_29 = arith.constant 0 : i32
      %dma_start3A_30 = tpu.memref_slice %arg11[%dma_start3A, %dma_start3A_29] : memref<4x100xi32, #tpu.memory_space<vmem>> -> memref<1x100xi32, #tpu.memory_space<vmem>>
      %dma_start3A_31 = tpu.memref_squeeze %dma_start3A_30 : memref<1x100xi32, #tpu.memory_space<vmem>> -> memref<100xi32, #tpu.memory_space<vmem>>
      %dma_start3A_32 = arith.constant 0 : i32
      %dma_start3A_33 = arith.constant 0 : i32
      %dma_start3A_34 = tpu.memref_slice %arg4[%dma_start3A_32, %dma_start3A_33] : memref<10000x16xf32, #tpu.memory_space<hbm>> -> memref<10000x16xf32, #tpu.memory_space<hbm>>
      tpu.enqueue_indirect_dma source(%dma_start3A_34 : memref<10000x16xf32, #tpu.memory_space<hbm>>) target(%dma_start3A_28 : memref<100x16xf32, #tpu.memory_space<vmem>>) offsets(%dma_start3A_31 : memref<100xi32, #tpu.memory_space<vmem>>) semaphore(%arg20 : memref<!tpu.dma_semaphore, #tpu.memory_space<semaphore_mem>>)
      %dma_wait3A = arith.constant 0 : i32
      %dma_wait3A_35 = arith.constant 0 : i32
      %dma_wait3A_36 = arith.constant 0 : i32
      %dma_wait3A_37 = tpu.memref_slice %arg14[%dma_wait3A_35, %dma_wait3A_36] : memref<400x16xf32, #tpu.memory_space<vmem>> -> memref<100x16xf32, #tpu.memory_space<vmem>>
      %dma_wait3A_38 = arith.constant 0 : i32
      %dma_wait3A_39 = tpu.memref_slice %arg11[%dma_wait3A, %dma_wait3A_38] : memref<4x100xi32, #tpu.memory_space<vmem>> -> memref<1x100xi32, #tpu.memory_space<vmem>>
      %dma_wait3A_40 = tpu.memref_squeeze %dma_wait3A_39 : memref<1x100xi32, #tpu.memory_space<vmem>> -> memref<100xi32, #tpu.memory_space<vmem>>
      %dma_wait3A_41 = arith.constant 0 : i32
      %dma_wait3A_42 = arith.constant 0 : i32
      %dma_wait3A_43 = tpu.memref_slice %arg4[%dma_wait3A_41, %dma_wait3A_42] : memref<10000x16xf32, #tpu.memory_space<hbm>> -> memref<10000x16xf32, #tpu.memory_space<hbm>>
      tpu.wait_indirect_dma semaphore(%arg20 : memref<!tpu.dma_semaphore, #tpu.memory_space<semaphore_mem>>) src(%dma_wait3A_43 : memref<10000x16xf32, #tpu.memory_space<hbm>>) dst(%dma_wait3A_37 : memref<100x16xf32, #tpu.memory_space<vmem>>)
      %dma_start3A_44 = arith.constant 0 : i32
      %dma_start3A_45 = arith.constant 0 : i32
      %dma_start3A_46 = arith.constant 0 : i32
      %dma_start3A_47 = tpu.memref_slice %arg15[%dma_start3A_45, %dma_start3A_46] : memref<400x16xf32, #tpu.memory_space<vmem>> -> memref<100x16xf32, #tpu.memory_space<vmem>>
      %dma_start3A_48 = arith.constant 0 : i32
      %dma_start3A_49 = tpu.memref_slice %arg12[%dma_start3A_44, %dma_start3A_48] : memref<4x100xi32, #tpu.memory_space<vmem>> -> memref<1x100xi32, #tpu.memory_space<vmem>>
      %dma_start3A_50 = tpu.memref_squeeze %dma_start3A_49 : memref<1x100xi32, #tpu.memory_space<vmem>> -> memref<100xi32, #tpu.memory_space<vmem>>
      %dma_start3A_51 = arith.constant 0 : i32
      %dma_start3A_52 = arith.constant 0 : i32
      %dma_start3A_53 = tpu.memref_slice %arg4[%dma_start3A_51, %dma_start3A_52] : memref<10000x16xf32, #tpu.memory_space<hbm>> -> memref<10000x16xf32, #tpu.memory_space<hbm>>
      tpu.enqueue_indirect_dma source(%dma_start3A_53 : memref<10000x16xf32, #tpu.memory_space<hbm>>) target(%dma_start3A_47 : memref<100x16xf32, #tpu.memory_space<vmem>>) offsets(%dma_start3A_50 : memref<100xi32, #tpu.memory_space<vmem>>) semaphore(%arg20 : memref<!tpu.dma_semaphore, #tpu.memory_space<semaphore_mem>>)
      %dma_wait3A_54 = arith.constant 0 : i32
      %dma_wait3A_55 = arith.constant 0 : i32
      %dma_wait3A_56 = arith.constant 0 : i32
      %dma_wait3A_57 = tpu.memref_slice %arg15[%dma_wait3A_55, %dma_wait3A_56] : memref<400x16xf32, #tpu.memory_space<vmem>> -> memref<100x16xf32, #tpu.memory_space<vmem>>
      %dma_wait3A_58 = arith.constant 0 : i32
      %dma_wait3A_59 = tpu.memref_slice %arg12[%dma_wait3A_54, %dma_wait3A_58] : memref<4x100xi32, #tpu.memory_space<vmem>> -> memref<1x100xi32, #tpu.memory_space<vmem>>
      %dma_wait3A_60 = tpu.memref_squeeze %dma_wait3A_59 : memref<1x100xi32, #tpu.memory_space<vmem>> -> memref<100xi32, #tpu.memory_space<vmem>>
      %dma_wait3A_61 = arith.constant 0 : i32
      %dma_wait3A_62 = arith.constant 0 : i32
      %dma_wait3A_63 = tpu.memref_slice %arg4[%dma_wait3A_61, %dma_wait3A_62] : memref<10000x16xf32, #tpu.memory_space<hbm>> -> memref<10000x16xf32, #tpu.memory_space<hbm>>
      tpu.wait_indirect_dma semaphore(%arg20 : memref<!tpu.dma_semaphore, #tpu.memory_space<semaphore_mem>>) src(%dma_wait3A_63 : memref<10000x16xf32, #tpu.memory_space<hbm>>) dst(%dma_wait3A_57 : memref<100x16xf32, #tpu.memory_space<vmem>>)
      %eq3A = arith.constant 0 : i32
      %eq3A_64 = arith.cmpi eq, %arg0, %eq3A : i32
      %convert_element_type3A_65 = arith.extui %eq3A_64 : i1 to i32
      %cond3A_66 = arith.constant 0 : i32
      %cond3A_67 = arith.cmpi ne, %convert_element_type3A_65, %cond3A_66 : i32
      scf.if %cond3A_67 {
        %dma_start3A_1352 = arith.constant 0 : i32
        %dma_start3A_1353 = arith.constant 0 : i32
        %dma_start3A_1354 = arith.constant 0 : i32
        %dma_start3A_1355 = tpu.memref_slice %arg16[%dma_start3A_1353, %dma_start3A_1354] : memref<400x64xf32, #tpu.memory_space<vmem>> -> memref<100x64xf32, #tpu.memory_space<vmem>>
        %dma_start3A_1356 = arith.constant 0 : i32
        %dma_start3A_1357 = tpu.memref_slice %arg11[%dma_start3A_1352, %dma_start3A_1356] : memref<4x100xi32, #tpu.memory_space<vmem>> -> memref<1x100xi32, #tpu.memory_space<vmem>>
        %dma_start3A_1358 = tpu.memref_squeeze %dma_start3A_1357 : memref<1x100xi32, #tpu.memory_space<vmem>> -> memref<100xi32, #tpu.memory_space<vmem>>
        %dma_start3A_1359 = arith.constant 0 : i32
        %dma_start3A_1360 = arith.constant 0 : i32
        %dma_start3A_1361 = tpu.memref_slice %arg2[%dma_start3A_1359, %dma_start3A_1360] : memref<10000x64xf32, #tpu.memory_space<hbm>> -> memref<10000x64xf32, #tpu.memory_space<hbm>>
        tpu.enqueue_indirect_dma source(%dma_start3A_1361 : memref<10000x64xf32, #tpu.memory_space<hbm>>) target(%dma_start3A_1355 : memref<100x64xf32, #tpu.memory_space<vmem>>) offsets(%dma_start3A_1358 : memref<100xi32, #tpu.memory_space<vmem>>) semaphore(%arg20 : memref<!tpu.dma_semaphore, #tpu.memory_space<semaphore_mem>>)
        %dma_wait3A_1362 = arith.constant 0 : i32
        %dma_wait3A_1363 = arith.constant 0 : i32
        %dma_wait3A_1364 = arith.constant 0 : i32
        %dma_wait3A_1365 = tpu.memref_slice %arg16[%dma_wait3A_1363, %dma_wait3A_1364] : memref<400x64xf32, #tpu.memory_space<vmem>> -> memref<100x64xf32, #tpu.memory_space<vmem>>
        %dma_wait3A_1366 = arith.constant 0 : i32
        %dma_wait3A_1367 = tpu.memref_slice %arg11[%dma_wait3A_1362, %dma_wait3A_1366] : memref<4x100xi32, #tpu.memory_space<vmem>> -> memref<1x100xi32, #tpu.memory_space<vmem>>
        %dma_wait3A_1368 = tpu.memref_squeeze %dma_wait3A_1367 : memref<1x100xi32, #tpu.memory_space<vmem>> -> memref<100xi32, #tpu.memory_space<vmem>>
        %dma_wait3A_1369 = arith.constant 0 : i32
        %dma_wait3A_1370 = arith.constant 0 : i32
        %dma_wait3A_1371 = tpu.memref_slice %arg2[%dma_wait3A_1369, %dma_wait3A_1370] : memref<10000x64xf32, #tpu.memory_space<hbm>> -> memref<10000x64xf32, #tpu.memory_space<hbm>>
        tpu.wait_indirect_dma semaphore(%arg20 : memref<!tpu.dma_semaphore, #tpu.memory_space<semaphore_mem>>) src(%dma_wait3A_1371 : memref<10000x64xf32, #tpu.memory_space<hbm>>) dst(%dma_wait3A_1365 : memref<100x64xf32, #tpu.memory_space<vmem>>)
      } else {
      }
      %eq3A_68 = arith.constant 1 : i32
      %eq3A_69 = arith.cmpi eq, %arg0, %eq3A_68 : i32
      %convert_element_type3A_70 = arith.extui %eq3A_69 : i1 to i32
      %cond3A_71 = arith.constant 0 : i32
      %cond3A_72 = arith.cmpi ne, %convert_element_type3A_70, %cond3A_71 : i32
      scf.if %cond3A_72 {
        %dma_start3A_1352 = arith.constant 0 : i32
        %dma_start3A_1353 = arith.constant 0 : i32
        %dma_start3A_1354 = arith.constant 0 : i32
        %dma_start3A_1355 = tpu.memref_slice %arg16[%dma_start3A_1353, %dma_start3A_1354] : memref<400x64xf32, #tpu.memory_space<vmem>> -> memref<100x64xf32, #tpu.memory_space<vmem>>
        %dma_start3A_1356 = arith.constant 0 : i32
        %dma_start3A_1357 = tpu.memref_slice %arg11[%dma_start3A_1352, %dma_start3A_1356] : memref<4x100xi32, #tpu.memory_space<vmem>> -> memref<1x100xi32, #tpu.memory_space<vmem>>
        %dma_start3A_1358 = tpu.memref_squeeze %dma_start3A_1357 : memref<1x100xi32, #tpu.memory_space<vmem>> -> memref<100xi32, #tpu.memory_space<vmem>>
        %dma_start3A_1359 = arith.constant 0 : i32
        %dma_start3A_1360 = arith.constant 0 : i32
        %dma_start3A_1361 = tpu.memref_slice %arg3[%dma_start3A_1359, %dma_start3A_1360] : memref<10000x64xf32, #tpu.memory_space<hbm>> -> memref<10000x64xf32, #tpu.memory_space<hbm>>
        tpu.enqueue_indirect_dma source(%dma_start3A_1361 : memref<10000x64xf32, #tpu.memory_space<hbm>>) target(%dma_start3A_1355 : memref<100x64xf32, #tpu.memory_space<vmem>>) offsets(%dma_start3A_1358 : memref<100xi32, #tpu.memory_space<vmem>>) semaphore(%arg20 : memref<!tpu.dma_semaphore, #tpu.memory_space<semaphore_mem>>)
        %dma_wait3A_1362 = arith.constant 0 : i32
        %dma_wait3A_1363 = arith.constant 0 : i32
        %dma_wait3A_1364 = arith.constant 0 : i32
        %dma_wait3A_1365 = tpu.memref_slice %arg16[%dma_wait3A_1363, %dma_wait3A_1364] : memref<400x64xf32, #tpu.memory_space<vmem>> -> memref<100x64xf32, #tpu.memory_space<vmem>>
        %dma_wait3A_1366 = arith.constant 0 : i32
        %dma_wait3A_1367 = tpu.memref_slice %arg11[%dma_wait3A_1362, %dma_wait3A_1366] : memref<4x100xi32, #tpu.memory_space<vmem>> -> memref<1x100xi32, #tpu.memory_space<vmem>>
        %dma_wait3A_1368 = tpu.memref_squeeze %dma_wait3A_1367 : memref<1x100xi32, #tpu.memory_space<vmem>> -> memref<100xi32, #tpu.memory_space<vmem>>
        %dma_wait3A_1369 = arith.constant 0 : i32
        %dma_wait3A_1370 = arith.constant 0 : i32
        %dma_wait3A_1371 = tpu.memref_slice %arg3[%dma_wait3A_1369, %dma_wait3A_1370] : memref<10000x64xf32, #tpu.memory_space<hbm>> -> memref<10000x64xf32, #tpu.memory_space<hbm>>
        tpu.wait_indirect_dma semaphore(%arg20 : memref<!tpu.dma_semaphore, #tpu.memory_space<semaphore_mem>>) src(%dma_wait3A_1371 : memref<10000x64xf32, #tpu.memory_space<hbm>>) dst(%dma_wait3A_1365 : memref<100x64xf32, #tpu.memory_space<vmem>>)
      } else {
      }
      %dma_start3A_73 = arith.constant 1 : i32
      %dma_start3A_74 = arith.constant 100 : i32
      %dma_start3A_75 = arith.constant 0 : i32
      %dma_start3A_76 = tpu.memref_slice %arg14[%dma_start3A_74, %dma_start3A_75] : memref<400x16xf32, #tpu.memory_space<vmem>> -> memref<100x16xf32, #tpu.memory_space<vmem>>
      %dma_start3A_77 = arith.constant 0 : i32
      %dma_start3A_78 = tpu.memref_slice %arg11[%dma_start3A_73, %dma_start3A_77] : memref<4x100xi32, #tpu.memory_space<vmem>> -> memref<1x100xi32, #tpu.memory_space<vmem>>
      %dma_start3A_79 = tpu.memref_squeeze %dma_start3A_78 : memref<1x100xi32, #tpu.memory_space<vmem>> -> memref<100xi32, #tpu.memory_space<vmem>>
      %dma_start3A_80 = arith.constant 0 : i32
      %dma_start3A_81 = arith.constant 0 : i32
      %dma_start3A_82 = tpu.memref_slice %arg4[%dma_start3A_80, %dma_start3A_81] : memref<10000x16xf32, #tpu.memory_space<hbm>> -> memref<10000x16xf32, #tpu.memory_space<hbm>>
      tpu.enqueue_indirect_dma source(%dma_start3A_82 : memref<10000x16xf32, #tpu.memory_space<hbm>>) target(%dma_start3A_76 : memref<100x16xf32, #tpu.memory_space<vmem>>) offsets(%dma_start3A_79 : memref<100xi32, #tpu.memory_space<vmem>>) semaphore(%arg20 : memref<!tpu.dma_semaphore, #tpu.memory_space<semaphore_mem>>)
      %dma_wait3A_83 = arith.constant 1 : i32
      %dma_wait3A_84 = arith.constant 100 : i32
      %dma_wait3A_85 = arith.constant 0 : i32
      %dma_wait3A_86 = tpu.memref_slice %arg14[%dma_wait3A_84, %dma_wait3A_85] : memref<400x16xf32, #tpu.memory_space<vmem>> -> memref<100x16xf32, #tpu.memory_space<vmem>>
      %dma_wait3A_87 = arith.constant 0 : i32
      %dma_wait3A_88 = tpu.memref_slice %arg11[%dma_wait3A_83, %dma_wait3A_87] : memref<4x100xi32, #tpu.memory_space<vmem>> -> memref<1x100xi32, #tpu.memory_space<vmem>>
      %dma_wait3A_89 = tpu.memref_squeeze %dma_wait3A_88 : memref<1x100xi32, #tpu.memory_space<vmem>> -> memref<100xi32, #tpu.memory_space<vmem>>
      %dma_wait3A_90 = arith.constant 0 : i32
      %dma_wait3A_91 = arith.constant 0 : i32
      %dma_wait3A_92 = tpu.memref_slice %arg4[%dma_wait3A_90, %dma_wait3A_91] : memref<10000x16xf32, #tpu.memory_space<hbm>> -> memref<10000x16xf32, #tpu.memory_space<hbm>>
      tpu.wait_indirect_dma semaphore(%arg20 : memref<!tpu.dma_semaphore, #tpu.memory_space<semaphore_mem>>) src(%dma_wait3A_92 : memref<10000x16xf32, #tpu.memory_space<hbm>>) dst(%dma_wait3A_86 : memref<100x16xf32, #tpu.memory_space<vmem>>)
      %dma_start3A_93 = arith.constant 1 : i32
      %dma_start3A_94 = arith.constant 100 : i32
      %dma_start3A_95 = arith.constant 0 : i32
      %dma_start3A_96 = tpu.memref_slice %arg15[%dma_start3A_94, %dma_start3A_95] : memref<400x16xf32, #tpu.memory_space<vmem>> -> memref<100x16xf32, #tpu.memory_space<vmem>>
      %dma_start3A_97 = arith.constant 0 : i32
      %dma_start3A_98 = tpu.memref_slice %arg12[%dma_start3A_93, %dma_start3A_97] : memref<4x100xi32, #tpu.memory_space<vmem>> -> memref<1x100xi32, #tpu.memory_space<vmem>>
      %dma_start3A_99 = tpu.memref_squeeze %dma_start3A_98 : memref<1x100xi32, #tpu.memory_space<vmem>> -> memref<100xi32, #tpu.memory_space<vmem>>
      %dma_start3A_100 = arith.constant 0 : i32
      %dma_start3A_101 = arith.constant 0 : i32
      %dma_start3A_102 = tpu.memref_slice %arg4[%dma_start3A_100, %dma_start3A_101] : memref<10000x16xf32, #tpu.memory_space<hbm>> -> memref<10000x16xf32, #tpu.memory_space<hbm>>
      tpu.enqueue_indirect_dma source(%dma_start3A_102 : memref<10000x16xf32, #tpu.memory_space<hbm>>) target(%dma_start3A_96 : memref<100x16xf32, #tpu.memory_space<vmem>>) offsets(%dma_start3A_99 : memref<100xi32, #tpu.memory_space<vmem>>) semaphore(%arg20 : memref<!tpu.dma_semaphore, #tpu.memory_space<semaphore_mem>>)
      %dma_wait3A_103 = arith.constant 1 : i32
      %dma_wait3A_104 = arith.constant 100 : i32
      %dma_wait3A_105 = arith.constant 0 : i32
      %dma_wait3A_106 = tpu.memref_slice %arg15[%dma_wait3A_104, %dma_wait3A_105] : memref<400x16xf32, #tpu.memory_space<vmem>> -> memref<100x16xf32, #tpu.memory_space<vmem>>
      %dma_wait3A_107 = arith.constant 0 : i32
      %dma_wait3A_108 = tpu.memref_slice %arg12[%dma_wait3A_103, %dma_wait3A_107] : memref<4x100xi32, #tpu.memory_space<vmem>> -> memref<1x100xi32, #tpu.memory_space<vmem>>
      %dma_wait3A_109 = tpu.memref_squeeze %dma_wait3A_108 : memref<1x100xi32, #tpu.memory_space<vmem>> -> memref<100xi32, #tpu.memory_space<vmem>>
      %dma_wait3A_110 = arith.constant 0 : i32
      %dma_wait3A_111 = arith.constant 0 : i32
      %dma_wait3A_112 = tpu.memref_slice %arg4[%dma_wait3A_110, %dma_wait3A_111] : memref<10000x16xf32, #tpu.memory_space<hbm>> -> memref<10000x16xf32, #tpu.memory_space<hbm>>
      tpu.wait_indirect_dma semaphore(%arg20 : memref<!tpu.dma_semaphore, #tpu.memory_space<semaphore_mem>>) src(%dma_wait3A_112 : memref<10000x16xf32, #tpu.memory_space<hbm>>) dst(%dma_wait3A_106 : memref<100x16xf32, #tpu.memory_space<vmem>>)
      %eq3A_113 = arith.constant 0 : i32
      %eq3A_114 = arith.cmpi eq, %arg0, %eq3A_113 : i32
      %convert_element_type3A_115 = arith.extui %eq3A_114 : i1 to i32
      %cond3A_116 = arith.constant 0 : i32
      %cond3A_117 = arith.cmpi ne, %convert_element_type3A_115, %cond3A_116 : i32
      scf.if %cond3A_117 {
        %dma_start3A_1352 = arith.constant 1 : i32
        %dma_start3A_1353 = arith.constant 100 : i32
        %dma_start3A_1354 = arith.constant 0 : i32
        %dma_start3A_1355 = tpu.memref_slice %arg16[%dma_start3A_1353, %dma_start3A_1354] : memref<400x64xf32, #tpu.memory_space<vmem>> -> memref<100x64xf32, #tpu.memory_space<vmem>>
        %dma_start3A_1356 = arith.constant 0 : i32
        %dma_start3A_1357 = tpu.memref_slice %arg11[%dma_start3A_1352, %dma_start3A_1356] : memref<4x100xi32, #tpu.memory_space<vmem>> -> memref<1x100xi32, #tpu.memory_space<vmem>>
        %dma_start3A_1358 = tpu.memref_squeeze %dma_start3A_1357 : memref<1x100xi32, #tpu.memory_space<vmem>> -> memref<100xi32, #tpu.memory_space<vmem>>
        %dma_start3A_1359 = arith.constant 0 : i32
        %dma_start3A_1360 = arith.constant 0 : i32
        %dma_start3A_1361 = tpu.memref_slice %arg2[%dma_start3A_1359, %dma_start3A_1360] : memref<10000x64xf32, #tpu.memory_space<hbm>> -> memref<10000x64xf32, #tpu.memory_space<hbm>>
        tpu.enqueue_indirect_dma source(%dma_start3A_1361 : memref<10000x64xf32, #tpu.memory_space<hbm>>) target(%dma_start3A_1355 : memref<100x64xf32, #tpu.memory_space<vmem>>) offsets(%dma_start3A_1358 : memref<100xi32, #tpu.memory_space<vmem>>) semaphore(%arg20 : memref<!tpu.dma_semaphore, #tpu.memory_space<semaphore_mem>>)
        %dma_wait3A_1362 = arith.constant 1 : i32
        %dma_wait3A_1363 = arith.constant 100 : i32
        %dma_wait3A_1364 = arith.constant 0 : i32
        %dma_wait3A_1365 = tpu.memref_slice %arg16[%dma_wait3A_1363, %dma_wait3A_1364] : memref<400x64xf32, #tpu.memory_space<vmem>> -> memref<100x64xf32, #tpu.memory_space<vmem>>
        %dma_wait3A_1366 = arith.constant 0 : i32
        %dma_wait3A_1367 = tpu.memref_slice %arg11[%dma_wait3A_1362, %dma_wait3A_1366] : memref<4x100xi32, #tpu.memory_space<vmem>> -> memref<1x100xi32, #tpu.memory_space<vmem>>
        %dma_wait3A_1368 = tpu.memref_squeeze %dma_wait3A_1367 : memref<1x100xi32, #tpu.memory_space<vmem>> -> memref<100xi32, #tpu.memory_space<vmem>>
        %dma_wait3A_1369 = arith.constant 0 : i32
        %dma_wait3A_1370 = arith.constant 0 : i32
        %dma_wait3A_1371 = tpu.memref_slice %arg2[%dma_wait3A_1369, %dma_wait3A_1370] : memref<10000x64xf32, #tpu.memory_space<hbm>> -> memref<10000x64xf32, #tpu.memory_space<hbm>>
        tpu.wait_indirect_dma semaphore(%arg20 : memref<!tpu.dma_semaphore, #tpu.memory_space<semaphore_mem>>) src(%dma_wait3A_1371 : memref<10000x64xf32, #tpu.memory_space<hbm>>) dst(%dma_wait3A_1365 : memref<100x64xf32, #tpu.memory_space<vmem>>)
      } else {
      }
      %eq3A_118 = arith.constant 1 : i32
      %eq3A_119 = arith.cmpi eq, %arg0, %eq3A_118 : i32
      %convert_element_type3A_120 = arith.extui %eq3A_119 : i1 to i32
      %cond3A_121 = arith.constant 0 : i32
      %cond3A_122 = arith.cmpi ne, %convert_element_type3A_120, %cond3A_121 : i32
      scf.if %cond3A_122 {
        %dma_start3A_1352 = arith.constant 1 : i32
        %dma_start3A_1353 = arith.constant 100 : i32
        %dma_start3A_1354 = arith.constant 0 : i32
        %dma_start3A_1355 = tpu.memref_slice %arg16[%dma_start3A_1353, %dma_start3A_1354] : memref<400x64xf32, #tpu.memory_space<vmem>> -> memref<100x64xf32, #tpu.memory_space<vmem>>
        %dma_start3A_1356 = arith.constant 0 : i32
        %dma_start3A_1357 = tpu.memref_slice %arg11[%dma_start3A_1352, %dma_start3A_1356] : memref<4x100xi32, #tpu.memory_space<vmem>> -> memref<1x100xi32, #tpu.memory_space<vmem>>
        %dma_start3A_1358 = tpu.memref_squeeze %dma_start3A_1357 : memref<1x100xi32, #tpu.memory_space<vmem>> -> memref<100xi32, #tpu.memory_space<vmem>>
        %dma_start3A_1359 = arith.constant 0 : i32
        %dma_start3A_1360 = arith.constant 0 : i32
        %dma_start3A_1361 = tpu.memref_slice %arg3[%dma_start3A_1359, %dma_start3A_1360] : memref<10000x64xf32, #tpu.memory_space<hbm>> -> memref<10000x64xf32, #tpu.memory_space<hbm>>
        tpu.enqueue_indirect_dma source(%dma_start3A_1361 : memref<10000x64xf32, #tpu.memory_space<hbm>>) target(%dma_start3A_1355 : memref<100x64xf32, #tpu.memory_space<vmem>>) offsets(%dma_start3A_1358 : memref<100xi32, #tpu.memory_space<vmem>>) semaphore(%arg20 : memref<!tpu.dma_semaphore, #tpu.memory_space<semaphore_mem>>)
        %dma_wait3A_1362 = arith.constant 1 : i32
        %dma_wait3A_1363 = arith.constant 100 : i32
        %dma_wait3A_1364 = arith.constant 0 : i32
        %dma_wait3A_1365 = tpu.memref_slice %arg16[%dma_wait3A_1363, %dma_wait3A_1364] : memref<400x64xf32, #tpu.memory_space<vmem>> -> memref<100x64xf32, #tpu.memory_space<vmem>>
        %dma_wait3A_1366 = arith.constant 0 : i32
        %dma_wait3A_1367 = tpu.memref_slice %arg11[%dma_wait3A_1362, %dma_wait3A_1366] : memref<4x100xi32, #tpu.memory_space<vmem>> -> memref<1x100xi32, #tpu.memory_space<vmem>>
        %dma_wait3A_1368 = tpu.memref_squeeze %dma_wait3A_1367 : memref<1x100xi32, #tpu.memory_space<vmem>> -> memref<100xi32, #tpu.memory_space<vmem>>
        %dma_wait3A_1369 = arith.constant 0 : i32
        %dma_wait3A_1370 = arith.constant 0 : i32
        %dma_wait3A_1371 = tpu.memref_slice %arg3[%dma_wait3A_1369, %dma_wait3A_1370] : memref<10000x64xf32, #tpu.memory_space<hbm>> -> memref<10000x64xf32, #tpu.memory_space<hbm>>
        tpu.wait_indirect_dma semaphore(%arg20 : memref<!tpu.dma_semaphore, #tpu.memory_space<semaphore_mem>>) src(%dma_wait3A_1371 : memref<10000x64xf32, #tpu.memory_space<hbm>>) dst(%dma_wait3A_1365 : memref<100x64xf32, #tpu.memory_space<vmem>>)
      } else {
      }
      %dma_start3A_123 = arith.constant 2 : i32
      %dma_start3A_124 = arith.constant 200 : i32
      %dma_start3A_125 = arith.constant 0 : i32
      %dma_start3A_126 = tpu.memref_slice %arg14[%dma_start3A_124, %dma_start3A_125] : memref<400x16xf32, #tpu.memory_space<vmem>> -> memref<100x16xf32, #tpu.memory_space<vmem>>
      %dma_start3A_127 = arith.constant 0 : i32
      %dma_start3A_128 = tpu.memref_slice %arg11[%dma_start3A_123, %dma_start3A_127] : memref<4x100xi32, #tpu.memory_space<vmem>> -> memref<1x100xi32, #tpu.memory_space<vmem>>
      %dma_start3A_129 = tpu.memref_squeeze %dma_start3A_128 : memref<1x100xi32, #tpu.memory_space<vmem>> -> memref<100xi32, #tpu.memory_space<vmem>>
      %dma_start3A_130 = arith.constant 0 : i32
      %dma_start3A_131 = arith.constant 0 : i32
      %dma_start3A_132 = tpu.memref_slice %arg4[%dma_start3A_130, %dma_start3A_131] : memref<10000x16xf32, #tpu.memory_space<hbm>> -> memref<10000x16xf32, #tpu.memory_space<hbm>>
      tpu.enqueue_indirect_dma source(%dma_start3A_132 : memref<10000x16xf32, #tpu.memory_space<hbm>>) target(%dma_start3A_126 : memref<100x16xf32, #tpu.memory_space<vmem>>) offsets(%dma_start3A_129 : memref<100xi32, #tpu.memory_space<vmem>>) semaphore(%arg20 : memref<!tpu.dma_semaphore, #tpu.memory_space<semaphore_mem>>)
      %dma_wait3A_133 = arith.constant 2 : i32
      %dma_wait3A_134 = arith.constant 200 : i32
      %dma_wait3A_135 = arith.constant 0 : i32
      %dma_wait3A_136 = tpu.memref_slice %arg14[%dma_wait3A_134, %dma_wait3A_135] : memref<400x16xf32, #tpu.memory_space<vmem>> -> memref<100x16xf32, #tpu.memory_space<vmem>>
      %dma_wait3A_137 = arith.constant 0 : i32
      %dma_wait3A_138 = tpu.memref_slice %arg11[%dma_wait3A_133, %dma_wait3A_137] : memref<4x100xi32, #tpu.memory_space<vmem>> -> memref<1x100xi32, #tpu.memory_space<vmem>>
      %dma_wait3A_139 = tpu.memref_squeeze %dma_wait3A_138 : memref<1x100xi32, #tpu.memory_space<vmem>> -> memref<100xi32, #tpu.memory_space<vmem>>
      %dma_wait3A_140 = arith.constant 0 : i32
      %dma_wait3A_141 = arith.constant 0 : i32
      %dma_wait3A_142 = tpu.memref_slice %arg4[%dma_wait3A_140, %dma_wait3A_141] : memref<10000x16xf32, #tpu.memory_space<hbm>> -> memref<10000x16xf32, #tpu.memory_space<hbm>>
      tpu.wait_indirect_dma semaphore(%arg20 : memref<!tpu.dma_semaphore, #tpu.memory_space<semaphore_mem>>) src(%dma_wait3A_142 : memref<10000x16xf32, #tpu.memory_space<hbm>>) dst(%dma_wait3A_136 : memref<100x16xf32, #tpu.memory_space<vmem>>)
      %dma_start3A_143 = arith.constant 2 : i32
      %dma_start3A_144 = arith.constant 200 : i32
      %dma_start3A_145 = arith.constant 0 : i32
      %dma_start3A_146 = tpu.memref_slice %arg15[%dma_start3A_144, %dma_start3A_145] : memref<400x16xf32, #tpu.memory_space<vmem>> -> memref<100x16xf32, #tpu.memory_space<vmem>>
      %dma_start3A_147 = arith.constant 0 : i32
      %dma_start3A_148 = tpu.memref_slice %arg12[%dma_start3A_143, %dma_start3A_147] : memref<4x100xi32, #tpu.memory_space<vmem>> -> memref<1x100xi32, #tpu.memory_space<vmem>>
      %dma_start3A_149 = tpu.memref_squeeze %dma_start3A_148 : memref<1x100xi32, #tpu.memory_space<vmem>> -> memref<100xi32, #tpu.memory_space<vmem>>
      %dma_start3A_150 = arith.constant 0 : i32
      %dma_start3A_151 = arith.constant 0 : i32
      %dma_start3A_152 = tpu.memref_slice %arg4[%dma_start3A_150, %dma_start3A_151] : memref<10000x16xf32, #tpu.memory_space<hbm>> -> memref<10000x16xf32, #tpu.memory_space<hbm>>
      tpu.enqueue_indirect_dma source(%dma_start3A_152 : memref<10000x16xf32, #tpu.memory_space<hbm>>) target(%dma_start3A_146 : memref<100x16xf32, #tpu.memory_space<vmem>>) offsets(%dma_start3A_149 : memref<100xi32, #tpu.memory_space<vmem>>) semaphore(%arg20 : memref<!tpu.dma_semaphore, #tpu.memory_space<semaphore_mem>>)
      %dma_wait3A_153 = arith.constant 2 : i32
      %dma_wait3A_154 = arith.constant 200 : i32
      %dma_wait3A_155 = arith.constant 0 : i32
      %dma_wait3A_156 = tpu.memref_slice %arg15[%dma_wait3A_154, %dma_wait3A_155] : memref<400x16xf32, #tpu.memory_space<vmem>> -> memref<100x16xf32, #tpu.memory_space<vmem>>
      %dma_wait3A_157 = arith.constant 0 : i32
      %dma_wait3A_158 = tpu.memref_slice %arg12[%dma_wait3A_153, %dma_wait3A_157] : memref<4x100xi32, #tpu.memory_space<vmem>> -> memref<1x100xi32, #tpu.memory_space<vmem>>
      %dma_wait3A_159 = tpu.memref_squeeze %dma_wait3A_158 : memref<1x100xi32, #tpu.memory_space<vmem>> -> memref<100xi32, #tpu.memory_space<vmem>>
      %dma_wait3A_160 = arith.constant 0 : i32
      %dma_wait3A_161 = arith.constant 0 : i32
      %dma_wait3A_162 = tpu.memref_slice %arg4[%dma_wait3A_160, %dma_wait3A_161] : memref<10000x16xf32, #tpu.memory_space<hbm>> -> memref<10000x16xf32, #tpu.memory_space<hbm>>
      tpu.wait_indirect_dma semaphore(%arg20 : memref<!tpu.dma_semaphore, #tpu.memory_space<semaphore_mem>>) src(%dma_wait3A_162 : memref<10000x16xf32, #tpu.memory_space<hbm>>) dst(%dma_wait3A_156 : memref<100x16xf32, #tpu.memory_space<vmem>>)
      %eq3A_163 = arith.constant 0 : i32
      %eq3A_164 = arith.cmpi eq, %arg0, %eq3A_163 : i32
      %convert_element_type3A_165 = arith.extui %eq3A_164 : i1 to i32
      %cond3A_166 = arith.constant 0 : i32
      %cond3A_167 = arith.cmpi ne, %convert_element_type3A_165, %cond3A_166 : i32
      scf.if %cond3A_167 {
        %dma_start3A_1352 = arith.constant 2 : i32
        %dma_start3A_1353 = arith.constant 200 : i32
        %dma_start3A_1354 = arith.constant 0 : i32
        %dma_start3A_1355 = tpu.memref_slice %arg16[%dma_start3A_1353, %dma_start3A_1354] : memref<400x64xf32, #tpu.memory_space<vmem>> -> memref<100x64xf32, #tpu.memory_space<vmem>>
        %dma_start3A_1356 = arith.constant 0 : i32
        %dma_start3A_1357 = tpu.memref_slice %arg11[%dma_start3A_1352, %dma_start3A_1356] : memref<4x100xi32, #tpu.memory_space<vmem>> -> memref<1x100xi32, #tpu.memory_space<vmem>>
        %dma_start3A_1358 = tpu.memref_squeeze %dma_start3A_1357 : memref<1x100xi32, #tpu.memory_space<vmem>> -> memref<100xi32, #tpu.memory_space<vmem>>
        %dma_start3A_1359 = arith.constant 0 : i32
        %dma_start3A_1360 = arith.constant 0 : i32
        %dma_start3A_1361 = tpu.memref_slice %arg2[%dma_start3A_1359, %dma_start3A_1360] : memref<10000x64xf32, #tpu.memory_space<hbm>> -> memref<10000x64xf32, #tpu.memory_space<hbm>>
        tpu.enqueue_indirect_dma source(%dma_start3A_1361 : memref<10000x64xf32, #tpu.memory_space<hbm>>) target(%dma_start3A_1355 : memref<100x64xf32, #tpu.memory_space<vmem>>) offsets(%dma_start3A_1358 : memref<100xi32, #tpu.memory_space<vmem>>) semaphore(%arg20 : memref<!tpu.dma_semaphore, #tpu.memory_space<semaphore_mem>>)
        %dma_wait3A_1362 = arith.constant 2 : i32
        %dma_wait3A_1363 = arith.constant 200 : i32
        %dma_wait3A_1364 = arith.constant 0 : i32
        %dma_wait3A_1365 = tpu.memref_slice %arg16[%dma_wait3A_1363, %dma_wait3A_1364] : memref<400x64xf32, #tpu.memory_space<vmem>> -> memref<100x64xf32, #tpu.memory_space<vmem>>
        %dma_wait3A_1366 = arith.constant 0 : i32
        %dma_wait3A_1367 = tpu.memref_slice %arg11[%dma_wait3A_1362, %dma_wait3A_1366] : memref<4x100xi32, #tpu.memory_space<vmem>> -> memref<1x100xi32, #tpu.memory_space<vmem>>
        %dma_wait3A_1368 = tpu.memref_squeeze %dma_wait3A_1367 : memref<1x100xi32, #tpu.memory_space<vmem>> -> memref<100xi32, #tpu.memory_space<vmem>>
        %dma_wait3A_1369 = arith.constant 0 : i32
        %dma_wait3A_1370 = arith.constant 0 : i32
        %dma_wait3A_1371 = tpu.memref_slice %arg2[%dma_wait3A_1369, %dma_wait3A_1370] : memref<10000x64xf32, #tpu.memory_space<hbm>> -> memref<10000x64xf32, #tpu.memory_space<hbm>>
        tpu.wait_indirect_dma semaphore(%arg20 : memref<!tpu.dma_semaphore, #tpu.memory_space<semaphore_mem>>) src(%dma_wait3A_1371 : memref<10000x64xf32, #tpu.memory_space<hbm>>) dst(%dma_wait3A_1365 : memref<100x64xf32, #tpu.memory_space<vmem>>)
      } else {
      }
      %eq3A_168 = arith.constant 1 : i32
      %eq3A_169 = arith.cmpi eq, %arg0, %eq3A_168 : i32
      %convert_element_type3A_170 = arith.extui %eq3A_169 : i1 to i32
      %cond3A_171 = arith.constant 0 : i32
      %cond3A_172 = arith.cmpi ne, %convert_element_type3A_170, %cond3A_171 : i32
      scf.if %cond3A_172 {
        %dma_start3A_1352 = arith.constant 2 : i32
        %dma_start3A_1353 = arith.constant 200 : i32
        %dma_start3A_1354 = arith.constant 0 : i32
        %dma_start3A_1355 = tpu.memref_slice %arg16[%dma_start3A_1353, %dma_start3A_1354] : memref<400x64xf32, #tpu.memory_space<vmem>> -> memref<100x64xf32, #tpu.memory_space<vmem>>
        %dma_start3A_1356 = arith.constant 0 : i32
        %dma_start3A_1357 = tpu.memref_slice %arg11[%dma_start3A_1352, %dma_start3A_1356] : memref<4x100xi32, #tpu.memory_space<vmem>> -> memref<1x100xi32, #tpu.memory_space<vmem>>
        %dma_start3A_1358 = tpu.memref_squeeze %dma_start3A_1357 : memref<1x100xi32, #tpu.memory_space<vmem>> -> memref<100xi32, #tpu.memory_space<vmem>>
        %dma_start3A_1359 = arith.constant 0 : i32
        %dma_start3A_1360 = arith.constant 0 : i32
        %dma_start3A_1361 = tpu.memref_slice %arg3[%dma_start3A_1359, %dma_start3A_1360] : memref<10000x64xf32, #tpu.memory_space<hbm>> -> memref<10000x64xf32, #tpu.memory_space<hbm>>
        tpu.enqueue_indirect_dma source(%dma_start3A_1361 : memref<10000x64xf32, #tpu.memory_space<hbm>>) target(%dma_start3A_1355 : memref<100x64xf32, #tpu.memory_space<vmem>>) offsets(%dma_start3A_1358 : memref<100xi32, #tpu.memory_space<vmem>>) semaphore(%arg20 : memref<!tpu.dma_semaphore, #tpu.memory_space<semaphore_mem>>)
        %dma_wait3A_1362 = arith.constant 2 : i32
        %dma_wait3A_1363 = arith.constant 200 : i32
        %dma_wait3A_1364 = arith.constant 0 : i32
        %dma_wait3A_1365 = tpu.memref_slice %arg16[%dma_wait3A_1363, %dma_wait3A_1364] : memref<400x64xf32, #tpu.memory_space<vmem>> -> memref<100x64xf32, #tpu.memory_space<vmem>>
        %dma_wait3A_1366 = arith.constant 0 : i32
        %dma_wait3A_1367 = tpu.memref_slice %arg11[%dma_wait3A_1362, %dma_wait3A_1366] : memref<4x100xi32, #tpu.memory_space<vmem>> -> memref<1x100xi32, #tpu.memory_space<vmem>>
        %dma_wait3A_1368 = tpu.memref_squeeze %dma_wait3A_1367 : memref<1x100xi32, #tpu.memory_space<vmem>> -> memref<100xi32, #tpu.memory_space<vmem>>
        %dma_wait3A_1369 = arith.constant 0 : i32
        %dma_wait3A_1370 = arith.constant 0 : i32
        %dma_wait3A_1371 = tpu.memref_slice %arg3[%dma_wait3A_1369, %dma_wait3A_1370] : memref<10000x64xf32, #tpu.memory_space<hbm>> -> memref<10000x64xf32, #tpu.memory_space<hbm>>
        tpu.wait_indirect_dma semaphore(%arg20 : memref<!tpu.dma_semaphore, #tpu.memory_space<semaphore_mem>>) src(%dma_wait3A_1371 : memref<10000x64xf32, #tpu.memory_space<hbm>>) dst(%dma_wait3A_1365 : memref<100x64xf32, #tpu.memory_space<vmem>>)
      } else {
      }
      %dma_start3A_173 = arith.constant 3 : i32
      %dma_start3A_174 = arith.constant 300 : i32
      %dma_start3A_175 = arith.constant 0 : i32
      %dma_start3A_176 = tpu.memref_slice %arg14[%dma_start3A_174, %dma_start3A_175] : memref<400x16xf32, #tpu.memory_space<vmem>> -> memref<100x16xf32, #tpu.memory_space<vmem>>
      %dma_start3A_177 = arith.constant 0 : i32
      %dma_start3A_178 = tpu.memref_slice %arg11[%dma_start3A_173, %dma_start3A_177] : memref<4x100xi32, #tpu.memory_space<vmem>> -> memref<1x100xi32, #tpu.memory_space<vmem>>
      %dma_start3A_179 = tpu.memref_squeeze %dma_start3A_178 : memref<1x100xi32, #tpu.memory_space<vmem>> -> memref<100xi32, #tpu.memory_space<vmem>>
      %dma_start3A_180 = arith.constant 0 : i32
      %dma_start3A_181 = arith.constant 0 : i32
      %dma_start3A_182 = tpu.memref_slice %arg4[%dma_start3A_180, %dma_start3A_181] : memref<10000x16xf32, #tpu.memory_space<hbm>> -> memref<10000x16xf32, #tpu.memory_space<hbm>>
      tpu.enqueue_indirect_dma source(%dma_start3A_182 : memref<10000x16xf32, #tpu.memory_space<hbm>>) target(%dma_start3A_176 : memref<100x16xf32, #tpu.memory_space<vmem>>) offsets(%dma_start3A_179 : memref<100xi32, #tpu.memory_space<vmem>>) semaphore(%arg20 : memref<!tpu.dma_semaphore, #tpu.memory_space<semaphore_mem>>)
      %dma_wait3A_183 = arith.constant 3 : i32
      %dma_wait3A_184 = arith.constant 300 : i32
      %dma_wait3A_185 = arith.constant 0 : i32
      %dma_wait3A_186 = tpu.memref_slice %arg14[%dma_wait3A_184, %dma_wait3A_185] : memref<400x16xf32, #tpu.memory_space<vmem>> -> memref<100x16xf32, #tpu.memory_space<vmem>>
      %dma_wait3A_187 = arith.constant 0 : i32
      %dma_wait3A_188 = tpu.memref_slice %arg11[%dma_wait3A_183, %dma_wait3A_187] : memref<4x100xi32, #tpu.memory_space<vmem>> -> memref<1x100xi32, #tpu.memory_space<vmem>>
      %dma_wait3A_189 = tpu.memref_squeeze %dma_wait3A_188 : memref<1x100xi32, #tpu.memory_space<vmem>> -> memref<100xi32, #tpu.memory_space<vmem>>
      %dma_wait3A_190 = arith.constant 0 : i32
      %dma_wait3A_191 = arith.constant 0 : i32
      %dma_wait3A_192 = tpu.memref_slice %arg4[%dma_wait3A_190, %dma_wait3A_191] : memref<10000x16xf32, #tpu.memory_space<hbm>> -> memref<10000x16xf32, #tpu.memory_space<hbm>>
      tpu.wait_indirect_dma semaphore(%arg20 : memref<!tpu.dma_semaphore, #tpu.memory_space<semaphore_mem>>) src(%dma_wait3A_192 : memref<10000x16xf32, #tpu.memory_space<hbm>>) dst(%dma_wait3A_186 : memref<100x16xf32, #tpu.memory_space<vmem>>)
      %dma_start3A_193 = arith.constant 3 : i32
      %dma_start3A_194 = arith.constant 300 : i32
      %dma_start3A_195 = arith.constant 0 : i32
      %dma_start3A_196 = tpu.memref_slice %arg15[%dma_start3A_194, %dma_start3A_195] : memref<400x16xf32, #tpu.memory_space<vmem>> -> memref<100x16xf32, #tpu.memory_space<vmem>>
      %dma_start3A_197 = arith.constant 0 : i32
      %dma_start3A_198 = tpu.memref_slice %arg12[%dma_start3A_193, %dma_start3A_197] : memref<4x100xi32, #tpu.memory_space<vmem>> -> memref<1x100xi32, #tpu.memory_space<vmem>>
      %dma_start3A_199 = tpu.memref_squeeze %dma_start3A_198 : memref<1x100xi32, #tpu.memory_space<vmem>> -> memref<100xi32, #tpu.memory_space<vmem>>
      %dma_start3A_200 = arith.constant 0 : i32
      %dma_start3A_201 = arith.constant 0 : i32
      %dma_start3A_202 = tpu.memref_slice %arg4[%dma_start3A_200, %dma_start3A_201] : memref<10000x16xf32, #tpu.memory_space<hbm>> -> memref<10000x16xf32, #tpu.memory_space<hbm>>
      tpu.enqueue_indirect_dma source(%dma_start3A_202 : memref<10000x16xf32, #tpu.memory_space<hbm>>) target(%dma_start3A_196 : memref<100x16xf32, #tpu.memory_space<vmem>>) offsets(%dma_start3A_199 : memref<100xi32, #tpu.memory_space<vmem>>) semaphore(%arg20 : memref<!tpu.dma_semaphore, #tpu.memory_space<semaphore_mem>>)
      %dma_wait3A_203 = arith.constant 3 : i32
      %dma_wait3A_204 = arith.constant 300 : i32
      %dma_wait3A_205 = arith.constant 0 : i32
      %dma_wait3A_206 = tpu.memref_slice %arg15[%dma_wait3A_204, %dma_wait3A_205] : memref<400x16xf32, #tpu.memory_space<vmem>> -> memref<100x16xf32, #tpu.memory_space<vmem>>
      %dma_wait3A_207 = arith.constant 0 : i32
      %dma_wait3A_208 = tpu.memref_slice %arg12[%dma_wait3A_203, %dma_wait3A_207] : memref<4x100xi32, #tpu.memory_space<vmem>> -> memref<1x100xi32, #tpu.memory_space<vmem>>
      %dma_wait3A_209 = tpu.memref_squeeze %dma_wait3A_208 : memref<1x100xi32, #tpu.memory_space<vmem>> -> memref<100xi32, #tpu.memory_space<vmem>>
      %dma_wait3A_210 = arith.constant 0 : i32
      %dma_wait3A_211 = arith.constant 0 : i32
      %dma_wait3A_212 = tpu.memref_slice %arg4[%dma_wait3A_210, %dma_wait3A_211] : memref<10000x16xf32, #tpu.memory_space<hbm>> -> memref<10000x16xf32, #tpu.memory_space<hbm>>
      tpu.wait_indirect_dma semaphore(%arg20 : memref<!tpu.dma_semaphore, #tpu.memory_space<semaphore_mem>>) src(%dma_wait3A_212 : memref<10000x16xf32, #tpu.memory_space<hbm>>) dst(%dma_wait3A_206 : memref<100x16xf32, #tpu.memory_space<vmem>>)
      %eq3A_213 = arith.constant 0 : i32
      %eq3A_214 = arith.cmpi eq, %arg0, %eq3A_213 : i32
      %convert_element_type3A_215 = arith.extui %eq3A_214 : i1 to i32
      %cond3A_216 = arith.constant 0 : i32
      %cond3A_217 = arith.cmpi ne, %convert_element_type3A_215, %cond3A_216 : i32
      scf.if %cond3A_217 {
        %dma_start3A_1352 = arith.constant 3 : i32
        %dma_start3A_1353 = arith.constant 300 : i32
        %dma_start3A_1354 = arith.constant 0 : i32
        %dma_start3A_1355 = tpu.memref_slice %arg16[%dma_start3A_1353, %dma_start3A_1354] : memref<400x64xf32, #tpu.memory_space<vmem>> -> memref<100x64xf32, #tpu.memory_space<vmem>>
        %dma_start3A_1356 = arith.constant 0 : i32
        %dma_start3A_1357 = tpu.memref_slice %arg11[%dma_start3A_1352, %dma_start3A_1356] : memref<4x100xi32, #tpu.memory_space<vmem>> -> memref<1x100xi32, #tpu.memory_space<vmem>>
        %dma_start3A_1358 = tpu.memref_squeeze %dma_start3A_1357 : memref<1x100xi32, #tpu.memory_space<vmem>> -> memref<100xi32, #tpu.memory_space<vmem>>
        %dma_start3A_1359 = arith.constant 0 : i32
        %dma_start3A_1360 = arith.constant 0 : i32
        %dma_start3A_1361 = tpu.memref_slice %arg2[%dma_start3A_1359, %dma_start3A_1360] : memref<10000x64xf32, #tpu.memory_space<hbm>> -> memref<10000x64xf32, #tpu.memory_space<hbm>>
        tpu.enqueue_indirect_dma source(%dma_start3A_1361 : memref<10000x64xf32, #tpu.memory_space<hbm>>) target(%dma_start3A_1355 : memref<100x64xf32, #tpu.memory_space<vmem>>) offsets(%dma_start3A_1358 : memref<100xi32, #tpu.memory_space<vmem>>) semaphore(%arg20 : memref<!tpu.dma_semaphore, #tpu.memory_space<semaphore_mem>>)
        %dma_wait3A_1362 = arith.constant 3 : i32
        %dma_wait3A_1363 = arith.constant 300 : i32
        %dma_wait3A_1364 = arith.constant 0 : i32
        %dma_wait3A_1365 = tpu.memref_slice %arg16[%dma_wait3A_1363, %dma_wait3A_1364] : memref<400x64xf32, #tpu.memory_space<vmem>> -> memref<100x64xf32, #tpu.memory_space<vmem>>
        %dma_wait3A_1366 = arith.constant 0 : i32
        %dma_wait3A_1367 = tpu.memref_slice %arg11[%dma_wait3A_1362, %dma_wait3A_1366] : memref<4x100xi32, #tpu.memory_space<vmem>> -> memref<1x100xi32, #tpu.memory_space<vmem>>
        %dma_wait3A_1368 = tpu.memref_squeeze %dma_wait3A_1367 : memref<1x100xi32, #tpu.memory_space<vmem>> -> memref<100xi32, #tpu.memory_space<vmem>>
        %dma_wait3A_1369 = arith.constant 0 : i32
        %dma_wait3A_1370 = arith.constant 0 : i32
        %dma_wait3A_1371 = tpu.memref_slice %arg2[%dma_wait3A_1369, %dma_wait3A_1370] : memref<10000x64xf32, #tpu.memory_space<hbm>> -> memref<10000x64xf32, #tpu.memory_space<hbm>>
        tpu.wait_indirect_dma semaphore(%arg20 : memref<!tpu.dma_semaphore, #tpu.memory_space<semaphore_mem>>) src(%dma_wait3A_1371 : memref<10000x64xf32, #tpu.memory_space<hbm>>) dst(%dma_wait3A_1365 : memref<100x64xf32, #tpu.memory_space<vmem>>)
      } else {
      }
      %eq3A_218 = arith.constant 1 : i32
      %eq3A_219 = arith.cmpi eq, %arg0, %eq3A_218 : i32
      %convert_element_type3A_220 = arith.extui %eq3A_219 : i1 to i32
      %cond3A_221 = arith.constant 0 : i32
      %cond3A_222 = arith.cmpi ne, %convert_element_type3A_220, %cond3A_221 : i32
      scf.if %cond3A_222 {
        %dma_start3A_1352 = arith.constant 3 : i32
        %dma_start3A_1353 = arith.constant 300 : i32
        %dma_start3A_1354 = arith.constant 0 : i32
        %dma_start3A_1355 = tpu.memref_slice %arg16[%dma_start3A_1353, %dma_start3A_1354] : memref<400x64xf32, #tpu.memory_space<vmem>> -> memref<100x64xf32, #tpu.memory_space<vmem>>
        %dma_start3A_1356 = arith.constant 0 : i32
        %dma_start3A_1357 = tpu.memref_slice %arg11[%dma_start3A_1352, %dma_start3A_1356] : memref<4x100xi32, #tpu.memory_space<vmem>> -> memref<1x100xi32, #tpu.memory_space<vmem>>
        %dma_start3A_1358 = tpu.memref_squeeze %dma_start3A_1357 : memref<1x100xi32, #tpu.memory_space<vmem>> -> memref<100xi32, #tpu.memory_space<vmem>>
        %dma_start3A_1359 = arith.constant 0 : i32
        %dma_start3A_1360 = arith.constant 0 : i32
        %dma_start3A_1361 = tpu.memref_slice %arg3[%dma_start3A_1359, %dma_start3A_1360] : memref<10000x64xf32, #tpu.memory_space<hbm>> -> memref<10000x64xf32, #tpu.memory_space<hbm>>
        tpu.enqueue_indirect_dma source(%dma_start3A_1361 : memref<10000x64xf32, #tpu.memory_space<hbm>>) target(%dma_start3A_1355 : memref<100x64xf32, #tpu.memory_space<vmem>>) offsets(%dma_start3A_1358 : memref<100xi32, #tpu.memory_space<vmem>>) semaphore(%arg20 : memref<!tpu.dma_semaphore, #tpu.memory_space<semaphore_mem>>)
        %dma_wait3A_1362 = arith.constant 3 : i32
        %dma_wait3A_1363 = arith.constant 300 : i32
        %dma_wait3A_1364 = arith.constant 0 : i32
        %dma_wait3A_1365 = tpu.memref_slice %arg16[%dma_wait3A_1363, %dma_wait3A_1364] : memref<400x64xf32, #tpu.memory_space<vmem>> -> memref<100x64xf32, #tpu.memory_space<vmem>>
        %dma_wait3A_1366 = arith.constant 0 : i32
        %dma_wait3A_1367 = tpu.memref_slice %arg11[%dma_wait3A_1362, %dma_wait3A_1366] : memref<4x100xi32, #tpu.memory_space<vmem>> -> memref<1x100xi32, #tpu.memory_space<vmem>>
        %dma_wait3A_1368 = tpu.memref_squeeze %dma_wait3A_1367 : memref<1x100xi32, #tpu.memory_space<vmem>> -> memref<100xi32, #tpu.memory_space<vmem>>
        %dma_wait3A_1369 = arith.constant 0 : i32
        %dma_wait3A_1370 = arith.constant 0 : i32
        %dma_wait3A_1371 = tpu.memref_slice %arg3[%dma_wait3A_1369, %dma_wait3A_1370] : memref<10000x64xf32, #tpu.memory_space<hbm>> -> memref<10000x64xf32, #tpu.memory_space<hbm>>
        tpu.wait_indirect_dma semaphore(%arg20 : memref<!tpu.dma_semaphore, #tpu.memory_space<semaphore_mem>>) src(%dma_wait3A_1371 : memref<10000x64xf32, #tpu.memory_space<hbm>>) dst(%dma_wait3A_1365 : memref<100x64xf32, #tpu.memory_space<vmem>>)
      } else {
      }
      %add3A_223 = arith.constant 0 : i32
      %add3A_224 = vector.broadcast %add3A_223 : i32 to vector<16xi32>
      %add3A_225 = arith.addi %iota3A, %add3A_224 : vector<16xi32>
      %eq3A_226 = arith.constant 0 : i32
      %eq3A_227 = arith.cmpi eq, %arg0, %eq3A_226 : i32
      %convert_element_type3A_228 = arith.extui %eq3A_227 : i1 to i32
      %cond3A_229 = arith.constant 0 : i32
      %cond3A_230 = arith.cmpi ne, %convert_element_type3A_228, %cond3A_229 : i32
      scf.if %cond3A_230 {
        %broadcast_in_dim3A_1352 = arith.constant 0 : i32
        %broadcast_in_dim3A_1353 = vector.broadcast %broadcast_in_dim3A_1352 : i32 to vector<16xi32>
        %gather3A_1354 = tpu.vector_load_idx %arg14[%add3A_225, %broadcast_in_dim3A_1353] : memref<400x16xf32, #tpu.memory_space<vmem>>[vector<16xi32>, vector<16xi32>], vector<16xf32>,
        %add3A_1355 = arith.constant 4 : i32
        %add3A_1356 = vector.broadcast %add3A_1355 : i32 to vector<16xi32>
        %add3A_1357 = arith.addi %broadcast_in_dim3A_1353, %add3A_1356 : vector<16xi32>
        %gather3A_1358 = tpu.vector_load_idx %arg15[%add3A_225, %add3A_1357] : memref<400x16xf32, #tpu.memory_space<vmem>>[vector<16xi32>, vector<16xi32>], vector<16xf32>,
        %gather3A_1359 = tpu.vector_load_idx %arg13[%add3A_225, %broadcast_in_dim3A_1353] : memref<400x8xf32, #tpu.memory_space<vmem>>[vector<16xi32>, vector<16xi32>], vector<16xf32>,
        %add3A_1360 = arith.addf %gather3A_1354, %gather3A_1358 : vector<16xf32>
        %add3A_1361 = arith.addf %add3A_1360, %gather3A_1359 : vector<16xf32>
        %ge3A_1362 = arith.constant 0.000000e+00 : f32
        %ge3A_1363 = vector.broadcast %ge3A_1362 : f32 to vector<16xf32>
        %ge3A_1364 = arith.cmpf oge, %add3A_1361, %ge3A_1363 : vector<16xf32>
        %mul3A_1365 = arith.constant 2.000000e-01 : f32
        %mul3A_1366 = vector.broadcast %mul3A_1365 : f32 to vector<16xf32>
        %mul3A_1367 = arith.mulf %mul3A_1366, %add3A_1361 : vector<16xf32>
        %select_n3A_1368 = arith.select %ge3A_1364, %add3A_1361, %mul3A_1367 : vector<16xi1>, vector<16xf32>
        %exp3A_1369 = math.exp %select_n3A_1368 : vector<16xf32>
        tpu.vector_store_idx %arg17[%add3A_225, %broadcast_in_dim3A_1353], %exp3A_1369 : memref<400x16xf32, #tpu.memory_space<vmem>>[vector<16xi32>, vector<16xi32>], vector<16xf32>,
        %broadcast_in_dim3A_1370 = arith.constant 1 : i32
        %broadcast_in_dim3A_1371 = vector.broadcast %broadcast_in_dim3A_1370 : i32 to vector<16xi32>
        %gather3A_1372 = tpu.vector_load_idx %arg14[%add3A_225, %broadcast_in_dim3A_1371] : memref<400x16xf32, #tpu.memory_space<vmem>>[vector<16xi32>, vector<16xi32>], vector<16xf32>,
        %add3A_1373 = arith.constant 4 : i32
        %add3A_1374 = vector.broadcast %add3A_1373 : i32 to vector<16xi32>
        %add3A_1375 = arith.addi %broadcast_in_dim3A_1371, %add3A_1374 : vector<16xi32>
        %gather3A_1376 = tpu.vector_load_idx %arg15[%add3A_225, %add3A_1375] : memref<400x16xf32, #tpu.memory_space<vmem>>[vector<16xi32>, vector<16xi32>], vector<16xf32>,
        %gather3A_1377 = tpu.vector_load_idx %arg13[%add3A_225, %broadcast_in_dim3A_1371] : memref<400x8xf32, #tpu.memory_space<vmem>>[vector<16xi32>, vector<16xi32>], vector<16xf32>,
        %add3A_1378 = arith.addf %gather3A_1372, %gather3A_1376 : vector<16xf32>
        %add3A_1379 = arith.addf %add3A_1378, %gather3A_1377 : vector<16xf32>
        %ge3A_1380 = arith.constant 0.000000e+00 : f32
        %ge3A_1381 = vector.broadcast %ge3A_1380 : f32 to vector<16xf32>
        %ge3A_1382 = arith.cmpf oge, %add3A_1379, %ge3A_1381 : vector<16xf32>
        %mul3A_1383 = arith.constant 2.000000e-01 : f32
        %mul3A_1384 = vector.broadcast %mul3A_1383 : f32 to vector<16xf32>
        %mul3A_1385 = arith.mulf %mul3A_1384, %add3A_1379 : vector<16xf32>
        %select_n3A_1386 = arith.select %ge3A_1382, %add3A_1379, %mul3A_1385 : vector<16xi1>, vector<16xf32>
        %exp3A_1387 = math.exp %select_n3A_1386 : vector<16xf32>
        tpu.vector_store_idx %arg17[%add3A_225, %broadcast_in_dim3A_1371], %exp3A_1387 : memref<400x16xf32, #tpu.memory_space<vmem>>[vector<16xi32>, vector<16xi32>], vector<16xf32>,
      } else {
      }
      %broadcast_in_dim3A_231 = arith.constant 2 : i32
      %broadcast_in_dim3A_232 = vector.broadcast %broadcast_in_dim3A_231 : i32 to vector<16xi32>
      %gather3A = tpu.vector_load_idx %arg14[%add3A_225, %broadcast_in_dim3A_232] : memref<400x16xf32, #tpu.memory_space<vmem>>[vector<16xi32>, vector<16xi32>], vector<16xf32>,
      %add3A_233 = arith.constant 4 : i32
      %add3A_234 = vector.broadcast %add3A_233 : i32 to vector<16xi32>
      %add3A_235 = arith.addi %broadcast_in_dim3A_232, %add3A_234 : vector<16xi32>
      %gather3A_236 = tpu.vector_load_idx %arg15[%add3A_225, %add3A_235] : memref<400x16xf32, #tpu.memory_space<vmem>>[vector<16xi32>, vector<16xi32>], vector<16xf32>,
      %gather3A_237 = tpu.vector_load_idx %arg13[%add3A_225, %broadcast_in_dim3A_232] : memref<400x8xf32, #tpu.memory_space<vmem>>[vector<16xi32>, vector<16xi32>], vector<16xf32>,
      %add3A_238 = arith.addf %gather3A, %gather3A_236 : vector<16xf32>
      %add3A_239 = arith.addf %add3A_238, %gather3A_237 : vector<16xf32>
      %ge3A = arith.constant 0.000000e+00 : f32
      %ge3A_240 = vector.broadcast %ge3A : f32 to vector<16xf32>
      %ge3A_241 = arith.cmpf oge, %add3A_239, %ge3A_240 : vector<16xf32>
      %mul3A_242 = arith.constant 2.000000e-01 : f32
      %mul3A_243 = vector.broadcast %mul3A_242 : f32 to vector<16xf32>
      %mul3A_244 = arith.mulf %mul3A_243, %add3A_239 : vector<16xf32>
      %select_n3A = arith.select %ge3A_241, %add3A_239, %mul3A_244 : vector<16xi1>, vector<16xf32>
      %exp3A = math.exp %select_n3A : vector<16xf32>
      tpu.vector_store_idx %arg17[%add3A_225, %broadcast_in_dim3A_232], %exp3A : memref<400x16xf32, #tpu.memory_space<vmem>>[vector<16xi32>, vector<16xi32>], vector<16xf32>,
      %broadcast_in_dim3A_245 = arith.constant 3 : i32
      %broadcast_in_dim3A_246 = vector.broadcast %broadcast_in_dim3A_245 : i32 to vector<16xi32>
      %gather3A_247 = tpu.vector_load_idx %arg14[%add3A_225, %broadcast_in_dim3A_246] : memref<400x16xf32, #tpu.memory_space<vmem>>[vector<16xi32>, vector<16xi32>], vector<16xf32>,
      %add3A_248 = arith.constant 4 : i32
      %add3A_249 = vector.broadcast %add3A_248 : i32 to vector<16xi32>
      %add3A_250 = arith.addi %broadcast_in_dim3A_246, %add3A_249 : vector<16xi32>
      %gather3A_251 = tpu.vector_load_idx %arg15[%add3A_225, %add3A_250] : memref<400x16xf32, #tpu.memory_space<vmem>>[vector<16xi32>, vector<16xi32>], vector<16xf32>,
      %gather3A_252 = tpu.vector_load_idx %arg13[%add3A_225, %broadcast_in_dim3A_246] : memref<400x8xf32, #tpu.memory_space<vmem>>[vector<16xi32>, vector<16xi32>], vector<16xf32>,
      %add3A_253 = arith.addf %gather3A_247, %gather3A_251 : vector<16xf32>
      %add3A_254 = arith.addf %add3A_253, %gather3A_252 : vector<16xf32>
      %ge3A_255 = arith.constant 0.000000e+00 : f32
      %ge3A_256 = vector.broadcast %ge3A_255 : f32 to vector<16xf32>
      %ge3A_257 = arith.cmpf oge, %add3A_254, %ge3A_256 : vector<16xf32>
      %mul3A_258 = arith.constant 2.000000e-01 : f32
      %mul3A_259 = vector.broadcast %mul3A_258 : f32 to vector<16xf32>
      %mul3A_260 = arith.mulf %mul3A_259, %add3A_254 : vector<16xf32>
      %select_n3A_261 = arith.select %ge3A_257, %add3A_254, %mul3A_260 : vector<16xi1>, vector<16xf32>
      %exp3A_262 = math.exp %select_n3A_261 : vector<16xf32>
      tpu.vector_store_idx %arg17[%add3A_225, %broadcast_in_dim3A_246], %exp3A_262 : memref<400x16xf32, #tpu.memory_space<vmem>>[vector<16xi32>, vector<16xi32>], vector<16xf32>,
      %add3A_263 = arith.constant 16 : i32
      %add3A_264 = vector.broadcast %add3A_263 : i32 to vector<16xi32>
      %add3A_265 = arith.addi %iota3A, %add3A_264 : vector<16xi32>
      %eq3A_266 = arith.constant 0 : i32
      %eq3A_267 = arith.cmpi eq, %arg0, %eq3A_266 : i32
      %convert_element_type3A_268 = arith.extui %eq3A_267 : i1 to i32
      %cond3A_269 = arith.constant 0 : i32
      %cond3A_270 = arith.cmpi ne, %convert_element_type3A_268, %cond3A_269 : i32
      scf.if %cond3A_270 {
        %broadcast_in_dim3A_1352 = arith.constant 0 : i32
        %broadcast_in_dim3A_1353 = vector.broadcast %broadcast_in_dim3A_1352 : i32 to vector<16xi32>
        %gather3A_1354 = tpu.vector_load_idx %arg14[%add3A_265, %broadcast_in_dim3A_1353] : memref<400x16xf32, #tpu.memory_space<vmem>>[vector<16xi32>, vector<16xi32>], vector<16xf32>,
        %add3A_1355 = arith.constant 4 : i32
        %add3A_1356 = vector.broadcast %add3A_1355 : i32 to vector<16xi32>
        %add3A_1357 = arith.addi %broadcast_in_dim3A_1353, %add3A_1356 : vector<16xi32>
        %gather3A_1358 = tpu.vector_load_idx %arg15[%add3A_265, %add3A_1357] : memref<400x16xf32, #tpu.memory_space<vmem>>[vector<16xi32>, vector<16xi32>], vector<16xf32>,
        %gather3A_1359 = tpu.vector_load_idx %arg13[%add3A_265, %broadcast_in_dim3A_1353] : memref<400x8xf32, #tpu.memory_space<vmem>>[vector<16xi32>, vector<16xi32>], vector<16xf32>,
        %add3A_1360 = arith.addf %gather3A_1354, %gather3A_1358 : vector<16xf32>
        %add3A_1361 = arith.addf %add3A_1360, %gather3A_1359 : vector<16xf32>
        %ge3A_1362 = arith.constant 0.000000e+00 : f32
        %ge3A_1363 = vector.broadcast %ge3A_1362 : f32 to vector<16xf32>
        %ge3A_1364 = arith.cmpf oge, %add3A_1361, %ge3A_1363 : vector<16xf32>
        %mul3A_1365 = arith.constant 2.000000e-01 : f32
        %mul3A_1366 = vector.broadcast %mul3A_1365 : f32 to vector<16xf32>
        %mul3A_1367 = arith.mulf %mul3A_1366, %add3A_1361 : vector<16xf32>
        %select_n3A_1368 = arith.select %ge3A_1364, %add3A_1361, %mul3A_1367 : vector<16xi1>, vector<16xf32>
        %exp3A_1369 = math.exp %select_n3A_1368 : vector<16xf32>
        tpu.vector_store_idx %arg17[%add3A_265, %broadcast_in_dim3A_1353], %exp3A_1369 : memref<400x16xf32, #tpu.memory_space<vmem>>[vector<16xi32>, vector<16xi32>], vector<16xf32>,
        %broadcast_in_dim3A_1370 = arith.constant 1 : i32
        %broadcast_in_dim3A_1371 = vector.broadcast %broadcast_in_dim3A_1370 : i32 to vector<16xi32>
        %gather3A_1372 = tpu.vector_load_idx %arg14[%add3A_265, %broadcast_in_dim3A_1371] : memref<400x16xf32, #tpu.memory_space<vmem>>[vector<16xi32>, vector<16xi32>], vector<16xf32>,
        %add3A_1373 = arith.constant 4 : i32
        %add3A_1374 = vector.broadcast %add3A_1373 : i32 to vector<16xi32>
        %add3A_1375 = arith.addi %broadcast_in_dim3A_1371, %add3A_1374 : vector<16xi32>
        %gather3A_1376 = tpu.vector_load_idx %arg15[%add3A_265, %add3A_1375] : memref<400x16xf32, #tpu.memory_space<vmem>>[vector<16xi32>, vector<16xi32>], vector<16xf32>,
        %gather3A_1377 = tpu.vector_load_idx %arg13[%add3A_265, %broadcast_in_dim3A_1371] : memref<400x8xf32, #tpu.memory_space<vmem>>[vector<16xi32>, vector<16xi32>], vector<16xf32>,
        %add3A_1378 = arith.addf %gather3A_1372, %gather3A_1376 : vector<16xf32>
        %add3A_1379 = arith.addf %add3A_1378, %gather3A_1377 : vector<16xf32>
        %ge3A_1380 = arith.constant 0.000000e+00 : f32
        %ge3A_1381 = vector.broadcast %ge3A_1380 : f32 to vector<16xf32>
        %ge3A_1382 = arith.cmpf oge, %add3A_1379, %ge3A_1381 : vector<16xf32>
        %mul3A_1383 = arith.constant 2.000000e-01 : f32
        %mul3A_1384 = vector.broadcast %mul3A_1383 : f32 to vector<16xf32>
        %mul3A_1385 = arith.mulf %mul3A_1384, %add3A_1379 : vector<16xf32>
        %select_n3A_1386 = arith.select %ge3A_1382, %add3A_1379, %mul3A_1385 : vector<16xi1>, vector<16xf32>
        %exp3A_1387 = math.exp %select_n3A_1386 : vector<16xf32>
        tpu.vector_store_idx %arg17[%add3A_265, %broadcast_in_dim3A_1371], %exp3A_1387 : memref<400x16xf32, #tpu.memory_space<vmem>>[vector<16xi32>, vector<16xi32>], vector<16xf32>,
      } else {
      }
      %broadcast_in_dim3A_271 = arith.constant 2 : i32
      %broadcast_in_dim3A_272 = vector.broadcast %broadcast_in_dim3A_271 : i32 to vector<16xi32>
      %gather3A_273 = tpu.vector_load_idx %arg14[%add3A_265, %broadcast_in_dim3A_272] : memref<400x16xf32, #tpu.memory_space<vmem>>[vector<16xi32>, vector<16xi32>], vector<16xf32>,
      %add3A_274 = arith.constant 4 : i32
      %add3A_275 = vector.broadcast %add3A_274 : i32 to vector<16xi32>
      %add3A_276 = arith.addi %broadcast_in_dim3A_272, %add3A_275 : vector<16xi32>
      %gather3A_277 = tpu.vector_load_idx %arg15[%add3A_265, %add3A_276] : memref<400x16xf32, #tpu.memory_space<vmem>>[vector<16xi32>, vector<16xi32>], vector<16xf32>,
      %gather3A_278 = tpu.vector_load_idx %arg13[%add3A_265, %broadcast_in_dim3A_272] : memref<400x8xf32, #tpu.memory_space<vmem>>[vector<16xi32>, vector<16xi32>], vector<16xf32>,
      %add3A_279 = arith.addf %gather3A_273, %gather3A_277 : vector<16xf32>
      %add3A_280 = arith.addf %add3A_279, %gather3A_278 : vector<16xf32>
      %ge3A_281 = arith.constant 0.000000e+00 : f32
      %ge3A_282 = vector.broadcast %ge3A_281 : f32 to vector<16xf32>
      %ge3A_283 = arith.cmpf oge, %add3A_280, %ge3A_282 : vector<16xf32>
      %mul3A_284 = arith.constant 2.000000e-01 : f32
      %mul3A_285 = vector.broadcast %mul3A_284 : f32 to vector<16xf32>
      %mul3A_286 = arith.mulf %mul3A_285, %add3A_280 : vector<16xf32>
      %select_n3A_287 = arith.select %ge3A_283, %add3A_280, %mul3A_286 : vector<16xi1>, vector<16xf32>
      %exp3A_288 = math.exp %select_n3A_287 : vector<16xf32>
      tpu.vector_store_idx %arg17[%add3A_265, %broadcast_in_dim3A_272], %exp3A_288 : memref<400x16xf32, #tpu.memory_space<vmem>>[vector<16xi32>, vector<16xi32>], vector<16xf32>,
      %broadcast_in_dim3A_289 = arith.constant 3 : i32
      %broadcast_in_dim3A_290 = vector.broadcast %broadcast_in_dim3A_289 : i32 to vector<16xi32>
      %gather3A_291 = tpu.vector_load_idx %arg14[%add3A_265, %broadcast_in_dim3A_290] : memref<400x16xf32, #tpu.memory_space<vmem>>[vector<16xi32>, vector<16xi32>], vector<16xf32>,
      %add3A_292 = arith.constant 4 : i32
      %add3A_293 = vector.broadcast %add3A_292 : i32 to vector<16xi32>
      %add3A_294 = arith.addi %broadcast_in_dim3A_290, %add3A_293 : vector<16xi32>
      %gather3A_295 = tpu.vector_load_idx %arg15[%add3A_265, %add3A_294] : memref<400x16xf32, #tpu.memory_space<vmem>>[vector<16xi32>, vector<16xi32>], vector<16xf32>,
      %gather3A_296 = tpu.vector_load_idx %arg13[%add3A_265, %broadcast_in_dim3A_290] : memref<400x8xf32, #tpu.memory_space<vmem>>[vector<16xi32>, vector<16xi32>], vector<16xf32>,
      %add3A_297 = arith.addf %gather3A_291, %gather3A_295 : vector<16xf32>
      %add3A_298 = arith.addf %add3A_297, %gather3A_296 : vector<16xf32>
      %ge3A_299 = arith.constant 0.000000e+00 : f32
      %ge3A_300 = vector.broadcast %ge3A_299 : f32 to vector<16xf32>
      %ge3A_301 = arith.cmpf oge, %add3A_298, %ge3A_300 : vector<16xf32>
      %mul3A_302 = arith.constant 2.000000e-01 : f32
      %mul3A_303 = vector.broadcast %mul3A_302 : f32 to vector<16xf32>
      %mul3A_304 = arith.mulf %mul3A_303, %add3A_298 : vector<16xf32>
      %select_n3A_305 = arith.select %ge3A_301, %add3A_298, %mul3A_304 : vector<16xi1>, vector<16xf32>
      %exp3A_306 = math.exp %select_n3A_305 : vector<16xf32>
      tpu.vector_store_idx %arg17[%add3A_265, %broadcast_in_dim3A_290], %exp3A_306 : memref<400x16xf32, #tpu.memory_space<vmem>>[vector<16xi32>, vector<16xi32>], vector<16xf32>,
      %add3A_307 = arith.constant 32 : i32
      %add3A_308 = vector.broadcast %add3A_307 : i32 to vector<16xi32>
      %add3A_309 = arith.addi %iota3A, %add3A_308 : vector<16xi32>
      %eq3A_310 = arith.constant 0 : i32
      %eq3A_311 = arith.cmpi eq, %arg0, %eq3A_310 : i32
      %convert_element_type3A_312 = arith.extui %eq3A_311 : i1 to i32
      %cond3A_313 = arith.constant 0 : i32
      %cond3A_314 = arith.cmpi ne, %convert_element_type3A_312, %cond3A_313 : i32
      scf.if %cond3A_314 {
        %broadcast_in_dim3A_1352 = arith.constant 0 : i32
        %broadcast_in_dim3A_1353 = vector.broadcast %broadcast_in_dim3A_1352 : i32 to vector<16xi32>
        %gather3A_1354 = tpu.vector_load_idx %arg14[%add3A_309, %broadcast_in_dim3A_1353] : memref<400x16xf32, #tpu.memory_space<vmem>>[vector<16xi32>, vector<16xi32>], vector<16xf32>,
        %add3A_1355 = arith.constant 4 : i32
        %add3A_1356 = vector.broadcast %add3A_1355 : i32 to vector<16xi32>
        %add3A_1357 = arith.addi %broadcast_in_dim3A_1353, %add3A_1356 : vector<16xi32>
        %gather3A_1358 = tpu.vector_load_idx %arg15[%add3A_309, %add3A_1357] : memref<400x16xf32, #tpu.memory_space<vmem>>[vector<16xi32>, vector<16xi32>], vector<16xf32>,
        %gather3A_1359 = tpu.vector_load_idx %arg13[%add3A_309, %broadcast_in_dim3A_1353] : memref<400x8xf32, #tpu.memory_space<vmem>>[vector<16xi32>, vector<16xi32>], vector<16xf32>,
        %add3A_1360 = arith.addf %gather3A_1354, %gather3A_1358 : vector<16xf32>
        %add3A_1361 = arith.addf %add3A_1360, %gather3A_1359 : vector<16xf32>
        %ge3A_1362 = arith.constant 0.000000e+00 : f32
        %ge3A_1363 = vector.broadcast %ge3A_1362 : f32 to vector<16xf32>
        %ge3A_1364 = arith.cmpf oge, %add3A_1361, %ge3A_1363 : vector<16xf32>
        %mul3A_1365 = arith.constant 2.000000e-01 : f32
        %mul3A_1366 = vector.broadcast %mul3A_1365 : f32 to vector<16xf32>
        %mul3A_1367 = arith.mulf %mul3A_1366, %add3A_1361 : vector<16xf32>
        %select_n3A_1368 = arith.select %ge3A_1364, %add3A_1361, %mul3A_1367 : vector<16xi1>, vector<16xf32>
        %exp3A_1369 = math.exp %select_n3A_1368 : vector<16xf32>
        tpu.vector_store_idx %arg17[%add3A_309, %broadcast_in_dim3A_1353], %exp3A_1369 : memref<400x16xf32, #tpu.memory_space<vmem>>[vector<16xi32>, vector<16xi32>], vector<16xf32>,
        %broadcast_in_dim3A_1370 = arith.constant 1 : i32
        %broadcast_in_dim3A_1371 = vector.broadcast %broadcast_in_dim3A_1370 : i32 to vector<16xi32>
        %gather3A_1372 = tpu.vector_load_idx %arg14[%add3A_309, %broadcast_in_dim3A_1371] : memref<400x16xf32, #tpu.memory_space<vmem>>[vector<16xi32>, vector<16xi32>], vector<16xf32>,
        %add3A_1373 = arith.constant 4 : i32
        %add3A_1374 = vector.broadcast %add3A_1373 : i32 to vector<16xi32>
        %add3A_1375 = arith.addi %broadcast_in_dim3A_1371, %add3A_1374 : vector<16xi32>
        %gather3A_1376 = tpu.vector_load_idx %arg15[%add3A_309, %add3A_1375] : memref<400x16xf32, #tpu.memory_space<vmem>>[vector<16xi32>, vector<16xi32>], vector<16xf32>,
        %gather3A_1377 = tpu.vector_load_idx %arg13[%add3A_309, %broadcast_in_dim3A_1371] : memref<400x8xf32, #tpu.memory_space<vmem>>[vector<16xi32>, vector<16xi32>], vector<16xf32>,
        %add3A_1378 = arith.addf %gather3A_1372, %gather3A_1376 : vector<16xf32>
        %add3A_1379 = arith.addf %add3A_1378, %gather3A_1377 : vector<16xf32>
        %ge3A_1380 = arith.constant 0.000000e+00 : f32
        %ge3A_1381 = vector.broadcast %ge3A_1380 : f32 to vector<16xf32>
        %ge3A_1382 = arith.cmpf oge, %add3A_1379, %ge3A_1381 : vector<16xf32>
        %mul3A_1383 = arith.constant 2.000000e-01 : f32
        %mul3A_1384 = vector.broadcast %mul3A_1383 : f32 to vector<16xf32>
        %mul3A_1385 = arith.mulf %mul3A_1384, %add3A_1379 : vector<16xf32>
        %select_n3A_1386 = arith.select %ge3A_1382, %add3A_1379, %mul3A_1385 : vector<16xi1>, vector<16xf32>
        %exp3A_1387 = math.exp %select_n3A_1386 : vector<16xf32>
        tpu.vector_store_idx %arg17[%add3A_309, %broadcast_in_dim3A_1371], %exp3A_1387 : memref<400x16xf32, #tpu.memory_space<vmem>>[vector<16xi32>, vector<16xi32>], vector<16xf32>,
      } else {
      }
      %broadcast_in_dim3A_315 = arith.constant 2 : i32
      %broadcast_in_dim3A_316 = vector.broadcast %broadcast_in_dim3A_315 : i32 to vector<16xi32>
      %gather3A_317 = tpu.vector_load_idx %arg14[%add3A_309, %broadcast_in_dim3A_316] : memref<400x16xf32, #tpu.memory_space<vmem>>[vector<16xi32>, vector<16xi32>], vector<16xf32>,
      %add3A_318 = arith.constant 4 : i32
      %add3A_319 = vector.broadcast %add3A_318 : i32 to vector<16xi32>
      %add3A_320 = arith.addi %broadcast_in_dim3A_316, %add3A_319 : vector<16xi32>
      %gather3A_321 = tpu.vector_load_idx %arg15[%add3A_309, %add3A_320] : memref<400x16xf32, #tpu.memory_space<vmem>>[vector<16xi32>, vector<16xi32>], vector<16xf32>,
      %gather3A_322 = tpu.vector_load_idx %arg13[%add3A_309, %broadcast_in_dim3A_316] : memref<400x8xf32, #tpu.memory_space<vmem>>[vector<16xi32>, vector<16xi32>], vector<16xf32>,
      %add3A_323 = arith.addf %gather3A_317, %gather3A_321 : vector<16xf32>
      %add3A_324 = arith.addf %add3A_323, %gather3A_322 : vector<16xf32>
      %ge3A_325 = arith.constant 0.000000e+00 : f32
      %ge3A_326 = vector.broadcast %ge3A_325 : f32 to vector<16xf32>
      %ge3A_327 = arith.cmpf oge, %add3A_324, %ge3A_326 : vector<16xf32>
      %mul3A_328 = arith.constant 2.000000e-01 : f32
      %mul3A_329 = vector.broadcast %mul3A_328 : f32 to vector<16xf32>
      %mul3A_330 = arith.mulf %mul3A_329, %add3A_324 : vector<16xf32>
      %select_n3A_331 = arith.select %ge3A_327, %add3A_324, %mul3A_330 : vector<16xi1>, vector<16xf32>
      %exp3A_332 = math.exp %select_n3A_331 : vector<16xf32>
      tpu.vector_store_idx %arg17[%add3A_309, %broadcast_in_dim3A_316], %exp3A_332 : memref<400x16xf32, #tpu.memory_space<vmem>>[vector<16xi32>, vector<16xi32>], vector<16xf32>,
      %broadcast_in_dim3A_333 = arith.constant 3 : i32
      %broadcast_in_dim3A_334 = vector.broadcast %broadcast_in_dim3A_333 : i32 to vector<16xi32>
      %gather3A_335 = tpu.vector_load_idx %arg14[%add3A_309, %broadcast_in_dim3A_334] : memref<400x16xf32, #tpu.memory_space<vmem>>[vector<16xi32>, vector<16xi32>], vector<16xf32>,
      %add3A_336 = arith.constant 4 : i32
      %add3A_337 = vector.broadcast %add3A_336 : i32 to vector<16xi32>
      %add3A_338 = arith.addi %broadcast_in_dim3A_334, %add3A_337 : vector<16xi32>
      %gather3A_339 = tpu.vector_load_idx %arg15[%add3A_309, %add3A_338] : memref<400x16xf32, #tpu.memory_space<vmem>>[vector<16xi32>, vector<16xi32>], vector<16xf32>,
      %gather3A_340 = tpu.vector_load_idx %arg13[%add3A_309, %broadcast_in_dim3A_334] : memref<400x8xf32, #tpu.memory_space<vmem>>[vector<16xi32>, vector<16xi32>], vector<16xf32>,
      %add3A_341 = arith.addf %gather3A_335, %gather3A_339 : vector<16xf32>
      %add3A_342 = arith.addf %add3A_341, %gather3A_340 : vector<16xf32>
      %ge3A_343 = arith.constant 0.000000e+00 : f32
      %ge3A_344 = vector.broadcast %ge3A_343 : f32 to vector<16xf32>
      %ge3A_345 = arith.cmpf oge, %add3A_342, %ge3A_344 : vector<16xf32>
      %mul3A_346 = arith.constant 2.000000e-01 : f32
      %mul3A_347 = vector.broadcast %mul3A_346 : f32 to vector<16xf32>
      %mul3A_348 = arith.mulf %mul3A_347, %add3A_342 : vector<16xf32>
      %select_n3A_349 = arith.select %ge3A_345, %add3A_342, %mul3A_348 : vector<16xi1>, vector<16xf32>
      %exp3A_350 = math.exp %select_n3A_349 : vector<16xf32>
      tpu.vector_store_idx %arg17[%add3A_309, %broadcast_in_dim3A_334], %exp3A_350 : memref<400x16xf32, #tpu.memory_space<vmem>>[vector<16xi32>, vector<16xi32>], vector<16xf32>,
      %add3A_351 = arith.constant 48 : i32
      %add3A_352 = vector.broadcast %add3A_351 : i32 to vector<16xi32>
      %add3A_353 = arith.addi %iota3A, %add3A_352 : vector<16xi32>
      %eq3A_354 = arith.constant 0 : i32
      %eq3A_355 = arith.cmpi eq, %arg0, %eq3A_354 : i32
      %convert_element_type3A_356 = arith.extui %eq3A_355 : i1 to i32
      %cond3A_357 = arith.constant 0 : i32
      %cond3A_358 = arith.cmpi ne, %convert_element_type3A_356, %cond3A_357 : i32
      scf.if %cond3A_358 {
        %broadcast_in_dim3A_1352 = arith.constant 0 : i32
        %broadcast_in_dim3A_1353 = vector.broadcast %broadcast_in_dim3A_1352 : i32 to vector<16xi32>
        %gather3A_1354 = tpu.vector_load_idx %arg14[%add3A_353, %broadcast_in_dim3A_1353] : memref<400x16xf32, #tpu.memory_space<vmem>>[vector<16xi32>, vector<16xi32>], vector<16xf32>,
        %add3A_1355 = arith.constant 4 : i32
        %add3A_1356 = vector.broadcast %add3A_1355 : i32 to vector<16xi32>
        %add3A_1357 = arith.addi %broadcast_in_dim3A_1353, %add3A_1356 : vector<16xi32>
        %gather3A_1358 = tpu.vector_load_idx %arg15[%add3A_353, %add3A_1357] : memref<400x16xf32, #tpu.memory_space<vmem>>[vector<16xi32>, vector<16xi32>], vector<16xf32>,
        %gather3A_1359 = tpu.vector_load_idx %arg13[%add3A_353, %broadcast_in_dim3A_1353] : memref<400x8xf32, #tpu.memory_space<vmem>>[vector<16xi32>, vector<16xi32>], vector<16xf32>,
        %add3A_1360 = arith.addf %gather3A_1354, %gather3A_1358 : vector<16xf32>
        %add3A_1361 = arith.addf %add3A_1360, %gather3A_1359 : vector<16xf32>
        %ge3A_1362 = arith.constant 0.000000e+00 : f32
        %ge3A_1363 = vector.broadcast %ge3A_1362 : f32 to vector<16xf32>
        %ge3A_1364 = arith.cmpf oge, %add3A_1361, %ge3A_1363 : vector<16xf32>
        %mul3A_1365 = arith.constant 2.000000e-01 : f32
        %mul3A_1366 = vector.broadcast %mul3A_1365 : f32 to vector<16xf32>
        %mul3A_1367 = arith.mulf %mul3A_1366, %add3A_1361 : vector<16xf32>
        %select_n3A_1368 = arith.select %ge3A_1364, %add3A_1361, %mul3A_1367 : vector<16xi1>, vector<16xf32>
        %exp3A_1369 = math.exp %select_n3A_1368 : vector<16xf32>
        tpu.vector_store_idx %arg17[%add3A_353, %broadcast_in_dim3A_1353], %exp3A_1369 : memref<400x16xf32, #tpu.memory_space<vmem>>[vector<16xi32>, vector<16xi32>], vector<16xf32>,
        %broadcast_in_dim3A_1370 = arith.constant 1 : i32
        %broadcast_in_dim3A_1371 = vector.broadcast %broadcast_in_dim3A_1370 : i32 to vector<16xi32>
        %gather3A_1372 = tpu.vector_load_idx %arg14[%add3A_353, %broadcast_in_dim3A_1371] : memref<400x16xf32, #tpu.memory_space<vmem>>[vector<16xi32>, vector<16xi32>], vector<16xf32>,
        %add3A_1373 = arith.constant 4 : i32
        %add3A_1374 = vector.broadcast %add3A_1373 : i32 to vector<16xi32>
        %add3A_1375 = arith.addi %broadcast_in_dim3A_1371, %add3A_1374 : vector<16xi32>
        %gather3A_1376 = tpu.vector_load_idx %arg15[%add3A_353, %add3A_1375] : memref<400x16xf32, #tpu.memory_space<vmem>>[vector<16xi32>, vector<16xi32>], vector<16xf32>,
        %gather3A_1377 = tpu.vector_load_idx %arg13[%add3A_353, %broadcast_in_dim3A_1371] : memref<400x8xf32, #tpu.memory_space<vmem>>[vector<16xi32>, vector<16xi32>], vector<16xf32>,
        %add3A_1378 = arith.addf %gather3A_1372, %gather3A_1376 : vector<16xf32>
        %add3A_1379 = arith.addf %add3A_1378, %gather3A_1377 : vector<16xf32>
        %ge3A_1380 = arith.constant 0.000000e+00 : f32
        %ge3A_1381 = vector.broadcast %ge3A_1380 : f32 to vector<16xf32>
        %ge3A_1382 = arith.cmpf oge, %add3A_1379, %ge3A_1381 : vector<16xf32>
        %mul3A_1383 = arith.constant 2.000000e-01 : f32
        %mul3A_1384 = vector.broadcast %mul3A_1383 : f32 to vector<16xf32>
        %mul3A_1385 = arith.mulf %mul3A_1384, %add3A_1379 : vector<16xf32>
        %select_n3A_1386 = arith.select %ge3A_1382, %add3A_1379, %mul3A_1385 : vector<16xi1>, vector<16xf32>
        %exp3A_1387 = math.exp %select_n3A_1386 : vector<16xf32>
        tpu.vector_store_idx %arg17[%add3A_353, %broadcast_in_dim3A_1371], %exp3A_1387 : memref<400x16xf32, #tpu.memory_space<vmem>>[vector<16xi32>, vector<16xi32>], vector<16xf32>,
      } else {
      }
      %broadcast_in_dim3A_359 = arith.constant 2 : i32
      %broadcast_in_dim3A_360 = vector.broadcast %broadcast_in_dim3A_359 : i32 to vector<16xi32>
      %gather3A_361 = tpu.vector_load_idx %arg14[%add3A_353, %broadcast_in_dim3A_360] : memref<400x16xf32, #tpu.memory_space<vmem>>[vector<16xi32>, vector<16xi32>], vector<16xf32>,
      %add3A_362 = arith.constant 4 : i32
      %add3A_363 = vector.broadcast %add3A_362 : i32 to vector<16xi32>
      %add3A_364 = arith.addi %broadcast_in_dim3A_360, %add3A_363 : vector<16xi32>
      %gather3A_365 = tpu.vector_load_idx %arg15[%add3A_353, %add3A_364] : memref<400x16xf32, #tpu.memory_space<vmem>>[vector<16xi32>, vector<16xi32>], vector<16xf32>,
      %gather3A_366 = tpu.vector_load_idx %arg13[%add3A_353, %broadcast_in_dim3A_360] : memref<400x8xf32, #tpu.memory_space<vmem>>[vector<16xi32>, vector<16xi32>], vector<16xf32>,
      %add3A_367 = arith.addf %gather3A_361, %gather3A_365 : vector<16xf32>
      %add3A_368 = arith.addf %add3A_367, %gather3A_366 : vector<16xf32>
      %ge3A_369 = arith.constant 0.000000e+00 : f32
      %ge3A_370 = vector.broadcast %ge3A_369 : f32 to vector<16xf32>
      %ge3A_371 = arith.cmpf oge, %add3A_368, %ge3A_370 : vector<16xf32>
      %mul3A_372 = arith.constant 2.000000e-01 : f32
      %mul3A_373 = vector.broadcast %mul3A_372 : f32 to vector<16xf32>
      %mul3A_374 = arith.mulf %mul3A_373, %add3A_368 : vector<16xf32>
      %select_n3A_375 = arith.select %ge3A_371, %add3A_368, %mul3A_374 : vector<16xi1>, vector<16xf32>
      %exp3A_376 = math.exp %select_n3A_375 : vector<16xf32>
      tpu.vector_store_idx %arg17[%add3A_353, %broadcast_in_dim3A_360], %exp3A_376 : memref<400x16xf32, #tpu.memory_space<vmem>>[vector<16xi32>, vector<16xi32>], vector<16xf32>,
      %broadcast_in_dim3A_377 = arith.constant 3 : i32
      %broadcast_in_dim3A_378 = vector.broadcast %broadcast_in_dim3A_377 : i32 to vector<16xi32>
      %gather3A_379 = tpu.vector_load_idx %arg14[%add3A_353, %broadcast_in_dim3A_378] : memref<400x16xf32, #tpu.memory_space<vmem>>[vector<16xi32>, vector<16xi32>], vector<16xf32>,
      %add3A_380 = arith.constant 4 : i32
      %add3A_381 = vector.broadcast %add3A_380 : i32 to vector<16xi32>
      %add3A_382 = arith.addi %broadcast_in_dim3A_378, %add3A_381 : vector<16xi32>
      %gather3A_383 = tpu.vector_load_idx %arg15[%add3A_353, %add3A_382] : memref<400x16xf32, #tpu.memory_space<vmem>>[vector<16xi32>, vector<16xi32>], vector<16xf32>,
      %gather3A_384 = tpu.vector_load_idx %arg13[%add3A_353, %broadcast_in_dim3A_378] : memref<400x8xf32, #tpu.memory_space<vmem>>[vector<16xi32>, vector<16xi32>], vector<16xf32>,
      %add3A_385 = arith.addf %gather3A_379, %gather3A_383 : vector<16xf32>
      %add3A_386 = arith.addf %add3A_385, %gather3A_384 : vector<16xf32>
      %ge3A_387 = arith.constant 0.000000e+00 : f32
      %ge3A_388 = vector.broadcast %ge3A_387 : f32 to vector<16xf32>
      %ge3A_389 = arith.cmpf oge, %add3A_386, %ge3A_388 : vector<16xf32>
      %mul3A_390 = arith.constant 2.000000e-01 : f32
      %mul3A_391 = vector.broadcast %mul3A_390 : f32 to vector<16xf32>
      %mul3A_392 = arith.mulf %mul3A_391, %add3A_386 : vector<16xf32>
      %select_n3A_393 = arith.select %ge3A_389, %add3A_386, %mul3A_392 : vector<16xi1>, vector<16xf32>
      %exp3A_394 = math.exp %select_n3A_393 : vector<16xf32>
      tpu.vector_store_idx %arg17[%add3A_353, %broadcast_in_dim3A_378], %exp3A_394 : memref<400x16xf32, #tpu.memory_space<vmem>>[vector<16xi32>, vector<16xi32>], vector<16xf32>,
      %add3A_395 = arith.constant 64 : i32
      %add3A_396 = vector.broadcast %add3A_395 : i32 to vector<16xi32>
      %add3A_397 = arith.addi %iota3A, %add3A_396 : vector<16xi32>
      %eq3A_398 = arith.constant 0 : i32
      %eq3A_399 = arith.cmpi eq, %arg0, %eq3A_398 : i32
      %convert_element_type3A_400 = arith.extui %eq3A_399 : i1 to i32
      %cond3A_401 = arith.constant 0 : i32
      %cond3A_402 = arith.cmpi ne, %convert_element_type3A_400, %cond3A_401 : i32
      scf.if %cond3A_402 {
        %broadcast_in_dim3A_1352 = arith.constant 0 : i32
        %broadcast_in_dim3A_1353 = vector.broadcast %broadcast_in_dim3A_1352 : i32 to vector<16xi32>
        %gather3A_1354 = tpu.vector_load_idx %arg14[%add3A_397, %broadcast_in_dim3A_1353] : memref<400x16xf32, #tpu.memory_space<vmem>>[vector<16xi32>, vector<16xi32>], vector<16xf32>,
        %add3A_1355 = arith.constant 4 : i32
        %add3A_1356 = vector.broadcast %add3A_1355 : i32 to vector<16xi32>
        %add3A_1357 = arith.addi %broadcast_in_dim3A_1353, %add3A_1356 : vector<16xi32>
        %gather3A_1358 = tpu.vector_load_idx %arg15[%add3A_397, %add3A_1357] : memref<400x16xf32, #tpu.memory_space<vmem>>[vector<16xi32>, vector<16xi32>], vector<16xf32>,
        %gather3A_1359 = tpu.vector_load_idx %arg13[%add3A_397, %broadcast_in_dim3A_1353] : memref<400x8xf32, #tpu.memory_space<vmem>>[vector<16xi32>, vector<16xi32>], vector<16xf32>,
        %add3A_1360 = arith.addf %gather3A_1354, %gather3A_1358 : vector<16xf32>
        %add3A_1361 = arith.addf %add3A_1360, %gather3A_1359 : vector<16xf32>
        %ge3A_1362 = arith.constant 0.000000e+00 : f32
        %ge3A_1363 = vector.broadcast %ge3A_1362 : f32 to vector<16xf32>
        %ge3A_1364 = arith.cmpf oge, %add3A_1361, %ge3A_1363 : vector<16xf32>
        %mul3A_1365 = arith.constant 2.000000e-01 : f32
        %mul3A_1366 = vector.broadcast %mul3A_1365 : f32 to vector<16xf32>
        %mul3A_1367 = arith.mulf %mul3A_1366, %add3A_1361 : vector<16xf32>
        %select_n3A_1368 = arith.select %ge3A_1364, %add3A_1361, %mul3A_1367 : vector<16xi1>, vector<16xf32>
        %exp3A_1369 = math.exp %select_n3A_1368 : vector<16xf32>
        tpu.vector_store_idx %arg17[%add3A_397, %broadcast_in_dim3A_1353], %exp3A_1369 : memref<400x16xf32, #tpu.memory_space<vmem>>[vector<16xi32>, vector<16xi32>], vector<16xf32>,
        %broadcast_in_dim3A_1370 = arith.constant 1 : i32
        %broadcast_in_dim3A_1371 = vector.broadcast %broadcast_in_dim3A_1370 : i32 to vector<16xi32>
        %gather3A_1372 = tpu.vector_load_idx %arg14[%add3A_397, %broadcast_in_dim3A_1371] : memref<400x16xf32, #tpu.memory_space<vmem>>[vector<16xi32>, vector<16xi32>], vector<16xf32>,
        %add3A_1373 = arith.constant 4 : i32
        %add3A_1374 = vector.broadcast %add3A_1373 : i32 to vector<16xi32>
        %add3A_1375 = arith.addi %broadcast_in_dim3A_1371, %add3A_1374 : vector<16xi32>
        %gather3A_1376 = tpu.vector_load_idx %arg15[%add3A_397, %add3A_1375] : memref<400x16xf32, #tpu.memory_space<vmem>>[vector<16xi32>, vector<16xi32>], vector<16xf32>,
        %gather3A_1377 = tpu.vector_load_idx %arg13[%add3A_397, %broadcast_in_dim3A_1371] : memref<400x8xf32, #tpu.memory_space<vmem>>[vector<16xi32>, vector<16xi32>], vector<16xf32>,
        %add3A_1378 = arith.addf %gather3A_1372, %gather3A_1376 : vector<16xf32>
        %add3A_1379 = arith.addf %add3A_1378, %gather3A_1377 : vector<16xf32>
        %ge3A_1380 = arith.constant 0.000000e+00 : f32
        %ge3A_1381 = vector.broadcast %ge3A_1380 : f32 to vector<16xf32>
        %ge3A_1382 = arith.cmpf oge, %add3A_1379, %ge3A_1381 : vector<16xf32>
        %mul3A_1383 = arith.constant 2.000000e-01 : f32
        %mul3A_1384 = vector.broadcast %mul3A_1383 : f32 to vector<16xf32>
        %mul3A_1385 = arith.mulf %mul3A_1384, %add3A_1379 : vector<16xf32>
        %select_n3A_1386 = arith.select %ge3A_1382, %add3A_1379, %mul3A_1385 : vector<16xi1>, vector<16xf32>
        %exp3A_1387 = math.exp %select_n3A_1386 : vector<16xf32>
        tpu.vector_store_idx %arg17[%add3A_397, %broadcast_in_dim3A_1371], %exp3A_1387 : memref<400x16xf32, #tpu.memory_space<vmem>>[vector<16xi32>, vector<16xi32>], vector<16xf32>,
      } else {
      }
      %broadcast_in_dim3A_403 = arith.constant 2 : i32
      %broadcast_in_dim3A_404 = vector.broadcast %broadcast_in_dim3A_403 : i32 to vector<16xi32>
      %gather3A_405 = tpu.vector_load_idx %arg14[%add3A_397, %broadcast_in_dim3A_404] : memref<400x16xf32, #tpu.memory_space<vmem>>[vector<16xi32>, vector<16xi32>], vector<16xf32>,
      %add3A_406 = arith.constant 4 : i32
      %add3A_407 = vector.broadcast %add3A_406 : i32 to vector<16xi32>
      %add3A_408 = arith.addi %broadcast_in_dim3A_404, %add3A_407 : vector<16xi32>
      %gather3A_409 = tpu.vector_load_idx %arg15[%add3A_397, %add3A_408] : memref<400x16xf32, #tpu.memory_space<vmem>>[vector<16xi32>, vector<16xi32>], vector<16xf32>,
      %gather3A_410 = tpu.vector_load_idx %arg13[%add3A_397, %broadcast_in_dim3A_404] : memref<400x8xf32, #tpu.memory_space<vmem>>[vector<16xi32>, vector<16xi32>], vector<16xf32>,
      %add3A_411 = arith.addf %gather3A_405, %gather3A_409 : vector<16xf32>
      %add3A_412 = arith.addf %add3A_411, %gather3A_410 : vector<16xf32>
      %ge3A_413 = arith.constant 0.000000e+00 : f32
      %ge3A_414 = vector.broadcast %ge3A_413 : f32 to vector<16xf32>
      %ge3A_415 = arith.cmpf oge, %add3A_412, %ge3A_414 : vector<16xf32>
      %mul3A_416 = arith.constant 2.000000e-01 : f32
      %mul3A_417 = vector.broadcast %mul3A_416 : f32 to vector<16xf32>
      %mul3A_418 = arith.mulf %mul3A_417, %add3A_412 : vector<16xf32>
      %select_n3A_419 = arith.select %ge3A_415, %add3A_412, %mul3A_418 : vector<16xi1>, vector<16xf32>
      %exp3A_420 = math.exp %select_n3A_419 : vector<16xf32>
      tpu.vector_store_idx %arg17[%add3A_397, %broadcast_in_dim3A_404], %exp3A_420 : memref<400x16xf32, #tpu.memory_space<vmem>>[vector<16xi32>, vector<16xi32>], vector<16xf32>,
      %broadcast_in_dim3A_421 = arith.constant 3 : i32
      %broadcast_in_dim3A_422 = vector.broadcast %broadcast_in_dim3A_421 : i32 to vector<16xi32>
      %gather3A_423 = tpu.vector_load_idx %arg14[%add3A_397, %broadcast_in_dim3A_422] : memref<400x16xf32, #tpu.memory_space<vmem>>[vector<16xi32>, vector<16xi32>], vector<16xf32>,
      %add3A_424 = arith.constant 4 : i32
      %add3A_425 = vector.broadcast %add3A_424 : i32 to vector<16xi32>
      %add3A_426 = arith.addi %broadcast_in_dim3A_422, %add3A_425 : vector<16xi32>
      %gather3A_427 = tpu.vector_load_idx %arg15[%add3A_397, %add3A_426] : memref<400x16xf32, #tpu.memory_space<vmem>>[vector<16xi32>, vector<16xi32>], vector<16xf32>,
      %gather3A_428 = tpu.vector_load_idx %arg13[%add3A_397, %broadcast_in_dim3A_422] : memref<400x8xf32, #tpu.memory_space<vmem>>[vector<16xi32>, vector<16xi32>], vector<16xf32>,
      %add3A_429 = arith.addf %gather3A_423, %gather3A_427 : vector<16xf32>
      %add3A_430 = arith.addf %add3A_429, %gather3A_428 : vector<16xf32>
      %ge3A_431 = arith.constant 0.000000e+00 : f32
      %ge3A_432 = vector.broadcast %ge3A_431 : f32 to vector<16xf32>
      %ge3A_433 = arith.cmpf oge, %add3A_430, %ge3A_432 : vector<16xf32>
      %mul3A_434 = arith.constant 2.000000e-01 : f32
      %mul3A_435 = vector.broadcast %mul3A_434 : f32 to vector<16xf32>
      %mul3A_436 = arith.mulf %mul3A_435, %add3A_430 : vector<16xf32>
      %select_n3A_437 = arith.select %ge3A_433, %add3A_430, %mul3A_436 : vector<16xi1>, vector<16xf32>
      %exp3A_438 = math.exp %select_n3A_437 : vector<16xf32>
      tpu.vector_store_idx %arg17[%add3A_397, %broadcast_in_dim3A_422], %exp3A_438 : memref<400x16xf32, #tpu.memory_space<vmem>>[vector<16xi32>, vector<16xi32>], vector<16xf32>,
      %add3A_439 = arith.constant 80 : i32
      %add3A_440 = vector.broadcast %add3A_439 : i32 to vector<16xi32>
      %add3A_441 = arith.addi %iota3A, %add3A_440 : vector<16xi32>
      %eq3A_442 = arith.constant 0 : i32
      %eq3A_443 = arith.cmpi eq, %arg0, %eq3A_442 : i32
      %convert_element_type3A_444 = arith.extui %eq3A_443 : i1 to i32
      %cond3A_445 = arith.constant 0 : i32
      %cond3A_446 = arith.cmpi ne, %convert_element_type3A_444, %cond3A_445 : i32
      scf.if %cond3A_446 {
        %broadcast_in_dim3A_1352 = arith.constant 0 : i32
        %broadcast_in_dim3A_1353 = vector.broadcast %broadcast_in_dim3A_1352 : i32 to vector<16xi32>
        %gather3A_1354 = tpu.vector_load_idx %arg14[%add3A_441, %broadcast_in_dim3A_1353] : memref<400x16xf32, #tpu.memory_space<vmem>>[vector<16xi32>, vector<16xi32>], vector<16xf32>,
        %add3A_1355 = arith.constant 4 : i32
        %add3A_1356 = vector.broadcast %add3A_1355 : i32 to vector<16xi32>
        %add3A_1357 = arith.addi %broadcast_in_dim3A_1353, %add3A_1356 : vector<16xi32>
        %gather3A_1358 = tpu.vector_load_idx %arg15[%add3A_441, %add3A_1357] : memref<400x16xf32, #tpu.memory_space<vmem>>[vector<16xi32>, vector<16xi32>], vector<16xf32>,
        %gather3A_1359 = tpu.vector_load_idx %arg13[%add3A_441, %broadcast_in_dim3A_1353] : memref<400x8xf32, #tpu.memory_space<vmem>>[vector<16xi32>, vector<16xi32>], vector<16xf32>,
        %add3A_1360 = arith.addf %gather3A_1354, %gather3A_1358 : vector<16xf32>
        %add3A_1361 = arith.addf %add3A_1360, %gather3A_1359 : vector<16xf32>
        %ge3A_1362 = arith.constant 0.000000e+00 : f32
        %ge3A_1363 = vector.broadcast %ge3A_1362 : f32 to vector<16xf32>
        %ge3A_1364 = arith.cmpf oge, %add3A_1361, %ge3A_1363 : vector<16xf32>
        %mul3A_1365 = arith.constant 2.000000e-01 : f32
        %mul3A_1366 = vector.broadcast %mul3A_1365 : f32 to vector<16xf32>
        %mul3A_1367 = arith.mulf %mul3A_1366, %add3A_1361 : vector<16xf32>
        %select_n3A_1368 = arith.select %ge3A_1364, %add3A_1361, %mul3A_1367 : vector<16xi1>, vector<16xf32>
        %exp3A_1369 = math.exp %select_n3A_1368 : vector<16xf32>
        tpu.vector_store_idx %arg17[%add3A_441, %broadcast_in_dim3A_1353], %exp3A_1369 : memref<400x16xf32, #tpu.memory_space<vmem>>[vector<16xi32>, vector<16xi32>], vector<16xf32>,
        %broadcast_in_dim3A_1370 = arith.constant 1 : i32
        %broadcast_in_dim3A_1371 = vector.broadcast %broadcast_in_dim3A_1370 : i32 to vector<16xi32>
        %gather3A_1372 = tpu.vector_load_idx %arg14[%add3A_441, %broadcast_in_dim3A_1371] : memref<400x16xf32, #tpu.memory_space<vmem>>[vector<16xi32>, vector<16xi32>], vector<16xf32>,
        %add3A_1373 = arith.constant 4 : i32
        %add3A_1374 = vector.broadcast %add3A_1373 : i32 to vector<16xi32>
        %add3A_1375 = arith.addi %broadcast_in_dim3A_1371, %add3A_1374 : vector<16xi32>
        %gather3A_1376 = tpu.vector_load_idx %arg15[%add3A_441, %add3A_1375] : memref<400x16xf32, #tpu.memory_space<vmem>>[vector<16xi32>, vector<16xi32>], vector<16xf32>,
        %gather3A_1377 = tpu.vector_load_idx %arg13[%add3A_441, %broadcast_in_dim3A_1371] : memref<400x8xf32, #tpu.memory_space<vmem>>[vector<16xi32>, vector<16xi32>], vector<16xf32>,
        %add3A_1378 = arith.addf %gather3A_1372, %gather3A_1376 : vector<16xf32>
        %add3A_1379 = arith.addf %add3A_1378, %gather3A_1377 : vector<16xf32>
        %ge3A_1380 = arith.constant 0.000000e+00 : f32
        %ge3A_1381 = vector.broadcast %ge3A_1380 : f32 to vector<16xf32>
        %ge3A_1382 = arith.cmpf oge, %add3A_1379, %ge3A_1381 : vector<16xf32>
        %mul3A_1383 = arith.constant 2.000000e-01 : f32
        %mul3A_1384 = vector.broadcast %mul3A_1383 : f32 to vector<16xf32>
        %mul3A_1385 = arith.mulf %mul3A_1384, %add3A_1379 : vector<16xf32>
        %select_n3A_1386 = arith.select %ge3A_1382, %add3A_1379, %mul3A_1385 : vector<16xi1>, vector<16xf32>
        %exp3A_1387 = math.exp %select_n3A_1386 : vector<16xf32>
        tpu.vector_store_idx %arg17[%add3A_441, %broadcast_in_dim3A_1371], %exp3A_1387 : memref<400x16xf32, #tpu.memory_space<vmem>>[vector<16xi32>, vector<16xi32>], vector<16xf32>,
      } else {
      }
      %broadcast_in_dim3A_447 = arith.constant 2 : i32
      %broadcast_in_dim3A_448 = vector.broadcast %broadcast_in_dim3A_447 : i32 to vector<16xi32>
      %gather3A_449 = tpu.vector_load_idx %arg14[%add3A_441, %broadcast_in_dim3A_448] : memref<400x16xf32, #tpu.memory_space<vmem>>[vector<16xi32>, vector<16xi32>], vector<16xf32>,
      %add3A_450 = arith.constant 4 : i32
      %add3A_451 = vector.broadcast %add3A_450 : i32 to vector<16xi32>
      %add3A_452 = arith.addi %broadcast_in_dim3A_448, %add3A_451 : vector<16xi32>
      %gather3A_453 = tpu.vector_load_idx %arg15[%add3A_441, %add3A_452] : memref<400x16xf32, #tpu.memory_space<vmem>>[vector<16xi32>, vector<16xi32>], vector<16xf32>,
      %gather3A_454 = tpu.vector_load_idx %arg13[%add3A_441, %broadcast_in_dim3A_448] : memref<400x8xf32, #tpu.memory_space<vmem>>[vector<16xi32>, vector<16xi32>], vector<16xf32>,
      %add3A_455 = arith.addf %gather3A_449, %gather3A_453 : vector<16xf32>
      %add3A_456 = arith.addf %add3A_455, %gather3A_454 : vector<16xf32>
      %ge3A_457 = arith.constant 0.000000e+00 : f32
      %ge3A_458 = vector.broadcast %ge3A_457 : f32 to vector<16xf32>
      %ge3A_459 = arith.cmpf oge, %add3A_456, %ge3A_458 : vector<16xf32>
      %mul3A_460 = arith.constant 2.000000e-01 : f32
      %mul3A_461 = vector.broadcast %mul3A_460 : f32 to vector<16xf32>
      %mul3A_462 = arith.mulf %mul3A_461, %add3A_456 : vector<16xf32>
      %select_n3A_463 = arith.select %ge3A_459, %add3A_456, %mul3A_462 : vector<16xi1>, vector<16xf32>
      %exp3A_464 = math.exp %select_n3A_463 : vector<16xf32>
      tpu.vector_store_idx %arg17[%add3A_441, %broadcast_in_dim3A_448], %exp3A_464 : memref<400x16xf32, #tpu.memory_space<vmem>>[vector<16xi32>, vector<16xi32>], vector<16xf32>,
      %broadcast_in_dim3A_465 = arith.constant 3 : i32
      %broadcast_in_dim3A_466 = vector.broadcast %broadcast_in_dim3A_465 : i32 to vector<16xi32>
      %gather3A_467 = tpu.vector_load_idx %arg14[%add3A_441, %broadcast_in_dim3A_466] : memref<400x16xf32, #tpu.memory_space<vmem>>[vector<16xi32>, vector<16xi32>], vector<16xf32>,
      %add3A_468 = arith.constant 4 : i32
      %add3A_469 = vector.broadcast %add3A_468 : i32 to vector<16xi32>
      %add3A_470 = arith.addi %broadcast_in_dim3A_466, %add3A_469 : vector<16xi32>
      %gather3A_471 = tpu.vector_load_idx %arg15[%add3A_441, %add3A_470] : memref<400x16xf32, #tpu.memory_space<vmem>>[vector<16xi32>, vector<16xi32>], vector<16xf32>,
      %gather3A_472 = tpu.vector_load_idx %arg13[%add3A_441, %broadcast_in_dim3A_466] : memref<400x8xf32, #tpu.memory_space<vmem>>[vector<16xi32>, vector<16xi32>], vector<16xf32>,
      %add3A_473 = arith.addf %gather3A_467, %gather3A_471 : vector<16xf32>
      %add3A_474 = arith.addf %add3A_473, %gather3A_472 : vector<16xf32>
      %ge3A_475 = arith.constant 0.000000e+00 : f32
      %ge3A_476 = vector.broadcast %ge3A_475 : f32 to vector<16xf32>
      %ge3A_477 = arith.cmpf oge, %add3A_474, %ge3A_476 : vector<16xf32>
      %mul3A_478 = arith.constant 2.000000e-01 : f32
      %mul3A_479 = vector.broadcast %mul3A_478 : f32 to vector<16xf32>
      %mul3A_480 = arith.mulf %mul3A_479, %add3A_474 : vector<16xf32>
      %select_n3A_481 = arith.select %ge3A_477, %add3A_474, %mul3A_480 : vector<16xi1>, vector<16xf32>
      %exp3A_482 = math.exp %select_n3A_481 : vector<16xf32>
      tpu.vector_store_idx %arg17[%add3A_441, %broadcast_in_dim3A_466], %exp3A_482 : memref<400x16xf32, #tpu.memory_space<vmem>>[vector<16xi32>, vector<16xi32>], vector<16xf32>,
      %add3A_483 = arith.constant 96 : i32
      %add3A_484 = vector.broadcast %add3A_483 : i32 to vector<16xi32>
      %add3A_485 = arith.addi %iota3A, %add3A_484 : vector<16xi32>
      %eq3A_486 = arith.constant 0 : i32
      %eq3A_487 = arith.cmpi eq, %arg0, %eq3A_486 : i32
      %convert_element_type3A_488 = arith.extui %eq3A_487 : i1 to i32
      %cond3A_489 = arith.constant 0 : i32
      %cond3A_490 = arith.cmpi ne, %convert_element_type3A_488, %cond3A_489 : i32
      scf.if %cond3A_490 {
        %broadcast_in_dim3A_1352 = arith.constant 0 : i32
        %broadcast_in_dim3A_1353 = vector.broadcast %broadcast_in_dim3A_1352 : i32 to vector<16xi32>
        %gather3A_1354 = tpu.vector_load_idx %arg14[%add3A_485, %broadcast_in_dim3A_1353] : memref<400x16xf32, #tpu.memory_space<vmem>>[vector<16xi32>, vector<16xi32>], vector<16xf32>,
        %add3A_1355 = arith.constant 4 : i32
        %add3A_1356 = vector.broadcast %add3A_1355 : i32 to vector<16xi32>
        %add3A_1357 = arith.addi %broadcast_in_dim3A_1353, %add3A_1356 : vector<16xi32>
        %gather3A_1358 = tpu.vector_load_idx %arg15[%add3A_485, %add3A_1357] : memref<400x16xf32, #tpu.memory_space<vmem>>[vector<16xi32>, vector<16xi32>], vector<16xf32>,
        %gather3A_1359 = tpu.vector_load_idx %arg13[%add3A_485, %broadcast_in_dim3A_1353] : memref<400x8xf32, #tpu.memory_space<vmem>>[vector<16xi32>, vector<16xi32>], vector<16xf32>,
        %add3A_1360 = arith.addf %gather3A_1354, %gather3A_1358 : vector<16xf32>
        %add3A_1361 = arith.addf %add3A_1360, %gather3A_1359 : vector<16xf32>
        %ge3A_1362 = arith.constant 0.000000e+00 : f32
        %ge3A_1363 = vector.broadcast %ge3A_1362 : f32 to vector<16xf32>
        %ge3A_1364 = arith.cmpf oge, %add3A_1361, %ge3A_1363 : vector<16xf32>
        %mul3A_1365 = arith.constant 2.000000e-01 : f32
        %mul3A_1366 = vector.broadcast %mul3A_1365 : f32 to vector<16xf32>
        %mul3A_1367 = arith.mulf %mul3A_1366, %add3A_1361 : vector<16xf32>
        %select_n3A_1368 = arith.select %ge3A_1364, %add3A_1361, %mul3A_1367 : vector<16xi1>, vector<16xf32>
        %exp3A_1369 = math.exp %select_n3A_1368 : vector<16xf32>
        tpu.vector_store_idx %arg17[%add3A_485, %broadcast_in_dim3A_1353], %exp3A_1369 : memref<400x16xf32, #tpu.memory_space<vmem>>[vector<16xi32>, vector<16xi32>], vector<16xf32>,
        %broadcast_in_dim3A_1370 = arith.constant 1 : i32
        %broadcast_in_dim3A_1371 = vector.broadcast %broadcast_in_dim3A_1370 : i32 to vector<16xi32>
        %gather3A_1372 = tpu.vector_load_idx %arg14[%add3A_485, %broadcast_in_dim3A_1371] : memref<400x16xf32, #tpu.memory_space<vmem>>[vector<16xi32>, vector<16xi32>], vector<16xf32>,
        %add3A_1373 = arith.constant 4 : i32
        %add3A_1374 = vector.broadcast %add3A_1373 : i32 to vector<16xi32>
        %add3A_1375 = arith.addi %broadcast_in_dim3A_1371, %add3A_1374 : vector<16xi32>
        %gather3A_1376 = tpu.vector_load_idx %arg15[%add3A_485, %add3A_1375] : memref<400x16xf32, #tpu.memory_space<vmem>>[vector<16xi32>, vector<16xi32>], vector<16xf32>,
        %gather3A_1377 = tpu.vector_load_idx %arg13[%add3A_485, %broadcast_in_dim3A_1371] : memref<400x8xf32, #tpu.memory_space<vmem>>[vector<16xi32>, vector<16xi32>], vector<16xf32>,
        %add3A_1378 = arith.addf %gather3A_1372, %gather3A_1376 : vector<16xf32>
        %add3A_1379 = arith.addf %add3A_1378, %gather3A_1377 : vector<16xf32>
        %ge3A_1380 = arith.constant 0.000000e+00 : f32
        %ge3A_1381 = vector.broadcast %ge3A_1380 : f32 to vector<16xf32>
        %ge3A_1382 = arith.cmpf oge, %add3A_1379, %ge3A_1381 : vector<16xf32>
        %mul3A_1383 = arith.constant 2.000000e-01 : f32
        %mul3A_1384 = vector.broadcast %mul3A_1383 : f32 to vector<16xf32>
        %mul3A_1385 = arith.mulf %mul3A_1384, %add3A_1379 : vector<16xf32>
        %select_n3A_1386 = arith.select %ge3A_1382, %add3A_1379, %mul3A_1385 : vector<16xi1>, vector<16xf32>
        %exp3A_1387 = math.exp %select_n3A_1386 : vector<16xf32>
        tpu.vector_store_idx %arg17[%add3A_485, %broadcast_in_dim3A_1371], %exp3A_1387 : memref<400x16xf32, #tpu.memory_space<vmem>>[vector<16xi32>, vector<16xi32>], vector<16xf32>,
      } else {
      }
      %broadcast_in_dim3A_491 = arith.constant 2 : i32
      %broadcast_in_dim3A_492 = vector.broadcast %broadcast_in_dim3A_491 : i32 to vector<16xi32>
      %gather3A_493 = tpu.vector_load_idx %arg14[%add3A_485, %broadcast_in_dim3A_492] : memref<400x16xf32, #tpu.memory_space<vmem>>[vector<16xi32>, vector<16xi32>], vector<16xf32>,
      %add3A_494 = arith.constant 4 : i32
      %add3A_495 = vector.broadcast %add3A_494 : i32 to vector<16xi32>
      %add3A_496 = arith.addi %broadcast_in_dim3A_492, %add3A_495 : vector<16xi32>
      %gather3A_497 = tpu.vector_load_idx %arg15[%add3A_485, %add3A_496] : memref<400x16xf32, #tpu.memory_space<vmem>>[vector<16xi32>, vector<16xi32>], vector<16xf32>,
      %gather3A_498 = tpu.vector_load_idx %arg13[%add3A_485, %broadcast_in_dim3A_492] : memref<400x8xf32, #tpu.memory_space<vmem>>[vector<16xi32>, vector<16xi32>], vector<16xf32>,
      %add3A_499 = arith.addf %gather3A_493, %gather3A_497 : vector<16xf32>
      %add3A_500 = arith.addf %add3A_499, %gather3A_498 : vector<16xf32>
      %ge3A_501 = arith.constant 0.000000e+00 : f32
      %ge3A_502 = vector.broadcast %ge3A_501 : f32 to vector<16xf32>
      %ge3A_503 = arith.cmpf oge, %add3A_500, %ge3A_502 : vector<16xf32>
      %mul3A_504 = arith.constant 2.000000e-01 : f32
      %mul3A_505 = vector.broadcast %mul3A_504 : f32 to vector<16xf32>
      %mul3A_506 = arith.mulf %mul3A_505, %add3A_500 : vector<16xf32>
      %select_n3A_507 = arith.select %ge3A_503, %add3A_500, %mul3A_506 : vector<16xi1>, vector<16xf32>
      %exp3A_508 = math.exp %select_n3A_507 : vector<16xf32>
      tpu.vector_store_idx %arg17[%add3A_485, %broadcast_in_dim3A_492], %exp3A_508 : memref<400x16xf32, #tpu.memory_space<vmem>>[vector<16xi32>, vector<16xi32>], vector<16xf32>,
      %broadcast_in_dim3A_509 = arith.constant 3 : i32
      %broadcast_in_dim3A_510 = vector.broadcast %broadcast_in_dim3A_509 : i32 to vector<16xi32>
      %gather3A_511 = tpu.vector_load_idx %arg14[%add3A_485, %broadcast_in_dim3A_510] : memref<400x16xf32, #tpu.memory_space<vmem>>[vector<16xi32>, vector<16xi32>], vector<16xf32>,
      %add3A_512 = arith.constant 4 : i32
      %add3A_513 = vector.broadcast %add3A_512 : i32 to vector<16xi32>
      %add3A_514 = arith.addi %broadcast_in_dim3A_510, %add3A_513 : vector<16xi32>
      %gather3A_515 = tpu.vector_load_idx %arg15[%add3A_485, %add3A_514] : memref<400x16xf32, #tpu.memory_space<vmem>>[vector<16xi32>, vector<16xi32>], vector<16xf32>,
      %gather3A_516 = tpu.vector_load_idx %arg13[%add3A_485, %broadcast_in_dim3A_510] : memref<400x8xf32, #tpu.memory_space<vmem>>[vector<16xi32>, vector<16xi32>], vector<16xf32>,
      %add3A_517 = arith.addf %gather3A_511, %gather3A_515 : vector<16xf32>
      %add3A_518 = arith.addf %add3A_517, %gather3A_516 : vector<16xf32>
      %ge3A_519 = arith.constant 0.000000e+00 : f32
      %ge3A_520 = vector.broadcast %ge3A_519 : f32 to vector<16xf32>
      %ge3A_521 = arith.cmpf oge, %add3A_518, %ge3A_520 : vector<16xf32>
      %mul3A_522 = arith.constant 2.000000e-01 : f32
      %mul3A_523 = vector.broadcast %mul3A_522 : f32 to vector<16xf32>
      %mul3A_524 = arith.mulf %mul3A_523, %add3A_518 : vector<16xf32>
      %select_n3A_525 = arith.select %ge3A_521, %add3A_518, %mul3A_524 : vector<16xi1>, vector<16xf32>
      %exp3A_526 = math.exp %select_n3A_525 : vector<16xf32>
      tpu.vector_store_idx %arg17[%add3A_485, %broadcast_in_dim3A_510], %exp3A_526 : memref<400x16xf32, #tpu.memory_space<vmem>>[vector<16xi32>, vector<16xi32>], vector<16xf32>,
      %add3A_527 = arith.constant 112 : i32
      %add3A_528 = vector.broadcast %add3A_527 : i32 to vector<16xi32>
      %add3A_529 = arith.addi %iota3A, %add3A_528 : vector<16xi32>
      %eq3A_530 = arith.constant 0 : i32
      %eq3A_531 = arith.cmpi eq, %arg0, %eq3A_530 : i32
      %convert_element_type3A_532 = arith.extui %eq3A_531 : i1 to i32
      %cond3A_533 = arith.constant 0 : i32
      %cond3A_534 = arith.cmpi ne, %convert_element_type3A_532, %cond3A_533 : i32
      scf.if %cond3A_534 {
        %broadcast_in_dim3A_1352 = arith.constant 0 : i32
        %broadcast_in_dim3A_1353 = vector.broadcast %broadcast_in_dim3A_1352 : i32 to vector<16xi32>
        %gather3A_1354 = tpu.vector_load_idx %arg14[%add3A_529, %broadcast_in_dim3A_1353] : memref<400x16xf32, #tpu.memory_space<vmem>>[vector<16xi32>, vector<16xi32>], vector<16xf32>,
        %add3A_1355 = arith.constant 4 : i32
        %add3A_1356 = vector.broadcast %add3A_1355 : i32 to vector<16xi32>
        %add3A_1357 = arith.addi %broadcast_in_dim3A_1353, %add3A_1356 : vector<16xi32>
        %gather3A_1358 = tpu.vector_load_idx %arg15[%add3A_529, %add3A_1357] : memref<400x16xf32, #tpu.memory_space<vmem>>[vector<16xi32>, vector<16xi32>], vector<16xf32>,
        %gather3A_1359 = tpu.vector_load_idx %arg13[%add3A_529, %broadcast_in_dim3A_1353] : memref<400x8xf32, #tpu.memory_space<vmem>>[vector<16xi32>, vector<16xi32>], vector<16xf32>,
        %add3A_1360 = arith.addf %gather3A_1354, %gather3A_1358 : vector<16xf32>
        %add3A_1361 = arith.addf %add3A_1360, %gather3A_1359 : vector<16xf32>
        %ge3A_1362 = arith.constant 0.000000e+00 : f32
        %ge3A_1363 = vector.broadcast %ge3A_1362 : f32 to vector<16xf32>
        %ge3A_1364 = arith.cmpf oge, %add3A_1361, %ge3A_1363 : vector<16xf32>
        %mul3A_1365 = arith.constant 2.000000e-01 : f32
        %mul3A_1366 = vector.broadcast %mul3A_1365 : f32 to vector<16xf32>
        %mul3A_1367 = arith.mulf %mul3A_1366, %add3A_1361 : vector<16xf32>
        %select_n3A_1368 = arith.select %ge3A_1364, %add3A_1361, %mul3A_1367 : vector<16xi1>, vector<16xf32>
        %exp3A_1369 = math.exp %select_n3A_1368 : vector<16xf32>
        tpu.vector_store_idx %arg17[%add3A_529, %broadcast_in_dim3A_1353], %exp3A_1369 : memref<400x16xf32, #tpu.memory_space<vmem>>[vector<16xi32>, vector<16xi32>], vector<16xf32>,
        %broadcast_in_dim3A_1370 = arith.constant 1 : i32
        %broadcast_in_dim3A_1371 = vector.broadcast %broadcast_in_dim3A_1370 : i32 to vector<16xi32>
        %gather3A_1372 = tpu.vector_load_idx %arg14[%add3A_529, %broadcast_in_dim3A_1371] : memref<400x16xf32, #tpu.memory_space<vmem>>[vector<16xi32>, vector<16xi32>], vector<16xf32>,
        %add3A_1373 = arith.constant 4 : i32
        %add3A_1374 = vector.broadcast %add3A_1373 : i32 to vector<16xi32>
        %add3A_1375 = arith.addi %broadcast_in_dim3A_1371, %add3A_1374 : vector<16xi32>
        %gather3A_1376 = tpu.vector_load_idx %arg15[%add3A_529, %add3A_1375] : memref<400x16xf32, #tpu.memory_space<vmem>>[vector<16xi32>, vector<16xi32>], vector<16xf32>,
        %gather3A_1377 = tpu.vector_load_idx %arg13[%add3A_529, %broadcast_in_dim3A_1371] : memref<400x8xf32, #tpu.memory_space<vmem>>[vector<16xi32>, vector<16xi32>], vector<16xf32>,
        %add3A_1378 = arith.addf %gather3A_1372, %gather3A_1376 : vector<16xf32>
        %add3A_1379 = arith.addf %add3A_1378, %gather3A_1377 : vector<16xf32>
        %ge3A_1380 = arith.constant 0.000000e+00 : f32
        %ge3A_1381 = vector.broadcast %ge3A_1380 : f32 to vector<16xf32>
        %ge3A_1382 = arith.cmpf oge, %add3A_1379, %ge3A_1381 : vector<16xf32>
        %mul3A_1383 = arith.constant 2.000000e-01 : f32
        %mul3A_1384 = vector.broadcast %mul3A_1383 : f32 to vector<16xf32>
        %mul3A_1385 = arith.mulf %mul3A_1384, %add3A_1379 : vector<16xf32>
        %select_n3A_1386 = arith.select %ge3A_1382, %add3A_1379, %mul3A_1385 : vector<16xi1>, vector<16xf32>
        %exp3A_1387 = math.exp %select_n3A_1386 : vector<16xf32>
        tpu.vector_store_idx %arg17[%add3A_529, %broadcast_in_dim3A_1371], %exp3A_1387 : memref<400x16xf32, #tpu.memory_space<vmem>>[vector<16xi32>, vector<16xi32>], vector<16xf32>,
      } else {
      }
      %broadcast_in_dim3A_535 = arith.constant 2 : i32
      %broadcast_in_dim3A_536 = vector.broadcast %broadcast_in_dim3A_535 : i32 to vector<16xi32>
      %gather3A_537 = tpu.vector_load_idx %arg14[%add3A_529, %broadcast_in_dim3A_536] : memref<400x16xf32, #tpu.memory_space<vmem>>[vector<16xi32>, vector<16xi32>], vector<16xf32>,
      %add3A_538 = arith.constant 4 : i32
      %add3A_539 = vector.broadcast %add3A_538 : i32 to vector<16xi32>
      %add3A_540 = arith.addi %broadcast_in_dim3A_536, %add3A_539 : vector<16xi32>
      %gather3A_541 = tpu.vector_load_idx %arg15[%add3A_529, %add3A_540] : memref<400x16xf32, #tpu.memory_space<vmem>>[vector<16xi32>, vector<16xi32>], vector<16xf32>,
      %gather3A_542 = tpu.vector_load_idx %arg13[%add3A_529, %broadcast_in_dim3A_536] : memref<400x8xf32, #tpu.memory_space<vmem>>[vector<16xi32>, vector<16xi32>], vector<16xf32>,
      %add3A_543 = arith.addf %gather3A_537, %gather3A_541 : vector<16xf32>
      %add3A_544 = arith.addf %add3A_543, %gather3A_542 : vector<16xf32>
      %ge3A_545 = arith.constant 0.000000e+00 : f32
      %ge3A_546 = vector.broadcast %ge3A_545 : f32 to vector<16xf32>
      %ge3A_547 = arith.cmpf oge, %add3A_544, %ge3A_546 : vector<16xf32>
      %mul3A_548 = arith.constant 2.000000e-01 : f32
      %mul3A_549 = vector.broadcast %mul3A_548 : f32 to vector<16xf32>
      %mul3A_550 = arith.mulf %mul3A_549, %add3A_544 : vector<16xf32>
      %select_n3A_551 = arith.select %ge3A_547, %add3A_544, %mul3A_550 : vector<16xi1>, vector<16xf32>
      %exp3A_552 = math.exp %select_n3A_551 : vector<16xf32>
      tpu.vector_store_idx %arg17[%add3A_529, %broadcast_in_dim3A_536], %exp3A_552 : memref<400x16xf32, #tpu.memory_space<vmem>>[vector<16xi32>, vector<16xi32>], vector<16xf32>,
      %broadcast_in_dim3A_553 = arith.constant 3 : i32
      %broadcast_in_dim3A_554 = vector.broadcast %broadcast_in_dim3A_553 : i32 to vector<16xi32>
      %gather3A_555 = tpu.vector_load_idx %arg14[%add3A_529, %broadcast_in_dim3A_554] : memref<400x16xf32, #tpu.memory_space<vmem>>[vector<16xi32>, vector<16xi32>], vector<16xf32>,
      %add3A_556 = arith.constant 4 : i32
      %add3A_557 = vector.broadcast %add3A_556 : i32 to vector<16xi32>
      %add3A_558 = arith.addi %broadcast_in_dim3A_554, %add3A_557 : vector<16xi32>
      %gather3A_559 = tpu.vector_load_idx %arg15[%add3A_529, %add3A_558] : memref<400x16xf32, #tpu.memory_space<vmem>>[vector<16xi32>, vector<16xi32>], vector<16xf32>,
      %gather3A_560 = tpu.vector_load_idx %arg13[%add3A_529, %broadcast_in_dim3A_554] : memref<400x8xf32, #tpu.memory_space<vmem>>[vector<16xi32>, vector<16xi32>], vector<16xf32>,
      %add3A_561 = arith.addf %gather3A_555, %gather3A_559 : vector<16xf32>
      %add3A_562 = arith.addf %add3A_561, %gather3A_560 : vector<16xf32>
      %ge3A_563 = arith.constant 0.000000e+00 : f32
      %ge3A_564 = vector.broadcast %ge3A_563 : f32 to vector<16xf32>
      %ge3A_565 = arith.cmpf oge, %add3A_562, %ge3A_564 : vector<16xf32>
      %mul3A_566 = arith.constant 2.000000e-01 : f32
      %mul3A_567 = vector.broadcast %mul3A_566 : f32 to vector<16xf32>
      %mul3A_568 = arith.mulf %mul3A_567, %add3A_562 : vector<16xf32>
      %select_n3A_569 = arith.select %ge3A_565, %add3A_562, %mul3A_568 : vector<16xi1>, vector<16xf32>
      %exp3A_570 = math.exp %select_n3A_569 : vector<16xf32>
      tpu.vector_store_idx %arg17[%add3A_529, %broadcast_in_dim3A_554], %exp3A_570 : memref<400x16xf32, #tpu.memory_space<vmem>>[vector<16xi32>, vector<16xi32>], vector<16xf32>,
      %add3A_571 = arith.constant 128 : i32
      %add3A_572 = vector.broadcast %add3A_571 : i32 to vector<16xi32>
      %add3A_573 = arith.addi %iota3A, %add3A_572 : vector<16xi32>
      %eq3A_574 = arith.constant 0 : i32
      %eq3A_575 = arith.cmpi eq, %arg0, %eq3A_574 : i32
      %convert_element_type3A_576 = arith.extui %eq3A_575 : i1 to i32
      %cond3A_577 = arith.constant 0 : i32
      %cond3A_578 = arith.cmpi ne, %convert_element_type3A_576, %cond3A_577 : i32
      scf.if %cond3A_578 {
        %broadcast_in_dim3A_1352 = arith.constant 0 : i32
        %broadcast_in_dim3A_1353 = vector.broadcast %broadcast_in_dim3A_1352 : i32 to vector<16xi32>
        %gather3A_1354 = tpu.vector_load_idx %arg14[%add3A_573, %broadcast_in_dim3A_1353] : memref<400x16xf32, #tpu.memory_space<vmem>>[vector<16xi32>, vector<16xi32>], vector<16xf32>,
        %add3A_1355 = arith.constant 4 : i32
        %add3A_1356 = vector.broadcast %add3A_1355 : i32 to vector<16xi32>
        %add3A_1357 = arith.addi %broadcast_in_dim3A_1353, %add3A_1356 : vector<16xi32>
        %gather3A_1358 = tpu.vector_load_idx %arg15[%add3A_573, %add3A_1357] : memref<400x16xf32, #tpu.memory_space<vmem>>[vector<16xi32>, vector<16xi32>], vector<16xf32>,
        %gather3A_1359 = tpu.vector_load_idx %arg13[%add3A_573, %broadcast_in_dim3A_1353] : memref<400x8xf32, #tpu.memory_space<vmem>>[vector<16xi32>, vector<16xi32>], vector<16xf32>,
        %add3A_1360 = arith.addf %gather3A_1354, %gather3A_1358 : vector<16xf32>
        %add3A_1361 = arith.addf %add3A_1360, %gather3A_1359 : vector<16xf32>
        %ge3A_1362 = arith.constant 0.000000e+00 : f32
        %ge3A_1363 = vector.broadcast %ge3A_1362 : f32 to vector<16xf32>
        %ge3A_1364 = arith.cmpf oge, %add3A_1361, %ge3A_1363 : vector<16xf32>
        %mul3A_1365 = arith.constant 2.000000e-01 : f32
        %mul3A_1366 = vector.broadcast %mul3A_1365 : f32 to vector<16xf32>
        %mul3A_1367 = arith.mulf %mul3A_1366, %add3A_1361 : vector<16xf32>
        %select_n3A_1368 = arith.select %ge3A_1364, %add3A_1361, %mul3A_1367 : vector<16xi1>, vector<16xf32>
        %exp3A_1369 = math.exp %select_n3A_1368 : vector<16xf32>
        tpu.vector_store_idx %arg17[%add3A_573, %broadcast_in_dim3A_1353], %exp3A_1369 : memref<400x16xf32, #tpu.memory_space<vmem>>[vector<16xi32>, vector<16xi32>], vector<16xf32>,
        %broadcast_in_dim3A_1370 = arith.constant 1 : i32
        %broadcast_in_dim3A_1371 = vector.broadcast %broadcast_in_dim3A_1370 : i32 to vector<16xi32>
        %gather3A_1372 = tpu.vector_load_idx %arg14[%add3A_573, %broadcast_in_dim3A_1371] : memref<400x16xf32, #tpu.memory_space<vmem>>[vector<16xi32>, vector<16xi32>], vector<16xf32>,
        %add3A_1373 = arith.constant 4 : i32
        %add3A_1374 = vector.broadcast %add3A_1373 : i32 to vector<16xi32>
        %add3A_1375 = arith.addi %broadcast_in_dim3A_1371, %add3A_1374 : vector<16xi32>
        %gather3A_1376 = tpu.vector_load_idx %arg15[%add3A_573, %add3A_1375] : memref<400x16xf32, #tpu.memory_space<vmem>>[vector<16xi32>, vector<16xi32>], vector<16xf32>,
        %gather3A_1377 = tpu.vector_load_idx %arg13[%add3A_573, %broadcast_in_dim3A_1371] : memref<400x8xf32, #tpu.memory_space<vmem>>[vector<16xi32>, vector<16xi32>], vector<16xf32>,
        %add3A_1378 = arith.addf %gather3A_1372, %gather3A_1376 : vector<16xf32>
        %add3A_1379 = arith.addf %add3A_1378, %gather3A_1377 : vector<16xf32>
        %ge3A_1380 = arith.constant 0.000000e+00 : f32
        %ge3A_1381 = vector.broadcast %ge3A_1380 : f32 to vector<16xf32>
        %ge3A_1382 = arith.cmpf oge, %add3A_1379, %ge3A_1381 : vector<16xf32>
        %mul3A_1383 = arith.constant 2.000000e-01 : f32
        %mul3A_1384 = vector.broadcast %mul3A_1383 : f32 to vector<16xf32>
        %mul3A_1385 = arith.mulf %mul3A_1384, %add3A_1379 : vector<16xf32>
        %select_n3A_1386 = arith.select %ge3A_1382, %add3A_1379, %mul3A_1385 : vector<16xi1>, vector<16xf32>
        %exp3A_1387 = math.exp %select_n3A_1386 : vector<16xf32>
        tpu.vector_store_idx %arg17[%add3A_573, %broadcast_in_dim3A_1371], %exp3A_1387 : memref<400x16xf32, #tpu.memory_space<vmem>>[vector<16xi32>, vector<16xi32>], vector<16xf32>,
      } else {
      }
      %broadcast_in_dim3A_579 = arith.constant 2 : i32
      %broadcast_in_dim3A_580 = vector.broadcast %broadcast_in_dim3A_579 : i32 to vector<16xi32>
      %gather3A_581 = tpu.vector_load_idx %arg14[%add3A_573, %broadcast_in_dim3A_580] : memref<400x16xf32, #tpu.memory_space<vmem>>[vector<16xi32>, vector<16xi32>], vector<16xf32>,
      %add3A_582 = arith.constant 4 : i32
      %add3A_583 = vector.broadcast %add3A_582 : i32 to vector<16xi32>
      %add3A_584 = arith.addi %broadcast_in_dim3A_580, %add3A_583 : vector<16xi32>
      %gather3A_585 = tpu.vector_load_idx %arg15[%add3A_573, %add3A_584] : memref<400x16xf32, #tpu.memory_space<vmem>>[vector<16xi32>, vector<16xi32>], vector<16xf32>,
      %gather3A_586 = tpu.vector_load_idx %arg13[%add3A_573, %broadcast_in_dim3A_580] : memref<400x8xf32, #tpu.memory_space<vmem>>[vector<16xi32>, vector<16xi32>], vector<16xf32>,
      %add3A_587 = arith.addf %gather3A_581, %gather3A_585 : vector<16xf32>
      %add3A_588 = arith.addf %add3A_587, %gather3A_586 : vector<16xf32>
      %ge3A_589 = arith.constant 0.000000e+00 : f32
      %ge3A_590 = vector.broadcast %ge3A_589 : f32 to vector<16xf32>
      %ge3A_591 = arith.cmpf oge, %add3A_588, %ge3A_590 : vector<16xf32>
      %mul3A_592 = arith.constant 2.000000e-01 : f32
      %mul3A_593 = vector.broadcast %mul3A_592 : f32 to vector<16xf32>
      %mul3A_594 = arith.mulf %mul3A_593, %add3A_588 : vector<16xf32>
      %select_n3A_595 = arith.select %ge3A_591, %add3A_588, %mul3A_594 : vector<16xi1>, vector<16xf32>
      %exp3A_596 = math.exp %select_n3A_595 : vector<16xf32>
      tpu.vector_store_idx %arg17[%add3A_573, %broadcast_in_dim3A_580], %exp3A_596 : memref<400x16xf32, #tpu.memory_space<vmem>>[vector<16xi32>, vector<16xi32>], vector<16xf32>,
      %broadcast_in_dim3A_597 = arith.constant 3 : i32
      %broadcast_in_dim3A_598 = vector.broadcast %broadcast_in_dim3A_597 : i32 to vector<16xi32>
      %gather3A_599 = tpu.vector_load_idx %arg14[%add3A_573, %broadcast_in_dim3A_598] : memref<400x16xf32, #tpu.memory_space<vmem>>[vector<16xi32>, vector<16xi32>], vector<16xf32>,
      %add3A_600 = arith.constant 4 : i32
      %add3A_601 = vector.broadcast %add3A_600 : i32 to vector<16xi32>
      %add3A_602 = arith.addi %broadcast_in_dim3A_598, %add3A_601 : vector<16xi32>
      %gather3A_603 = tpu.vector_load_idx %arg15[%add3A_573, %add3A_602] : memref<400x16xf32, #tpu.memory_space<vmem>>[vector<16xi32>, vector<16xi32>], vector<16xf32>,
      %gather3A_604 = tpu.vector_load_idx %arg13[%add3A_573, %broadcast_in_dim3A_598] : memref<400x8xf32, #tpu.memory_space<vmem>>[vector<16xi32>, vector<16xi32>], vector<16xf32>,
      %add3A_605 = arith.addf %gather3A_599, %gather3A_603 : vector<16xf32>
      %add3A_606 = arith.addf %add3A_605, %gather3A_604 : vector<16xf32>
      %ge3A_607 = arith.constant 0.000000e+00 : f32
      %ge3A_608 = vector.broadcast %ge3A_607 : f32 to vector<16xf32>
      %ge3A_609 = arith.cmpf oge, %add3A_606, %ge3A_608 : vector<16xf32>
      %mul3A_610 = arith.constant 2.000000e-01 : f32
      %mul3A_611 = vector.broadcast %mul3A_610 : f32 to vector<16xf32>
      %mul3A_612 = arith.mulf %mul3A_611, %add3A_606 : vector<16xf32>
      %select_n3A_613 = arith.select %ge3A_609, %add3A_606, %mul3A_612 : vector<16xi1>, vector<16xf32>
      %exp3A_614 = math.exp %select_n3A_613 : vector<16xf32>
      tpu.vector_store_idx %arg17[%add3A_573, %broadcast_in_dim3A_598], %exp3A_614 : memref<400x16xf32, #tpu.memory_space<vmem>>[vector<16xi32>, vector<16xi32>], vector<16xf32>,
      %add3A_615 = arith.constant 144 : i32
      %add3A_616 = vector.broadcast %add3A_615 : i32 to vector<16xi32>
      %add3A_617 = arith.addi %iota3A, %add3A_616 : vector<16xi32>
      %eq3A_618 = arith.constant 0 : i32
      %eq3A_619 = arith.cmpi eq, %arg0, %eq3A_618 : i32
      %convert_element_type3A_620 = arith.extui %eq3A_619 : i1 to i32
      %cond3A_621 = arith.constant 0 : i32
      %cond3A_622 = arith.cmpi ne, %convert_element_type3A_620, %cond3A_621 : i32
      scf.if %cond3A_622 {
        %broadcast_in_dim3A_1352 = arith.constant 0 : i32
        %broadcast_in_dim3A_1353 = vector.broadcast %broadcast_in_dim3A_1352 : i32 to vector<16xi32>
        %gather3A_1354 = tpu.vector_load_idx %arg14[%add3A_617, %broadcast_in_dim3A_1353] : memref<400x16xf32, #tpu.memory_space<vmem>>[vector<16xi32>, vector<16xi32>], vector<16xf32>,
        %add3A_1355 = arith.constant 4 : i32
        %add3A_1356 = vector.broadcast %add3A_1355 : i32 to vector<16xi32>
        %add3A_1357 = arith.addi %broadcast_in_dim3A_1353, %add3A_1356 : vector<16xi32>
        %gather3A_1358 = tpu.vector_load_idx %arg15[%add3A_617, %add3A_1357] : memref<400x16xf32, #tpu.memory_space<vmem>>[vector<16xi32>, vector<16xi32>], vector<16xf32>,
        %gather3A_1359 = tpu.vector_load_idx %arg13[%add3A_617, %broadcast_in_dim3A_1353] : memref<400x8xf32, #tpu.memory_space<vmem>>[vector<16xi32>, vector<16xi32>], vector<16xf32>,
        %add3A_1360 = arith.addf %gather3A_1354, %gather3A_1358 : vector<16xf32>
        %add3A_1361 = arith.addf %add3A_1360, %gather3A_1359 : vector<16xf32>
        %ge3A_1362 = arith.constant 0.000000e+00 : f32
        %ge3A_1363 = vector.broadcast %ge3A_1362 : f32 to vector<16xf32>
        %ge3A_1364 = arith.cmpf oge, %add3A_1361, %ge3A_1363 : vector<16xf32>
        %mul3A_1365 = arith.constant 2.000000e-01 : f32
        %mul3A_1366 = vector.broadcast %mul3A_1365 : f32 to vector<16xf32>
        %mul3A_1367 = arith.mulf %mul3A_1366, %add3A_1361 : vector<16xf32>
        %select_n3A_1368 = arith.select %ge3A_1364, %add3A_1361, %mul3A_1367 : vector<16xi1>, vector<16xf32>
        %exp3A_1369 = math.exp %select_n3A_1368 : vector<16xf32>
        tpu.vector_store_idx %arg17[%add3A_617, %broadcast_in_dim3A_1353], %exp3A_1369 : memref<400x16xf32, #tpu.memory_space<vmem>>[vector<16xi32>, vector<16xi32>], vector<16xf32>,
        %broadcast_in_dim3A_1370 = arith.constant 1 : i32
        %broadcast_in_dim3A_1371 = vector.broadcast %broadcast_in_dim3A_1370 : i32 to vector<16xi32>
        %gather3A_1372 = tpu.vector_load_idx %arg14[%add3A_617, %broadcast_in_dim3A_1371] : memref<400x16xf32, #tpu.memory_space<vmem>>[vector<16xi32>, vector<16xi32>], vector<16xf32>,
        %add3A_1373 = arith.constant 4 : i32
        %add3A_1374 = vector.broadcast %add3A_1373 : i32 to vector<16xi32>
        %add3A_1375 = arith.addi %broadcast_in_dim3A_1371, %add3A_1374 : vector<16xi32>
        %gather3A_1376 = tpu.vector_load_idx %arg15[%add3A_617, %add3A_1375] : memref<400x16xf32, #tpu.memory_space<vmem>>[vector<16xi32>, vector<16xi32>], vector<16xf32>,
        %gather3A_1377 = tpu.vector_load_idx %arg13[%add3A_617, %broadcast_in_dim3A_1371] : memref<400x8xf32, #tpu.memory_space<vmem>>[vector<16xi32>, vector<16xi32>], vector<16xf32>,
        %add3A_1378 = arith.addf %gather3A_1372, %gather3A_1376 : vector<16xf32>
        %add3A_1379 = arith.addf %add3A_1378, %gather3A_1377 : vector<16xf32>
        %ge3A_1380 = arith.constant 0.000000e+00 : f32
        %ge3A_1381 = vector.broadcast %ge3A_1380 : f32 to vector<16xf32>
        %ge3A_1382 = arith.cmpf oge, %add3A_1379, %ge3A_1381 : vector<16xf32>
        %mul3A_1383 = arith.constant 2.000000e-01 : f32
        %mul3A_1384 = vector.broadcast %mul3A_1383 : f32 to vector<16xf32>
        %mul3A_1385 = arith.mulf %mul3A_1384, %add3A_1379 : vector<16xf32>
        %select_n3A_1386 = arith.select %ge3A_1382, %add3A_1379, %mul3A_1385 : vector<16xi1>, vector<16xf32>
        %exp3A_1387 = math.exp %select_n3A_1386 : vector<16xf32>
        tpu.vector_store_idx %arg17[%add3A_617, %broadcast_in_dim3A_1371], %exp3A_1387 : memref<400x16xf32, #tpu.memory_space<vmem>>[vector<16xi32>, vector<16xi32>], vector<16xf32>,
      } else {
      }
      %broadcast_in_dim3A_623 = arith.constant 2 : i32
      %broadcast_in_dim3A_624 = vector.broadcast %broadcast_in_dim3A_623 : i32 to vector<16xi32>
      %gather3A_625 = tpu.vector_load_idx %arg14[%add3A_617, %broadcast_in_dim3A_624] : memref<400x16xf32, #tpu.memory_space<vmem>>[vector<16xi32>, vector<16xi32>], vector<16xf32>,
      %add3A_626 = arith.constant 4 : i32
      %add3A_627 = vector.broadcast %add3A_626 : i32 to vector<16xi32>
      %add3A_628 = arith.addi %broadcast_in_dim3A_624, %add3A_627 : vector<16xi32>
      %gather3A_629 = tpu.vector_load_idx %arg15[%add3A_617, %add3A_628] : memref<400x16xf32, #tpu.memory_space<vmem>>[vector<16xi32>, vector<16xi32>], vector<16xf32>,
      %gather3A_630 = tpu.vector_load_idx %arg13[%add3A_617, %broadcast_in_dim3A_624] : memref<400x8xf32, #tpu.memory_space<vmem>>[vector<16xi32>, vector<16xi32>], vector<16xf32>,
      %add3A_631 = arith.addf %gather3A_625, %gather3A_629 : vector<16xf32>
      %add3A_632 = arith.addf %add3A_631, %gather3A_630 : vector<16xf32>
      %ge3A_633 = arith.constant 0.000000e+00 : f32
      %ge3A_634 = vector.broadcast %ge3A_633 : f32 to vector<16xf32>
      %ge3A_635 = arith.cmpf oge, %add3A_632, %ge3A_634 : vector<16xf32>
      %mul3A_636 = arith.constant 2.000000e-01 : f32
      %mul3A_637 = vector.broadcast %mul3A_636 : f32 to vector<16xf32>
      %mul3A_638 = arith.mulf %mul3A_637, %add3A_632 : vector<16xf32>
      %select_n3A_639 = arith.select %ge3A_635, %add3A_632, %mul3A_638 : vector<16xi1>, vector<16xf32>
      %exp3A_640 = math.exp %select_n3A_639 : vector<16xf32>
      tpu.vector_store_idx %arg17[%add3A_617, %broadcast_in_dim3A_624], %exp3A_640 : memref<400x16xf32, #tpu.memory_space<vmem>>[vector<16xi32>, vector<16xi32>], vector<16xf32>,
      %broadcast_in_dim3A_641 = arith.constant 3 : i32
      %broadcast_in_dim3A_642 = vector.broadcast %broadcast_in_dim3A_641 : i32 to vector<16xi32>
      %gather3A_643 = tpu.vector_load_idx %arg14[%add3A_617, %broadcast_in_dim3A_642] : memref<400x16xf32, #tpu.memory_space<vmem>>[vector<16xi32>, vector<16xi32>], vector<16xf32>,
      %add3A_644 = arith.constant 4 : i32
      %add3A_645 = vector.broadcast %add3A_644 : i32 to vector<16xi32>
      %add3A_646 = arith.addi %broadcast_in_dim3A_642, %add3A_645 : vector<16xi32>
      %gather3A_647 = tpu.vector_load_idx %arg15[%add3A_617, %add3A_646] : memref<400x16xf32, #tpu.memory_space<vmem>>[vector<16xi32>, vector<16xi32>], vector<16xf32>,
      %gather3A_648 = tpu.vector_load_idx %arg13[%add3A_617, %broadcast_in_dim3A_642] : memref<400x8xf32, #tpu.memory_space<vmem>>[vector<16xi32>, vector<16xi32>], vector<16xf32>,
      %add3A_649 = arith.addf %gather3A_643, %gather3A_647 : vector<16xf32>
      %add3A_650 = arith.addf %add3A_649, %gather3A_648 : vector<16xf32>
      %ge3A_651 = arith.constant 0.000000e+00 : f32
      %ge3A_652 = vector.broadcast %ge3A_651 : f32 to vector<16xf32>
      %ge3A_653 = arith.cmpf oge, %add3A_650, %ge3A_652 : vector<16xf32>
      %mul3A_654 = arith.constant 2.000000e-01 : f32
      %mul3A_655 = vector.broadcast %mul3A_654 : f32 to vector<16xf32>
      %mul3A_656 = arith.mulf %mul3A_655, %add3A_650 : vector<16xf32>
      %select_n3A_657 = arith.select %ge3A_653, %add3A_650, %mul3A_656 : vector<16xi1>, vector<16xf32>
      %exp3A_658 = math.exp %select_n3A_657 : vector<16xf32>
      tpu.vector_store_idx %arg17[%add3A_617, %broadcast_in_dim3A_642], %exp3A_658 : memref<400x16xf32, #tpu.memory_space<vmem>>[vector<16xi32>, vector<16xi32>], vector<16xf32>,
      %add3A_659 = arith.constant 160 : i32
      %add3A_660 = vector.broadcast %add3A_659 : i32 to vector<16xi32>
      %add3A_661 = arith.addi %iota3A, %add3A_660 : vector<16xi32>
      %eq3A_662 = arith.constant 0 : i32
      %eq3A_663 = arith.cmpi eq, %arg0, %eq3A_662 : i32
      %convert_element_type3A_664 = arith.extui %eq3A_663 : i1 to i32
      %cond3A_665 = arith.constant 0 : i32
      %cond3A_666 = arith.cmpi ne, %convert_element_type3A_664, %cond3A_665 : i32
      scf.if %cond3A_666 {
        %broadcast_in_dim3A_1352 = arith.constant 0 : i32
        %broadcast_in_dim3A_1353 = vector.broadcast %broadcast_in_dim3A_1352 : i32 to vector<16xi32>
        %gather3A_1354 = tpu.vector_load_idx %arg14[%add3A_661, %broadcast_in_dim3A_1353] : memref<400x16xf32, #tpu.memory_space<vmem>>[vector<16xi32>, vector<16xi32>], vector<16xf32>,
        %add3A_1355 = arith.constant 4 : i32
        %add3A_1356 = vector.broadcast %add3A_1355 : i32 to vector<16xi32>
        %add3A_1357 = arith.addi %broadcast_in_dim3A_1353, %add3A_1356 : vector<16xi32>
        %gather3A_1358 = tpu.vector_load_idx %arg15[%add3A_661, %add3A_1357] : memref<400x16xf32, #tpu.memory_space<vmem>>[vector<16xi32>, vector<16xi32>], vector<16xf32>,
        %gather3A_1359 = tpu.vector_load_idx %arg13[%add3A_661, %broadcast_in_dim3A_1353] : memref<400x8xf32, #tpu.memory_space<vmem>>[vector<16xi32>, vector<16xi32>], vector<16xf32>,
        %add3A_1360 = arith.addf %gather3A_1354, %gather3A_1358 : vector<16xf32>
        %add3A_1361 = arith.addf %add3A_1360, %gather3A_1359 : vector<16xf32>
        %ge3A_1362 = arith.constant 0.000000e+00 : f32
        %ge3A_1363 = vector.broadcast %ge3A_1362 : f32 to vector<16xf32>
        %ge3A_1364 = arith.cmpf oge, %add3A_1361, %ge3A_1363 : vector<16xf32>
        %mul3A_1365 = arith.constant 2.000000e-01 : f32
        %mul3A_1366 = vector.broadcast %mul3A_1365 : f32 to vector<16xf32>
        %mul3A_1367 = arith.mulf %mul3A_1366, %add3A_1361 : vector<16xf32>
        %select_n3A_1368 = arith.select %ge3A_1364, %add3A_1361, %mul3A_1367 : vector<16xi1>, vector<16xf32>
        %exp3A_1369 = math.exp %select_n3A_1368 : vector<16xf32>
        tpu.vector_store_idx %arg17[%add3A_661, %broadcast_in_dim3A_1353], %exp3A_1369 : memref<400x16xf32, #tpu.memory_space<vmem>>[vector<16xi32>, vector<16xi32>], vector<16xf32>,
        %broadcast_in_dim3A_1370 = arith.constant 1 : i32
        %broadcast_in_dim3A_1371 = vector.broadcast %broadcast_in_dim3A_1370 : i32 to vector<16xi32>
        %gather3A_1372 = tpu.vector_load_idx %arg14[%add3A_661, %broadcast_in_dim3A_1371] : memref<400x16xf32, #tpu.memory_space<vmem>>[vector<16xi32>, vector<16xi32>], vector<16xf32>,
        %add3A_1373 = arith.constant 4 : i32
        %add3A_1374 = vector.broadcast %add3A_1373 : i32 to vector<16xi32>
        %add3A_1375 = arith.addi %broadcast_in_dim3A_1371, %add3A_1374 : vector<16xi32>
        %gather3A_1376 = tpu.vector_load_idx %arg15[%add3A_661, %add3A_1375] : memref<400x16xf32, #tpu.memory_space<vmem>>[vector<16xi32>, vector<16xi32>], vector<16xf32>,
        %gather3A_1377 = tpu.vector_load_idx %arg13[%add3A_661, %broadcast_in_dim3A_1371] : memref<400x8xf32, #tpu.memory_space<vmem>>[vector<16xi32>, vector<16xi32>], vector<16xf32>,
        %add3A_1378 = arith.addf %gather3A_1372, %gather3A_1376 : vector<16xf32>
        %add3A_1379 = arith.addf %add3A_1378, %gather3A_1377 : vector<16xf32>
        %ge3A_1380 = arith.constant 0.000000e+00 : f32
        %ge3A_1381 = vector.broadcast %ge3A_1380 : f32 to vector<16xf32>
        %ge3A_1382 = arith.cmpf oge, %add3A_1379, %ge3A_1381 : vector<16xf32>
        %mul3A_1383 = arith.constant 2.000000e-01 : f32
        %mul3A_1384 = vector.broadcast %mul3A_1383 : f32 to vector<16xf32>
        %mul3A_1385 = arith.mulf %mul3A_1384, %add3A_1379 : vector<16xf32>
        %select_n3A_1386 = arith.select %ge3A_1382, %add3A_1379, %mul3A_1385 : vector<16xi1>, vector<16xf32>
        %exp3A_1387 = math.exp %select_n3A_1386 : vector<16xf32>
        tpu.vector_store_idx %arg17[%add3A_661, %broadcast_in_dim3A_1371], %exp3A_1387 : memref<400x16xf32, #tpu.memory_space<vmem>>[vector<16xi32>, vector<16xi32>], vector<16xf32>,
      } else {
      }
      %broadcast_in_dim3A_667 = arith.constant 2 : i32
      %broadcast_in_dim3A_668 = vector.broadcast %broadcast_in_dim3A_667 : i32 to vector<16xi32>
      %gather3A_669 = tpu.vector_load_idx %arg14[%add3A_661, %broadcast_in_dim3A_668] : memref<400x16xf32, #tpu.memory_space<vmem>>[vector<16xi32>, vector<16xi32>], vector<16xf32>,
      %add3A_670 = arith.constant 4 : i32
      %add3A_671 = vector.broadcast %add3A_670 : i32 to vector<16xi32>
      %add3A_672 = arith.addi %broadcast_in_dim3A_668, %add3A_671 : vector<16xi32>
      %gather3A_673 = tpu.vector_load_idx %arg15[%add3A_661, %add3A_672] : memref<400x16xf32, #tpu.memory_space<vmem>>[vector<16xi32>, vector<16xi32>], vector<16xf32>,
      %gather3A_674 = tpu.vector_load_idx %arg13[%add3A_661, %broadcast_in_dim3A_668] : memref<400x8xf32, #tpu.memory_space<vmem>>[vector<16xi32>, vector<16xi32>], vector<16xf32>,
      %add3A_675 = arith.addf %gather3A_669, %gather3A_673 : vector<16xf32>
      %add3A_676 = arith.addf %add3A_675, %gather3A_674 : vector<16xf32>
      %ge3A_677 = arith.constant 0.000000e+00 : f32
      %ge3A_678 = vector.broadcast %ge3A_677 : f32 to vector<16xf32>
      %ge3A_679 = arith.cmpf oge, %add3A_676, %ge3A_678 : vector<16xf32>
      %mul3A_680 = arith.constant 2.000000e-01 : f32
      %mul3A_681 = vector.broadcast %mul3A_680 : f32 to vector<16xf32>
      %mul3A_682 = arith.mulf %mul3A_681, %add3A_676 : vector<16xf32>
      %select_n3A_683 = arith.select %ge3A_679, %add3A_676, %mul3A_682 : vector<16xi1>, vector<16xf32>
      %exp3A_684 = math.exp %select_n3A_683 : vector<16xf32>
      tpu.vector_store_idx %arg17[%add3A_661, %broadcast_in_dim3A_668], %exp3A_684 : memref<400x16xf32, #tpu.memory_space<vmem>>[vector<16xi32>, vector<16xi32>], vector<16xf32>,
      %broadcast_in_dim3A_685 = arith.constant 3 : i32
      %broadcast_in_dim3A_686 = vector.broadcast %broadcast_in_dim3A_685 : i32 to vector<16xi32>
      %gather3A_687 = tpu.vector_load_idx %arg14[%add3A_661, %broadcast_in_dim3A_686] : memref<400x16xf32, #tpu.memory_space<vmem>>[vector<16xi32>, vector<16xi32>], vector<16xf32>,
      %add3A_688 = arith.constant 4 : i32
      %add3A_689 = vector.broadcast %add3A_688 : i32 to vector<16xi32>
      %add3A_690 = arith.addi %broadcast_in_dim3A_686, %add3A_689 : vector<16xi32>
      %gather3A_691 = tpu.vector_load_idx %arg15[%add3A_661, %add3A_690] : memref<400x16xf32, #tpu.memory_space<vmem>>[vector<16xi32>, vector<16xi32>], vector<16xf32>,
      %gather3A_692 = tpu.vector_load_idx %arg13[%add3A_661, %broadcast_in_dim3A_686] : memref<400x8xf32, #tpu.memory_space<vmem>>[vector<16xi32>, vector<16xi32>], vector<16xf32>,
      %add3A_693 = arith.addf %gather3A_687, %gather3A_691 : vector<16xf32>
      %add3A_694 = arith.addf %add3A_693, %gather3A_692 : vector<16xf32>
      %ge3A_695 = arith.constant 0.000000e+00 : f32
      %ge3A_696 = vector.broadcast %ge3A_695 : f32 to vector<16xf32>
      %ge3A_697 = arith.cmpf oge, %add3A_694, %ge3A_696 : vector<16xf32>
      %mul3A_698 = arith.constant 2.000000e-01 : f32
      %mul3A_699 = vector.broadcast %mul3A_698 : f32 to vector<16xf32>
      %mul3A_700 = arith.mulf %mul3A_699, %add3A_694 : vector<16xf32>
      %select_n3A_701 = arith.select %ge3A_697, %add3A_694, %mul3A_700 : vector<16xi1>, vector<16xf32>
      %exp3A_702 = math.exp %select_n3A_701 : vector<16xf32>
      tpu.vector_store_idx %arg17[%add3A_661, %broadcast_in_dim3A_686], %exp3A_702 : memref<400x16xf32, #tpu.memory_space<vmem>>[vector<16xi32>, vector<16xi32>], vector<16xf32>,
      %add3A_703 = arith.constant 176 : i32
      %add3A_704 = vector.broadcast %add3A_703 : i32 to vector<16xi32>
      %add3A_705 = arith.addi %iota3A, %add3A_704 : vector<16xi32>
      %eq3A_706 = arith.constant 0 : i32
      %eq3A_707 = arith.cmpi eq, %arg0, %eq3A_706 : i32
      %convert_element_type3A_708 = arith.extui %eq3A_707 : i1 to i32
      %cond3A_709 = arith.constant 0 : i32
      %cond3A_710 = arith.cmpi ne, %convert_element_type3A_708, %cond3A_709 : i32
      scf.if %cond3A_710 {
        %broadcast_in_dim3A_1352 = arith.constant 0 : i32
        %broadcast_in_dim3A_1353 = vector.broadcast %broadcast_in_dim3A_1352 : i32 to vector<16xi32>
        %gather3A_1354 = tpu.vector_load_idx %arg14[%add3A_705, %broadcast_in_dim3A_1353] : memref<400x16xf32, #tpu.memory_space<vmem>>[vector<16xi32>, vector<16xi32>], vector<16xf32>,
        %add3A_1355 = arith.constant 4 : i32
        %add3A_1356 = vector.broadcast %add3A_1355 : i32 to vector<16xi32>
        %add3A_1357 = arith.addi %broadcast_in_dim3A_1353, %add3A_1356 : vector<16xi32>
        %gather3A_1358 = tpu.vector_load_idx %arg15[%add3A_705, %add3A_1357] : memref<400x16xf32, #tpu.memory_space<vmem>>[vector<16xi32>, vector<16xi32>], vector<16xf32>,
        %gather3A_1359 = tpu.vector_load_idx %arg13[%add3A_705, %broadcast_in_dim3A_1353] : memref<400x8xf32, #tpu.memory_space<vmem>>[vector<16xi32>, vector<16xi32>], vector<16xf32>,
        %add3A_1360 = arith.addf %gather3A_1354, %gather3A_1358 : vector<16xf32>
        %add3A_1361 = arith.addf %add3A_1360, %gather3A_1359 : vector<16xf32>
        %ge3A_1362 = arith.constant 0.000000e+00 : f32
        %ge3A_1363 = vector.broadcast %ge3A_1362 : f32 to vector<16xf32>
        %ge3A_1364 = arith.cmpf oge, %add3A_1361, %ge3A_1363 : vector<16xf32>
        %mul3A_1365 = arith.constant 2.000000e-01 : f32
        %mul3A_1366 = vector.broadcast %mul3A_1365 : f32 to vector<16xf32>
        %mul3A_1367 = arith.mulf %mul3A_1366, %add3A_1361 : vector<16xf32>
        %select_n3A_1368 = arith.select %ge3A_1364, %add3A_1361, %mul3A_1367 : vector<16xi1>, vector<16xf32>
        %exp3A_1369 = math.exp %select_n3A_1368 : vector<16xf32>
        tpu.vector_store_idx %arg17[%add3A_705, %broadcast_in_dim3A_1353], %exp3A_1369 : memref<400x16xf32, #tpu.memory_space<vmem>>[vector<16xi32>, vector<16xi32>], vector<16xf32>,
        %broadcast_in_dim3A_1370 = arith.constant 1 : i32
        %broadcast_in_dim3A_1371 = vector.broadcast %broadcast_in_dim3A_1370 : i32 to vector<16xi32>
        %gather3A_1372 = tpu.vector_load_idx %arg14[%add3A_705, %broadcast_in_dim3A_1371] : memref<400x16xf32, #tpu.memory_space<vmem>>[vector<16xi32>, vector<16xi32>], vector<16xf32>,
        %add3A_1373 = arith.constant 4 : i32
        %add3A_1374 = vector.broadcast %add3A_1373 : i32 to vector<16xi32>
        %add3A_1375 = arith.addi %broadcast_in_dim3A_1371, %add3A_1374 : vector<16xi32>
        %gather3A_1376 = tpu.vector_load_idx %arg15[%add3A_705, %add3A_1375] : memref<400x16xf32, #tpu.memory_space<vmem>>[vector<16xi32>, vector<16xi32>], vector<16xf32>,
        %gather3A_1377 = tpu.vector_load_idx %arg13[%add3A_705, %broadcast_in_dim3A_1371] : memref<400x8xf32, #tpu.memory_space<vmem>>[vector<16xi32>, vector<16xi32>], vector<16xf32>,
        %add3A_1378 = arith.addf %gather3A_1372, %gather3A_1376 : vector<16xf32>
        %add3A_1379 = arith.addf %add3A_1378, %gather3A_1377 : vector<16xf32>
        %ge3A_1380 = arith.constant 0.000000e+00 : f32
        %ge3A_1381 = vector.broadcast %ge3A_1380 : f32 to vector<16xf32>
        %ge3A_1382 = arith.cmpf oge, %add3A_1379, %ge3A_1381 : vector<16xf32>
        %mul3A_1383 = arith.constant 2.000000e-01 : f32
        %mul3A_1384 = vector.broadcast %mul3A_1383 : f32 to vector<16xf32>
        %mul3A_1385 = arith.mulf %mul3A_1384, %add3A_1379 : vector<16xf32>
        %select_n3A_1386 = arith.select %ge3A_1382, %add3A_1379, %mul3A_1385 : vector<16xi1>, vector<16xf32>
        %exp3A_1387 = math.exp %select_n3A_1386 : vector<16xf32>
        tpu.vector_store_idx %arg17[%add3A_705, %broadcast_in_dim3A_1371], %exp3A_1387 : memref<400x16xf32, #tpu.memory_space<vmem>>[vector<16xi32>, vector<16xi32>], vector<16xf32>,
      } else {
      }
      %broadcast_in_dim3A_711 = arith.constant 2 : i32
      %broadcast_in_dim3A_712 = vector.broadcast %broadcast_in_dim3A_711 : i32 to vector<16xi32>
      %gather3A_713 = tpu.vector_load_idx %arg14[%add3A_705, %broadcast_in_dim3A_712] : memref<400x16xf32, #tpu.memory_space<vmem>>[vector<16xi32>, vector<16xi32>], vector<16xf32>,
      %add3A_714 = arith.constant 4 : i32
      %add3A_715 = vector.broadcast %add3A_714 : i32 to vector<16xi32>
      %add3A_716 = arith.addi %broadcast_in_dim3A_712, %add3A_715 : vector<16xi32>
      %gather3A_717 = tpu.vector_load_idx %arg15[%add3A_705, %add3A_716] : memref<400x16xf32, #tpu.memory_space<vmem>>[vector<16xi32>, vector<16xi32>], vector<16xf32>,
      %gather3A_718 = tpu.vector_load_idx %arg13[%add3A_705, %broadcast_in_dim3A_712] : memref<400x8xf32, #tpu.memory_space<vmem>>[vector<16xi32>, vector<16xi32>], vector<16xf32>,
      %add3A_719 = arith.addf %gather3A_713, %gather3A_717 : vector<16xf32>
      %add3A_720 = arith.addf %add3A_719, %gather3A_718 : vector<16xf32>
      %ge3A_721 = arith.constant 0.000000e+00 : f32
      %ge3A_722 = vector.broadcast %ge3A_721 : f32 to vector<16xf32>
      %ge3A_723 = arith.cmpf oge, %add3A_720, %ge3A_722 : vector<16xf32>
      %mul3A_724 = arith.constant 2.000000e-01 : f32
      %mul3A_725 = vector.broadcast %mul3A_724 : f32 to vector<16xf32>
      %mul3A_726 = arith.mulf %mul3A_725, %add3A_720 : vector<16xf32>
      %select_n3A_727 = arith.select %ge3A_723, %add3A_720, %mul3A_726 : vector<16xi1>, vector<16xf32>
      %exp3A_728 = math.exp %select_n3A_727 : vector<16xf32>
      tpu.vector_store_idx %arg17[%add3A_705, %broadcast_in_dim3A_712], %exp3A_728 : memref<400x16xf32, #tpu.memory_space<vmem>>[vector<16xi32>, vector<16xi32>], vector<16xf32>,
      %broadcast_in_dim3A_729 = arith.constant 3 : i32
      %broadcast_in_dim3A_730 = vector.broadcast %broadcast_in_dim3A_729 : i32 to vector<16xi32>
      %gather3A_731 = tpu.vector_load_idx %arg14[%add3A_705, %broadcast_in_dim3A_730] : memref<400x16xf32, #tpu.memory_space<vmem>>[vector<16xi32>, vector<16xi32>], vector<16xf32>,
      %add3A_732 = arith.constant 4 : i32
      %add3A_733 = vector.broadcast %add3A_732 : i32 to vector<16xi32>
      %add3A_734 = arith.addi %broadcast_in_dim3A_730, %add3A_733 : vector<16xi32>
      %gather3A_735 = tpu.vector_load_idx %arg15[%add3A_705, %add3A_734] : memref<400x16xf32, #tpu.memory_space<vmem>>[vector<16xi32>, vector<16xi32>], vector<16xf32>,
      %gather3A_736 = tpu.vector_load_idx %arg13[%add3A_705, %broadcast_in_dim3A_730] : memref<400x8xf32, #tpu.memory_space<vmem>>[vector<16xi32>, vector<16xi32>], vector<16xf32>,
      %add3A_737 = arith.addf %gather3A_731, %gather3A_735 : vector<16xf32>
      %add3A_738 = arith.addf %add3A_737, %gather3A_736 : vector<16xf32>
      %ge3A_739 = arith.constant 0.000000e+00 : f32
      %ge3A_740 = vector.broadcast %ge3A_739 : f32 to vector<16xf32>
      %ge3A_741 = arith.cmpf oge, %add3A_738, %ge3A_740 : vector<16xf32>
      %mul3A_742 = arith.constant 2.000000e-01 : f32
      %mul3A_743 = vector.broadcast %mul3A_742 : f32 to vector<16xf32>
      %mul3A_744 = arith.mulf %mul3A_743, %add3A_738 : vector<16xf32>
      %select_n3A_745 = arith.select %ge3A_741, %add3A_738, %mul3A_744 : vector<16xi1>, vector<16xf32>
      %exp3A_746 = math.exp %select_n3A_745 : vector<16xf32>
      tpu.vector_store_idx %arg17[%add3A_705, %broadcast_in_dim3A_730], %exp3A_746 : memref<400x16xf32, #tpu.memory_space<vmem>>[vector<16xi32>, vector<16xi32>], vector<16xf32>,
      %add3A_747 = arith.constant 192 : i32
      %add3A_748 = vector.broadcast %add3A_747 : i32 to vector<16xi32>
      %add3A_749 = arith.addi %iota3A, %add3A_748 : vector<16xi32>
      %eq3A_750 = arith.constant 0 : i32
      %eq3A_751 = arith.cmpi eq, %arg0, %eq3A_750 : i32
      %convert_element_type3A_752 = arith.extui %eq3A_751 : i1 to i32
      %cond3A_753 = arith.constant 0 : i32
      %cond3A_754 = arith.cmpi ne, %convert_element_type3A_752, %cond3A_753 : i32
      scf.if %cond3A_754 {
        %broadcast_in_dim3A_1352 = arith.constant 0 : i32
        %broadcast_in_dim3A_1353 = vector.broadcast %broadcast_in_dim3A_1352 : i32 to vector<16xi32>
        %gather3A_1354 = tpu.vector_load_idx %arg14[%add3A_749, %broadcast_in_dim3A_1353] : memref<400x16xf32, #tpu.memory_space<vmem>>[vector<16xi32>, vector<16xi32>], vector<16xf32>,
        %add3A_1355 = arith.constant 4 : i32
        %add3A_1356 = vector.broadcast %add3A_1355 : i32 to vector<16xi32>
        %add3A_1357 = arith.addi %broadcast_in_dim3A_1353, %add3A_1356 : vector<16xi32>
        %gather3A_1358 = tpu.vector_load_idx %arg15[%add3A_749, %add3A_1357] : memref<400x16xf32, #tpu.memory_space<vmem>>[vector<16xi32>, vector<16xi32>], vector<16xf32>,
        %gather3A_1359 = tpu.vector_load_idx %arg13[%add3A_749, %broadcast_in_dim3A_1353] : memref<400x8xf32, #tpu.memory_space<vmem>>[vector<16xi32>, vector<16xi32>], vector<16xf32>,
        %add3A_1360 = arith.addf %gather3A_1354, %gather3A_1358 : vector<16xf32>
        %add3A_1361 = arith.addf %add3A_1360, %gather3A_1359 : vector<16xf32>
        %ge3A_1362 = arith.constant 0.000000e+00 : f32
        %ge3A_1363 = vector.broadcast %ge3A_1362 : f32 to vector<16xf32>
        %ge3A_1364 = arith.cmpf oge, %add3A_1361, %ge3A_1363 : vector<16xf32>
        %mul3A_1365 = arith.constant 2.000000e-01 : f32
        %mul3A_1366 = vector.broadcast %mul3A_1365 : f32 to vector<16xf32>
        %mul3A_1367 = arith.mulf %mul3A_1366, %add3A_1361 : vector<16xf32>
        %select_n3A_1368 = arith.select %ge3A_1364, %add3A_1361, %mul3A_1367 : vector<16xi1>, vector<16xf32>
        %exp3A_1369 = math.exp %select_n3A_1368 : vector<16xf32>
        tpu.vector_store_idx %arg17[%add3A_749, %broadcast_in_dim3A_1353], %exp3A_1369 : memref<400x16xf32, #tpu.memory_space<vmem>>[vector<16xi32>, vector<16xi32>], vector<16xf32>,
        %broadcast_in_dim3A_1370 = arith.constant 1 : i32
        %broadcast_in_dim3A_1371 = vector.broadcast %broadcast_in_dim3A_1370 : i32 to vector<16xi32>
        %gather3A_1372 = tpu.vector_load_idx %arg14[%add3A_749, %broadcast_in_dim3A_1371] : memref<400x16xf32, #tpu.memory_space<vmem>>[vector<16xi32>, vector<16xi32>], vector<16xf32>,
        %add3A_1373 = arith.constant 4 : i32
        %add3A_1374 = vector.broadcast %add3A_1373 : i32 to vector<16xi32>
        %add3A_1375 = arith.addi %broadcast_in_dim3A_1371, %add3A_1374 : vector<16xi32>
        %gather3A_1376 = tpu.vector_load_idx %arg15[%add3A_749, %add3A_1375] : memref<400x16xf32, #tpu.memory_space<vmem>>[vector<16xi32>, vector<16xi32>], vector<16xf32>,
        %gather3A_1377 = tpu.vector_load_idx %arg13[%add3A_749, %broadcast_in_dim3A_1371] : memref<400x8xf32, #tpu.memory_space<vmem>>[vector<16xi32>, vector<16xi32>], vector<16xf32>,
        %add3A_1378 = arith.addf %gather3A_1372, %gather3A_1376 : vector<16xf32>
        %add3A_1379 = arith.addf %add3A_1378, %gather3A_1377 : vector<16xf32>
        %ge3A_1380 = arith.constant 0.000000e+00 : f32
        %ge3A_1381 = vector.broadcast %ge3A_1380 : f32 to vector<16xf32>
        %ge3A_1382 = arith.cmpf oge, %add3A_1379, %ge3A_1381 : vector<16xf32>
        %mul3A_1383 = arith.constant 2.000000e-01 : f32
        %mul3A_1384 = vector.broadcast %mul3A_1383 : f32 to vector<16xf32>
        %mul3A_1385 = arith.mulf %mul3A_1384, %add3A_1379 : vector<16xf32>
        %select_n3A_1386 = arith.select %ge3A_1382, %add3A_1379, %mul3A_1385 : vector<16xi1>, vector<16xf32>
        %exp3A_1387 = math.exp %select_n3A_1386 : vector<16xf32>
        tpu.vector_store_idx %arg17[%add3A_749, %broadcast_in_dim3A_1371], %exp3A_1387 : memref<400x16xf32, #tpu.memory_space<vmem>>[vector<16xi32>, vector<16xi32>], vector<16xf32>,
      } else {
      }
      %broadcast_in_dim3A_755 = arith.constant 2 : i32
      %broadcast_in_dim3A_756 = vector.broadcast %broadcast_in_dim3A_755 : i32 to vector<16xi32>
      %gather3A_757 = tpu.vector_load_idx %arg14[%add3A_749, %broadcast_in_dim3A_756] : memref<400x16xf32, #tpu.memory_space<vmem>>[vector<16xi32>, vector<16xi32>], vector<16xf32>,
      %add3A_758 = arith.constant 4 : i32
      %add3A_759 = vector.broadcast %add3A_758 : i32 to vector<16xi32>
      %add3A_760 = arith.addi %broadcast_in_dim3A_756, %add3A_759 : vector<16xi32>
      %gather3A_761 = tpu.vector_load_idx %arg15[%add3A_749, %add3A_760] : memref<400x16xf32, #tpu.memory_space<vmem>>[vector<16xi32>, vector<16xi32>], vector<16xf32>,
      %gather3A_762 = tpu.vector_load_idx %arg13[%add3A_749, %broadcast_in_dim3A_756] : memref<400x8xf32, #tpu.memory_space<vmem>>[vector<16xi32>, vector<16xi32>], vector<16xf32>,
      %add3A_763 = arith.addf %gather3A_757, %gather3A_761 : vector<16xf32>
      %add3A_764 = arith.addf %add3A_763, %gather3A_762 : vector<16xf32>
      %ge3A_765 = arith.constant 0.000000e+00 : f32
      %ge3A_766 = vector.broadcast %ge3A_765 : f32 to vector<16xf32>
      %ge3A_767 = arith.cmpf oge, %add3A_764, %ge3A_766 : vector<16xf32>
      %mul3A_768 = arith.constant 2.000000e-01 : f32
      %mul3A_769 = vector.broadcast %mul3A_768 : f32 to vector<16xf32>
      %mul3A_770 = arith.mulf %mul3A_769, %add3A_764 : vector<16xf32>
      %select_n3A_771 = arith.select %ge3A_767, %add3A_764, %mul3A_770 : vector<16xi1>, vector<16xf32>
      %exp3A_772 = math.exp %select_n3A_771 : vector<16xf32>
      tpu.vector_store_idx %arg17[%add3A_749, %broadcast_in_dim3A_756], %exp3A_772 : memref<400x16xf32, #tpu.memory_space<vmem>>[vector<16xi32>, vector<16xi32>], vector<16xf32>,
      %broadcast_in_dim3A_773 = arith.constant 3 : i32
      %broadcast_in_dim3A_774 = vector.broadcast %broadcast_in_dim3A_773 : i32 to vector<16xi32>
      %gather3A_775 = tpu.vector_load_idx %arg14[%add3A_749, %broadcast_in_dim3A_774] : memref<400x16xf32, #tpu.memory_space<vmem>>[vector<16xi32>, vector<16xi32>], vector<16xf32>,
      %add3A_776 = arith.constant 4 : i32
      %add3A_777 = vector.broadcast %add3A_776 : i32 to vector<16xi32>
      %add3A_778 = arith.addi %broadcast_in_dim3A_774, %add3A_777 : vector<16xi32>
      %gather3A_779 = tpu.vector_load_idx %arg15[%add3A_749, %add3A_778] : memref<400x16xf32, #tpu.memory_space<vmem>>[vector<16xi32>, vector<16xi32>], vector<16xf32>,
      %gather3A_780 = tpu.vector_load_idx %arg13[%add3A_749, %broadcast_in_dim3A_774] : memref<400x8xf32, #tpu.memory_space<vmem>>[vector<16xi32>, vector<16xi32>], vector<16xf32>,
      %add3A_781 = arith.addf %gather3A_775, %gather3A_779 : vector<16xf32>
      %add3A_782 = arith.addf %add3A_781, %gather3A_780 : vector<16xf32>
      %ge3A_783 = arith.constant 0.000000e+00 : f32
      %ge3A_784 = vector.broadcast %ge3A_783 : f32 to vector<16xf32>
      %ge3A_785 = arith.cmpf oge, %add3A_782, %ge3A_784 : vector<16xf32>
      %mul3A_786 = arith.constant 2.000000e-01 : f32
      %mul3A_787 = vector.broadcast %mul3A_786 : f32 to vector<16xf32>
      %mul3A_788 = arith.mulf %mul3A_787, %add3A_782 : vector<16xf32>
      %select_n3A_789 = arith.select %ge3A_785, %add3A_782, %mul3A_788 : vector<16xi1>, vector<16xf32>
      %exp3A_790 = math.exp %select_n3A_789 : vector<16xf32>
      tpu.vector_store_idx %arg17[%add3A_749, %broadcast_in_dim3A_774], %exp3A_790 : memref<400x16xf32, #tpu.memory_space<vmem>>[vector<16xi32>, vector<16xi32>], vector<16xf32>,
      %add3A_791 = arith.constant 208 : i32
      %add3A_792 = vector.broadcast %add3A_791 : i32 to vector<16xi32>
      %add3A_793 = arith.addi %iota3A, %add3A_792 : vector<16xi32>
      %eq3A_794 = arith.constant 0 : i32
      %eq3A_795 = arith.cmpi eq, %arg0, %eq3A_794 : i32
      %convert_element_type3A_796 = arith.extui %eq3A_795 : i1 to i32
      %cond3A_797 = arith.constant 0 : i32
      %cond3A_798 = arith.cmpi ne, %convert_element_type3A_796, %cond3A_797 : i32
      scf.if %cond3A_798 {
        %broadcast_in_dim3A_1352 = arith.constant 0 : i32
        %broadcast_in_dim3A_1353 = vector.broadcast %broadcast_in_dim3A_1352 : i32 to vector<16xi32>
        %gather3A_1354 = tpu.vector_load_idx %arg14[%add3A_793, %broadcast_in_dim3A_1353] : memref<400x16xf32, #tpu.memory_space<vmem>>[vector<16xi32>, vector<16xi32>], vector<16xf32>,
        %add3A_1355 = arith.constant 4 : i32
        %add3A_1356 = vector.broadcast %add3A_1355 : i32 to vector<16xi32>
        %add3A_1357 = arith.addi %broadcast_in_dim3A_1353, %add3A_1356 : vector<16xi32>
        %gather3A_1358 = tpu.vector_load_idx %arg15[%add3A_793, %add3A_1357] : memref<400x16xf32, #tpu.memory_space<vmem>>[vector<16xi32>, vector<16xi32>], vector<16xf32>,
        %gather3A_1359 = tpu.vector_load_idx %arg13[%add3A_793, %broadcast_in_dim3A_1353] : memref<400x8xf32, #tpu.memory_space<vmem>>[vector<16xi32>, vector<16xi32>], vector<16xf32>,
        %add3A_1360 = arith.addf %gather3A_1354, %gather3A_1358 : vector<16xf32>
        %add3A_1361 = arith.addf %add3A_1360, %gather3A_1359 : vector<16xf32>
        %ge3A_1362 = arith.constant 0.000000e+00 : f32
        %ge3A_1363 = vector.broadcast %ge3A_1362 : f32 to vector<16xf32>
        %ge3A_1364 = arith.cmpf oge, %add3A_1361, %ge3A_1363 : vector<16xf32>
        %mul3A_1365 = arith.constant 2.000000e-01 : f32
        %mul3A_1366 = vector.broadcast %mul3A_1365 : f32 to vector<16xf32>
        %mul3A_1367 = arith.mulf %mul3A_1366, %add3A_1361 : vector<16xf32>
        %select_n3A_1368 = arith.select %ge3A_1364, %add3A_1361, %mul3A_1367 : vector<16xi1>, vector<16xf32>
        %exp3A_1369 = math.exp %select_n3A_1368 : vector<16xf32>
        tpu.vector_store_idx %arg17[%add3A_793, %broadcast_in_dim3A_1353], %exp3A_1369 : memref<400x16xf32, #tpu.memory_space<vmem>>[vector<16xi32>, vector<16xi32>], vector<16xf32>,
        %broadcast_in_dim3A_1370 = arith.constant 1 : i32
        %broadcast_in_dim3A_1371 = vector.broadcast %broadcast_in_dim3A_1370 : i32 to vector<16xi32>
        %gather3A_1372 = tpu.vector_load_idx %arg14[%add3A_793, %broadcast_in_dim3A_1371] : memref<400x16xf32, #tpu.memory_space<vmem>>[vector<16xi32>, vector<16xi32>], vector<16xf32>,
        %add3A_1373 = arith.constant 4 : i32
        %add3A_1374 = vector.broadcast %add3A_1373 : i32 to vector<16xi32>
        %add3A_1375 = arith.addi %broadcast_in_dim3A_1371, %add3A_1374 : vector<16xi32>
        %gather3A_1376 = tpu.vector_load_idx %arg15[%add3A_793, %add3A_1375] : memref<400x16xf32, #tpu.memory_space<vmem>>[vector<16xi32>, vector<16xi32>], vector<16xf32>,
        %gather3A_1377 = tpu.vector_load_idx %arg13[%add3A_793, %broadcast_in_dim3A_1371] : memref<400x8xf32, #tpu.memory_space<vmem>>[vector<16xi32>, vector<16xi32>], vector<16xf32>,
        %add3A_1378 = arith.addf %gather3A_1372, %gather3A_1376 : vector<16xf32>
        %add3A_1379 = arith.addf %add3A_1378, %gather3A_1377 : vector<16xf32>
        %ge3A_1380 = arith.constant 0.000000e+00 : f32
        %ge3A_1381 = vector.broadcast %ge3A_1380 : f32 to vector<16xf32>
        %ge3A_1382 = arith.cmpf oge, %add3A_1379, %ge3A_1381 : vector<16xf32>
        %mul3A_1383 = arith.constant 2.000000e-01 : f32
        %mul3A_1384 = vector.broadcast %mul3A_1383 : f32 to vector<16xf32>
        %mul3A_1385 = arith.mulf %mul3A_1384, %add3A_1379 : vector<16xf32>
        %select_n3A_1386 = arith.select %ge3A_1382, %add3A_1379, %mul3A_1385 : vector<16xi1>, vector<16xf32>
        %exp3A_1387 = math.exp %select_n3A_1386 : vector<16xf32>
        tpu.vector_store_idx %arg17[%add3A_793, %broadcast_in_dim3A_1371], %exp3A_1387 : memref<400x16xf32, #tpu.memory_space<vmem>>[vector<16xi32>, vector<16xi32>], vector<16xf32>,
      } else {
      }
      %broadcast_in_dim3A_799 = arith.constant 2 : i32
      %broadcast_in_dim3A_800 = vector.broadcast %broadcast_in_dim3A_799 : i32 to vector<16xi32>
      %gather3A_801 = tpu.vector_load_idx %arg14[%add3A_793, %broadcast_in_dim3A_800] : memref<400x16xf32, #tpu.memory_space<vmem>>[vector<16xi32>, vector<16xi32>], vector<16xf32>,
      %add3A_802 = arith.constant 4 : i32
      %add3A_803 = vector.broadcast %add3A_802 : i32 to vector<16xi32>
      %add3A_804 = arith.addi %broadcast_in_dim3A_800, %add3A_803 : vector<16xi32>
      %gather3A_805 = tpu.vector_load_idx %arg15[%add3A_793, %add3A_804] : memref<400x16xf32, #tpu.memory_space<vmem>>[vector<16xi32>, vector<16xi32>], vector<16xf32>,
      %gather3A_806 = tpu.vector_load_idx %arg13[%add3A_793, %broadcast_in_dim3A_800] : memref<400x8xf32, #tpu.memory_space<vmem>>[vector<16xi32>, vector<16xi32>], vector<16xf32>,
      %add3A_807 = arith.addf %gather3A_801, %gather3A_805 : vector<16xf32>
      %add3A_808 = arith.addf %add3A_807, %gather3A_806 : vector<16xf32>
      %ge3A_809 = arith.constant 0.000000e+00 : f32
      %ge3A_810 = vector.broadcast %ge3A_809 : f32 to vector<16xf32>
      %ge3A_811 = arith.cmpf oge, %add3A_808, %ge3A_810 : vector<16xf32>
      %mul3A_812 = arith.constant 2.000000e-01 : f32
      %mul3A_813 = vector.broadcast %mul3A_812 : f32 to vector<16xf32>
      %mul3A_814 = arith.mulf %mul3A_813, %add3A_808 : vector<16xf32>
      %select_n3A_815 = arith.select %ge3A_811, %add3A_808, %mul3A_814 : vector<16xi1>, vector<16xf32>
      %exp3A_816 = math.exp %select_n3A_815 : vector<16xf32>
      tpu.vector_store_idx %arg17[%add3A_793, %broadcast_in_dim3A_800], %exp3A_816 : memref<400x16xf32, #tpu.memory_space<vmem>>[vector<16xi32>, vector<16xi32>], vector<16xf32>,
      %broadcast_in_dim3A_817 = arith.constant 3 : i32
      %broadcast_in_dim3A_818 = vector.broadcast %broadcast_in_dim3A_817 : i32 to vector<16xi32>
      %gather3A_819 = tpu.vector_load_idx %arg14[%add3A_793, %broadcast_in_dim3A_818] : memref<400x16xf32, #tpu.memory_space<vmem>>[vector<16xi32>, vector<16xi32>], vector<16xf32>,
      %add3A_820 = arith.constant 4 : i32
      %add3A_821 = vector.broadcast %add3A_820 : i32 to vector<16xi32>
      %add3A_822 = arith.addi %broadcast_in_dim3A_818, %add3A_821 : vector<16xi32>
      %gather3A_823 = tpu.vector_load_idx %arg15[%add3A_793, %add3A_822] : memref<400x16xf32, #tpu.memory_space<vmem>>[vector<16xi32>, vector<16xi32>], vector<16xf32>,
      %gather3A_824 = tpu.vector_load_idx %arg13[%add3A_793, %broadcast_in_dim3A_818] : memref<400x8xf32, #tpu.memory_space<vmem>>[vector<16xi32>, vector<16xi32>], vector<16xf32>,
      %add3A_825 = arith.addf %gather3A_819, %gather3A_823 : vector<16xf32>
      %add3A_826 = arith.addf %add3A_825, %gather3A_824 : vector<16xf32>
      %ge3A_827 = arith.constant 0.000000e+00 : f32
      %ge3A_828 = vector.broadcast %ge3A_827 : f32 to vector<16xf32>
      %ge3A_829 = arith.cmpf oge, %add3A_826, %ge3A_828 : vector<16xf32>
      %mul3A_830 = arith.constant 2.000000e-01 : f32
      %mul3A_831 = vector.broadcast %mul3A_830 : f32 to vector<16xf32>
      %mul3A_832 = arith.mulf %mul3A_831, %add3A_826 : vector<16xf32>
      %select_n3A_833 = arith.select %ge3A_829, %add3A_826, %mul3A_832 : vector<16xi1>, vector<16xf32>
      %exp3A_834 = math.exp %select_n3A_833 : vector<16xf32>
      tpu.vector_store_idx %arg17[%add3A_793, %broadcast_in_dim3A_818], %exp3A_834 : memref<400x16xf32, #tpu.memory_space<vmem>>[vector<16xi32>, vector<16xi32>], vector<16xf32>,
      %add3A_835 = arith.constant 224 : i32
      %add3A_836 = vector.broadcast %add3A_835 : i32 to vector<16xi32>
      %add3A_837 = arith.addi %iota3A, %add3A_836 : vector<16xi32>
      %eq3A_838 = arith.constant 0 : i32
      %eq3A_839 = arith.cmpi eq, %arg0, %eq3A_838 : i32
      %convert_element_type3A_840 = arith.extui %eq3A_839 : i1 to i32
      %cond3A_841 = arith.constant 0 : i32
      %cond3A_842 = arith.cmpi ne, %convert_element_type3A_840, %cond3A_841 : i32
      scf.if %cond3A_842 {
        %broadcast_in_dim3A_1352 = arith.constant 0 : i32
        %broadcast_in_dim3A_1353 = vector.broadcast %broadcast_in_dim3A_1352 : i32 to vector<16xi32>
        %gather3A_1354 = tpu.vector_load_idx %arg14[%add3A_837, %broadcast_in_dim3A_1353] : memref<400x16xf32, #tpu.memory_space<vmem>>[vector<16xi32>, vector<16xi32>], vector<16xf32>,
        %add3A_1355 = arith.constant 4 : i32
        %add3A_1356 = vector.broadcast %add3A_1355 : i32 to vector<16xi32>
        %add3A_1357 = arith.addi %broadcast_in_dim3A_1353, %add3A_1356 : vector<16xi32>
        %gather3A_1358 = tpu.vector_load_idx %arg15[%add3A_837, %add3A_1357] : memref<400x16xf32, #tpu.memory_space<vmem>>[vector<16xi32>, vector<16xi32>], vector<16xf32>,
        %gather3A_1359 = tpu.vector_load_idx %arg13[%add3A_837, %broadcast_in_dim3A_1353] : memref<400x8xf32, #tpu.memory_space<vmem>>[vector<16xi32>, vector<16xi32>], vector<16xf32>,
        %add3A_1360 = arith.addf %gather3A_1354, %gather3A_1358 : vector<16xf32>
        %add3A_1361 = arith.addf %add3A_1360, %gather3A_1359 : vector<16xf32>
        %ge3A_1362 = arith.constant 0.000000e+00 : f32
        %ge3A_1363 = vector.broadcast %ge3A_1362 : f32 to vector<16xf32>
        %ge3A_1364 = arith.cmpf oge, %add3A_1361, %ge3A_1363 : vector<16xf32>
        %mul3A_1365 = arith.constant 2.000000e-01 : f32
        %mul3A_1366 = vector.broadcast %mul3A_1365 : f32 to vector<16xf32>
        %mul3A_1367 = arith.mulf %mul3A_1366, %add3A_1361 : vector<16xf32>
        %select_n3A_1368 = arith.select %ge3A_1364, %add3A_1361, %mul3A_1367 : vector<16xi1>, vector<16xf32>
        %exp3A_1369 = math.exp %select_n3A_1368 : vector<16xf32>
        tpu.vector_store_idx %arg17[%add3A_837, %broadcast_in_dim3A_1353], %exp3A_1369 : memref<400x16xf32, #tpu.memory_space<vmem>>[vector<16xi32>, vector<16xi32>], vector<16xf32>,
        %broadcast_in_dim3A_1370 = arith.constant 1 : i32
        %broadcast_in_dim3A_1371 = vector.broadcast %broadcast_in_dim3A_1370 : i32 to vector<16xi32>
        %gather3A_1372 = tpu.vector_load_idx %arg14[%add3A_837, %broadcast_in_dim3A_1371] : memref<400x16xf32, #tpu.memory_space<vmem>>[vector<16xi32>, vector<16xi32>], vector<16xf32>,
        %add3A_1373 = arith.constant 4 : i32
        %add3A_1374 = vector.broadcast %add3A_1373 : i32 to vector<16xi32>
        %add3A_1375 = arith.addi %broadcast_in_dim3A_1371, %add3A_1374 : vector<16xi32>
        %gather3A_1376 = tpu.vector_load_idx %arg15[%add3A_837, %add3A_1375] : memref<400x16xf32, #tpu.memory_space<vmem>>[vector<16xi32>, vector<16xi32>], vector<16xf32>,
        %gather3A_1377 = tpu.vector_load_idx %arg13[%add3A_837, %broadcast_in_dim3A_1371] : memref<400x8xf32, #tpu.memory_space<vmem>>[vector<16xi32>, vector<16xi32>], vector<16xf32>,
        %add3A_1378 = arith.addf %gather3A_1372, %gather3A_1376 : vector<16xf32>
        %add3A_1379 = arith.addf %add3A_1378, %gather3A_1377 : vector<16xf32>
        %ge3A_1380 = arith.constant 0.000000e+00 : f32
        %ge3A_1381 = vector.broadcast %ge3A_1380 : f32 to vector<16xf32>
        %ge3A_1382 = arith.cmpf oge, %add3A_1379, %ge3A_1381 : vector<16xf32>
        %mul3A_1383 = arith.constant 2.000000e-01 : f32
        %mul3A_1384 = vector.broadcast %mul3A_1383 : f32 to vector<16xf32>
        %mul3A_1385 = arith.mulf %mul3A_1384, %add3A_1379 : vector<16xf32>
        %select_n3A_1386 = arith.select %ge3A_1382, %add3A_1379, %mul3A_1385 : vector<16xi1>, vector<16xf32>
        %exp3A_1387 = math.exp %select_n3A_1386 : vector<16xf32>
        tpu.vector_store_idx %arg17[%add3A_837, %broadcast_in_dim3A_1371], %exp3A_1387 : memref<400x16xf32, #tpu.memory_space<vmem>>[vector<16xi32>, vector<16xi32>], vector<16xf32>,
      } else {
      }
      %broadcast_in_dim3A_843 = arith.constant 2 : i32
      %broadcast_in_dim3A_844 = vector.broadcast %broadcast_in_dim3A_843 : i32 to vector<16xi32>
      %gather3A_845 = tpu.vector_load_idx %arg14[%add3A_837, %broadcast_in_dim3A_844] : memref<400x16xf32, #tpu.memory_space<vmem>>[vector<16xi32>, vector<16xi32>], vector<16xf32>,
      %add3A_846 = arith.constant 4 : i32
      %add3A_847 = vector.broadcast %add3A_846 : i32 to vector<16xi32>
      %add3A_848 = arith.addi %broadcast_in_dim3A_844, %add3A_847 : vector<16xi32>
      %gather3A_849 = tpu.vector_load_idx %arg15[%add3A_837, %add3A_848] : memref<400x16xf32, #tpu.memory_space<vmem>>[vector<16xi32>, vector<16xi32>], vector<16xf32>,
      %gather3A_850 = tpu.vector_load_idx %arg13[%add3A_837, %broadcast_in_dim3A_844] : memref<400x8xf32, #tpu.memory_space<vmem>>[vector<16xi32>, vector<16xi32>], vector<16xf32>,
      %add3A_851 = arith.addf %gather3A_845, %gather3A_849 : vector<16xf32>
      %add3A_852 = arith.addf %add3A_851, %gather3A_850 : vector<16xf32>
      %ge3A_853 = arith.constant 0.000000e+00 : f32
      %ge3A_854 = vector.broadcast %ge3A_853 : f32 to vector<16xf32>
      %ge3A_855 = arith.cmpf oge, %add3A_852, %ge3A_854 : vector<16xf32>
      %mul3A_856 = arith.constant 2.000000e-01 : f32
      %mul3A_857 = vector.broadcast %mul3A_856 : f32 to vector<16xf32>
      %mul3A_858 = arith.mulf %mul3A_857, %add3A_852 : vector<16xf32>
      %select_n3A_859 = arith.select %ge3A_855, %add3A_852, %mul3A_858 : vector<16xi1>, vector<16xf32>
      %exp3A_860 = math.exp %select_n3A_859 : vector<16xf32>
      tpu.vector_store_idx %arg17[%add3A_837, %broadcast_in_dim3A_844], %exp3A_860 : memref<400x16xf32, #tpu.memory_space<vmem>>[vector<16xi32>, vector<16xi32>], vector<16xf32>,
      %broadcast_in_dim3A_861 = arith.constant 3 : i32
      %broadcast_in_dim3A_862 = vector.broadcast %broadcast_in_dim3A_861 : i32 to vector<16xi32>
      %gather3A_863 = tpu.vector_load_idx %arg14[%add3A_837, %broadcast_in_dim3A_862] : memref<400x16xf32, #tpu.memory_space<vmem>>[vector<16xi32>, vector<16xi32>], vector<16xf32>,
      %add3A_864 = arith.constant 4 : i32
      %add3A_865 = vector.broadcast %add3A_864 : i32 to vector<16xi32>
      %add3A_866 = arith.addi %broadcast_in_dim3A_862, %add3A_865 : vector<16xi32>
      %gather3A_867 = tpu.vector_load_idx %arg15[%add3A_837, %add3A_866] : memref<400x16xf32, #tpu.memory_space<vmem>>[vector<16xi32>, vector<16xi32>], vector<16xf32>,
      %gather3A_868 = tpu.vector_load_idx %arg13[%add3A_837, %broadcast_in_dim3A_862] : memref<400x8xf32, #tpu.memory_space<vmem>>[vector<16xi32>, vector<16xi32>], vector<16xf32>,
      %add3A_869 = arith.addf %gather3A_863, %gather3A_867 : vector<16xf32>
      %add3A_870 = arith.addf %add3A_869, %gather3A_868 : vector<16xf32>
      %ge3A_871 = arith.constant 0.000000e+00 : f32
      %ge3A_872 = vector.broadcast %ge3A_871 : f32 to vector<16xf32>
      %ge3A_873 = arith.cmpf oge, %add3A_870, %ge3A_872 : vector<16xf32>
      %mul3A_874 = arith.constant 2.000000e-01 : f32
      %mul3A_875 = vector.broadcast %mul3A_874 : f32 to vector<16xf32>
      %mul3A_876 = arith.mulf %mul3A_875, %add3A_870 : vector<16xf32>
      %select_n3A_877 = arith.select %ge3A_873, %add3A_870, %mul3A_876 : vector<16xi1>, vector<16xf32>
      %exp3A_878 = math.exp %select_n3A_877 : vector<16xf32>
      tpu.vector_store_idx %arg17[%add3A_837, %broadcast_in_dim3A_862], %exp3A_878 : memref<400x16xf32, #tpu.memory_space<vmem>>[vector<16xi32>, vector<16xi32>], vector<16xf32>,
      %add3A_879 = arith.constant 240 : i32
      %add3A_880 = vector.broadcast %add3A_879 : i32 to vector<16xi32>
      %add3A_881 = arith.addi %iota3A, %add3A_880 : vector<16xi32>
      %eq3A_882 = arith.constant 0 : i32
      %eq3A_883 = arith.cmpi eq, %arg0, %eq3A_882 : i32
      %convert_element_type3A_884 = arith.extui %eq3A_883 : i1 to i32
      %cond3A_885 = arith.constant 0 : i32
      %cond3A_886 = arith.cmpi ne, %convert_element_type3A_884, %cond3A_885 : i32
      scf.if %cond3A_886 {
        %broadcast_in_dim3A_1352 = arith.constant 0 : i32
        %broadcast_in_dim3A_1353 = vector.broadcast %broadcast_in_dim3A_1352 : i32 to vector<16xi32>
        %gather3A_1354 = tpu.vector_load_idx %arg14[%add3A_881, %broadcast_in_dim3A_1353] : memref<400x16xf32, #tpu.memory_space<vmem>>[vector<16xi32>, vector<16xi32>], vector<16xf32>,
        %add3A_1355 = arith.constant 4 : i32
        %add3A_1356 = vector.broadcast %add3A_1355 : i32 to vector<16xi32>
        %add3A_1357 = arith.addi %broadcast_in_dim3A_1353, %add3A_1356 : vector<16xi32>
        %gather3A_1358 = tpu.vector_load_idx %arg15[%add3A_881, %add3A_1357] : memref<400x16xf32, #tpu.memory_space<vmem>>[vector<16xi32>, vector<16xi32>], vector<16xf32>,
        %gather3A_1359 = tpu.vector_load_idx %arg13[%add3A_881, %broadcast_in_dim3A_1353] : memref<400x8xf32, #tpu.memory_space<vmem>>[vector<16xi32>, vector<16xi32>], vector<16xf32>,
        %add3A_1360 = arith.addf %gather3A_1354, %gather3A_1358 : vector<16xf32>
        %add3A_1361 = arith.addf %add3A_1360, %gather3A_1359 : vector<16xf32>
        %ge3A_1362 = arith.constant 0.000000e+00 : f32
        %ge3A_1363 = vector.broadcast %ge3A_1362 : f32 to vector<16xf32>
        %ge3A_1364 = arith.cmpf oge, %add3A_1361, %ge3A_1363 : vector<16xf32>
        %mul3A_1365 = arith.constant 2.000000e-01 : f32
        %mul3A_1366 = vector.broadcast %mul3A_1365 : f32 to vector<16xf32>
        %mul3A_1367 = arith.mulf %mul3A_1366, %add3A_1361 : vector<16xf32>
        %select_n3A_1368 = arith.select %ge3A_1364, %add3A_1361, %mul3A_1367 : vector<16xi1>, vector<16xf32>
        %exp3A_1369 = math.exp %select_n3A_1368 : vector<16xf32>
        tpu.vector_store_idx %arg17[%add3A_881, %broadcast_in_dim3A_1353], %exp3A_1369 : memref<400x16xf32, #tpu.memory_space<vmem>>[vector<16xi32>, vector<16xi32>], vector<16xf32>,
        %broadcast_in_dim3A_1370 = arith.constant 1 : i32
        %broadcast_in_dim3A_1371 = vector.broadcast %broadcast_in_dim3A_1370 : i32 to vector<16xi32>
        %gather3A_1372 = tpu.vector_load_idx %arg14[%add3A_881, %broadcast_in_dim3A_1371] : memref<400x16xf32, #tpu.memory_space<vmem>>[vector<16xi32>, vector<16xi32>], vector<16xf32>,
        %add3A_1373 = arith.constant 4 : i32
        %add3A_1374 = vector.broadcast %add3A_1373 : i32 to vector<16xi32>
        %add3A_1375 = arith.addi %broadcast_in_dim3A_1371, %add3A_1374 : vector<16xi32>
        %gather3A_1376 = tpu.vector_load_idx %arg15[%add3A_881, %add3A_1375] : memref<400x16xf32, #tpu.memory_space<vmem>>[vector<16xi32>, vector<16xi32>], vector<16xf32>,
        %gather3A_1377 = tpu.vector_load_idx %arg13[%add3A_881, %broadcast_in_dim3A_1371] : memref<400x8xf32, #tpu.memory_space<vmem>>[vector<16xi32>, vector<16xi32>], vector<16xf32>,
        %add3A_1378 = arith.addf %gather3A_1372, %gather3A_1376 : vector<16xf32>
        %add3A_1379 = arith.addf %add3A_1378, %gather3A_1377 : vector<16xf32>
        %ge3A_1380 = arith.constant 0.000000e+00 : f32
        %ge3A_1381 = vector.broadcast %ge3A_1380 : f32 to vector<16xf32>
        %ge3A_1382 = arith.cmpf oge, %add3A_1379, %ge3A_1381 : vector<16xf32>
        %mul3A_1383 = arith.constant 2.000000e-01 : f32
        %mul3A_1384 = vector.broadcast %mul3A_1383 : f32 to vector<16xf32>
        %mul3A_1385 = arith.mulf %mul3A_1384, %add3A_1379 : vector<16xf32>
        %select_n3A_1386 = arith.select %ge3A_1382, %add3A_1379, %mul3A_1385 : vector<16xi1>, vector<16xf32>
        %exp3A_1387 = math.exp %select_n3A_1386 : vector<16xf32>
        tpu.vector_store_idx %arg17[%add3A_881, %broadcast_in_dim3A_1371], %exp3A_1387 : memref<400x16xf32, #tpu.memory_space<vmem>>[vector<16xi32>, vector<16xi32>], vector<16xf32>,
      } else {
      }
      %broadcast_in_dim3A_887 = arith.constant 2 : i32
      %broadcast_in_dim3A_888 = vector.broadcast %broadcast_in_dim3A_887 : i32 to vector<16xi32>
      %gather3A_889 = tpu.vector_load_idx %arg14[%add3A_881, %broadcast_in_dim3A_888] : memref<400x16xf32, #tpu.memory_space<vmem>>[vector<16xi32>, vector<16xi32>], vector<16xf32>,
      %add3A_890 = arith.constant 4 : i32
      %add3A_891 = vector.broadcast %add3A_890 : i32 to vector<16xi32>
      %add3A_892 = arith.addi %broadcast_in_dim3A_888, %add3A_891 : vector<16xi32>
      %gather3A_893 = tpu.vector_load_idx %arg15[%add3A_881, %add3A_892] : memref<400x16xf32, #tpu.memory_space<vmem>>[vector<16xi32>, vector<16xi32>], vector<16xf32>,
      %gather3A_894 = tpu.vector_load_idx %arg13[%add3A_881, %broadcast_in_dim3A_888] : memref<400x8xf32, #tpu.memory_space<vmem>>[vector<16xi32>, vector<16xi32>], vector<16xf32>,
      %add3A_895 = arith.addf %gather3A_889, %gather3A_893 : vector<16xf32>
      %add3A_896 = arith.addf %add3A_895, %gather3A_894 : vector<16xf32>
      %ge3A_897 = arith.constant 0.000000e+00 : f32
      %ge3A_898 = vector.broadcast %ge3A_897 : f32 to vector<16xf32>
      %ge3A_899 = arith.cmpf oge, %add3A_896, %ge3A_898 : vector<16xf32>
      %mul3A_900 = arith.constant 2.000000e-01 : f32
      %mul3A_901 = vector.broadcast %mul3A_900 : f32 to vector<16xf32>
      %mul3A_902 = arith.mulf %mul3A_901, %add3A_896 : vector<16xf32>
      %select_n3A_903 = arith.select %ge3A_899, %add3A_896, %mul3A_902 : vector<16xi1>, vector<16xf32>
      %exp3A_904 = math.exp %select_n3A_903 : vector<16xf32>
      tpu.vector_store_idx %arg17[%add3A_881, %broadcast_in_dim3A_888], %exp3A_904 : memref<400x16xf32, #tpu.memory_space<vmem>>[vector<16xi32>, vector<16xi32>], vector<16xf32>,
      %broadcast_in_dim3A_905 = arith.constant 3 : i32
      %broadcast_in_dim3A_906 = vector.broadcast %broadcast_in_dim3A_905 : i32 to vector<16xi32>
      %gather3A_907 = tpu.vector_load_idx %arg14[%add3A_881, %broadcast_in_dim3A_906] : memref<400x16xf32, #tpu.memory_space<vmem>>[vector<16xi32>, vector<16xi32>], vector<16xf32>,
      %add3A_908 = arith.constant 4 : i32
      %add3A_909 = vector.broadcast %add3A_908 : i32 to vector<16xi32>
      %add3A_910 = arith.addi %broadcast_in_dim3A_906, %add3A_909 : vector<16xi32>
      %gather3A_911 = tpu.vector_load_idx %arg15[%add3A_881, %add3A_910] : memref<400x16xf32, #tpu.memory_space<vmem>>[vector<16xi32>, vector<16xi32>], vector<16xf32>,
      %gather3A_912 = tpu.vector_load_idx %arg13[%add3A_881, %broadcast_in_dim3A_906] : memref<400x8xf32, #tpu.memory_space<vmem>>[vector<16xi32>, vector<16xi32>], vector<16xf32>,
      %add3A_913 = arith.addf %gather3A_907, %gather3A_911 : vector<16xf32>
      %add3A_914 = arith.addf %add3A_913, %gather3A_912 : vector<16xf32>
      %ge3A_915 = arith.constant 0.000000e+00 : f32
      %ge3A_916 = vector.broadcast %ge3A_915 : f32 to vector<16xf32>
      %ge3A_917 = arith.cmpf oge, %add3A_914, %ge3A_916 : vector<16xf32>
      %mul3A_918 = arith.constant 2.000000e-01 : f32
      %mul3A_919 = vector.broadcast %mul3A_918 : f32 to vector<16xf32>
      %mul3A_920 = arith.mulf %mul3A_919, %add3A_914 : vector<16xf32>
      %select_n3A_921 = arith.select %ge3A_917, %add3A_914, %mul3A_920 : vector<16xi1>, vector<16xf32>
      %exp3A_922 = math.exp %select_n3A_921 : vector<16xf32>
      tpu.vector_store_idx %arg17[%add3A_881, %broadcast_in_dim3A_906], %exp3A_922 : memref<400x16xf32, #tpu.memory_space<vmem>>[vector<16xi32>, vector<16xi32>], vector<16xf32>,
      %add3A_923 = arith.constant 256 : i32
      %add3A_924 = vector.broadcast %add3A_923 : i32 to vector<16xi32>
      %add3A_925 = arith.addi %iota3A, %add3A_924 : vector<16xi32>
      %eq3A_926 = arith.constant 0 : i32
      %eq3A_927 = arith.cmpi eq, %arg0, %eq3A_926 : i32
      %convert_element_type3A_928 = arith.extui %eq3A_927 : i1 to i32
      %cond3A_929 = arith.constant 0 : i32
      %cond3A_930 = arith.cmpi ne, %convert_element_type3A_928, %cond3A_929 : i32
      scf.if %cond3A_930 {
        %broadcast_in_dim3A_1352 = arith.constant 0 : i32
        %broadcast_in_dim3A_1353 = vector.broadcast %broadcast_in_dim3A_1352 : i32 to vector<16xi32>
        %gather3A_1354 = tpu.vector_load_idx %arg14[%add3A_925, %broadcast_in_dim3A_1353] : memref<400x16xf32, #tpu.memory_space<vmem>>[vector<16xi32>, vector<16xi32>], vector<16xf32>,
        %add3A_1355 = arith.constant 4 : i32
        %add3A_1356 = vector.broadcast %add3A_1355 : i32 to vector<16xi32>
        %add3A_1357 = arith.addi %broadcast_in_dim3A_1353, %add3A_1356 : vector<16xi32>
        %gather3A_1358 = tpu.vector_load_idx %arg15[%add3A_925, %add3A_1357] : memref<400x16xf32, #tpu.memory_space<vmem>>[vector<16xi32>, vector<16xi32>], vector<16xf32>,
        %gather3A_1359 = tpu.vector_load_idx %arg13[%add3A_925, %broadcast_in_dim3A_1353] : memref<400x8xf32, #tpu.memory_space<vmem>>[vector<16xi32>, vector<16xi32>], vector<16xf32>,
        %add3A_1360 = arith.addf %gather3A_1354, %gather3A_1358 : vector<16xf32>
        %add3A_1361 = arith.addf %add3A_1360, %gather3A_1359 : vector<16xf32>
        %ge3A_1362 = arith.constant 0.000000e+00 : f32
        %ge3A_1363 = vector.broadcast %ge3A_1362 : f32 to vector<16xf32>
        %ge3A_1364 = arith.cmpf oge, %add3A_1361, %ge3A_1363 : vector<16xf32>
        %mul3A_1365 = arith.constant 2.000000e-01 : f32
        %mul3A_1366 = vector.broadcast %mul3A_1365 : f32 to vector<16xf32>
        %mul3A_1367 = arith.mulf %mul3A_1366, %add3A_1361 : vector<16xf32>
        %select_n3A_1368 = arith.select %ge3A_1364, %add3A_1361, %mul3A_1367 : vector<16xi1>, vector<16xf32>
        %exp3A_1369 = math.exp %select_n3A_1368 : vector<16xf32>
        tpu.vector_store_idx %arg17[%add3A_925, %broadcast_in_dim3A_1353], %exp3A_1369 : memref<400x16xf32, #tpu.memory_space<vmem>>[vector<16xi32>, vector<16xi32>], vector<16xf32>,
        %broadcast_in_dim3A_1370 = arith.constant 1 : i32
        %broadcast_in_dim3A_1371 = vector.broadcast %broadcast_in_dim3A_1370 : i32 to vector<16xi32>
        %gather3A_1372 = tpu.vector_load_idx %arg14[%add3A_925, %broadcast_in_dim3A_1371] : memref<400x16xf32, #tpu.memory_space<vmem>>[vector<16xi32>, vector<16xi32>], vector<16xf32>,
        %add3A_1373 = arith.constant 4 : i32
        %add3A_1374 = vector.broadcast %add3A_1373 : i32 to vector<16xi32>
        %add3A_1375 = arith.addi %broadcast_in_dim3A_1371, %add3A_1374 : vector<16xi32>
        %gather3A_1376 = tpu.vector_load_idx %arg15[%add3A_925, %add3A_1375] : memref<400x16xf32, #tpu.memory_space<vmem>>[vector<16xi32>, vector<16xi32>], vector<16xf32>,
        %gather3A_1377 = tpu.vector_load_idx %arg13[%add3A_925, %broadcast_in_dim3A_1371] : memref<400x8xf32, #tpu.memory_space<vmem>>[vector<16xi32>, vector<16xi32>], vector<16xf32>,
        %add3A_1378 = arith.addf %gather3A_1372, %gather3A_1376 : vector<16xf32>
        %add3A_1379 = arith.addf %add3A_1378, %gather3A_1377 : vector<16xf32>
        %ge3A_1380 = arith.constant 0.000000e+00 : f32
        %ge3A_1381 = vector.broadcast %ge3A_1380 : f32 to vector<16xf32>
        %ge3A_1382 = arith.cmpf oge, %add3A_1379, %ge3A_1381 : vector<16xf32>
        %mul3A_1383 = arith.constant 2.000000e-01 : f32
        %mul3A_1384 = vector.broadcast %mul3A_1383 : f32 to vector<16xf32>
        %mul3A_1385 = arith.mulf %mul3A_1384, %add3A_1379 : vector<16xf32>
        %select_n3A_1386 = arith.select %ge3A_1382, %add3A_1379, %mul3A_1385 : vector<16xi1>, vector<16xf32>
        %exp3A_1387 = math.exp %select_n3A_1386 : vector<16xf32>
        tpu.vector_store_idx %arg17[%add3A_925, %broadcast_in_dim3A_1371], %exp3A_1387 : memref<400x16xf32, #tpu.memory_space<vmem>>[vector<16xi32>, vector<16xi32>], vector<16xf32>,
      } else {
      }
      %broadcast_in_dim3A_931 = arith.constant 2 : i32
      %broadcast_in_dim3A_932 = vector.broadcast %broadcast_in_dim3A_931 : i32 to vector<16xi32>
      %gather3A_933 = tpu.vector_load_idx %arg14[%add3A_925, %broadcast_in_dim3A_932] : memref<400x16xf32, #tpu.memory_space<vmem>>[vector<16xi32>, vector<16xi32>], vector<16xf32>,
      %add3A_934 = arith.constant 4 : i32
      %add3A_935 = vector.broadcast %add3A_934 : i32 to vector<16xi32>
      %add3A_936 = arith.addi %broadcast_in_dim3A_932, %add3A_935 : vector<16xi32>
      %gather3A_937 = tpu.vector_load_idx %arg15[%add3A_925, %add3A_936] : memref<400x16xf32, #tpu.memory_space<vmem>>[vector<16xi32>, vector<16xi32>], vector<16xf32>,
      %gather3A_938 = tpu.vector_load_idx %arg13[%add3A_925, %broadcast_in_dim3A_932] : memref<400x8xf32, #tpu.memory_space<vmem>>[vector<16xi32>, vector<16xi32>], vector<16xf32>,
      %add3A_939 = arith.addf %gather3A_933, %gather3A_937 : vector<16xf32>
      %add3A_940 = arith.addf %add3A_939, %gather3A_938 : vector<16xf32>
      %ge3A_941 = arith.constant 0.000000e+00 : f32
      %ge3A_942 = vector.broadcast %ge3A_941 : f32 to vector<16xf32>
      %ge3A_943 = arith.cmpf oge, %add3A_940, %ge3A_942 : vector<16xf32>
      %mul3A_944 = arith.constant 2.000000e-01 : f32
      %mul3A_945 = vector.broadcast %mul3A_944 : f32 to vector<16xf32>
      %mul3A_946 = arith.mulf %mul3A_945, %add3A_940 : vector<16xf32>
      %select_n3A_947 = arith.select %ge3A_943, %add3A_940, %mul3A_946 : vector<16xi1>, vector<16xf32>
      %exp3A_948 = math.exp %select_n3A_947 : vector<16xf32>
      tpu.vector_store_idx %arg17[%add3A_925, %broadcast_in_dim3A_932], %exp3A_948 : memref<400x16xf32, #tpu.memory_space<vmem>>[vector<16xi32>, vector<16xi32>], vector<16xf32>,
      %broadcast_in_dim3A_949 = arith.constant 3 : i32
      %broadcast_in_dim3A_950 = vector.broadcast %broadcast_in_dim3A_949 : i32 to vector<16xi32>
      %gather3A_951 = tpu.vector_load_idx %arg14[%add3A_925, %broadcast_in_dim3A_950] : memref<400x16xf32, #tpu.memory_space<vmem>>[vector<16xi32>, vector<16xi32>], vector<16xf32>,
      %add3A_952 = arith.constant 4 : i32
      %add3A_953 = vector.broadcast %add3A_952 : i32 to vector<16xi32>
      %add3A_954 = arith.addi %broadcast_in_dim3A_950, %add3A_953 : vector<16xi32>
      %gather3A_955 = tpu.vector_load_idx %arg15[%add3A_925, %add3A_954] : memref<400x16xf32, #tpu.memory_space<vmem>>[vector<16xi32>, vector<16xi32>], vector<16xf32>,
      %gather3A_956 = tpu.vector_load_idx %arg13[%add3A_925, %broadcast_in_dim3A_950] : memref<400x8xf32, #tpu.memory_space<vmem>>[vector<16xi32>, vector<16xi32>], vector<16xf32>,
      %add3A_957 = arith.addf %gather3A_951, %gather3A_955 : vector<16xf32>
      %add3A_958 = arith.addf %add3A_957, %gather3A_956 : vector<16xf32>
      %ge3A_959 = arith.constant 0.000000e+00 : f32
      %ge3A_960 = vector.broadcast %ge3A_959 : f32 to vector<16xf32>
      %ge3A_961 = arith.cmpf oge, %add3A_958, %ge3A_960 : vector<16xf32>
      %mul3A_962 = arith.constant 2.000000e-01 : f32
      %mul3A_963 = vector.broadcast %mul3A_962 : f32 to vector<16xf32>
      %mul3A_964 = arith.mulf %mul3A_963, %add3A_958 : vector<16xf32>
      %select_n3A_965 = arith.select %ge3A_961, %add3A_958, %mul3A_964 : vector<16xi1>, vector<16xf32>
      %exp3A_966 = math.exp %select_n3A_965 : vector<16xf32>
      tpu.vector_store_idx %arg17[%add3A_925, %broadcast_in_dim3A_950], %exp3A_966 : memref<400x16xf32, #tpu.memory_space<vmem>>[vector<16xi32>, vector<16xi32>], vector<16xf32>,
      %add3A_967 = arith.constant 272 : i32
      %add3A_968 = vector.broadcast %add3A_967 : i32 to vector<16xi32>
      %add3A_969 = arith.addi %iota3A, %add3A_968 : vector<16xi32>
      %eq3A_970 = arith.constant 0 : i32
      %eq3A_971 = arith.cmpi eq, %arg0, %eq3A_970 : i32
      %convert_element_type3A_972 = arith.extui %eq3A_971 : i1 to i32
      %cond3A_973 = arith.constant 0 : i32
      %cond3A_974 = arith.cmpi ne, %convert_element_type3A_972, %cond3A_973 : i32
      scf.if %cond3A_974 {
        %broadcast_in_dim3A_1352 = arith.constant 0 : i32
        %broadcast_in_dim3A_1353 = vector.broadcast %broadcast_in_dim3A_1352 : i32 to vector<16xi32>
        %gather3A_1354 = tpu.vector_load_idx %arg14[%add3A_969, %broadcast_in_dim3A_1353] : memref<400x16xf32, #tpu.memory_space<vmem>>[vector<16xi32>, vector<16xi32>], vector<16xf32>,
        %add3A_1355 = arith.constant 4 : i32
        %add3A_1356 = vector.broadcast %add3A_1355 : i32 to vector<16xi32>
        %add3A_1357 = arith.addi %broadcast_in_dim3A_1353, %add3A_1356 : vector<16xi32>
        %gather3A_1358 = tpu.vector_load_idx %arg15[%add3A_969, %add3A_1357] : memref<400x16xf32, #tpu.memory_space<vmem>>[vector<16xi32>, vector<16xi32>], vector<16xf32>,
        %gather3A_1359 = tpu.vector_load_idx %arg13[%add3A_969, %broadcast_in_dim3A_1353] : memref<400x8xf32, #tpu.memory_space<vmem>>[vector<16xi32>, vector<16xi32>], vector<16xf32>,
        %add3A_1360 = arith.addf %gather3A_1354, %gather3A_1358 : vector<16xf32>
        %add3A_1361 = arith.addf %add3A_1360, %gather3A_1359 : vector<16xf32>
        %ge3A_1362 = arith.constant 0.000000e+00 : f32
        %ge3A_1363 = vector.broadcast %ge3A_1362 : f32 to vector<16xf32>
        %ge3A_1364 = arith.cmpf oge, %add3A_1361, %ge3A_1363 : vector<16xf32>
        %mul3A_1365 = arith.constant 2.000000e-01 : f32
        %mul3A_1366 = vector.broadcast %mul3A_1365 : f32 to vector<16xf32>
        %mul3A_1367 = arith.mulf %mul3A_1366, %add3A_1361 : vector<16xf32>
        %select_n3A_1368 = arith.select %ge3A_1364, %add3A_1361, %mul3A_1367 : vector<16xi1>, vector<16xf32>
        %exp3A_1369 = math.exp %select_n3A_1368 : vector<16xf32>
        tpu.vector_store_idx %arg17[%add3A_969, %broadcast_in_dim3A_1353], %exp3A_1369 : memref<400x16xf32, #tpu.memory_space<vmem>>[vector<16xi32>, vector<16xi32>], vector<16xf32>,
        %broadcast_in_dim3A_1370 = arith.constant 1 : i32
        %broadcast_in_dim3A_1371 = vector.broadcast %broadcast_in_dim3A_1370 : i32 to vector<16xi32>
        %gather3A_1372 = tpu.vector_load_idx %arg14[%add3A_969, %broadcast_in_dim3A_1371] : memref<400x16xf32, #tpu.memory_space<vmem>>[vector<16xi32>, vector<16xi32>], vector<16xf32>,
        %add3A_1373 = arith.constant 4 : i32
        %add3A_1374 = vector.broadcast %add3A_1373 : i32 to vector<16xi32>
        %add3A_1375 = arith.addi %broadcast_in_dim3A_1371, %add3A_1374 : vector<16xi32>
        %gather3A_1376 = tpu.vector_load_idx %arg15[%add3A_969, %add3A_1375] : memref<400x16xf32, #tpu.memory_space<vmem>>[vector<16xi32>, vector<16xi32>], vector<16xf32>,
        %gather3A_1377 = tpu.vector_load_idx %arg13[%add3A_969, %broadcast_in_dim3A_1371] : memref<400x8xf32, #tpu.memory_space<vmem>>[vector<16xi32>, vector<16xi32>], vector<16xf32>,
        %add3A_1378 = arith.addf %gather3A_1372, %gather3A_1376 : vector<16xf32>
        %add3A_1379 = arith.addf %add3A_1378, %gather3A_1377 : vector<16xf32>
        %ge3A_1380 = arith.constant 0.000000e+00 : f32
        %ge3A_1381 = vector.broadcast %ge3A_1380 : f32 to vector<16xf32>
        %ge3A_1382 = arith.cmpf oge, %add3A_1379, %ge3A_1381 : vector<16xf32>
        %mul3A_1383 = arith.constant 2.000000e-01 : f32
        %mul3A_1384 = vector.broadcast %mul3A_1383 : f32 to vector<16xf32>
        %mul3A_1385 = arith.mulf %mul3A_1384, %add3A_1379 : vector<16xf32>
        %select_n3A_1386 = arith.select %ge3A_1382, %add3A_1379, %mul3A_1385 : vector<16xi1>, vector<16xf32>
        %exp3A_1387 = math.exp %select_n3A_1386 : vector<16xf32>
        tpu.vector_store_idx %arg17[%add3A_969, %broadcast_in_dim3A_1371], %exp3A_1387 : memref<400x16xf32, #tpu.memory_space<vmem>>[vector<16xi32>, vector<16xi32>], vector<16xf32>,
      } else {
      }
      %broadcast_in_dim3A_975 = arith.constant 2 : i32
      %broadcast_in_dim3A_976 = vector.broadcast %broadcast_in_dim3A_975 : i32 to vector<16xi32>
      %gather3A_977 = tpu.vector_load_idx %arg14[%add3A_969, %broadcast_in_dim3A_976] : memref<400x16xf32, #tpu.memory_space<vmem>>[vector<16xi32>, vector<16xi32>], vector<16xf32>,
      %add3A_978 = arith.constant 4 : i32
      %add3A_979 = vector.broadcast %add3A_978 : i32 to vector<16xi32>
      %add3A_980 = arith.addi %broadcast_in_dim3A_976, %add3A_979 : vector<16xi32>
      %gather3A_981 = tpu.vector_load_idx %arg15[%add3A_969, %add3A_980] : memref<400x16xf32, #tpu.memory_space<vmem>>[vector<16xi32>, vector<16xi32>], vector<16xf32>,
      %gather3A_982 = tpu.vector_load_idx %arg13[%add3A_969, %broadcast_in_dim3A_976] : memref<400x8xf32, #tpu.memory_space<vmem>>[vector<16xi32>, vector<16xi32>], vector<16xf32>,
      %add3A_983 = arith.addf %gather3A_977, %gather3A_981 : vector<16xf32>
      %add3A_984 = arith.addf %add3A_983, %gather3A_982 : vector<16xf32>
      %ge3A_985 = arith.constant 0.000000e+00 : f32
      %ge3A_986 = vector.broadcast %ge3A_985 : f32 to vector<16xf32>
      %ge3A_987 = arith.cmpf oge, %add3A_984, %ge3A_986 : vector<16xf32>
      %mul3A_988 = arith.constant 2.000000e-01 : f32
      %mul3A_989 = vector.broadcast %mul3A_988 : f32 to vector<16xf32>
      %mul3A_990 = arith.mulf %mul3A_989, %add3A_984 : vector<16xf32>
      %select_n3A_991 = arith.select %ge3A_987, %add3A_984, %mul3A_990 : vector<16xi1>, vector<16xf32>
      %exp3A_992 = math.exp %select_n3A_991 : vector<16xf32>
      tpu.vector_store_idx %arg17[%add3A_969, %broadcast_in_dim3A_976], %exp3A_992 : memref<400x16xf32, #tpu.memory_space<vmem>>[vector<16xi32>, vector<16xi32>], vector<16xf32>,
      %broadcast_in_dim3A_993 = arith.constant 3 : i32
      %broadcast_in_dim3A_994 = vector.broadcast %broadcast_in_dim3A_993 : i32 to vector<16xi32>
      %gather3A_995 = tpu.vector_load_idx %arg14[%add3A_969, %broadcast_in_dim3A_994] : memref<400x16xf32, #tpu.memory_space<vmem>>[vector<16xi32>, vector<16xi32>], vector<16xf32>,
      %add3A_996 = arith.constant 4 : i32
      %add3A_997 = vector.broadcast %add3A_996 : i32 to vector<16xi32>
      %add3A_998 = arith.addi %broadcast_in_dim3A_994, %add3A_997 : vector<16xi32>
      %gather3A_999 = tpu.vector_load_idx %arg15[%add3A_969, %add3A_998] : memref<400x16xf32, #tpu.memory_space<vmem>>[vector<16xi32>, vector<16xi32>], vector<16xf32>,
      %gather3A_1000 = tpu.vector_load_idx %arg13[%add3A_969, %broadcast_in_dim3A_994] : memref<400x8xf32, #tpu.memory_space<vmem>>[vector<16xi32>, vector<16xi32>], vector<16xf32>,
      %add3A_1001 = arith.addf %gather3A_995, %gather3A_999 : vector<16xf32>
      %add3A_1002 = arith.addf %add3A_1001, %gather3A_1000 : vector<16xf32>
      %ge3A_1003 = arith.constant 0.000000e+00 : f32
      %ge3A_1004 = vector.broadcast %ge3A_1003 : f32 to vector<16xf32>
      %ge3A_1005 = arith.cmpf oge, %add3A_1002, %ge3A_1004 : vector<16xf32>
      %mul3A_1006 = arith.constant 2.000000e-01 : f32
      %mul3A_1007 = vector.broadcast %mul3A_1006 : f32 to vector<16xf32>
      %mul3A_1008 = arith.mulf %mul3A_1007, %add3A_1002 : vector<16xf32>
      %select_n3A_1009 = arith.select %ge3A_1005, %add3A_1002, %mul3A_1008 : vector<16xi1>, vector<16xf32>
      %exp3A_1010 = math.exp %select_n3A_1009 : vector<16xf32>
      tpu.vector_store_idx %arg17[%add3A_969, %broadcast_in_dim3A_994], %exp3A_1010 : memref<400x16xf32, #tpu.memory_space<vmem>>[vector<16xi32>, vector<16xi32>], vector<16xf32>,
      %add3A_1011 = arith.constant 288 : i32
      %add3A_1012 = vector.broadcast %add3A_1011 : i32 to vector<16xi32>
      %add3A_1013 = arith.addi %iota3A, %add3A_1012 : vector<16xi32>
      %eq3A_1014 = arith.constant 0 : i32
      %eq3A_1015 = arith.cmpi eq, %arg0, %eq3A_1014 : i32
      %convert_element_type3A_1016 = arith.extui %eq3A_1015 : i1 to i32
      %cond3A_1017 = arith.constant 0 : i32
      %cond3A_1018 = arith.cmpi ne, %convert_element_type3A_1016, %cond3A_1017 : i32
      scf.if %cond3A_1018 {
        %broadcast_in_dim3A_1352 = arith.constant 0 : i32
        %broadcast_in_dim3A_1353 = vector.broadcast %broadcast_in_dim3A_1352 : i32 to vector<16xi32>
        %gather3A_1354 = tpu.vector_load_idx %arg14[%add3A_1013, %broadcast_in_dim3A_1353] : memref<400x16xf32, #tpu.memory_space<vmem>>[vector<16xi32>, vector<16xi32>], vector<16xf32>,
        %add3A_1355 = arith.constant 4 : i32
        %add3A_1356 = vector.broadcast %add3A_1355 : i32 to vector<16xi32>
        %add3A_1357 = arith.addi %broadcast_in_dim3A_1353, %add3A_1356 : vector<16xi32>
        %gather3A_1358 = tpu.vector_load_idx %arg15[%add3A_1013, %add3A_1357] : memref<400x16xf32, #tpu.memory_space<vmem>>[vector<16xi32>, vector<16xi32>], vector<16xf32>,
        %gather3A_1359 = tpu.vector_load_idx %arg13[%add3A_1013, %broadcast_in_dim3A_1353] : memref<400x8xf32, #tpu.memory_space<vmem>>[vector<16xi32>, vector<16xi32>], vector<16xf32>,
        %add3A_1360 = arith.addf %gather3A_1354, %gather3A_1358 : vector<16xf32>
        %add3A_1361 = arith.addf %add3A_1360, %gather3A_1359 : vector<16xf32>
        %ge3A_1362 = arith.constant 0.000000e+00 : f32
        %ge3A_1363 = vector.broadcast %ge3A_1362 : f32 to vector<16xf32>
        %ge3A_1364 = arith.cmpf oge, %add3A_1361, %ge3A_1363 : vector<16xf32>
        %mul3A_1365 = arith.constant 2.000000e-01 : f32
        %mul3A_1366 = vector.broadcast %mul3A_1365 : f32 to vector<16xf32>
        %mul3A_1367 = arith.mulf %mul3A_1366, %add3A_1361 : vector<16xf32>
        %select_n3A_1368 = arith.select %ge3A_1364, %add3A_1361, %mul3A_1367 : vector<16xi1>, vector<16xf32>
        %exp3A_1369 = math.exp %select_n3A_1368 : vector<16xf32>
        tpu.vector_store_idx %arg17[%add3A_1013, %broadcast_in_dim3A_1353], %exp3A_1369 : memref<400x16xf32, #tpu.memory_space<vmem>>[vector<16xi32>, vector<16xi32>], vector<16xf32>,
        %broadcast_in_dim3A_1370 = arith.constant 1 : i32
        %broadcast_in_dim3A_1371 = vector.broadcast %broadcast_in_dim3A_1370 : i32 to vector<16xi32>
        %gather3A_1372 = tpu.vector_load_idx %arg14[%add3A_1013, %broadcast_in_dim3A_1371] : memref<400x16xf32, #tpu.memory_space<vmem>>[vector<16xi32>, vector<16xi32>], vector<16xf32>,
        %add3A_1373 = arith.constant 4 : i32
        %add3A_1374 = vector.broadcast %add3A_1373 : i32 to vector<16xi32>
        %add3A_1375 = arith.addi %broadcast_in_dim3A_1371, %add3A_1374 : vector<16xi32>
        %gather3A_1376 = tpu.vector_load_idx %arg15[%add3A_1013, %add3A_1375] : memref<400x16xf32, #tpu.memory_space<vmem>>[vector<16xi32>, vector<16xi32>], vector<16xf32>,
        %gather3A_1377 = tpu.vector_load_idx %arg13[%add3A_1013, %broadcast_in_dim3A_1371] : memref<400x8xf32, #tpu.memory_space<vmem>>[vector<16xi32>, vector<16xi32>], vector<16xf32>,
        %add3A_1378 = arith.addf %gather3A_1372, %gather3A_1376 : vector<16xf32>
        %add3A_1379 = arith.addf %add3A_1378, %gather3A_1377 : vector<16xf32>
        %ge3A_1380 = arith.constant 0.000000e+00 : f32
        %ge3A_1381 = vector.broadcast %ge3A_1380 : f32 to vector<16xf32>
        %ge3A_1382 = arith.cmpf oge, %add3A_1379, %ge3A_1381 : vector<16xf32>
        %mul3A_1383 = arith.constant 2.000000e-01 : f32
        %mul3A_1384 = vector.broadcast %mul3A_1383 : f32 to vector<16xf32>
        %mul3A_1385 = arith.mulf %mul3A_1384, %add3A_1379 : vector<16xf32>
        %select_n3A_1386 = arith.select %ge3A_1382, %add3A_1379, %mul3A_1385 : vector<16xi1>, vector<16xf32>
        %exp3A_1387 = math.exp %select_n3A_1386 : vector<16xf32>
        tpu.vector_store_idx %arg17[%add3A_1013, %broadcast_in_dim3A_1371], %exp3A_1387 : memref<400x16xf32, #tpu.memory_space<vmem>>[vector<16xi32>, vector<16xi32>], vector<16xf32>,
      } else {
      }
      %broadcast_in_dim3A_1019 = arith.constant 2 : i32
      %broadcast_in_dim3A_1020 = vector.broadcast %broadcast_in_dim3A_1019 : i32 to vector<16xi32>
      %gather3A_1021 = tpu.vector_load_idx %arg14[%add3A_1013, %broadcast_in_dim3A_1020] : memref<400x16xf32, #tpu.memory_space<vmem>>[vector<16xi32>, vector<16xi32>], vector<16xf32>,
      %add3A_1022 = arith.constant 4 : i32
      %add3A_1023 = vector.broadcast %add3A_1022 : i32 to vector<16xi32>
      %add3A_1024 = arith.addi %broadcast_in_dim3A_1020, %add3A_1023 : vector<16xi32>
      %gather3A_1025 = tpu.vector_load_idx %arg15[%add3A_1013, %add3A_1024] : memref<400x16xf32, #tpu.memory_space<vmem>>[vector<16xi32>, vector<16xi32>], vector<16xf32>,
      %gather3A_1026 = tpu.vector_load_idx %arg13[%add3A_1013, %broadcast_in_dim3A_1020] : memref<400x8xf32, #tpu.memory_space<vmem>>[vector<16xi32>, vector<16xi32>], vector<16xf32>,
      %add3A_1027 = arith.addf %gather3A_1021, %gather3A_1025 : vector<16xf32>
      %add3A_1028 = arith.addf %add3A_1027, %gather3A_1026 : vector<16xf32>
      %ge3A_1029 = arith.constant 0.000000e+00 : f32
      %ge3A_1030 = vector.broadcast %ge3A_1029 : f32 to vector<16xf32>
      %ge3A_1031 = arith.cmpf oge, %add3A_1028, %ge3A_1030 : vector<16xf32>
      %mul3A_1032 = arith.constant 2.000000e-01 : f32
      %mul3A_1033 = vector.broadcast %mul3A_1032 : f32 to vector<16xf32>
      %mul3A_1034 = arith.mulf %mul3A_1033, %add3A_1028 : vector<16xf32>
      %select_n3A_1035 = arith.select %ge3A_1031, %add3A_1028, %mul3A_1034 : vector<16xi1>, vector<16xf32>
      %exp3A_1036 = math.exp %select_n3A_1035 : vector<16xf32>
      tpu.vector_store_idx %arg17[%add3A_1013, %broadcast_in_dim3A_1020], %exp3A_1036 : memref<400x16xf32, #tpu.memory_space<vmem>>[vector<16xi32>, vector<16xi32>], vector<16xf32>,
      %broadcast_in_dim3A_1037 = arith.constant 3 : i32
      %broadcast_in_dim3A_1038 = vector.broadcast %broadcast_in_dim3A_1037 : i32 to vector<16xi32>
      %gather3A_1039 = tpu.vector_load_idx %arg14[%add3A_1013, %broadcast_in_dim3A_1038] : memref<400x16xf32, #tpu.memory_space<vmem>>[vector<16xi32>, vector<16xi32>], vector<16xf32>,
      %add3A_1040 = arith.constant 4 : i32
      %add3A_1041 = vector.broadcast %add3A_1040 : i32 to vector<16xi32>
      %add3A_1042 = arith.addi %broadcast_in_dim3A_1038, %add3A_1041 : vector<16xi32>
      %gather3A_1043 = tpu.vector_load_idx %arg15[%add3A_1013, %add3A_1042] : memref<400x16xf32, #tpu.memory_space<vmem>>[vector<16xi32>, vector<16xi32>], vector<16xf32>,
      %gather3A_1044 = tpu.vector_load_idx %arg13[%add3A_1013, %broadcast_in_dim3A_1038] : memref<400x8xf32, #tpu.memory_space<vmem>>[vector<16xi32>, vector<16xi32>], vector<16xf32>,
      %add3A_1045 = arith.addf %gather3A_1039, %gather3A_1043 : vector<16xf32>
      %add3A_1046 = arith.addf %add3A_1045, %gather3A_1044 : vector<16xf32>
      %ge3A_1047 = arith.constant 0.000000e+00 : f32
      %ge3A_1048 = vector.broadcast %ge3A_1047 : f32 to vector<16xf32>
      %ge3A_1049 = arith.cmpf oge, %add3A_1046, %ge3A_1048 : vector<16xf32>
      %mul3A_1050 = arith.constant 2.000000e-01 : f32
      %mul3A_1051 = vector.broadcast %mul3A_1050 : f32 to vector<16xf32>
      %mul3A_1052 = arith.mulf %mul3A_1051, %add3A_1046 : vector<16xf32>
      %select_n3A_1053 = arith.select %ge3A_1049, %add3A_1046, %mul3A_1052 : vector<16xi1>, vector<16xf32>
      %exp3A_1054 = math.exp %select_n3A_1053 : vector<16xf32>
      tpu.vector_store_idx %arg17[%add3A_1013, %broadcast_in_dim3A_1038], %exp3A_1054 : memref<400x16xf32, #tpu.memory_space<vmem>>[vector<16xi32>, vector<16xi32>], vector<16xf32>,
      %add3A_1055 = arith.constant 304 : i32
      %add3A_1056 = vector.broadcast %add3A_1055 : i32 to vector<16xi32>
      %add3A_1057 = arith.addi %iota3A, %add3A_1056 : vector<16xi32>
      %eq3A_1058 = arith.constant 0 : i32
      %eq3A_1059 = arith.cmpi eq, %arg0, %eq3A_1058 : i32
      %convert_element_type3A_1060 = arith.extui %eq3A_1059 : i1 to i32
      %cond3A_1061 = arith.constant 0 : i32
      %cond3A_1062 = arith.cmpi ne, %convert_element_type3A_1060, %cond3A_1061 : i32
      scf.if %cond3A_1062 {
        %broadcast_in_dim3A_1352 = arith.constant 0 : i32
        %broadcast_in_dim3A_1353 = vector.broadcast %broadcast_in_dim3A_1352 : i32 to vector<16xi32>
        %gather3A_1354 = tpu.vector_load_idx %arg14[%add3A_1057, %broadcast_in_dim3A_1353] : memref<400x16xf32, #tpu.memory_space<vmem>>[vector<16xi32>, vector<16xi32>], vector<16xf32>,
        %add3A_1355 = arith.constant 4 : i32
        %add3A_1356 = vector.broadcast %add3A_1355 : i32 to vector<16xi32>
        %add3A_1357 = arith.addi %broadcast_in_dim3A_1353, %add3A_1356 : vector<16xi32>
        %gather3A_1358 = tpu.vector_load_idx %arg15[%add3A_1057, %add3A_1357] : memref<400x16xf32, #tpu.memory_space<vmem>>[vector<16xi32>, vector<16xi32>], vector<16xf32>,
        %gather3A_1359 = tpu.vector_load_idx %arg13[%add3A_1057, %broadcast_in_dim3A_1353] : memref<400x8xf32, #tpu.memory_space<vmem>>[vector<16xi32>, vector<16xi32>], vector<16xf32>,
        %add3A_1360 = arith.addf %gather3A_1354, %gather3A_1358 : vector<16xf32>
        %add3A_1361 = arith.addf %add3A_1360, %gather3A_1359 : vector<16xf32>
        %ge3A_1362 = arith.constant 0.000000e+00 : f32
        %ge3A_1363 = vector.broadcast %ge3A_1362 : f32 to vector<16xf32>
        %ge3A_1364 = arith.cmpf oge, %add3A_1361, %ge3A_1363 : vector<16xf32>
        %mul3A_1365 = arith.constant 2.000000e-01 : f32
        %mul3A_1366 = vector.broadcast %mul3A_1365 : f32 to vector<16xf32>
        %mul3A_1367 = arith.mulf %mul3A_1366, %add3A_1361 : vector<16xf32>
        %select_n3A_1368 = arith.select %ge3A_1364, %add3A_1361, %mul3A_1367 : vector<16xi1>, vector<16xf32>
        %exp3A_1369 = math.exp %select_n3A_1368 : vector<16xf32>
        tpu.vector_store_idx %arg17[%add3A_1057, %broadcast_in_dim3A_1353], %exp3A_1369 : memref<400x16xf32, #tpu.memory_space<vmem>>[vector<16xi32>, vector<16xi32>], vector<16xf32>,
        %broadcast_in_dim3A_1370 = arith.constant 1 : i32
        %broadcast_in_dim3A_1371 = vector.broadcast %broadcast_in_dim3A_1370 : i32 to vector<16xi32>
        %gather3A_1372 = tpu.vector_load_idx %arg14[%add3A_1057, %broadcast_in_dim3A_1371] : memref<400x16xf32, #tpu.memory_space<vmem>>[vector<16xi32>, vector<16xi32>], vector<16xf32>,
        %add3A_1373 = arith.constant 4 : i32
        %add3A_1374 = vector.broadcast %add3A_1373 : i32 to vector<16xi32>
        %add3A_1375 = arith.addi %broadcast_in_dim3A_1371, %add3A_1374 : vector<16xi32>
        %gather3A_1376 = tpu.vector_load_idx %arg15[%add3A_1057, %add3A_1375] : memref<400x16xf32, #tpu.memory_space<vmem>>[vector<16xi32>, vector<16xi32>], vector<16xf32>,
        %gather3A_1377 = tpu.vector_load_idx %arg13[%add3A_1057, %broadcast_in_dim3A_1371] : memref<400x8xf32, #tpu.memory_space<vmem>>[vector<16xi32>, vector<16xi32>], vector<16xf32>,
        %add3A_1378 = arith.addf %gather3A_1372, %gather3A_1376 : vector<16xf32>
        %add3A_1379 = arith.addf %add3A_1378, %gather3A_1377 : vector<16xf32>
        %ge3A_1380 = arith.constant 0.000000e+00 : f32
        %ge3A_1381 = vector.broadcast %ge3A_1380 : f32 to vector<16xf32>
        %ge3A_1382 = arith.cmpf oge, %add3A_1379, %ge3A_1381 : vector<16xf32>
        %mul3A_1383 = arith.constant 2.000000e-01 : f32
        %mul3A_1384 = vector.broadcast %mul3A_1383 : f32 to vector<16xf32>
        %mul3A_1385 = arith.mulf %mul3A_1384, %add3A_1379 : vector<16xf32>
        %select_n3A_1386 = arith.select %ge3A_1382, %add3A_1379, %mul3A_1385 : vector<16xi1>, vector<16xf32>
        %exp3A_1387 = math.exp %select_n3A_1386 : vector<16xf32>
        tpu.vector_store_idx %arg17[%add3A_1057, %broadcast_in_dim3A_1371], %exp3A_1387 : memref<400x16xf32, #tpu.memory_space<vmem>>[vector<16xi32>, vector<16xi32>], vector<16xf32>,
      } else {
      }
      %broadcast_in_dim3A_1063 = arith.constant 2 : i32
      %broadcast_in_dim3A_1064 = vector.broadcast %broadcast_in_dim3A_1063 : i32 to vector<16xi32>
      %gather3A_1065 = tpu.vector_load_idx %arg14[%add3A_1057, %broadcast_in_dim3A_1064] : memref<400x16xf32, #tpu.memory_space<vmem>>[vector<16xi32>, vector<16xi32>], vector<16xf32>,
      %add3A_1066 = arith.constant 4 : i32
      %add3A_1067 = vector.broadcast %add3A_1066 : i32 to vector<16xi32>
      %add3A_1068 = arith.addi %broadcast_in_dim3A_1064, %add3A_1067 : vector<16xi32>
      %gather3A_1069 = tpu.vector_load_idx %arg15[%add3A_1057, %add3A_1068] : memref<400x16xf32, #tpu.memory_space<vmem>>[vector<16xi32>, vector<16xi32>], vector<16xf32>,
      %gather3A_1070 = tpu.vector_load_idx %arg13[%add3A_1057, %broadcast_in_dim3A_1064] : memref<400x8xf32, #tpu.memory_space<vmem>>[vector<16xi32>, vector<16xi32>], vector<16xf32>,
      %add3A_1071 = arith.addf %gather3A_1065, %gather3A_1069 : vector<16xf32>
      %add3A_1072 = arith.addf %add3A_1071, %gather3A_1070 : vector<16xf32>
      %ge3A_1073 = arith.constant 0.000000e+00 : f32
      %ge3A_1074 = vector.broadcast %ge3A_1073 : f32 to vector<16xf32>
      %ge3A_1075 = arith.cmpf oge, %add3A_1072, %ge3A_1074 : vector<16xf32>
      %mul3A_1076 = arith.constant 2.000000e-01 : f32
      %mul3A_1077 = vector.broadcast %mul3A_1076 : f32 to vector<16xf32>
      %mul3A_1078 = arith.mulf %mul3A_1077, %add3A_1072 : vector<16xf32>
      %select_n3A_1079 = arith.select %ge3A_1075, %add3A_1072, %mul3A_1078 : vector<16xi1>, vector<16xf32>
      %exp3A_1080 = math.exp %select_n3A_1079 : vector<16xf32>
      tpu.vector_store_idx %arg17[%add3A_1057, %broadcast_in_dim3A_1064], %exp3A_1080 : memref<400x16xf32, #tpu.memory_space<vmem>>[vector<16xi32>, vector<16xi32>], vector<16xf32>,
      %broadcast_in_dim3A_1081 = arith.constant 3 : i32
      %broadcast_in_dim3A_1082 = vector.broadcast %broadcast_in_dim3A_1081 : i32 to vector<16xi32>
      %gather3A_1083 = tpu.vector_load_idx %arg14[%add3A_1057, %broadcast_in_dim3A_1082] : memref<400x16xf32, #tpu.memory_space<vmem>>[vector<16xi32>, vector<16xi32>], vector<16xf32>,
      %add3A_1084 = arith.constant 4 : i32
      %add3A_1085 = vector.broadcast %add3A_1084 : i32 to vector<16xi32>
      %add3A_1086 = arith.addi %broadcast_in_dim3A_1082, %add3A_1085 : vector<16xi32>
      %gather3A_1087 = tpu.vector_load_idx %arg15[%add3A_1057, %add3A_1086] : memref<400x16xf32, #tpu.memory_space<vmem>>[vector<16xi32>, vector<16xi32>], vector<16xf32>,
      %gather3A_1088 = tpu.vector_load_idx %arg13[%add3A_1057, %broadcast_in_dim3A_1082] : memref<400x8xf32, #tpu.memory_space<vmem>>[vector<16xi32>, vector<16xi32>], vector<16xf32>,
      %add3A_1089 = arith.addf %gather3A_1083, %gather3A_1087 : vector<16xf32>
      %add3A_1090 = arith.addf %add3A_1089, %gather3A_1088 : vector<16xf32>
      %ge3A_1091 = arith.constant 0.000000e+00 : f32
      %ge3A_1092 = vector.broadcast %ge3A_1091 : f32 to vector<16xf32>
      %ge3A_1093 = arith.cmpf oge, %add3A_1090, %ge3A_1092 : vector<16xf32>
      %mul3A_1094 = arith.constant 2.000000e-01 : f32
      %mul3A_1095 = vector.broadcast %mul3A_1094 : f32 to vector<16xf32>
      %mul3A_1096 = arith.mulf %mul3A_1095, %add3A_1090 : vector<16xf32>
      %select_n3A_1097 = arith.select %ge3A_1093, %add3A_1090, %mul3A_1096 : vector<16xi1>, vector<16xf32>
      %exp3A_1098 = math.exp %select_n3A_1097 : vector<16xf32>
      tpu.vector_store_idx %arg17[%add3A_1057, %broadcast_in_dim3A_1082], %exp3A_1098 : memref<400x16xf32, #tpu.memory_space<vmem>>[vector<16xi32>, vector<16xi32>], vector<16xf32>,
      %add3A_1099 = arith.constant 320 : i32
      %add3A_1100 = vector.broadcast %add3A_1099 : i32 to vector<16xi32>
      %add3A_1101 = arith.addi %iota3A, %add3A_1100 : vector<16xi32>
      %eq3A_1102 = arith.constant 0 : i32
      %eq3A_1103 = arith.cmpi eq, %arg0, %eq3A_1102 : i32
      %convert_element_type3A_1104 = arith.extui %eq3A_1103 : i1 to i32
      %cond3A_1105 = arith.constant 0 : i32
      %cond3A_1106 = arith.cmpi ne, %convert_element_type3A_1104, %cond3A_1105 : i32
      scf.if %cond3A_1106 {
        %broadcast_in_dim3A_1352 = arith.constant 0 : i32
        %broadcast_in_dim3A_1353 = vector.broadcast %broadcast_in_dim3A_1352 : i32 to vector<16xi32>
        %gather3A_1354 = tpu.vector_load_idx %arg14[%add3A_1101, %broadcast_in_dim3A_1353] : memref<400x16xf32, #tpu.memory_space<vmem>>[vector<16xi32>, vector<16xi32>], vector<16xf32>,
        %add3A_1355 = arith.constant 4 : i32
        %add3A_1356 = vector.broadcast %add3A_1355 : i32 to vector<16xi32>
        %add3A_1357 = arith.addi %broadcast_in_dim3A_1353, %add3A_1356 : vector<16xi32>
        %gather3A_1358 = tpu.vector_load_idx %arg15[%add3A_1101, %add3A_1357] : memref<400x16xf32, #tpu.memory_space<vmem>>[vector<16xi32>, vector<16xi32>], vector<16xf32>,
        %gather3A_1359 = tpu.vector_load_idx %arg13[%add3A_1101, %broadcast_in_dim3A_1353] : memref<400x8xf32, #tpu.memory_space<vmem>>[vector<16xi32>, vector<16xi32>], vector<16xf32>,
        %add3A_1360 = arith.addf %gather3A_1354, %gather3A_1358 : vector<16xf32>
        %add3A_1361 = arith.addf %add3A_1360, %gather3A_1359 : vector<16xf32>
        %ge3A_1362 = arith.constant 0.000000e+00 : f32
        %ge3A_1363 = vector.broadcast %ge3A_1362 : f32 to vector<16xf32>
        %ge3A_1364 = arith.cmpf oge, %add3A_1361, %ge3A_1363 : vector<16xf32>
        %mul3A_1365 = arith.constant 2.000000e-01 : f32
        %mul3A_1366 = vector.broadcast %mul3A_1365 : f32 to vector<16xf32>
        %mul3A_1367 = arith.mulf %mul3A_1366, %add3A_1361 : vector<16xf32>
        %select_n3A_1368 = arith.select %ge3A_1364, %add3A_1361, %mul3A_1367 : vector<16xi1>, vector<16xf32>
        %exp3A_1369 = math.exp %select_n3A_1368 : vector<16xf32>
        tpu.vector_store_idx %arg17[%add3A_1101, %broadcast_in_dim3A_1353], %exp3A_1369 : memref<400x16xf32, #tpu.memory_space<vmem>>[vector<16xi32>, vector<16xi32>], vector<16xf32>,
        %broadcast_in_dim3A_1370 = arith.constant 1 : i32
        %broadcast_in_dim3A_1371 = vector.broadcast %broadcast_in_dim3A_1370 : i32 to vector<16xi32>
        %gather3A_1372 = tpu.vector_load_idx %arg14[%add3A_1101, %broadcast_in_dim3A_1371] : memref<400x16xf32, #tpu.memory_space<vmem>>[vector<16xi32>, vector<16xi32>], vector<16xf32>,
        %add3A_1373 = arith.constant 4 : i32
        %add3A_1374 = vector.broadcast %add3A_1373 : i32 to vector<16xi32>
        %add3A_1375 = arith.addi %broadcast_in_dim3A_1371, %add3A_1374 : vector<16xi32>
        %gather3A_1376 = tpu.vector_load_idx %arg15[%add3A_1101, %add3A_1375] : memref<400x16xf32, #tpu.memory_space<vmem>>[vector<16xi32>, vector<16xi32>], vector<16xf32>,
        %gather3A_1377 = tpu.vector_load_idx %arg13[%add3A_1101, %broadcast_in_dim3A_1371] : memref<400x8xf32, #tpu.memory_space<vmem>>[vector<16xi32>, vector<16xi32>], vector<16xf32>,
        %add3A_1378 = arith.addf %gather3A_1372, %gather3A_1376 : vector<16xf32>
        %add3A_1379 = arith.addf %add3A_1378, %gather3A_1377 : vector<16xf32>
        %ge3A_1380 = arith.constant 0.000000e+00 : f32
        %ge3A_1381 = vector.broadcast %ge3A_1380 : f32 to vector<16xf32>
        %ge3A_1382 = arith.cmpf oge, %add3A_1379, %ge3A_1381 : vector<16xf32>
        %mul3A_1383 = arith.constant 2.000000e-01 : f32
        %mul3A_1384 = vector.broadcast %mul3A_1383 : f32 to vector<16xf32>
        %mul3A_1385 = arith.mulf %mul3A_1384, %add3A_1379 : vector<16xf32>
        %select_n3A_1386 = arith.select %ge3A_1382, %add3A_1379, %mul3A_1385 : vector<16xi1>, vector<16xf32>
        %exp3A_1387 = math.exp %select_n3A_1386 : vector<16xf32>
        tpu.vector_store_idx %arg17[%add3A_1101, %broadcast_in_dim3A_1371], %exp3A_1387 : memref<400x16xf32, #tpu.memory_space<vmem>>[vector<16xi32>, vector<16xi32>], vector<16xf32>,
      } else {
      }
      %broadcast_in_dim3A_1107 = arith.constant 2 : i32
      %broadcast_in_dim3A_1108 = vector.broadcast %broadcast_in_dim3A_1107 : i32 to vector<16xi32>
      %gather3A_1109 = tpu.vector_load_idx %arg14[%add3A_1101, %broadcast_in_dim3A_1108] : memref<400x16xf32, #tpu.memory_space<vmem>>[vector<16xi32>, vector<16xi32>], vector<16xf32>,
      %add3A_1110 = arith.constant 4 : i32
      %add3A_1111 = vector.broadcast %add3A_1110 : i32 to vector<16xi32>
      %add3A_1112 = arith.addi %broadcast_in_dim3A_1108, %add3A_1111 : vector<16xi32>
      %gather3A_1113 = tpu.vector_load_idx %arg15[%add3A_1101, %add3A_1112] : memref<400x16xf32, #tpu.memory_space<vmem>>[vector<16xi32>, vector<16xi32>], vector<16xf32>,
      %gather3A_1114 = tpu.vector_load_idx %arg13[%add3A_1101, %broadcast_in_dim3A_1108] : memref<400x8xf32, #tpu.memory_space<vmem>>[vector<16xi32>, vector<16xi32>], vector<16xf32>,
      %add3A_1115 = arith.addf %gather3A_1109, %gather3A_1113 : vector<16xf32>
      %add3A_1116 = arith.addf %add3A_1115, %gather3A_1114 : vector<16xf32>
      %ge3A_1117 = arith.constant 0.000000e+00 : f32
      %ge3A_1118 = vector.broadcast %ge3A_1117 : f32 to vector<16xf32>
      %ge3A_1119 = arith.cmpf oge, %add3A_1116, %ge3A_1118 : vector<16xf32>
      %mul3A_1120 = arith.constant 2.000000e-01 : f32
      %mul3A_1121 = vector.broadcast %mul3A_1120 : f32 to vector<16xf32>
      %mul3A_1122 = arith.mulf %mul3A_1121, %add3A_1116 : vector<16xf32>
      %select_n3A_1123 = arith.select %ge3A_1119, %add3A_1116, %mul3A_1122 : vector<16xi1>, vector<16xf32>
      %exp3A_1124 = math.exp %select_n3A_1123 : vector<16xf32>
      tpu.vector_store_idx %arg17[%add3A_1101, %broadcast_in_dim3A_1108], %exp3A_1124 : memref<400x16xf32, #tpu.memory_space<vmem>>[vector<16xi32>, vector<16xi32>], vector<16xf32>,
      %broadcast_in_dim3A_1125 = arith.constant 3 : i32
      %broadcast_in_dim3A_1126 = vector.broadcast %broadcast_in_dim3A_1125 : i32 to vector<16xi32>
      %gather3A_1127 = tpu.vector_load_idx %arg14[%add3A_1101, %broadcast_in_dim3A_1126] : memref<400x16xf32, #tpu.memory_space<vmem>>[vector<16xi32>, vector<16xi32>], vector<16xf32>,
      %add3A_1128 = arith.constant 4 : i32
      %add3A_1129 = vector.broadcast %add3A_1128 : i32 to vector<16xi32>
      %add3A_1130 = arith.addi %broadcast_in_dim3A_1126, %add3A_1129 : vector<16xi32>
      %gather3A_1131 = tpu.vector_load_idx %arg15[%add3A_1101, %add3A_1130] : memref<400x16xf32, #tpu.memory_space<vmem>>[vector<16xi32>, vector<16xi32>], vector<16xf32>,
      %gather3A_1132 = tpu.vector_load_idx %arg13[%add3A_1101, %broadcast_in_dim3A_1126] : memref<400x8xf32, #tpu.memory_space<vmem>>[vector<16xi32>, vector<16xi32>], vector<16xf32>,
      %add3A_1133 = arith.addf %gather3A_1127, %gather3A_1131 : vector<16xf32>
      %add3A_1134 = arith.addf %add3A_1133, %gather3A_1132 : vector<16xf32>
      %ge3A_1135 = arith.constant 0.000000e+00 : f32
      %ge3A_1136 = vector.broadcast %ge3A_1135 : f32 to vector<16xf32>
      %ge3A_1137 = arith.cmpf oge, %add3A_1134, %ge3A_1136 : vector<16xf32>
      %mul3A_1138 = arith.constant 2.000000e-01 : f32
      %mul3A_1139 = vector.broadcast %mul3A_1138 : f32 to vector<16xf32>
      %mul3A_1140 = arith.mulf %mul3A_1139, %add3A_1134 : vector<16xf32>
      %select_n3A_1141 = arith.select %ge3A_1137, %add3A_1134, %mul3A_1140 : vector<16xi1>, vector<16xf32>
      %exp3A_1142 = math.exp %select_n3A_1141 : vector<16xf32>
      tpu.vector_store_idx %arg17[%add3A_1101, %broadcast_in_dim3A_1126], %exp3A_1142 : memref<400x16xf32, #tpu.memory_space<vmem>>[vector<16xi32>, vector<16xi32>], vector<16xf32>,
      %add3A_1143 = arith.constant 336 : i32
      %add3A_1144 = vector.broadcast %add3A_1143 : i32 to vector<16xi32>
      %add3A_1145 = arith.addi %iota3A, %add3A_1144 : vector<16xi32>
      %eq3A_1146 = arith.constant 0 : i32
      %eq3A_1147 = arith.cmpi eq, %arg0, %eq3A_1146 : i32
      %convert_element_type3A_1148 = arith.extui %eq3A_1147 : i1 to i32
      %cond3A_1149 = arith.constant 0 : i32
      %cond3A_1150 = arith.cmpi ne, %convert_element_type3A_1148, %cond3A_1149 : i32
      scf.if %cond3A_1150 {
        %broadcast_in_dim3A_1352 = arith.constant 0 : i32
        %broadcast_in_dim3A_1353 = vector.broadcast %broadcast_in_dim3A_1352 : i32 to vector<16xi32>
        %gather3A_1354 = tpu.vector_load_idx %arg14[%add3A_1145, %broadcast_in_dim3A_1353] : memref<400x16xf32, #tpu.memory_space<vmem>>[vector<16xi32>, vector<16xi32>], vector<16xf32>,
        %add3A_1355 = arith.constant 4 : i32
        %add3A_1356 = vector.broadcast %add3A_1355 : i32 to vector<16xi32>
        %add3A_1357 = arith.addi %broadcast_in_dim3A_1353, %add3A_1356 : vector<16xi32>
        %gather3A_1358 = tpu.vector_load_idx %arg15[%add3A_1145, %add3A_1357] : memref<400x16xf32, #tpu.memory_space<vmem>>[vector<16xi32>, vector<16xi32>], vector<16xf32>,
        %gather3A_1359 = tpu.vector_load_idx %arg13[%add3A_1145, %broadcast_in_dim3A_1353] : memref<400x8xf32, #tpu.memory_space<vmem>>[vector<16xi32>, vector<16xi32>], vector<16xf32>,
        %add3A_1360 = arith.addf %gather3A_1354, %gather3A_1358 : vector<16xf32>
        %add3A_1361 = arith.addf %add3A_1360, %gather3A_1359 : vector<16xf32>
        %ge3A_1362 = arith.constant 0.000000e+00 : f32
        %ge3A_1363 = vector.broadcast %ge3A_1362 : f32 to vector<16xf32>
        %ge3A_1364 = arith.cmpf oge, %add3A_1361, %ge3A_1363 : vector<16xf32>
        %mul3A_1365 = arith.constant 2.000000e-01 : f32
        %mul3A_1366 = vector.broadcast %mul3A_1365 : f32 to vector<16xf32>
        %mul3A_1367 = arith.mulf %mul3A_1366, %add3A_1361 : vector<16xf32>
        %select_n3A_1368 = arith.select %ge3A_1364, %add3A_1361, %mul3A_1367 : vector<16xi1>, vector<16xf32>
        %exp3A_1369 = math.exp %select_n3A_1368 : vector<16xf32>
        tpu.vector_store_idx %arg17[%add3A_1145, %broadcast_in_dim3A_1353], %exp3A_1369 : memref<400x16xf32, #tpu.memory_space<vmem>>[vector<16xi32>, vector<16xi32>], vector<16xf32>,
        %broadcast_in_dim3A_1370 = arith.constant 1 : i32
        %broadcast_in_dim3A_1371 = vector.broadcast %broadcast_in_dim3A_1370 : i32 to vector<16xi32>
        %gather3A_1372 = tpu.vector_load_idx %arg14[%add3A_1145, %broadcast_in_dim3A_1371] : memref<400x16xf32, #tpu.memory_space<vmem>>[vector<16xi32>, vector<16xi32>], vector<16xf32>,
        %add3A_1373 = arith.constant 4 : i32
        %add3A_1374 = vector.broadcast %add3A_1373 : i32 to vector<16xi32>
        %add3A_1375 = arith.addi %broadcast_in_dim3A_1371, %add3A_1374 : vector<16xi32>
        %gather3A_1376 = tpu.vector_load_idx %arg15[%add3A_1145, %add3A_1375] : memref<400x16xf32, #tpu.memory_space<vmem>>[vector<16xi32>, vector<16xi32>], vector<16xf32>,
        %gather3A_1377 = tpu.vector_load_idx %arg13[%add3A_1145, %broadcast_in_dim3A_1371] : memref<400x8xf32, #tpu.memory_space<vmem>>[vector<16xi32>, vector<16xi32>], vector<16xf32>,
        %add3A_1378 = arith.addf %gather3A_1372, %gather3A_1376 : vector<16xf32>
        %add3A_1379 = arith.addf %add3A_1378, %gather3A_1377 : vector<16xf32>
        %ge3A_1380 = arith.constant 0.000000e+00 : f32
        %ge3A_1381 = vector.broadcast %ge3A_1380 : f32 to vector<16xf32>
        %ge3A_1382 = arith.cmpf oge, %add3A_1379, %ge3A_1381 : vector<16xf32>
        %mul3A_1383 = arith.constant 2.000000e-01 : f32
        %mul3A_1384 = vector.broadcast %mul3A_1383 : f32 to vector<16xf32>
        %mul3A_1385 = arith.mulf %mul3A_1384, %add3A_1379 : vector<16xf32>
        %select_n3A_1386 = arith.select %ge3A_1382, %add3A_1379, %mul3A_1385 : vector<16xi1>, vector<16xf32>
        %exp3A_1387 = math.exp %select_n3A_1386 : vector<16xf32>
        tpu.vector_store_idx %arg17[%add3A_1145, %broadcast_in_dim3A_1371], %exp3A_1387 : memref<400x16xf32, #tpu.memory_space<vmem>>[vector<16xi32>, vector<16xi32>], vector<16xf32>,
      } else {
      }
      %broadcast_in_dim3A_1151 = arith.constant 2 : i32
      %broadcast_in_dim3A_1152 = vector.broadcast %broadcast_in_dim3A_1151 : i32 to vector<16xi32>
      %gather3A_1153 = tpu.vector_load_idx %arg14[%add3A_1145, %broadcast_in_dim3A_1152] : memref<400x16xf32, #tpu.memory_space<vmem>>[vector<16xi32>, vector<16xi32>], vector<16xf32>,
      %add3A_1154 = arith.constant 4 : i32
      %add3A_1155 = vector.broadcast %add3A_1154 : i32 to vector<16xi32>
      %add3A_1156 = arith.addi %broadcast_in_dim3A_1152, %add3A_1155 : vector<16xi32>
      %gather3A_1157 = tpu.vector_load_idx %arg15[%add3A_1145, %add3A_1156] : memref<400x16xf32, #tpu.memory_space<vmem>>[vector<16xi32>, vector<16xi32>], vector<16xf32>,
      %gather3A_1158 = tpu.vector_load_idx %arg13[%add3A_1145, %broadcast_in_dim3A_1152] : memref<400x8xf32, #tpu.memory_space<vmem>>[vector<16xi32>, vector<16xi32>], vector<16xf32>,
      %add3A_1159 = arith.addf %gather3A_1153, %gather3A_1157 : vector<16xf32>
      %add3A_1160 = arith.addf %add3A_1159, %gather3A_1158 : vector<16xf32>
      %ge3A_1161 = arith.constant 0.000000e+00 : f32
      %ge3A_1162 = vector.broadcast %ge3A_1161 : f32 to vector<16xf32>
      %ge3A_1163 = arith.cmpf oge, %add3A_1160, %ge3A_1162 : vector<16xf32>
      %mul3A_1164 = arith.constant 2.000000e-01 : f32
      %mul3A_1165 = vector.broadcast %mul3A_1164 : f32 to vector<16xf32>
      %mul3A_1166 = arith.mulf %mul3A_1165, %add3A_1160 : vector<16xf32>
      %select_n3A_1167 = arith.select %ge3A_1163, %add3A_1160, %mul3A_1166 : vector<16xi1>, vector<16xf32>
      %exp3A_1168 = math.exp %select_n3A_1167 : vector<16xf32>
      tpu.vector_store_idx %arg17[%add3A_1145, %broadcast_in_dim3A_1152], %exp3A_1168 : memref<400x16xf32, #tpu.memory_space<vmem>>[vector<16xi32>, vector<16xi32>], vector<16xf32>,
      %broadcast_in_dim3A_1169 = arith.constant 3 : i32
      %broadcast_in_dim3A_1170 = vector.broadcast %broadcast_in_dim3A_1169 : i32 to vector<16xi32>
      %gather3A_1171 = tpu.vector_load_idx %arg14[%add3A_1145, %broadcast_in_dim3A_1170] : memref<400x16xf32, #tpu.memory_space<vmem>>[vector<16xi32>, vector<16xi32>], vector<16xf32>,
      %add3A_1172 = arith.constant 4 : i32
      %add3A_1173 = vector.broadcast %add3A_1172 : i32 to vector<16xi32>
      %add3A_1174 = arith.addi %broadcast_in_dim3A_1170, %add3A_1173 : vector<16xi32>
      %gather3A_1175 = tpu.vector_load_idx %arg15[%add3A_1145, %add3A_1174] : memref<400x16xf32, #tpu.memory_space<vmem>>[vector<16xi32>, vector<16xi32>], vector<16xf32>,
      %gather3A_1176 = tpu.vector_load_idx %arg13[%add3A_1145, %broadcast_in_dim3A_1170] : memref<400x8xf32, #tpu.memory_space<vmem>>[vector<16xi32>, vector<16xi32>], vector<16xf32>,
      %add3A_1177 = arith.addf %gather3A_1171, %gather3A_1175 : vector<16xf32>
      %add3A_1178 = arith.addf %add3A_1177, %gather3A_1176 : vector<16xf32>
      %ge3A_1179 = arith.constant 0.000000e+00 : f32
      %ge3A_1180 = vector.broadcast %ge3A_1179 : f32 to vector<16xf32>
      %ge3A_1181 = arith.cmpf oge, %add3A_1178, %ge3A_1180 : vector<16xf32>
      %mul3A_1182 = arith.constant 2.000000e-01 : f32
      %mul3A_1183 = vector.broadcast %mul3A_1182 : f32 to vector<16xf32>
      %mul3A_1184 = arith.mulf %mul3A_1183, %add3A_1178 : vector<16xf32>
      %select_n3A_1185 = arith.select %ge3A_1181, %add3A_1178, %mul3A_1184 : vector<16xi1>, vector<16xf32>
      %exp3A_1186 = math.exp %select_n3A_1185 : vector<16xf32>
      tpu.vector_store_idx %arg17[%add3A_1145, %broadcast_in_dim3A_1170], %exp3A_1186 : memref<400x16xf32, #tpu.memory_space<vmem>>[vector<16xi32>, vector<16xi32>], vector<16xf32>,
      %add3A_1187 = arith.constant 352 : i32
      %add3A_1188 = vector.broadcast %add3A_1187 : i32 to vector<16xi32>
      %add3A_1189 = arith.addi %iota3A, %add3A_1188 : vector<16xi32>
      %eq3A_1190 = arith.constant 0 : i32
      %eq3A_1191 = arith.cmpi eq, %arg0, %eq3A_1190 : i32
      %convert_element_type3A_1192 = arith.extui %eq3A_1191 : i1 to i32
      %cond3A_1193 = arith.constant 0 : i32
      %cond3A_1194 = arith.cmpi ne, %convert_element_type3A_1192, %cond3A_1193 : i32
      scf.if %cond3A_1194 {
        %broadcast_in_dim3A_1352 = arith.constant 0 : i32
        %broadcast_in_dim3A_1353 = vector.broadcast %broadcast_in_dim3A_1352 : i32 to vector<16xi32>
        %gather3A_1354 = tpu.vector_load_idx %arg14[%add3A_1189, %broadcast_in_dim3A_1353] : memref<400x16xf32, #tpu.memory_space<vmem>>[vector<16xi32>, vector<16xi32>], vector<16xf32>,
        %add3A_1355 = arith.constant 4 : i32
        %add3A_1356 = vector.broadcast %add3A_1355 : i32 to vector<16xi32>
        %add3A_1357 = arith.addi %broadcast_in_dim3A_1353, %add3A_1356 : vector<16xi32>
        %gather3A_1358 = tpu.vector_load_idx %arg15[%add3A_1189, %add3A_1357] : memref<400x16xf32, #tpu.memory_space<vmem>>[vector<16xi32>, vector<16xi32>], vector<16xf32>,
        %gather3A_1359 = tpu.vector_load_idx %arg13[%add3A_1189, %broadcast_in_dim3A_1353] : memref<400x8xf32, #tpu.memory_space<vmem>>[vector<16xi32>, vector<16xi32>], vector<16xf32>,
        %add3A_1360 = arith.addf %gather3A_1354, %gather3A_1358 : vector<16xf32>
        %add3A_1361 = arith.addf %add3A_1360, %gather3A_1359 : vector<16xf32>
        %ge3A_1362 = arith.constant 0.000000e+00 : f32
        %ge3A_1363 = vector.broadcast %ge3A_1362 : f32 to vector<16xf32>
        %ge3A_1364 = arith.cmpf oge, %add3A_1361, %ge3A_1363 : vector<16xf32>
        %mul3A_1365 = arith.constant 2.000000e-01 : f32
        %mul3A_1366 = vector.broadcast %mul3A_1365 : f32 to vector<16xf32>
        %mul3A_1367 = arith.mulf %mul3A_1366, %add3A_1361 : vector<16xf32>
        %select_n3A_1368 = arith.select %ge3A_1364, %add3A_1361, %mul3A_1367 : vector<16xi1>, vector<16xf32>
        %exp3A_1369 = math.exp %select_n3A_1368 : vector<16xf32>
        tpu.vector_store_idx %arg17[%add3A_1189, %broadcast_in_dim3A_1353], %exp3A_1369 : memref<400x16xf32, #tpu.memory_space<vmem>>[vector<16xi32>, vector<16xi32>], vector<16xf32>,
        %broadcast_in_dim3A_1370 = arith.constant 1 : i32
        %broadcast_in_dim3A_1371 = vector.broadcast %broadcast_in_dim3A_1370 : i32 to vector<16xi32>
        %gather3A_1372 = tpu.vector_load_idx %arg14[%add3A_1189, %broadcast_in_dim3A_1371] : memref<400x16xf32, #tpu.memory_space<vmem>>[vector<16xi32>, vector<16xi32>], vector<16xf32>,
        %add3A_1373 = arith.constant 4 : i32
        %add3A_1374 = vector.broadcast %add3A_1373 : i32 to vector<16xi32>
        %add3A_1375 = arith.addi %broadcast_in_dim3A_1371, %add3A_1374 : vector<16xi32>
        %gather3A_1376 = tpu.vector_load_idx %arg15[%add3A_1189, %add3A_1375] : memref<400x16xf32, #tpu.memory_space<vmem>>[vector<16xi32>, vector<16xi32>], vector<16xf32>,
        %gather3A_1377 = tpu.vector_load_idx %arg13[%add3A_1189, %broadcast_in_dim3A_1371] : memref<400x8xf32, #tpu.memory_space<vmem>>[vector<16xi32>, vector<16xi32>], vector<16xf32>,
        %add3A_1378 = arith.addf %gather3A_1372, %gather3A_1376 : vector<16xf32>
        %add3A_1379 = arith.addf %add3A_1378, %gather3A_1377 : vector<16xf32>
        %ge3A_1380 = arith.constant 0.000000e+00 : f32
        %ge3A_1381 = vector.broadcast %ge3A_1380 : f32 to vector<16xf32>
        %ge3A_1382 = arith.cmpf oge, %add3A_1379, %ge3A_1381 : vector<16xf32>
        %mul3A_1383 = arith.constant 2.000000e-01 : f32
        %mul3A_1384 = vector.broadcast %mul3A_1383 : f32 to vector<16xf32>
        %mul3A_1385 = arith.mulf %mul3A_1384, %add3A_1379 : vector<16xf32>
        %select_n3A_1386 = arith.select %ge3A_1382, %add3A_1379, %mul3A_1385 : vector<16xi1>, vector<16xf32>
        %exp3A_1387 = math.exp %select_n3A_1386 : vector<16xf32>
        tpu.vector_store_idx %arg17[%add3A_1189, %broadcast_in_dim3A_1371], %exp3A_1387 : memref<400x16xf32, #tpu.memory_space<vmem>>[vector<16xi32>, vector<16xi32>], vector<16xf32>,
      } else {
      }
      %broadcast_in_dim3A_1195 = arith.constant 2 : i32
      %broadcast_in_dim3A_1196 = vector.broadcast %broadcast_in_dim3A_1195 : i32 to vector<16xi32>
      %gather3A_1197 = tpu.vector_load_idx %arg14[%add3A_1189, %broadcast_in_dim3A_1196] : memref<400x16xf32, #tpu.memory_space<vmem>>[vector<16xi32>, vector<16xi32>], vector<16xf32>,
      %add3A_1198 = arith.constant 4 : i32
      %add3A_1199 = vector.broadcast %add3A_1198 : i32 to vector<16xi32>
      %add3A_1200 = arith.addi %broadcast_in_dim3A_1196, %add3A_1199 : vector<16xi32>
      %gather3A_1201 = tpu.vector_load_idx %arg15[%add3A_1189, %add3A_1200] : memref<400x16xf32, #tpu.memory_space<vmem>>[vector<16xi32>, vector<16xi32>], vector<16xf32>,
      %gather3A_1202 = tpu.vector_load_idx %arg13[%add3A_1189, %broadcast_in_dim3A_1196] : memref<400x8xf32, #tpu.memory_space<vmem>>[vector<16xi32>, vector<16xi32>], vector<16xf32>,
      %add3A_1203 = arith.addf %gather3A_1197, %gather3A_1201 : vector<16xf32>
      %add3A_1204 = arith.addf %add3A_1203, %gather3A_1202 : vector<16xf32>
      %ge3A_1205 = arith.constant 0.000000e+00 : f32
      %ge3A_1206 = vector.broadcast %ge3A_1205 : f32 to vector<16xf32>
      %ge3A_1207 = arith.cmpf oge, %add3A_1204, %ge3A_1206 : vector<16xf32>
      %mul3A_1208 = arith.constant 2.000000e-01 : f32
      %mul3A_1209 = vector.broadcast %mul3A_1208 : f32 to vector<16xf32>
      %mul3A_1210 = arith.mulf %mul3A_1209, %add3A_1204 : vector<16xf32>
      %select_n3A_1211 = arith.select %ge3A_1207, %add3A_1204, %mul3A_1210 : vector<16xi1>, vector<16xf32>
      %exp3A_1212 = math.exp %select_n3A_1211 : vector<16xf32>
      tpu.vector_store_idx %arg17[%add3A_1189, %broadcast_in_dim3A_1196], %exp3A_1212 : memref<400x16xf32, #tpu.memory_space<vmem>>[vector<16xi32>, vector<16xi32>], vector<16xf32>,
      %broadcast_in_dim3A_1213 = arith.constant 3 : i32
      %broadcast_in_dim3A_1214 = vector.broadcast %broadcast_in_dim3A_1213 : i32 to vector<16xi32>
      %gather3A_1215 = tpu.vector_load_idx %arg14[%add3A_1189, %broadcast_in_dim3A_1214] : memref<400x16xf32, #tpu.memory_space<vmem>>[vector<16xi32>, vector<16xi32>], vector<16xf32>,
      %add3A_1216 = arith.constant 4 : i32
      %add3A_1217 = vector.broadcast %add3A_1216 : i32 to vector<16xi32>
      %add3A_1218 = arith.addi %broadcast_in_dim3A_1214, %add3A_1217 : vector<16xi32>
      %gather3A_1219 = tpu.vector_load_idx %arg15[%add3A_1189, %add3A_1218] : memref<400x16xf32, #tpu.memory_space<vmem>>[vector<16xi32>, vector<16xi32>], vector<16xf32>,
      %gather3A_1220 = tpu.vector_load_idx %arg13[%add3A_1189, %broadcast_in_dim3A_1214] : memref<400x8xf32, #tpu.memory_space<vmem>>[vector<16xi32>, vector<16xi32>], vector<16xf32>,
      %add3A_1221 = arith.addf %gather3A_1215, %gather3A_1219 : vector<16xf32>
      %add3A_1222 = arith.addf %add3A_1221, %gather3A_1220 : vector<16xf32>
      %ge3A_1223 = arith.constant 0.000000e+00 : f32
      %ge3A_1224 = vector.broadcast %ge3A_1223 : f32 to vector<16xf32>
      %ge3A_1225 = arith.cmpf oge, %add3A_1222, %ge3A_1224 : vector<16xf32>
      %mul3A_1226 = arith.constant 2.000000e-01 : f32
      %mul3A_1227 = vector.broadcast %mul3A_1226 : f32 to vector<16xf32>
      %mul3A_1228 = arith.mulf %mul3A_1227, %add3A_1222 : vector<16xf32>
      %select_n3A_1229 = arith.select %ge3A_1225, %add3A_1222, %mul3A_1228 : vector<16xi1>, vector<16xf32>
      %exp3A_1230 = math.exp %select_n3A_1229 : vector<16xf32>
      tpu.vector_store_idx %arg17[%add3A_1189, %broadcast_in_dim3A_1214], %exp3A_1230 : memref<400x16xf32, #tpu.memory_space<vmem>>[vector<16xi32>, vector<16xi32>], vector<16xf32>,
      %add3A_1231 = arith.constant 368 : i32
      %add3A_1232 = vector.broadcast %add3A_1231 : i32 to vector<16xi32>
      %add3A_1233 = arith.addi %iota3A, %add3A_1232 : vector<16xi32>
      %eq3A_1234 = arith.constant 0 : i32
      %eq3A_1235 = arith.cmpi eq, %arg0, %eq3A_1234 : i32
      %convert_element_type3A_1236 = arith.extui %eq3A_1235 : i1 to i32
      %cond3A_1237 = arith.constant 0 : i32
      %cond3A_1238 = arith.cmpi ne, %convert_element_type3A_1236, %cond3A_1237 : i32
      scf.if %cond3A_1238 {
        %broadcast_in_dim3A_1352 = arith.constant 0 : i32
        %broadcast_in_dim3A_1353 = vector.broadcast %broadcast_in_dim3A_1352 : i32 to vector<16xi32>
        %gather3A_1354 = tpu.vector_load_idx %arg14[%add3A_1233, %broadcast_in_dim3A_1353] : memref<400x16xf32, #tpu.memory_space<vmem>>[vector<16xi32>, vector<16xi32>], vector<16xf32>,
        %add3A_1355 = arith.constant 4 : i32
        %add3A_1356 = vector.broadcast %add3A_1355 : i32 to vector<16xi32>
        %add3A_1357 = arith.addi %broadcast_in_dim3A_1353, %add3A_1356 : vector<16xi32>
        %gather3A_1358 = tpu.vector_load_idx %arg15[%add3A_1233, %add3A_1357] : memref<400x16xf32, #tpu.memory_space<vmem>>[vector<16xi32>, vector<16xi32>], vector<16xf32>,
        %gather3A_1359 = tpu.vector_load_idx %arg13[%add3A_1233, %broadcast_in_dim3A_1353] : memref<400x8xf32, #tpu.memory_space<vmem>>[vector<16xi32>, vector<16xi32>], vector<16xf32>,
        %add3A_1360 = arith.addf %gather3A_1354, %gather3A_1358 : vector<16xf32>
        %add3A_1361 = arith.addf %add3A_1360, %gather3A_1359 : vector<16xf32>
        %ge3A_1362 = arith.constant 0.000000e+00 : f32
        %ge3A_1363 = vector.broadcast %ge3A_1362 : f32 to vector<16xf32>
        %ge3A_1364 = arith.cmpf oge, %add3A_1361, %ge3A_1363 : vector<16xf32>
        %mul3A_1365 = arith.constant 2.000000e-01 : f32
        %mul3A_1366 = vector.broadcast %mul3A_1365 : f32 to vector<16xf32>
        %mul3A_1367 = arith.mulf %mul3A_1366, %add3A_1361 : vector<16xf32>
        %select_n3A_1368 = arith.select %ge3A_1364, %add3A_1361, %mul3A_1367 : vector<16xi1>, vector<16xf32>
        %exp3A_1369 = math.exp %select_n3A_1368 : vector<16xf32>
        tpu.vector_store_idx %arg17[%add3A_1233, %broadcast_in_dim3A_1353], %exp3A_1369 : memref<400x16xf32, #tpu.memory_space<vmem>>[vector<16xi32>, vector<16xi32>], vector<16xf32>,
        %broadcast_in_dim3A_1370 = arith.constant 1 : i32
        %broadcast_in_dim3A_1371 = vector.broadcast %broadcast_in_dim3A_1370 : i32 to vector<16xi32>
        %gather3A_1372 = tpu.vector_load_idx %arg14[%add3A_1233, %broadcast_in_dim3A_1371] : memref<400x16xf32, #tpu.memory_space<vmem>>[vector<16xi32>, vector<16xi32>], vector<16xf32>,
        %add3A_1373 = arith.constant 4 : i32
        %add3A_1374 = vector.broadcast %add3A_1373 : i32 to vector<16xi32>
        %add3A_1375 = arith.addi %broadcast_in_dim3A_1371, %add3A_1374 : vector<16xi32>
        %gather3A_1376 = tpu.vector_load_idx %arg15[%add3A_1233, %add3A_1375] : memref<400x16xf32, #tpu.memory_space<vmem>>[vector<16xi32>, vector<16xi32>], vector<16xf32>,
        %gather3A_1377 = tpu.vector_load_idx %arg13[%add3A_1233, %broadcast_in_dim3A_1371] : memref<400x8xf32, #tpu.memory_space<vmem>>[vector<16xi32>, vector<16xi32>], vector<16xf32>,
        %add3A_1378 = arith.addf %gather3A_1372, %gather3A_1376 : vector<16xf32>
        %add3A_1379 = arith.addf %add3A_1378, %gather3A_1377 : vector<16xf32>
        %ge3A_1380 = arith.constant 0.000000e+00 : f32
        %ge3A_1381 = vector.broadcast %ge3A_1380 : f32 to vector<16xf32>
        %ge3A_1382 = arith.cmpf oge, %add3A_1379, %ge3A_1381 : vector<16xf32>
        %mul3A_1383 = arith.constant 2.000000e-01 : f32
        %mul3A_1384 = vector.broadcast %mul3A_1383 : f32 to vector<16xf32>
        %mul3A_1385 = arith.mulf %mul3A_1384, %add3A_1379 : vector<16xf32>
        %select_n3A_1386 = arith.select %ge3A_1382, %add3A_1379, %mul3A_1385 : vector<16xi1>, vector<16xf32>
        %exp3A_1387 = math.exp %select_n3A_1386 : vector<16xf32>
        tpu.vector_store_idx %arg17[%add3A_1233, %broadcast_in_dim3A_1371], %exp3A_1387 : memref<400x16xf32, #tpu.memory_space<vmem>>[vector<16xi32>, vector<16xi32>], vector<16xf32>,
      } else {
      }
      %broadcast_in_dim3A_1239 = arith.constant 2 : i32
      %broadcast_in_dim3A_1240 = vector.broadcast %broadcast_in_dim3A_1239 : i32 to vector<16xi32>
      %gather3A_1241 = tpu.vector_load_idx %arg14[%add3A_1233, %broadcast_in_dim3A_1240] : memref<400x16xf32, #tpu.memory_space<vmem>>[vector<16xi32>, vector<16xi32>], vector<16xf32>,
      %add3A_1242 = arith.constant 4 : i32
      %add3A_1243 = vector.broadcast %add3A_1242 : i32 to vector<16xi32>
      %add3A_1244 = arith.addi %broadcast_in_dim3A_1240, %add3A_1243 : vector<16xi32>
      %gather3A_1245 = tpu.vector_load_idx %arg15[%add3A_1233, %add3A_1244] : memref<400x16xf32, #tpu.memory_space<vmem>>[vector<16xi32>, vector<16xi32>], vector<16xf32>,
      %gather3A_1246 = tpu.vector_load_idx %arg13[%add3A_1233, %broadcast_in_dim3A_1240] : memref<400x8xf32, #tpu.memory_space<vmem>>[vector<16xi32>, vector<16xi32>], vector<16xf32>,
      %add3A_1247 = arith.addf %gather3A_1241, %gather3A_1245 : vector<16xf32>
      %add3A_1248 = arith.addf %add3A_1247, %gather3A_1246 : vector<16xf32>
      %ge3A_1249 = arith.constant 0.000000e+00 : f32
      %ge3A_1250 = vector.broadcast %ge3A_1249 : f32 to vector<16xf32>
      %ge3A_1251 = arith.cmpf oge, %add3A_1248, %ge3A_1250 : vector<16xf32>
      %mul3A_1252 = arith.constant 2.000000e-01 : f32
      %mul3A_1253 = vector.broadcast %mul3A_1252 : f32 to vector<16xf32>
      %mul3A_1254 = arith.mulf %mul3A_1253, %add3A_1248 : vector<16xf32>
      %select_n3A_1255 = arith.select %ge3A_1251, %add3A_1248, %mul3A_1254 : vector<16xi1>, vector<16xf32>
      %exp3A_1256 = math.exp %select_n3A_1255 : vector<16xf32>
      tpu.vector_store_idx %arg17[%add3A_1233, %broadcast_in_dim3A_1240], %exp3A_1256 : memref<400x16xf32, #tpu.memory_space<vmem>>[vector<16xi32>, vector<16xi32>], vector<16xf32>,
      %broadcast_in_dim3A_1257 = arith.constant 3 : i32
      %broadcast_in_dim3A_1258 = vector.broadcast %broadcast_in_dim3A_1257 : i32 to vector<16xi32>
      %gather3A_1259 = tpu.vector_load_idx %arg14[%add3A_1233, %broadcast_in_dim3A_1258] : memref<400x16xf32, #tpu.memory_space<vmem>>[vector<16xi32>, vector<16xi32>], vector<16xf32>,
      %add3A_1260 = arith.constant 4 : i32
      %add3A_1261 = vector.broadcast %add3A_1260 : i32 to vector<16xi32>
      %add3A_1262 = arith.addi %broadcast_in_dim3A_1258, %add3A_1261 : vector<16xi32>
      %gather3A_1263 = tpu.vector_load_idx %arg15[%add3A_1233, %add3A_1262] : memref<400x16xf32, #tpu.memory_space<vmem>>[vector<16xi32>, vector<16xi32>], vector<16xf32>,
      %gather3A_1264 = tpu.vector_load_idx %arg13[%add3A_1233, %broadcast_in_dim3A_1258] : memref<400x8xf32, #tpu.memory_space<vmem>>[vector<16xi32>, vector<16xi32>], vector<16xf32>,
      %add3A_1265 = arith.addf %gather3A_1259, %gather3A_1263 : vector<16xf32>
      %add3A_1266 = arith.addf %add3A_1265, %gather3A_1264 : vector<16xf32>
      %ge3A_1267 = arith.constant 0.000000e+00 : f32
      %ge3A_1268 = vector.broadcast %ge3A_1267 : f32 to vector<16xf32>
      %ge3A_1269 = arith.cmpf oge, %add3A_1266, %ge3A_1268 : vector<16xf32>
      %mul3A_1270 = arith.constant 2.000000e-01 : f32
      %mul3A_1271 = vector.broadcast %mul3A_1270 : f32 to vector<16xf32>
      %mul3A_1272 = arith.mulf %mul3A_1271, %add3A_1266 : vector<16xf32>
      %select_n3A_1273 = arith.select %ge3A_1269, %add3A_1266, %mul3A_1272 : vector<16xi1>, vector<16xf32>
      %exp3A_1274 = math.exp %select_n3A_1273 : vector<16xf32>
      tpu.vector_store_idx %arg17[%add3A_1233, %broadcast_in_dim3A_1258], %exp3A_1274 : memref<400x16xf32, #tpu.memory_space<vmem>>[vector<16xi32>, vector<16xi32>], vector<16xf32>,
      %add3A_1275 = arith.constant 384 : i32
      %add3A_1276 = vector.broadcast %add3A_1275 : i32 to vector<16xi32>
      %add3A_1277 = arith.addi %iota3A, %add3A_1276 : vector<16xi32>
      %eq3A_1278 = arith.constant 0 : i32
      %eq3A_1279 = arith.cmpi eq, %arg0, %eq3A_1278 : i32
      %convert_element_type3A_1280 = arith.extui %eq3A_1279 : i1 to i32
      %cond3A_1281 = arith.constant 0 : i32
      %cond3A_1282 = arith.cmpi ne, %convert_element_type3A_1280, %cond3A_1281 : i32
      scf.if %cond3A_1282 {
        %broadcast_in_dim3A_1352 = arith.constant 0 : i32
        %broadcast_in_dim3A_1353 = vector.broadcast %broadcast_in_dim3A_1352 : i32 to vector<16xi32>
        %gather3A_1354 = tpu.vector_load_idx %arg14[%add3A_1277, %broadcast_in_dim3A_1353] : memref<400x16xf32, #tpu.memory_space<vmem>>[vector<16xi32>, vector<16xi32>], vector<16xf32>,
        %add3A_1355 = arith.constant 4 : i32
        %add3A_1356 = vector.broadcast %add3A_1355 : i32 to vector<16xi32>
        %add3A_1357 = arith.addi %broadcast_in_dim3A_1353, %add3A_1356 : vector<16xi32>
        %gather3A_1358 = tpu.vector_load_idx %arg15[%add3A_1277, %add3A_1357] : memref<400x16xf32, #tpu.memory_space<vmem>>[vector<16xi32>, vector<16xi32>], vector<16xf32>,
        %gather3A_1359 = tpu.vector_load_idx %arg13[%add3A_1277, %broadcast_in_dim3A_1353] : memref<400x8xf32, #tpu.memory_space<vmem>>[vector<16xi32>, vector<16xi32>], vector<16xf32>,
        %add3A_1360 = arith.addf %gather3A_1354, %gather3A_1358 : vector<16xf32>
        %add3A_1361 = arith.addf %add3A_1360, %gather3A_1359 : vector<16xf32>
        %ge3A_1362 = arith.constant 0.000000e+00 : f32
        %ge3A_1363 = vector.broadcast %ge3A_1362 : f32 to vector<16xf32>
        %ge3A_1364 = arith.cmpf oge, %add3A_1361, %ge3A_1363 : vector<16xf32>
        %mul3A_1365 = arith.constant 2.000000e-01 : f32
        %mul3A_1366 = vector.broadcast %mul3A_1365 : f32 to vector<16xf32>
        %mul3A_1367 = arith.mulf %mul3A_1366, %add3A_1361 : vector<16xf32>
        %select_n3A_1368 = arith.select %ge3A_1364, %add3A_1361, %mul3A_1367 : vector<16xi1>, vector<16xf32>
        %exp3A_1369 = math.exp %select_n3A_1368 : vector<16xf32>
        tpu.vector_store_idx %arg17[%add3A_1277, %broadcast_in_dim3A_1353], %exp3A_1369 : memref<400x16xf32, #tpu.memory_space<vmem>>[vector<16xi32>, vector<16xi32>], vector<16xf32>,
        %broadcast_in_dim3A_1370 = arith.constant 1 : i32
        %broadcast_in_dim3A_1371 = vector.broadcast %broadcast_in_dim3A_1370 : i32 to vector<16xi32>
        %gather3A_1372 = tpu.vector_load_idx %arg14[%add3A_1277, %broadcast_in_dim3A_1371] : memref<400x16xf32, #tpu.memory_space<vmem>>[vector<16xi32>, vector<16xi32>], vector<16xf32>,
        %add3A_1373 = arith.constant 4 : i32
        %add3A_1374 = vector.broadcast %add3A_1373 : i32 to vector<16xi32>
        %add3A_1375 = arith.addi %broadcast_in_dim3A_1371, %add3A_1374 : vector<16xi32>
        %gather3A_1376 = tpu.vector_load_idx %arg15[%add3A_1277, %add3A_1375] : memref<400x16xf32, #tpu.memory_space<vmem>>[vector<16xi32>, vector<16xi32>], vector<16xf32>,
        %gather3A_1377 = tpu.vector_load_idx %arg13[%add3A_1277, %broadcast_in_dim3A_1371] : memref<400x8xf32, #tpu.memory_space<vmem>>[vector<16xi32>, vector<16xi32>], vector<16xf32>,
        %add3A_1378 = arith.addf %gather3A_1372, %gather3A_1376 : vector<16xf32>
        %add3A_1379 = arith.addf %add3A_1378, %gather3A_1377 : vector<16xf32>
        %ge3A_1380 = arith.constant 0.000000e+00 : f32
        %ge3A_1381 = vector.broadcast %ge3A_1380 : f32 to vector<16xf32>
        %ge3A_1382 = arith.cmpf oge, %add3A_1379, %ge3A_1381 : vector<16xf32>
        %mul3A_1383 = arith.constant 2.000000e-01 : f32
        %mul3A_1384 = vector.broadcast %mul3A_1383 : f32 to vector<16xf32>
        %mul3A_1385 = arith.mulf %mul3A_1384, %add3A_1379 : vector<16xf32>
        %select_n3A_1386 = arith.select %ge3A_1382, %add3A_1379, %mul3A_1385 : vector<16xi1>, vector<16xf32>
        %exp3A_1387 = math.exp %select_n3A_1386 : vector<16xf32>
        tpu.vector_store_idx %arg17[%add3A_1277, %broadcast_in_dim3A_1371], %exp3A_1387 : memref<400x16xf32, #tpu.memory_space<vmem>>[vector<16xi32>, vector<16xi32>], vector<16xf32>,
      } else {
      }
      %broadcast_in_dim3A_1283 = arith.constant 2 : i32
      %broadcast_in_dim3A_1284 = vector.broadcast %broadcast_in_dim3A_1283 : i32 to vector<16xi32>
      %gather3A_1285 = tpu.vector_load_idx %arg14[%add3A_1277, %broadcast_in_dim3A_1284] : memref<400x16xf32, #tpu.memory_space<vmem>>[vector<16xi32>, vector<16xi32>], vector<16xf32>,
      %add3A_1286 = arith.constant 4 : i32
      %add3A_1287 = vector.broadcast %add3A_1286 : i32 to vector<16xi32>
      %add3A_1288 = arith.addi %broadcast_in_dim3A_1284, %add3A_1287 : vector<16xi32>
      %gather3A_1289 = tpu.vector_load_idx %arg15[%add3A_1277, %add3A_1288] : memref<400x16xf32, #tpu.memory_space<vmem>>[vector<16xi32>, vector<16xi32>], vector<16xf32>,
      %gather3A_1290 = tpu.vector_load_idx %arg13[%add3A_1277, %broadcast_in_dim3A_1284] : memref<400x8xf32, #tpu.memory_space<vmem>>[vector<16xi32>, vector<16xi32>], vector<16xf32>,
      %add3A_1291 = arith.addf %gather3A_1285, %gather3A_1289 : vector<16xf32>
      %add3A_1292 = arith.addf %add3A_1291, %gather3A_1290 : vector<16xf32>
      %ge3A_1293 = arith.constant 0.000000e+00 : f32
      %ge3A_1294 = vector.broadcast %ge3A_1293 : f32 to vector<16xf32>
      %ge3A_1295 = arith.cmpf oge, %add3A_1292, %ge3A_1294 : vector<16xf32>
      %mul3A_1296 = arith.constant 2.000000e-01 : f32
      %mul3A_1297 = vector.broadcast %mul3A_1296 : f32 to vector<16xf32>
      %mul3A_1298 = arith.mulf %mul3A_1297, %add3A_1292 : vector<16xf32>
      %select_n3A_1299 = arith.select %ge3A_1295, %add3A_1292, %mul3A_1298 : vector<16xi1>, vector<16xf32>
      %exp3A_1300 = math.exp %select_n3A_1299 : vector<16xf32>
      tpu.vector_store_idx %arg17[%add3A_1277, %broadcast_in_dim3A_1284], %exp3A_1300 : memref<400x16xf32, #tpu.memory_space<vmem>>[vector<16xi32>, vector<16xi32>], vector<16xf32>,
      %broadcast_in_dim3A_1301 = arith.constant 3 : i32
      %broadcast_in_dim3A_1302 = vector.broadcast %broadcast_in_dim3A_1301 : i32 to vector<16xi32>
      %gather3A_1303 = tpu.vector_load_idx %arg14[%add3A_1277, %broadcast_in_dim3A_1302] : memref<400x16xf32, #tpu.memory_space<vmem>>[vector<16xi32>, vector<16xi32>], vector<16xf32>,
      %add3A_1304 = arith.constant 4 : i32
      %add3A_1305 = vector.broadcast %add3A_1304 : i32 to vector<16xi32>
      %add3A_1306 = arith.addi %broadcast_in_dim3A_1302, %add3A_1305 : vector<16xi32>
      %gather3A_1307 = tpu.vector_load_idx %arg15[%add3A_1277, %add3A_1306] : memref<400x16xf32, #tpu.memory_space<vmem>>[vector<16xi32>, vector<16xi32>], vector<16xf32>,
      %gather3A_1308 = tpu.vector_load_idx %arg13[%add3A_1277, %broadcast_in_dim3A_1302] : memref<400x8xf32, #tpu.memory_space<vmem>>[vector<16xi32>, vector<16xi32>], vector<16xf32>,
      %add3A_1309 = arith.addf %gather3A_1303, %gather3A_1307 : vector<16xf32>
      %add3A_1310 = arith.addf %add3A_1309, %gather3A_1308 : vector<16xf32>
      %ge3A_1311 = arith.constant 0.000000e+00 : f32
      %ge3A_1312 = vector.broadcast %ge3A_1311 : f32 to vector<16xf32>
      %ge3A_1313 = arith.cmpf oge, %add3A_1310, %ge3A_1312 : vector<16xf32>
      %mul3A_1314 = arith.constant 2.000000e-01 : f32
      %mul3A_1315 = vector.broadcast %mul3A_1314 : f32 to vector<16xf32>
      %mul3A_1316 = arith.mulf %mul3A_1315, %add3A_1310 : vector<16xf32>
      %select_n3A_1317 = arith.select %ge3A_1313, %add3A_1310, %mul3A_1316 : vector<16xi1>, vector<16xf32>
      %exp3A_1318 = math.exp %select_n3A_1317 : vector<16xf32>
      tpu.vector_store_idx %arg17[%add3A_1277, %broadcast_in_dim3A_1302], %exp3A_1318 : memref<400x16xf32, #tpu.memory_space<vmem>>[vector<16xi32>, vector<16xi32>], vector<16xf32>,
      %broadcast_in_dim3A_1319 = arith.constant 2 : i32
      %broadcast_in_dim3A_1320 = vector.broadcast %broadcast_in_dim3A_1319 : i32 to vector<16xi32>
      %mul3A_1321 = vector.broadcast %arg0 : i32 to vector<16xi32>
      %mul3A_1322 = arith.muli %broadcast_in_dim3A_1320, %mul3A_1321 : vector<16xi32>
      %scan3A_1323 = arith.constant 0 : i32
      %scan3A_1324 = arith.constant 0 : i32
      %scan3A_1325 = arith.constant 400 : i32
      %scan3A_1326 = arith.addi %scan3A_1324, %scan3A_1325 : i32
      %scan3A_1327 = arith.constant 1 : i32
      scf.for %scan3A_1352 = %scan3A_1324 to %scan3A_1326 step %scan3A_1327  : i32 {
        %broadcast_in_dim3A_1353 = vector.broadcast %scan3A_1352 : i32 to vector<16xi32>
        %gather3A_1354 = tpu.vector_load_idx %arg17[%broadcast_in_dim3A_1353, %mul3A_1322] : memref<400x16xf32, #tpu.memory_space<vmem>>[vector<16xi32>, vector<16xi32>], vector<16xf32>,
        %add3A_1355 = arith.constant 1 : i32
        %add3A_1356 = vector.broadcast %add3A_1355 : i32 to vector<16xi32>
        %add3A_1357 = arith.addi %mul3A_1322, %add3A_1356 : vector<16xi32>
        %gather3A_1358 = tpu.vector_load_idx %arg17[%broadcast_in_dim3A_1353, %add3A_1357] : memref<400x16xf32, #tpu.memory_space<vmem>>[vector<16xi32>, vector<16xi32>], vector<16xf32>,
        %get3A = arith.index_cast %scan3A_1352 : i32 to index
        %get3A_1359 = arith.constant 0 : index
        %get3A_1360 = tpu.vector_load %arg16[%get3A, %get3A_1359] {strides = array<i32>} : memref<400x64xf32, #tpu.memory_space<vmem>>, vector<16xf32>,
        %mul3A_1361 = arith.mulf %get3A_1360, %gather3A_1354 : vector<16xf32>
        %swap3A = arith.index_cast %scan3A_1352 : i32 to index
        %swap3A_1362 = arith.constant 0 : index
        %swap3A_1363 = tpu.vector_load %arg16[%swap3A, %swap3A_1362] {strides = array<i32>} : memref<400x64xf32, #tpu.memory_space<vmem>>, vector<16xf32>,
        tpu.vector_store %arg16[%swap3A, %swap3A_1362], %mul3A_1361 {strides = array<i32>} : memref<400x64xf32, #tpu.memory_space<vmem>>, vector<16xf32>,
        %get3A_1364 = arith.index_cast %scan3A_1352 : i32 to index
        %get3A_1365 = arith.constant 16 : index
        %get3A_1366 = tpu.vector_load %arg16[%get3A_1364, %get3A_1365] {strides = array<i32>} : memref<400x64xf32, #tpu.memory_space<vmem>>, vector<16xf32>,
        %mul3A_1367 = arith.mulf %get3A_1366, %gather3A_1354 : vector<16xf32>
        %swap3A_1368 = arith.index_cast %scan3A_1352 : i32 to index
        %swap3A_1369 = arith.constant 16 : index
        %swap3A_1370 = tpu.vector_load %arg16[%swap3A_1368, %swap3A_1369] {strides = array<i32>} : memref<400x64xf32, #tpu.memory_space<vmem>>, vector<16xf32>,
        tpu.vector_store %arg16[%swap3A_1368, %swap3A_1369], %mul3A_1367 {strides = array<i32>} : memref<400x64xf32, #tpu.memory_space<vmem>>, vector<16xf32>,
        %get3A_1371 = arith.index_cast %scan3A_1352 : i32 to index
        %get3A_1372 = arith.constant 32 : index
        %get3A_1373 = tpu.vector_load %arg16[%get3A_1371, %get3A_1372] {strides = array<i32>} : memref<400x64xf32, #tpu.memory_space<vmem>>, vector<16xf32>,
        %mul3A_1374 = arith.mulf %get3A_1373, %gather3A_1358 : vector<16xf32>
        %swap3A_1375 = arith.index_cast %scan3A_1352 : i32 to index
        %swap3A_1376 = arith.constant 32 : index
        %swap3A_1377 = tpu.vector_load %arg16[%swap3A_1375, %swap3A_1376] {strides = array<i32>} : memref<400x64xf32, #tpu.memory_space<vmem>>, vector<16xf32>,
        tpu.vector_store %arg16[%swap3A_1375, %swap3A_1376], %mul3A_1374 {strides = array<i32>} : memref<400x64xf32, #tpu.memory_space<vmem>>, vector<16xf32>,
        %get3A_1378 = arith.index_cast %scan3A_1352 : i32 to index
        %get3A_1379 = arith.constant 48 : index
        %get3A_1380 = tpu.vector_load %arg16[%get3A_1378, %get3A_1379] {strides = array<i32>} : memref<400x64xf32, #tpu.memory_space<vmem>>, vector<16xf32>,
        %mul3A_1381 = arith.mulf %get3A_1380, %gather3A_1358 : vector<16xf32>
        %swap3A_1382 = arith.index_cast %scan3A_1352 : i32 to index
        %swap3A_1383 = arith.constant 48 : index
        %swap3A_1384 = tpu.vector_load %arg16[%swap3A_1382, %swap3A_1383] {strides = array<i32>} : memref<400x64xf32, #tpu.memory_space<vmem>>, vector<16xf32>,
        tpu.vector_store %arg16[%swap3A_1382, %swap3A_1383], %mul3A_1381 {strides = array<i32>} : memref<400x64xf32, #tpu.memory_space<vmem>>, vector<16xf32>,
      }
      %scan3A_1328 = arith.constant 400 : i32
      %run_scoped3A = arith.constant 0 : i32
      "tpu.region"() ({
        %run_scoped3A_1352 = tpu.sem_alloc : memref<!tpu.dma_semaphore, #tpu.memory_space<semaphore_mem>>
        %dma_start3A_1353 = arith.constant 0 : i32
        %dma_start3A_1354 = arith.constant 0 : i32
        %dma_start3A_1355 = tpu.memref_slice %arg16[%dma_start3A_1353, %dma_start3A_1354] : memref<400x64xf32, #tpu.memory_space<vmem>> -> memref<100x64xf32, #tpu.memory_space<vmem>>
        %dma_start3A_1356 = arith.constant 0 : i32
        %dma_start3A_1357 = tpu.memref_slice %arg12[%run_scoped3A, %dma_start3A_1356] : memref<4x100xi32, #tpu.memory_space<vmem>> -> memref<1x100xi32, #tpu.memory_space<vmem>>
        %dma_start3A_1358 = tpu.memref_squeeze %dma_start3A_1357 : memref<1x100xi32, #tpu.memory_space<vmem>> -> memref<100xi32, #tpu.memory_space<vmem>>
        %dma_start3A_1359 = arith.constant 0 : i32
        %dma_start3A_1360 = arith.constant 0 : i32
        %dma_start3A_1361 = tpu.memref_slice %arg18[%dma_start3A_1359, %dma_start3A_1360] : memref<10000x64xf32, #tpu.memory_space<vmem_shared>> -> memref<10000x64xf32, #tpu.memory_space<vmem_shared>>
        tpu.enqueue_indirect_dma source(%dma_start3A_1355 : memref<100x64xf32, #tpu.memory_space<vmem>>) target(%dma_start3A_1361 : memref<10000x64xf32, #tpu.memory_space<vmem_shared>>) offsets(%dma_start3A_1358 : memref<100xi32, #tpu.memory_space<vmem>>) semaphore(%run_scoped3A_1352 : memref<!tpu.dma_semaphore, #tpu.memory_space<semaphore_mem>>) {add = true}
        %dma_wait3A_1362 = arith.constant 0 : i32
        %dma_wait3A_1363 = arith.constant 0 : i32
        %dma_wait3A_1364 = tpu.memref_slice %arg16[%dma_wait3A_1362, %dma_wait3A_1363] : memref<400x64xf32, #tpu.memory_space<vmem>> -> memref<100x64xf32, #tpu.memory_space<vmem>>
        %dma_wait3A_1365 = arith.constant 0 : i32
        %dma_wait3A_1366 = tpu.memref_slice %arg12[%run_scoped3A, %dma_wait3A_1365] : memref<4x100xi32, #tpu.memory_space<vmem>> -> memref<1x100xi32, #tpu.memory_space<vmem>>
        %dma_wait3A_1367 = tpu.memref_squeeze %dma_wait3A_1366 : memref<1x100xi32, #tpu.memory_space<vmem>> -> memref<100xi32, #tpu.memory_space<vmem>>
        %dma_wait3A_1368 = arith.constant 0 : i32
        %dma_wait3A_1369 = arith.constant 0 : i32
        %dma_wait3A_1370 = tpu.memref_slice %arg18[%dma_wait3A_1368, %dma_wait3A_1369] : memref<10000x64xf32, #tpu.memory_space<vmem_shared>> -> memref<10000x64xf32, #tpu.memory_space<vmem_shared>>
        tpu.wait_indirect_dma semaphore(%run_scoped3A_1352 : memref<!tpu.dma_semaphore, #tpu.memory_space<semaphore_mem>>) src(%dma_wait3A_1364 : memref<100x64xf32, #tpu.memory_space<vmem>>) dst(%dma_wait3A_1370 : memref<10000x64xf32, #tpu.memory_space<vmem_shared>>)
        tpu.yield
      }) : () -> ()
      %eq3A_1329 = arith.constant 0 : i32
      %eq3A_1330 = arith.cmpi eq, %arg0, %eq3A_1329 : i32
      %convert_element_type3A_1331 = arith.extui %eq3A_1330 : i1 to i32
      %cond3A_1332 = arith.constant 0 : i32
      %cond3A_1333 = arith.cmpi ne, %convert_element_type3A_1331, %cond3A_1332 : i32
      scf.if %cond3A_1333 {
        %run_scoped3A_1352 = arith.constant 0 : i32
        "tpu.region"() ({
          %run_scoped3A_1353 = tpu.sem_alloc : memref<!tpu.dma_semaphore, #tpu.memory_space<semaphore_mem>>
          %dma_start3A_1354 = arith.constant 0 : i32
          %dma_start3A_1355 = arith.constant 0 : i32
          %dma_start3A_1356 = tpu.memref_slice %arg17[%dma_start3A_1354, %dma_start3A_1355] : memref<400x16xf32, #tpu.memory_space<vmem>> -> memref<100x16xf32, #tpu.memory_space<vmem>>
          %dma_start3A_1357 = arith.constant 0 : i32
          %dma_start3A_1358 = tpu.memref_slice %arg12[%run_scoped3A_1352, %dma_start3A_1357] : memref<4x100xi32, #tpu.memory_space<vmem>> -> memref<1x100xi32, #tpu.memory_space<vmem>>
          %dma_start3A_1359 = tpu.memref_squeeze %dma_start3A_1358 : memref<1x100xi32, #tpu.memory_space<vmem>> -> memref<100xi32, #tpu.memory_space<vmem>>
          %dma_start3A_1360 = arith.constant 0 : i32
          %dma_start3A_1361 = arith.constant 0 : i32
          %dma_start3A_1362 = tpu.memref_slice %arg19[%dma_start3A_1360, %dma_start3A_1361] : memref<10000x16xf32, #tpu.memory_space<vmem_shared>> -> memref<10000x16xf32, #tpu.memory_space<vmem_shared>>
          tpu.enqueue_indirect_dma source(%dma_start3A_1356 : memref<100x16xf32, #tpu.memory_space<vmem>>) target(%dma_start3A_1362 : memref<10000x16xf32, #tpu.memory_space<vmem_shared>>) offsets(%dma_start3A_1359 : memref<100xi32, #tpu.memory_space<vmem>>) semaphore(%run_scoped3A_1353 : memref<!tpu.dma_semaphore, #tpu.memory_space<semaphore_mem>>) {add = true}
          %dma_wait3A_1363 = arith.constant 0 : i32
          %dma_wait3A_1364 = arith.constant 0 : i32
          %dma_wait3A_1365 = tpu.memref_slice %arg17[%dma_wait3A_1363, %dma_wait3A_1364] : memref<400x16xf32, #tpu.memory_space<vmem>> -> memref<100x16xf32, #tpu.memory_space<vmem>>
          %dma_wait3A_1366 = arith.constant 0 : i32
          %dma_wait3A_1367 = tpu.memref_slice %arg12[%run_scoped3A_1352, %dma_wait3A_1366] : memref<4x100xi32, #tpu.memory_space<vmem>> -> memref<1x100xi32, #tpu.memory_space<vmem>>
          %dma_wait3A_1368 = tpu.memref_squeeze %dma_wait3A_1367 : memref<1x100xi32, #tpu.memory_space<vmem>> -> memref<100xi32, #tpu.memory_space<vmem>>
          %dma_wait3A_1369 = arith.constant 0 : i32
          %dma_wait3A_1370 = arith.constant 0 : i32
          %dma_wait3A_1371 = tpu.memref_slice %arg19[%dma_wait3A_1369, %dma_wait3A_1370] : memref<10000x16xf32, #tpu.memory_space<vmem_shared>> -> memref<10000x16xf32, #tpu.memory_space<vmem_shared>>
          tpu.wait_indirect_dma semaphore(%run_scoped3A_1353 : memref<!tpu.dma_semaphore, #tpu.memory_space<semaphore_mem>>) src(%dma_wait3A_1365 : memref<100x16xf32, #tpu.memory_space<vmem>>) dst(%dma_wait3A_1371 : memref<10000x16xf32, #tpu.memory_space<vmem_shared>>)
          tpu.yield
        }) : () -> ()
      } else {
      }
      %run_scoped3A_1334 = arith.constant 1 : i32
      "tpu.region"() ({
        %run_scoped3A_1352 = tpu.sem_alloc : memref<!tpu.dma_semaphore, #tpu.memory_space<semaphore_mem>>
        %dma_start3A_1353 = arith.constant 100 : i32
        %dma_start3A_1354 = arith.constant 0 : i32
        %dma_start3A_1355 = tpu.memref_slice %arg16[%dma_start3A_1353, %dma_start3A_1354] : memref<400x64xf32, #tpu.memory_space<vmem>> -> memref<100x64xf32, #tpu.memory_space<vmem>>
        %dma_start3A_1356 = arith.constant 0 : i32
        %dma_start3A_1357 = tpu.memref_slice %arg12[%run_scoped3A_1334, %dma_start3A_1356] : memref<4x100xi32, #tpu.memory_space<vmem>> -> memref<1x100xi32, #tpu.memory_space<vmem>>
        %dma_start3A_1358 = tpu.memref_squeeze %dma_start3A_1357 : memref<1x100xi32, #tpu.memory_space<vmem>> -> memref<100xi32, #tpu.memory_space<vmem>>
        %dma_start3A_1359 = arith.constant 0 : i32
        %dma_start3A_1360 = arith.constant 0 : i32
        %dma_start3A_1361 = tpu.memref_slice %arg18[%dma_start3A_1359, %dma_start3A_1360] : memref<10000x64xf32, #tpu.memory_space<vmem_shared>> -> memref<10000x64xf32, #tpu.memory_space<vmem_shared>>
        tpu.enqueue_indirect_dma source(%dma_start3A_1355 : memref<100x64xf32, #tpu.memory_space<vmem>>) target(%dma_start3A_1361 : memref<10000x64xf32, #tpu.memory_space<vmem_shared>>) offsets(%dma_start3A_1358 : memref<100xi32, #tpu.memory_space<vmem>>) semaphore(%run_scoped3A_1352 : memref<!tpu.dma_semaphore, #tpu.memory_space<semaphore_mem>>) {add = true}
        %dma_wait3A_1362 = arith.constant 100 : i32
        %dma_wait3A_1363 = arith.constant 0 : i32
        %dma_wait3A_1364 = tpu.memref_slice %arg16[%dma_wait3A_1362, %dma_wait3A_1363] : memref<400x64xf32, #tpu.memory_space<vmem>> -> memref<100x64xf32, #tpu.memory_space<vmem>>
        %dma_wait3A_1365 = arith.constant 0 : i32
        %dma_wait3A_1366 = tpu.memref_slice %arg12[%run_scoped3A_1334, %dma_wait3A_1365] : memref<4x100xi32, #tpu.memory_space<vmem>> -> memref<1x100xi32, #tpu.memory_space<vmem>>
        %dma_wait3A_1367 = tpu.memref_squeeze %dma_wait3A_1366 : memref<1x100xi32, #tpu.memory_space<vmem>> -> memref<100xi32, #tpu.memory_space<vmem>>
        %dma_wait3A_1368 = arith.constant 0 : i32
        %dma_wait3A_1369 = arith.constant 0 : i32
        %dma_wait3A_1370 = tpu.memref_slice %arg18[%dma_wait3A_1368, %dma_wait3A_1369] : memref<10000x64xf32, #tpu.memory_space<vmem_shared>> -> memref<10000x64xf32, #tpu.memory_space<vmem_shared>>
        tpu.wait_indirect_dma semaphore(%run_scoped3A_1352 : memref<!tpu.dma_semaphore, #tpu.memory_space<semaphore_mem>>) src(%dma_wait3A_1364 : memref<100x64xf32, #tpu.memory_space<vmem>>) dst(%dma_wait3A_1370 : memref<10000x64xf32, #tpu.memory_space<vmem_shared>>)
        tpu.yield
      }) : () -> ()
      %eq3A_1335 = arith.constant 0 : i32
      %eq3A_1336 = arith.cmpi eq, %arg0, %eq3A_1335 : i32
      %convert_element_type3A_1337 = arith.extui %eq3A_1336 : i1 to i32
      %cond3A_1338 = arith.constant 0 : i32
      %cond3A_1339 = arith.cmpi ne, %convert_element_type3A_1337, %cond3A_1338 : i32
      scf.if %cond3A_1339 {
        %run_scoped3A_1352 = arith.constant 1 : i32
        "tpu.region"() ({
          %run_scoped3A_1353 = tpu.sem_alloc : memref<!tpu.dma_semaphore, #tpu.memory_space<semaphore_mem>>
          %dma_start3A_1354 = arith.constant 100 : i32
          %dma_start3A_1355 = arith.constant 0 : i32
          %dma_start3A_1356 = tpu.memref_slice %arg17[%dma_start3A_1354, %dma_start3A_1355] : memref<400x16xf32, #tpu.memory_space<vmem>> -> memref<100x16xf32, #tpu.memory_space<vmem>>
          %dma_start3A_1357 = arith.constant 0 : i32
          %dma_start3A_1358 = tpu.memref_slice %arg12[%run_scoped3A_1352, %dma_start3A_1357] : memref<4x100xi32, #tpu.memory_space<vmem>> -> memref<1x100xi32, #tpu.memory_space<vmem>>
          %dma_start3A_1359 = tpu.memref_squeeze %dma_start3A_1358 : memref<1x100xi32, #tpu.memory_space<vmem>> -> memref<100xi32, #tpu.memory_space<vmem>>
          %dma_start3A_1360 = arith.constant 0 : i32
          %dma_start3A_1361 = arith.constant 0 : i32
          %dma_start3A_1362 = tpu.memref_slice %arg19[%dma_start3A_1360, %dma_start3A_1361] : memref<10000x16xf32, #tpu.memory_space<vmem_shared>> -> memref<10000x16xf32, #tpu.memory_space<vmem_shared>>
          tpu.enqueue_indirect_dma source(%dma_start3A_1356 : memref<100x16xf32, #tpu.memory_space<vmem>>) target(%dma_start3A_1362 : memref<10000x16xf32, #tpu.memory_space<vmem_shared>>) offsets(%dma_start3A_1359 : memref<100xi32, #tpu.memory_space<vmem>>) semaphore(%run_scoped3A_1353 : memref<!tpu.dma_semaphore, #tpu.memory_space<semaphore_mem>>) {add = true}
          %dma_wait3A_1363 = arith.constant 100 : i32
          %dma_wait3A_1364 = arith.constant 0 : i32
          %dma_wait3A_1365 = tpu.memref_slice %arg17[%dma_wait3A_1363, %dma_wait3A_1364] : memref<400x16xf32, #tpu.memory_space<vmem>> -> memref<100x16xf32, #tpu.memory_space<vmem>>
          %dma_wait3A_1366 = arith.constant 0 : i32
          %dma_wait3A_1367 = tpu.memref_slice %arg12[%run_scoped3A_1352, %dma_wait3A_1366] : memref<4x100xi32, #tpu.memory_space<vmem>> -> memref<1x100xi32, #tpu.memory_space<vmem>>
          %dma_wait3A_1368 = tpu.memref_squeeze %dma_wait3A_1367 : memref<1x100xi32, #tpu.memory_space<vmem>> -> memref<100xi32, #tpu.memory_space<vmem>>
          %dma_wait3A_1369 = arith.constant 0 : i32
          %dma_wait3A_1370 = arith.constant 0 : i32
          %dma_wait3A_1371 = tpu.memref_slice %arg19[%dma_wait3A_1369, %dma_wait3A_1370] : memref<10000x16xf32, #tpu.memory_space<vmem_shared>> -> memref<10000x16xf32, #tpu.memory_space<vmem_shared>>
          tpu.wait_indirect_dma semaphore(%run_scoped3A_1353 : memref<!tpu.dma_semaphore, #tpu.memory_space<semaphore_mem>>) src(%dma_wait3A_1365 : memref<100x16xf32, #tpu.memory_space<vmem>>) dst(%dma_wait3A_1371 : memref<10000x16xf32, #tpu.memory_space<vmem_shared>>)
          tpu.yield
        }) : () -> ()
      } else {
      }
      %run_scoped3A_1340 = arith.constant 2 : i32
      "tpu.region"() ({
        %run_scoped3A_1352 = tpu.sem_alloc : memref<!tpu.dma_semaphore, #tpu.memory_space<semaphore_mem>>
        %dma_start3A_1353 = arith.constant 200 : i32
        %dma_start3A_1354 = arith.constant 0 : i32
        %dma_start3A_1355 = tpu.memref_slice %arg16[%dma_start3A_1353, %dma_start3A_1354] : memref<400x64xf32, #tpu.memory_space<vmem>> -> memref<100x64xf32, #tpu.memory_space<vmem>>
        %dma_start3A_1356 = arith.constant 0 : i32
        %dma_start3A_1357 = tpu.memref_slice %arg12[%run_scoped3A_1340, %dma_start3A_1356] : memref<4x100xi32, #tpu.memory_space<vmem>> -> memref<1x100xi32, #tpu.memory_space<vmem>>
        %dma_start3A_1358 = tpu.memref_squeeze %dma_start3A_1357 : memref<1x100xi32, #tpu.memory_space<vmem>> -> memref<100xi32, #tpu.memory_space<vmem>>
        %dma_start3A_1359 = arith.constant 0 : i32
        %dma_start3A_1360 = arith.constant 0 : i32
        %dma_start3A_1361 = tpu.memref_slice %arg18[%dma_start3A_1359, %dma_start3A_1360] : memref<10000x64xf32, #tpu.memory_space<vmem_shared>> -> memref<10000x64xf32, #tpu.memory_space<vmem_shared>>
        tpu.enqueue_indirect_dma source(%dma_start3A_1355 : memref<100x64xf32, #tpu.memory_space<vmem>>) target(%dma_start3A_1361 : memref<10000x64xf32, #tpu.memory_space<vmem_shared>>) offsets(%dma_start3A_1358 : memref<100xi32, #tpu.memory_space<vmem>>) semaphore(%run_scoped3A_1352 : memref<!tpu.dma_semaphore, #tpu.memory_space<semaphore_mem>>) {add = true}
        %dma_wait3A_1362 = arith.constant 200 : i32
        %dma_wait3A_1363 = arith.constant 0 : i32
        %dma_wait3A_1364 = tpu.memref_slice %arg16[%dma_wait3A_1362, %dma_wait3A_1363] : memref<400x64xf32, #tpu.memory_space<vmem>> -> memref<100x64xf32, #tpu.memory_space<vmem>>
        %dma_wait3A_1365 = arith.constant 0 : i32
        %dma_wait3A_1366 = tpu.memref_slice %arg12[%run_scoped3A_1340, %dma_wait3A_1365] : memref<4x100xi32, #tpu.memory_space<vmem>> -> memref<1x100xi32, #tpu.memory_space<vmem>>
        %dma_wait3A_1367 = tpu.memref_squeeze %dma_wait3A_1366 : memref<1x100xi32, #tpu.memory_space<vmem>> -> memref<100xi32, #tpu.memory_space<vmem>>
        %dma_wait3A_1368 = arith.constant 0 : i32
        %dma_wait3A_1369 = arith.constant 0 : i32
        %dma_wait3A_1370 = tpu.memref_slice %arg18[%dma_wait3A_1368, %dma_wait3A_1369] : memref<10000x64xf32, #tpu.memory_space<vmem_shared>> -> memref<10000x64xf32, #tpu.memory_space<vmem_shared>>
        tpu.wait_indirect_dma semaphore(%run_scoped3A_1352 : memref<!tpu.dma_semaphore, #tpu.memory_space<semaphore_mem>>) src(%dma_wait3A_1364 : memref<100x64xf32, #tpu.memory_space<vmem>>) dst(%dma_wait3A_1370 : memref<10000x64xf32, #tpu.memory_space<vmem_shared>>)
        tpu.yield
      }) : () -> ()
      %eq3A_1341 = arith.constant 0 : i32
      %eq3A_1342 = arith.cmpi eq, %arg0, %eq3A_1341 : i32
      %convert_element_type3A_1343 = arith.extui %eq3A_1342 : i1 to i32
      %cond3A_1344 = arith.constant 0 : i32
      %cond3A_1345 = arith.cmpi ne, %convert_element_type3A_1343, %cond3A_1344 : i32
      scf.if %cond3A_1345 {
        %run_scoped3A_1352 = arith.constant 2 : i32
        "tpu.region"() ({
          %run_scoped3A_1353 = tpu.sem_alloc : memref<!tpu.dma_semaphore, #tpu.memory_space<semaphore_mem>>
          %dma_start3A_1354 = arith.constant 200 : i32
          %dma_start3A_1355 = arith.constant 0 : i32
          %dma_start3A_1356 = tpu.memref_slice %arg17[%dma_start3A_1354, %dma_start3A_1355] : memref<400x16xf32, #tpu.memory_space<vmem>> -> memref<100x16xf32, #tpu.memory_space<vmem>>
          %dma_start3A_1357 = arith.constant 0 : i32
          %dma_start3A_1358 = tpu.memref_slice %arg12[%run_scoped3A_1352, %dma_start3A_1357] : memref<4x100xi32, #tpu.memory_space<vmem>> -> memref<1x100xi32, #tpu.memory_space<vmem>>
          %dma_start3A_1359 = tpu.memref_squeeze %dma_start3A_1358 : memref<1x100xi32, #tpu.memory_space<vmem>> -> memref<100xi32, #tpu.memory_space<vmem>>
          %dma_start3A_1360 = arith.constant 0 : i32
          %dma_start3A_1361 = arith.constant 0 : i32
          %dma_start3A_1362 = tpu.memref_slice %arg19[%dma_start3A_1360, %dma_start3A_1361] : memref<10000x16xf32, #tpu.memory_space<vmem_shared>> -> memref<10000x16xf32, #tpu.memory_space<vmem_shared>>
          tpu.enqueue_indirect_dma source(%dma_start3A_1356 : memref<100x16xf32, #tpu.memory_space<vmem>>) target(%dma_start3A_1362 : memref<10000x16xf32, #tpu.memory_space<vmem_shared>>) offsets(%dma_start3A_1359 : memref<100xi32, #tpu.memory_space<vmem>>) semaphore(%run_scoped3A_1353 : memref<!tpu.dma_semaphore, #tpu.memory_space<semaphore_mem>>) {add = true}
          %dma_wait3A_1363 = arith.constant 200 : i32
          %dma_wait3A_1364 = arith.constant 0 : i32
          %dma_wait3A_1365 = tpu.memref_slice %arg17[%dma_wait3A_1363, %dma_wait3A_1364] : memref<400x16xf32, #tpu.memory_space<vmem>> -> memref<100x16xf32, #tpu.memory_space<vmem>>
          %dma_wait3A_1366 = arith.constant 0 : i32
          %dma_wait3A_1367 = tpu.memref_slice %arg12[%run_scoped3A_1352, %dma_wait3A_1366] : memref<4x100xi32, #tpu.memory_space<vmem>> -> memref<1x100xi32, #tpu.memory_space<vmem>>
          %dma_wait3A_1368 = tpu.memref_squeeze %dma_wait3A_1367 : memref<1x100xi32, #tpu.memory_space<vmem>> -> memref<100xi32, #tpu.memory_space<vmem>>
          %dma_wait3A_1369 = arith.constant 0 : i32
          %dma_wait3A_1370 = arith.constant 0 : i32
          %dma_wait3A_1371 = tpu.memref_slice %arg19[%dma_wait3A_1369, %dma_wait3A_1370] : memref<10000x16xf32, #tpu.memory_space<vmem_shared>> -> memref<10000x16xf32, #tpu.memory_space<vmem_shared>>
          tpu.wait_indirect_dma semaphore(%run_scoped3A_1353 : memref<!tpu.dma_semaphore, #tpu.memory_space<semaphore_mem>>) src(%dma_wait3A_1365 : memref<100x16xf32, #tpu.memory_space<vmem>>) dst(%dma_wait3A_1371 : memref<10000x16xf32, #tpu.memory_space<vmem_shared>>)
          tpu.yield
        }) : () -> ()
      } else {
      }
      %run_scoped3A_1346 = arith.constant 3 : i32
      "tpu.region"() ({
        %run_scoped3A_1352 = tpu.sem_alloc : memref<!tpu.dma_semaphore, #tpu.memory_space<semaphore_mem>>
        %dma_start3A_1353 = arith.constant 300 : i32
        %dma_start3A_1354 = arith.constant 0 : i32
        %dma_start3A_1355 = tpu.memref_slice %arg16[%dma_start3A_1353, %dma_start3A_1354] : memref<400x64xf32, #tpu.memory_space<vmem>> -> memref<100x64xf32, #tpu.memory_space<vmem>>
        %dma_start3A_1356 = arith.constant 0 : i32
        %dma_start3A_1357 = tpu.memref_slice %arg12[%run_scoped3A_1346, %dma_start3A_1356] : memref<4x100xi32, #tpu.memory_space<vmem>> -> memref<1x100xi32, #tpu.memory_space<vmem>>
        %dma_start3A_1358 = tpu.memref_squeeze %dma_start3A_1357 : memref<1x100xi32, #tpu.memory_space<vmem>> -> memref<100xi32, #tpu.memory_space<vmem>>
        %dma_start3A_1359 = arith.constant 0 : i32
        %dma_start3A_1360 = arith.constant 0 : i32
        %dma_start3A_1361 = tpu.memref_slice %arg18[%dma_start3A_1359, %dma_start3A_1360] : memref<10000x64xf32, #tpu.memory_space<vmem_shared>> -> memref<10000x64xf32, #tpu.memory_space<vmem_shared>>
        tpu.enqueue_indirect_dma source(%dma_start3A_1355 : memref<100x64xf32, #tpu.memory_space<vmem>>) target(%dma_start3A_1361 : memref<10000x64xf32, #tpu.memory_space<vmem_shared>>) offsets(%dma_start3A_1358 : memref<100xi32, #tpu.memory_space<vmem>>) semaphore(%run_scoped3A_1352 : memref<!tpu.dma_semaphore, #tpu.memory_space<semaphore_mem>>) {add = true}
        %dma_wait3A_1362 = arith.constant 300 : i32
        %dma_wait3A_1363 = arith.constant 0 : i32
        %dma_wait3A_1364 = tpu.memref_slice %arg16[%dma_wait3A_1362, %dma_wait3A_1363] : memref<400x64xf32, #tpu.memory_space<vmem>> -> memref<100x64xf32, #tpu.memory_space<vmem>>
        %dma_wait3A_1365 = arith.constant 0 : i32
        %dma_wait3A_1366 = tpu.memref_slice %arg12[%run_scoped3A_1346, %dma_wait3A_1365] : memref<4x100xi32, #tpu.memory_space<vmem>> -> memref<1x100xi32, #tpu.memory_space<vmem>>
        %dma_wait3A_1367 = tpu.memref_squeeze %dma_wait3A_1366 : memref<1x100xi32, #tpu.memory_space<vmem>> -> memref<100xi32, #tpu.memory_space<vmem>>
        %dma_wait3A_1368 = arith.constant 0 : i32
        %dma_wait3A_1369 = arith.constant 0 : i32
        %dma_wait3A_1370 = tpu.memref_slice %arg18[%dma_wait3A_1368, %dma_wait3A_1369] : memref<10000x64xf32, #tpu.memory_space<vmem_shared>> -> memref<10000x64xf32, #tpu.memory_space<vmem_shared>>
        tpu.wait_indirect_dma semaphore(%run_scoped3A_1352 : memref<!tpu.dma_semaphore, #tpu.memory_space<semaphore_mem>>) src(%dma_wait3A_1364 : memref<100x64xf32, #tpu.memory_space<vmem>>) dst(%dma_wait3A_1370 : memref<10000x64xf32, #tpu.memory_space<vmem_shared>>)
        tpu.yield
      }) : () -> ()
      %eq3A_1347 = arith.constant 0 : i32
      %eq3A_1348 = arith.cmpi eq, %arg0, %eq3A_1347 : i32
      %convert_element_type3A_1349 = arith.extui %eq3A_1348 : i1 to i32
      %cond3A_1350 = arith.constant 0 : i32
      %cond3A_1351 = arith.cmpi ne, %convert_element_type3A_1349, %cond3A_1350 : i32
      scf.if %cond3A_1351 {
        %run_scoped3A_1352 = arith.constant 3 : i32
        "tpu.region"() ({
          %run_scoped3A_1353 = tpu.sem_alloc : memref<!tpu.dma_semaphore, #tpu.memory_space<semaphore_mem>>
          %dma_start3A_1354 = arith.constant 300 : i32
          %dma_start3A_1355 = arith.constant 0 : i32
          %dma_start3A_1356 = tpu.memref_slice %arg17[%dma_start3A_1354, %dma_start3A_1355] : memref<400x16xf32, #tpu.memory_space<vmem>> -> memref<100x16xf32, #tpu.memory_space<vmem>>
          %dma_start3A_1357 = arith.constant 0 : i32
          %dma_start3A_1358 = tpu.memref_slice %arg12[%run_scoped3A_1352, %dma_start3A_1357] : memref<4x100xi32, #tpu.memory_space<vmem>> -> memref<1x100xi32, #tpu.memory_space<vmem>>
          %dma_start3A_1359 = tpu.memref_squeeze %dma_start3A_1358 : memref<1x100xi32, #tpu.memory_space<vmem>> -> memref<100xi32, #tpu.memory_space<vmem>>
          %dma_start3A_1360 = arith.constant 0 : i32
          %dma_start3A_1361 = arith.constant 0 : i32
          %dma_start3A_1362 = tpu.memref_slice %arg19[%dma_start3A_1360, %dma_start3A_1361] : memref<10000x16xf32, #tpu.memory_space<vmem_shared>> -> memref<10000x16xf32, #tpu.memory_space<vmem_shared>>
          tpu.enqueue_indirect_dma source(%dma_start3A_1356 : memref<100x16xf32, #tpu.memory_space<vmem>>) target(%dma_start3A_1362 : memref<10000x16xf32, #tpu.memory_space<vmem_shared>>) offsets(%dma_start3A_1359 : memref<100xi32, #tpu.memory_space<vmem>>) semaphore(%run_scoped3A_1353 : memref<!tpu.dma_semaphore, #tpu.memory_space<semaphore_mem>>) {add = true}
          %dma_wait3A_1363 = arith.constant 300 : i32
          %dma_wait3A_1364 = arith.constant 0 : i32
          %dma_wait3A_1365 = tpu.memref_slice %arg17[%dma_wait3A_1363, %dma_wait3A_1364] : memref<400x16xf32, #tpu.memory_space<vmem>> -> memref<100x16xf32, #tpu.memory_space<vmem>>
          %dma_wait3A_1366 = arith.constant 0 : i32
          %dma_wait3A_1367 = tpu.memref_slice %arg12[%run_scoped3A_1352, %dma_wait3A_1366] : memref<4x100xi32, #tpu.memory_space<vmem>> -> memref<1x100xi32, #tpu.memory_space<vmem>>
          %dma_wait3A_1368 = tpu.memref_squeeze %dma_wait3A_1367 : memref<1x100xi32, #tpu.memory_space<vmem>> -> memref<100xi32, #tpu.memory_space<vmem>>
          %dma_wait3A_1369 = arith.constant 0 : i32
          %dma_wait3A_1370 = arith.constant 0 : i32
          %dma_wait3A_1371 = tpu.memref_slice %arg19[%dma_wait3A_1369, %dma_wait3A_1370] : memref<10000x16xf32, #tpu.memory_space<vmem_shared>> -> memref<10000x16xf32, #tpu.memory_space<vmem_shared>>
          tpu.wait_indirect_dma semaphore(%run_scoped3A_1353 : memref<!tpu.dma_semaphore, #tpu.memory_space<semaphore_mem>>) src(%dma_wait3A_1365 : memref<100x16xf32, #tpu.memory_space<vmem>>) dst(%dma_wait3A_1371 : memref<10000x16xf32, #tpu.memory_space<vmem_shared>>)
          tpu.yield
        }) : () -> ()
      } else {
      }
    }
    %scan3A_13 = arith.constant 50 : i32
    %barrier3A_14 = arith.constant 0 : index
    tpu.barrier barrier_id(%barrier3A_14)
    %lt3A_15 = arith.constant 10 : i32
    %lt3A_16 = arith.cmpi slt, %arg1, %lt3A_15 : i32
    %convert_element_type3A_17 = arith.extui %lt3A_16 : i1 to i32
    %cond3A_18 = arith.constant 0 : i32
    %cond3A_19 = arith.cmpi ne, %convert_element_type3A_17, %cond3A_18 : i32
    scf.if %cond3A_19 {
      %scan3A_20 = arith.constant 0 : i32
      %scan3A_21 = arith.constant 0 : i32
      %scan3A_22 = arith.constant 5 : i32
      %scan3A_23 = arith.addi %scan3A_21, %scan3A_22 : i32
      %scan3A_24 = arith.constant 1 : i32
      scf.for %scan3A_26 = %scan3A_21 to %scan3A_23 step %scan3A_24  : i32 {
        %mul3A = arith.constant 1000 : i32
        %mul3A_27 = arith.muli %arg1, %mul3A : i32
        %mul3A_28 = arith.constant 200 : i32
        %mul3A_29 = arith.muli %scan3A_26, %mul3A_28 : i32
        %add3A = arith.addi %mul3A_27, %mul3A_29 : i32
        "tpu.region"() ({
          %run_scoped3A = tpu.sem_alloc : memref<!tpu.dma_semaphore, #tpu.memory_space<semaphore_mem>>
          %dma_start3A = arith.constant 0 : i32
          %dma_start3A_39 = arith.constant 0 : i32
          %dma_start3A_40 = tpu.memref_slice %arg16[%dma_start3A, %dma_start3A_39] : memref<400x64xf32, #tpu.memory_space<vmem>> -> memref<200x64xf32, #tpu.memory_space<vmem>>
          %dma_start3A_41 = arith.constant 0 : i32
          %dma_start3A_42 = tpu.memref_slice %arg18[%add3A, %dma_start3A_41] : memref<10000x64xf32, #tpu.memory_space<vmem_shared>> -> memref<200x64xf32, #tpu.memory_space<vmem_shared>>
          %dma_start3A_43 = arith.constant 0 : i32
          %dma_start3A_44 = arith.constant 0 : i32
          %dma_start3A_45 = tpu.memref_slice %arg16[%dma_start3A_43, %dma_start3A_44] : memref<400x64xf32, #tpu.memory_space<vmem>> -> memref<200x64xf32, #tpu.memory_space<vmem>>
          %dma_start3A_46 = arith.constant 0 : i32
          %dma_start3A_47 = tpu.memref_slice %arg18[%add3A, %dma_start3A_46] : memref<10000x64xf32, #tpu.memory_space<vmem_shared>> -> memref<200x64xf32, #tpu.memory_space<vmem_shared>>
          tpu.enqueue_dma source(%dma_start3A_47 : memref<200x64xf32, #tpu.memory_space<vmem_shared>>) target(%dma_start3A_45 : memref<200x64xf32, #tpu.memory_space<vmem>>) target_semaphore(%run_scoped3A : memref<!tpu.dma_semaphore, #tpu.memory_space<semaphore_mem>>)
          %dma_wait3A = arith.constant 0 : i32
          %dma_wait3A_48 = arith.constant 0 : i32
          %dma_wait3A_49 = tpu.memref_slice %arg16[%dma_wait3A, %dma_wait3A_48] : memref<400x64xf32, #tpu.memory_space<vmem>> -> memref<200x64xf32, #tpu.memory_space<vmem>>
          %dma_wait3A_50 = arith.constant 0 : i32
          %dma_wait3A_51 = tpu.memref_slice %arg18[%add3A, %dma_wait3A_50] : memref<10000x64xf32, #tpu.memory_space<vmem_shared>> -> memref<200x64xf32, #tpu.memory_space<vmem_shared>>
          %dma_wait3A_52 = arith.constant 0 : i32
          %dma_wait3A_53 = arith.constant 0 : i32
          %dma_wait3A_54 = tpu.memref_slice %arg16[%dma_wait3A_52, %dma_wait3A_53] : memref<400x64xf32, #tpu.memory_space<vmem>> -> memref<200x64xf32, #tpu.memory_space<vmem>>
          %dma_wait3A_55 = arith.constant 0 : i32
          %dma_wait3A_56 = tpu.memref_slice %arg18[%add3A, %dma_wait3A_55] : memref<10000x64xf32, #tpu.memory_space<vmem_shared>> -> memref<200x64xf32, #tpu.memory_space<vmem_shared>>
          tpu.wait_dma2 semaphore(%run_scoped3A : memref<!tpu.dma_semaphore, #tpu.memory_space<semaphore_mem>>) src(%dma_wait3A_56 : memref<200x64xf32, #tpu.memory_space<vmem_shared>>) dst(%dma_wait3A_54 : memref<200x64xf32, #tpu.memory_space<vmem>>)
          tpu.yield
        }) : () -> ()
        %eq3A = arith.constant 0 : i32
        %eq3A_30 = arith.cmpi eq, %arg0, %eq3A : i32
        %convert_element_type3A_31 = arith.extui %eq3A_30 : i1 to i32
        %cond3A_32 = arith.constant 0 : i32
        %cond3A_33 = arith.cmpi ne, %convert_element_type3A_31, %cond3A_32 : i32
        scf.if %cond3A_33 {
          "tpu.region"() ({
            %run_scoped3A = tpu.sem_alloc : memref<!tpu.dma_semaphore, #tpu.memory_space<semaphore_mem>>
            %dma_start3A = arith.constant 0 : i32
            %dma_start3A_39 = arith.constant 0 : i32
            %dma_start3A_40 = tpu.memref_slice %arg16[%dma_start3A, %dma_start3A_39] : memref<400x64xf32, #tpu.memory_space<vmem>> -> memref<200x64xf32, #tpu.memory_space<vmem>>
            %dma_start3A_41 = arith.constant 0 : i32
            %dma_start3A_42 = tpu.memref_slice %arg8[%add3A, %dma_start3A_41] : memref<10000x64xf32, #tpu.memory_space<hbm>> -> memref<200x64xf32, #tpu.memory_space<hbm>>
            %dma_start3A_43 = arith.constant 0 : i32
            %dma_start3A_44 = tpu.memref_slice %arg8[%add3A, %dma_start3A_43] : memref<10000x64xf32, #tpu.memory_space<hbm>> -> memref<200x64xf32, #tpu.memory_space<hbm>>
            %dma_start3A_45 = arith.constant 0 : i32
            %dma_start3A_46 = arith.constant 0 : i32
            %dma_start3A_47 = tpu.memref_slice %arg16[%dma_start3A_45, %dma_start3A_46] : memref<400x64xf32, #tpu.memory_space<vmem>> -> memref<200x64xf32, #tpu.memory_space<vmem>>
            tpu.enqueue_dma source(%dma_start3A_47 : memref<200x64xf32, #tpu.memory_space<vmem>>) target(%dma_start3A_44 : memref<200x64xf32, #tpu.memory_space<hbm>>) target_semaphore(%run_scoped3A : memref<!tpu.dma_semaphore, #tpu.memory_space<semaphore_mem>>)
            %dma_wait3A = arith.constant 0 : i32
            %dma_wait3A_48 = arith.constant 0 : i32
            %dma_wait3A_49 = tpu.memref_slice %arg16[%dma_wait3A, %dma_wait3A_48] : memref<400x64xf32, #tpu.memory_space<vmem>> -> memref<200x64xf32, #tpu.memory_space<vmem>>
            %dma_wait3A_50 = arith.constant 0 : i32
            %dma_wait3A_51 = tpu.memref_slice %arg8[%add3A, %dma_wait3A_50] : memref<10000x64xf32, #tpu.memory_space<hbm>> -> memref<200x64xf32, #tpu.memory_space<hbm>>
            %dma_wait3A_52 = arith.constant 0 : i32
            %dma_wait3A_53 = tpu.memref_slice %arg8[%add3A, %dma_wait3A_52] : memref<10000x64xf32, #tpu.memory_space<hbm>> -> memref<200x64xf32, #tpu.memory_space<hbm>>
            %dma_wait3A_54 = arith.constant 0 : i32
            %dma_wait3A_55 = arith.constant 0 : i32
            %dma_wait3A_56 = tpu.memref_slice %arg16[%dma_wait3A_54, %dma_wait3A_55] : memref<400x64xf32, #tpu.memory_space<vmem>> -> memref<200x64xf32, #tpu.memory_space<vmem>>
            tpu.wait_dma2 semaphore(%run_scoped3A : memref<!tpu.dma_semaphore, #tpu.memory_space<semaphore_mem>>) src(%dma_wait3A_56 : memref<200x64xf32, #tpu.memory_space<vmem>>) dst(%dma_wait3A_53 : memref<200x64xf32, #tpu.memory_space<hbm>>)
            tpu.yield
          }) : () -> ()
          "tpu.region"() ({
            %run_scoped3A = tpu.sem_alloc : memref<!tpu.dma_semaphore, #tpu.memory_space<semaphore_mem>>
            %dma_start3A = arith.constant 0 : i32
            %dma_start3A_39 = arith.constant 0 : i32
            %dma_start3A_40 = tpu.memref_slice %arg17[%dma_start3A, %dma_start3A_39] : memref<400x16xf32, #tpu.memory_space<vmem>> -> memref<200x16xf32, #tpu.memory_space<vmem>>
            %dma_start3A_41 = arith.constant 0 : i32
            %dma_start3A_42 = tpu.memref_slice %arg19[%add3A, %dma_start3A_41] : memref<10000x16xf32, #tpu.memory_space<vmem_shared>> -> memref<200x16xf32, #tpu.memory_space<vmem_shared>>
            %dma_start3A_43 = arith.constant 0 : i32
            %dma_start3A_44 = arith.constant 0 : i32
            %dma_start3A_45 = tpu.memref_slice %arg17[%dma_start3A_43, %dma_start3A_44] : memref<400x16xf32, #tpu.memory_space<vmem>> -> memref<200x16xf32, #tpu.memory_space<vmem>>
            %dma_start3A_46 = arith.constant 0 : i32
            %dma_start3A_47 = tpu.memref_slice %arg19[%add3A, %dma_start3A_46] : memref<10000x16xf32, #tpu.memory_space<vmem_shared>> -> memref<200x16xf32, #tpu.memory_space<vmem_shared>>
            tpu.enqueue_dma source(%dma_start3A_47 : memref<200x16xf32, #tpu.memory_space<vmem_shared>>) target(%dma_start3A_45 : memref<200x16xf32, #tpu.memory_space<vmem>>) target_semaphore(%run_scoped3A : memref<!tpu.dma_semaphore, #tpu.memory_space<semaphore_mem>>)
            %dma_wait3A = arith.constant 0 : i32
            %dma_wait3A_48 = arith.constant 0 : i32
            %dma_wait3A_49 = tpu.memref_slice %arg17[%dma_wait3A, %dma_wait3A_48] : memref<400x16xf32, #tpu.memory_space<vmem>> -> memref<200x16xf32, #tpu.memory_space<vmem>>
            %dma_wait3A_50 = arith.constant 0 : i32
            %dma_wait3A_51 = tpu.memref_slice %arg19[%add3A, %dma_wait3A_50] : memref<10000x16xf32, #tpu.memory_space<vmem_shared>> -> memref<200x16xf32, #tpu.memory_space<vmem_shared>>
            %dma_wait3A_52 = arith.constant 0 : i32
            %dma_wait3A_53 = arith.constant 0 : i32
            %dma_wait3A_54 = tpu.memref_slice %arg17[%dma_wait3A_52, %dma_wait3A_53] : memref<400x16xf32, #tpu.memory_space<vmem>> -> memref<200x16xf32, #tpu.memory_space<vmem>>
            %dma_wait3A_55 = arith.constant 0 : i32
            %dma_wait3A_56 = tpu.memref_slice %arg19[%add3A, %dma_wait3A_55] : memref<10000x16xf32, #tpu.memory_space<vmem_shared>> -> memref<200x16xf32, #tpu.memory_space<vmem_shared>>
            tpu.wait_dma2 semaphore(%run_scoped3A : memref<!tpu.dma_semaphore, #tpu.memory_space<semaphore_mem>>) src(%dma_wait3A_56 : memref<200x16xf32, #tpu.memory_space<vmem_shared>>) dst(%dma_wait3A_54 : memref<200x16xf32, #tpu.memory_space<vmem>>)
            tpu.yield
          }) : () -> ()
          "tpu.region"() ({
            %run_scoped3A = tpu.sem_alloc : memref<!tpu.dma_semaphore, #tpu.memory_space<semaphore_mem>>
            %dma_start3A = arith.constant 0 : i32
            %dma_start3A_39 = arith.constant 0 : i32
            %dma_start3A_40 = tpu.memref_slice %arg17[%dma_start3A, %dma_start3A_39] : memref<400x16xf32, #tpu.memory_space<vmem>> -> memref<200x16xf32, #tpu.memory_space<vmem>>
            %dma_start3A_41 = arith.constant 0 : i32
            %dma_start3A_42 = tpu.memref_slice %arg10[%add3A, %dma_start3A_41] : memref<10000x16xf32, #tpu.memory_space<hbm>> -> memref<200x16xf32, #tpu.memory_space<hbm>>
            %dma_start3A_43 = arith.constant 0 : i32
            %dma_start3A_44 = tpu.memref_slice %arg10[%add3A, %dma_start3A_43] : memref<10000x16xf32, #tpu.memory_space<hbm>> -> memref<200x16xf32, #tpu.memory_space<hbm>>
            %dma_start3A_45 = arith.constant 0 : i32
            %dma_start3A_46 = arith.constant 0 : i32
            %dma_start3A_47 = tpu.memref_slice %arg17[%dma_start3A_45, %dma_start3A_46] : memref<400x16xf32, #tpu.memory_space<vmem>> -> memref<200x16xf32, #tpu.memory_space<vmem>>
            tpu.enqueue_dma source(%dma_start3A_47 : memref<200x16xf32, #tpu.memory_space<vmem>>) target(%dma_start3A_44 : memref<200x16xf32, #tpu.memory_space<hbm>>) target_semaphore(%run_scoped3A : memref<!tpu.dma_semaphore, #tpu.memory_space<semaphore_mem>>)
            %dma_wait3A = arith.constant 0 : i32
            %dma_wait3A_48 = arith.constant 0 : i32
            %dma_wait3A_49 = tpu.memref_slice %arg17[%dma_wait3A, %dma_wait3A_48] : memref<400x16xf32, #tpu.memory_space<vmem>> -> memref<200x16xf32, #tpu.memory_space<vmem>>
            %dma_wait3A_50 = arith.constant 0 : i32
            %dma_wait3A_51 = tpu.memref_slice %arg10[%add3A, %dma_wait3A_50] : memref<10000x16xf32, #tpu.memory_space<hbm>> -> memref<200x16xf32, #tpu.memory_space<hbm>>
            %dma_wait3A_52 = arith.constant 0 : i32
            %dma_wait3A_53 = tpu.memref_slice %arg10[%add3A, %dma_wait3A_52] : memref<10000x16xf32, #tpu.memory_space<hbm>> -> memref<200x16xf32, #tpu.memory_space<hbm>>
            %dma_wait3A_54 = arith.constant 0 : i32
            %dma_wait3A_55 = arith.constant 0 : i32
            %dma_wait3A_56 = tpu.memref_slice %arg17[%dma_wait3A_54, %dma_wait3A_55] : memref<400x16xf32, #tpu.memory_space<vmem>> -> memref<200x16xf32, #tpu.memory_space<vmem>>
            tpu.wait_dma2 semaphore(%run_scoped3A : memref<!tpu.dma_semaphore, #tpu.memory_space<semaphore_mem>>) src(%dma_wait3A_56 : memref<200x16xf32, #tpu.memory_space<vmem>>) dst(%dma_wait3A_53 : memref<200x16xf32, #tpu.memory_space<hbm>>)
            tpu.yield
          }) : () -> ()
        } else {
        }
        %eq3A_34 = arith.constant 1 : i32
        %eq3A_35 = arith.cmpi eq, %arg0, %eq3A_34 : i32
        %convert_element_type3A_36 = arith.extui %eq3A_35 : i1 to i32
        %cond3A_37 = arith.constant 0 : i32
        %cond3A_38 = arith.cmpi ne, %convert_element_type3A_36, %cond3A_37 : i32
        scf.if %cond3A_38 {
          "tpu.region"() ({
            %run_scoped3A = tpu.sem_alloc : memref<!tpu.dma_semaphore, #tpu.memory_space<semaphore_mem>>
            %dma_start3A = arith.constant 0 : i32
            %dma_start3A_39 = arith.constant 0 : i32
            %dma_start3A_40 = tpu.memref_slice %arg16[%dma_start3A, %dma_start3A_39] : memref<400x64xf32, #tpu.memory_space<vmem>> -> memref<200x64xf32, #tpu.memory_space<vmem>>
            %dma_start3A_41 = arith.constant 0 : i32
            %dma_start3A_42 = tpu.memref_slice %arg9[%add3A, %dma_start3A_41] : memref<10000x64xf32, #tpu.memory_space<hbm>> -> memref<200x64xf32, #tpu.memory_space<hbm>>
            %dma_start3A_43 = arith.constant 0 : i32
            %dma_start3A_44 = tpu.memref_slice %arg9[%add3A, %dma_start3A_43] : memref<10000x64xf32, #tpu.memory_space<hbm>> -> memref<200x64xf32, #tpu.memory_space<hbm>>
            %dma_start3A_45 = arith.constant 0 : i32
            %dma_start3A_46 = arith.constant 0 : i32
            %dma_start3A_47 = tpu.memref_slice %arg16[%dma_start3A_45, %dma_start3A_46] : memref<400x64xf32, #tpu.memory_space<vmem>> -> memref<200x64xf32, #tpu.memory_space<vmem>>
            tpu.enqueue_dma source(%dma_start3A_47 : memref<200x64xf32, #tpu.memory_space<vmem>>) target(%dma_start3A_44 : memref<200x64xf32, #tpu.memory_space<hbm>>) target_semaphore(%run_scoped3A : memref<!tpu.dma_semaphore, #tpu.memory_space<semaphore_mem>>)
            %dma_wait3A = arith.constant 0 : i32
            %dma_wait3A_48 = arith.constant 0 : i32
            %dma_wait3A_49 = tpu.memref_slice %arg16[%dma_wait3A, %dma_wait3A_48] : memref<400x64xf32, #tpu.memory_space<vmem>> -> memref<200x64xf32, #tpu.memory_space<vmem>>
            %dma_wait3A_50 = arith.constant 0 : i32
            %dma_wait3A_51 = tpu.memref_slice %arg9[%add3A, %dma_wait3A_50] : memref<10000x64xf32, #tpu.memory_space<hbm>> -> memref<200x64xf32, #tpu.memory_space<hbm>>
            %dma_wait3A_52 = arith.constant 0 : i32
            %dma_wait3A_53 = tpu.memref_slice %arg9[%add3A, %dma_wait3A_52] : memref<10000x64xf32, #tpu.memory_space<hbm>> -> memref<200x64xf32, #tpu.memory_space<hbm>>
            %dma_wait3A_54 = arith.constant 0 : i32
            %dma_wait3A_55 = arith.constant 0 : i32
            %dma_wait3A_56 = tpu.memref_slice %arg16[%dma_wait3A_54, %dma_wait3A_55] : memref<400x64xf32, #tpu.memory_space<vmem>> -> memref<200x64xf32, #tpu.memory_space<vmem>>
            tpu.wait_dma2 semaphore(%run_scoped3A : memref<!tpu.dma_semaphore, #tpu.memory_space<semaphore_mem>>) src(%dma_wait3A_56 : memref<200x64xf32, #tpu.memory_space<vmem>>) dst(%dma_wait3A_53 : memref<200x64xf32, #tpu.memory_space<hbm>>)
            tpu.yield
          }) : () -> ()
        } else {
        }
      }
      %scan3A_25 = arith.constant 5 : i32
    } else {
    }
    return
  }
}

module attributes {stable_mosaic.version = 14 : i64} {
  func.func @_proj_body(%arg0: i32, %arg1: memref<400x128xf32, #tpu.memory_space<vmem>>, %arg2: memref<128x128xf32, #tpu.memory_space<vmem>>, %arg3: memref<1x128xf32, #tpu.memory_space<vmem>>, %arg4: memref<128x16xf32, #tpu.memory_space<vmem>>, %arg5: memref<400x64xf32, #tpu.memory_space<vmem>>, %arg6: memref<400x64xf32, #tpu.memory_space<vmem>>, %arg7: memref<400x16xf32, #tpu.memory_space<vmem>>) attributes {dimension_semantics = [#tpu.dimension_semantics<arbitrary>], iteration_bounds = array<i64: 25>, scalar_prefetch = 0 : i64, scratch_operands = 0 : i64, tpu.core_type = #tpu.core_type<tc>, window_params = [{transform_indices = @transform_0, window_bounds = array<i64: 400, 128>}, {pipeline_mode = #tpu.pipeline_mode<synchronous>, transform_indices = @transform_1, window_bounds = array<i64: 128, 128>}, {pipeline_mode = #tpu.pipeline_mode<synchronous>, transform_indices = @transform_2, window_bounds = array<i64: 1, 128>}, {pipeline_mode = #tpu.pipeline_mode<synchronous>, transform_indices = @transform_3, window_bounds = array<i64: 128, 16>}, {transform_indices = @transform_4, window_bounds = array<i64: 400, 64>}, {transform_indices = @transform_5, window_bounds = array<i64: 400, 64>}, {transform_indices = @transform_6, window_bounds = array<i64: 400, 16>}]} {
    %get3A = arith.constant 0 : index
    %get3A_0 = arith.constant 0 : index
    %get3A_1 = vector.load %arg1[%get3A, %get3A_0] : memref<400x128xf32, #tpu.memory_space<vmem>>, vector<400x128xf32>
    %get3A_2 = arith.constant 0 : index
    %get3A_3 = arith.constant 0 : index
    %get3A_4 = vector.load %arg2[%get3A_2, %get3A_3] : memref<128x128xf32, #tpu.memory_space<vmem>>, vector<128x128xf32>
    %dot_general3A = arith.constant dense<0.000000e+00> : vector<400x128xf32>
    %dot_general3A_5 = tpu.matmul %get3A_1, %get3A_4, %dot_general3A {dimension_numbers = #tpu.dot_dimension_numbers<[1], [0], [0], [1], [0, 0, 1, 1], [], []>, transpose_lhs_hint = false} : vector<400x128xf32>, vector<128x128xf32>, vector<400x128xf32> -> vector<400x128xf32>
    %get3A_6 = arith.constant 0 : index
    %get3A_7 = arith.constant 0 : index
    %get3A_8 = vector.load %arg3[%get3A_6, %get3A_7] : memref<1x128xf32, #tpu.memory_space<vmem>>, vector<1x128xf32>
    %add3A = vector.broadcast %get3A_8 : vector<1x128xf32> to vector<400x128xf32>
    %add3A_9 = arith.addf %dot_general3A_5, %add3A : vector<400x128xf32>
    %slice3A = vector.extract_strided_slice %add3A_9 {offsets = [0, 0], sizes = [400, 64], strides = [1, 1]} : vector<400x128xf32> to vector<400x64xf32>
    %swap3A = arith.constant 0 : index
    %swap3A_10 = arith.constant 0 : index
    %swap3A_11 = vector.load %arg5[%swap3A, %swap3A_10] : memref<400x64xf32, #tpu.memory_space<vmem>>, vector<400x64xf32>
    tpu.vector_store %arg5[%swap3A, %swap3A_10], %slice3A {strides = array<i32>} : memref<400x64xf32, #tpu.memory_space<vmem>>, vector<400x64xf32>,
    %slice3A_12 = vector.extract_strided_slice %add3A_9 {offsets = [0, 64], sizes = [400, 64], strides = [1, 1]} : vector<400x128xf32> to vector<400x64xf32>
    %swap3A_13 = arith.constant 0 : index
    %swap3A_14 = arith.constant 0 : index
    %swap3A_15 = vector.load %arg6[%swap3A_13, %swap3A_14] : memref<400x64xf32, #tpu.memory_space<vmem>>, vector<400x64xf32>
    tpu.vector_store %arg6[%swap3A_13, %swap3A_14], %slice3A_12 {strides = array<i32>} : memref<400x64xf32, #tpu.memory_space<vmem>>, vector<400x64xf32>,
    %get3A_16 = arith.constant 0 : index
    %get3A_17 = arith.constant 0 : index
    %get3A_18 = vector.load %arg4[%get3A_16, %get3A_17] : memref<128x16xf32, #tpu.memory_space<vmem>>, vector<128x16xf32>
    %dot_general3A_19 = arith.constant dense<0.000000e+00> : vector<400x16xf32>
    %dot_general3A_20 = tpu.matmul %add3A_9, %get3A_18, %dot_general3A_19 {dimension_numbers = #tpu.dot_dimension_numbers<[1], [0], [0], [1], [0, 0, 1, 1], [], []>, transpose_lhs_hint = false} : vector<400x128xf32>, vector<128x16xf32>, vector<400x16xf32> -> vector<400x16xf32>
    %swap3A_21 = arith.constant 0 : index
    %swap3A_22 = arith.constant 0 : index
    %swap3A_23 = vector.load %arg7[%swap3A_21, %swap3A_22] : memref<400x16xf32, #tpu.memory_space<vmem>>, vector<400x16xf32>
    tpu.vector_store %arg7[%swap3A_21, %swap3A_22], %dot_general3A_20 {strides = array<i32>} : memref<400x16xf32, #tpu.memory_space<vmem>>, vector<400x16xf32>,
    return
  }
  func.func @transform_0(%arg0: i32) -> (i32, i32) {
    %c0_i32 = arith.constant 0 : i32
    %c0_i32_0 = arith.constant 0 : i32
    return %arg0, %c0_i32 : i32, i32
  }
  func.func @transform_1(%arg0: i32) -> (i32, i32) {
    %c0_i32 = arith.constant 0 : i32
    %c0_i32_0 = arith.constant 0 : i32
    %c0_i32_1 = arith.constant 0 : i32
    return %c0_i32, %c0_i32_0 : i32, i32
  }
  func.func @transform_2(%arg0: i32) -> (i32, i32) {
    %c0_i32 = arith.constant 0 : i32
    %c0_i32_0 = arith.constant 0 : i32
    %c0_i32_1 = arith.constant 0 : i32
    return %c0_i32, %c0_i32_0 : i32, i32
  }
  func.func @transform_3(%arg0: i32) -> (i32, i32) {
    %c0_i32 = arith.constant 0 : i32
    %c0_i32_0 = arith.constant 0 : i32
    %c0_i32_1 = arith.constant 0 : i32
    return %c0_i32, %c0_i32_0 : i32, i32
  }
  func.func @transform_4(%arg0: i32) -> (i32, i32) {
    %c0_i32 = arith.constant 0 : i32
    %c0_i32_0 = arith.constant 0 : i32
    return %arg0, %c0_i32 : i32, i32
  }
  func.func @transform_5(%arg0: i32) -> (i32, i32) {
    %c0_i32 = arith.constant 0 : i32
    %c0_i32_0 = arith.constant 0 : i32
    return %arg0, %c0_i32 : i32, i32
  }
  func.func @transform_6(%arg0: i32) -> (i32, i32) {
    %c0_i32 = arith.constant 0 : i32
    %c0_i32_0 = arith.constant 0 : i32
    return %arg0, %c0_i32 : i32, i32
  }
}

module attributes {stable_mosaic.version = 14 : i64} {
  func.func @_edge_body(%arg0: i32, %arg1: memref<2000x128xf32, #tpu.memory_space<vmem>>, %arg2: memref<128x64xf32, #tpu.memory_space<vmem>>, %arg3: memref<1x64xf32, #tpu.memory_space<vmem>>, %arg4: memref<2000x64xf32, #tpu.memory_space<vmem>>) attributes {dimension_semantics = [#tpu.dimension_semantics<arbitrary>], iteration_bounds = array<i64: 20>, scalar_prefetch = 0 : i64, scratch_operands = 0 : i64, tpu.core_type = #tpu.core_type<tc>, window_params = [{transform_indices = @transform_0, window_bounds = array<i64: 2000, 128>}, {pipeline_mode = #tpu.pipeline_mode<synchronous>, transform_indices = @transform_1, window_bounds = array<i64: 128, 64>}, {pipeline_mode = #tpu.pipeline_mode<synchronous>, transform_indices = @transform_2, window_bounds = array<i64: 1, 64>}, {transform_indices = @transform_3, window_bounds = array<i64: 2000, 64>}]} {
    %get3A = arith.constant 0 : index
    %get3A_0 = arith.constant 0 : index
    %get3A_1 = vector.load %arg1[%get3A, %get3A_0] : memref<2000x128xf32, #tpu.memory_space<vmem>>, vector<2000x128xf32>
    %get3A_2 = arith.constant 0 : index
    %get3A_3 = arith.constant 0 : index
    %get3A_4 = vector.load %arg2[%get3A_2, %get3A_3] : memref<128x64xf32, #tpu.memory_space<vmem>>, vector<128x64xf32>
    %dot_general3A = arith.constant dense<0.000000e+00> : vector<2000x64xf32>
    %dot_general3A_5 = tpu.matmul %get3A_1, %get3A_4, %dot_general3A {dimension_numbers = #tpu.dot_dimension_numbers<[1], [0], [0], [1], [0, 0, 1, 1], [], []>, transpose_lhs_hint = false} : vector<2000x128xf32>, vector<128x64xf32>, vector<2000x64xf32> -> vector<2000x64xf32>
    %get3A_6 = arith.constant 0 : index
    %get3A_7 = arith.constant 0 : index
    %get3A_8 = vector.load %arg3[%get3A_6, %get3A_7] : memref<1x64xf32, #tpu.memory_space<vmem>>, vector<1x64xf32>
    %add3A = vector.broadcast %get3A_8 : vector<1x64xf32> to vector<2000x64xf32>
    %add3A_9 = arith.addf %dot_general3A_5, %add3A : vector<2000x64xf32>
    %swap3A = arith.constant 0 : index
    %swap3A_10 = arith.constant 0 : index
    %swap3A_11 = vector.load %arg4[%swap3A, %swap3A_10] : memref<2000x64xf32, #tpu.memory_space<vmem>>, vector<2000x64xf32>
    tpu.vector_store %arg4[%swap3A, %swap3A_10], %add3A_9 {strides = array<i32>} : memref<2000x64xf32, #tpu.memory_space<vmem>>, vector<2000x64xf32>,
    return
  }
  func.func @transform_0(%arg0: i32) -> (i32, i32) {
    %c0_i32 = arith.constant 0 : i32
    %c0_i32_0 = arith.constant 0 : i32
    return %arg0, %c0_i32 : i32, i32
  }
  func.func @transform_1(%arg0: i32) -> (i32, i32) {
    %c0_i32 = arith.constant 0 : i32
    %c0_i32_0 = arith.constant 0 : i32
    %c0_i32_1 = arith.constant 0 : i32
    return %c0_i32, %c0_i32_0 : i32, i32
  }
  func.func @transform_2(%arg0: i32) -> (i32, i32) {
    %c0_i32 = arith.constant 0 : i32
    %c0_i32_0 = arith.constant 0 : i32
    %c0_i32_1 = arith.constant 0 : i32
    return %c0_i32, %c0_i32_0 : i32, i32
  }
  func.func @transform_3(%arg0: i32) -> (i32, i32) {
    %c0_i32 = arith.constant 0 : i32
    %c0_i32_0 = arith.constant 0 : i32
    return %arg0, %c0_i32 : i32, i32
  }
}

module attributes {stable_mosaic.version = 14 : i64} {
  func.func @_combine_body(%arg0: i32, %arg1: memref<1000x64xf32, #tpu.memory_space<vmem>>, %arg2: memref<1000x64xf32, #tpu.memory_space<vmem>>, %arg3: memref<1000x16xf32, #tpu.memory_space<vmem>>, %arg4: memref<16x128xf32, #tpu.memory_space<vmem>>, %arg5: memref<1000x128xf32, #tpu.memory_space<vmem>>) attributes {dimension_semantics = [#tpu.dimension_semantics<arbitrary>], iteration_bounds = array<i64: 10>, scalar_prefetch = 0 : i64, scratch_operands = 0 : i64, tpu.core_type = #tpu.core_type<tc>, window_params = [{transform_indices = @transform_0, window_bounds = array<i64: 1000, 64>}, {transform_indices = @transform_1, window_bounds = array<i64: 1000, 64>}, {transform_indices = @transform_2, window_bounds = array<i64: 1000, 16>}, {pipeline_mode = #tpu.pipeline_mode<synchronous>, transform_indices = @transform_3, window_bounds = array<i64: 16, 128>}, {transform_indices = @transform_4, window_bounds = array<i64: 1000, 128>}]} {
    %get3A = arith.constant 0 : index
    %get3A_0 = arith.constant 0 : index
    %get3A_1 = vector.load %arg1[%get3A, %get3A_0] : memref<1000x64xf32, #tpu.memory_space<vmem>>, vector<1000x64xf32>
    %get3A_2 = arith.constant 0 : index
    %get3A_3 = arith.constant 0 : index
    %get3A_4 = vector.load %arg2[%get3A_2, %get3A_3] : memref<1000x64xf32, #tpu.memory_space<vmem>>, vector<1000x64xf32>
    %concatenate3A = tpu.concatenate %get3A_1, %get3A_4 in 1 : vector<1000x64xf32>, vector<1000x64xf32> -> vector<1000x128xf32>
    %get3A_5 = arith.constant 0 : index
    %get3A_6 = arith.constant 0 : index
    %get3A_7 = vector.load %arg3[%get3A_5, %get3A_6] : memref<1000x16xf32, #tpu.memory_space<vmem>>, vector<1000x16xf32>
    %get3A_8 = arith.constant 0 : index
    %get3A_9 = arith.constant 0 : index
    %get3A_10 = vector.load %arg4[%get3A_8, %get3A_9] : memref<16x128xf32, #tpu.memory_space<vmem>>, vector<16x128xf32>
    %dot_general3A = arith.constant dense<0.000000e+00> : vector<1000x128xf32>
    %dot_general3A_11 = tpu.matmul %get3A_7, %get3A_10, %dot_general3A {dimension_numbers = #tpu.dot_dimension_numbers<[1], [0], [0], [1], [0, 0, 1, 1], [], []>, transpose_lhs_hint = false} : vector<1000x16xf32>, vector<16x128xf32>, vector<1000x128xf32> -> vector<1000x128xf32>
    %gt3A = arith.constant 0.000000e+00 : f32
    %gt3A_12 = vector.broadcast %gt3A : f32 to vector<1000x128xf32>
    %gt3A_13 = arith.cmpf ogt, %dot_general3A_11, %gt3A_12 : vector<1000x128xf32>
    %jit3A = arith.constant 1.000000e+00 : f32
    %broadcast_in_dim3A = vector.broadcast %jit3A : f32 to vector<1000x128xf32>
    %select_n3A = arith.select %gt3A_13, %dot_general3A_11, %broadcast_in_dim3A : vector<1000x128xi1>, vector<1000x128xf32>
    %gt3A_14 = arith.constant 0.000000e+00 : f32
    %gt3A_15 = vector.broadcast %gt3A_14 : f32 to vector<1000x128xf32>
    %gt3A_16 = arith.cmpf ogt, %dot_general3A_11, %gt3A_15 : vector<1000x128xf32>
    %div3A = arith.divf %concatenate3A, %select_n3A : vector<1000x128xf32>
    %jit3A_17 = arith.constant 0.000000e+00 : f32
    %broadcast_in_dim3A_18 = vector.broadcast %jit3A_17 : f32 to vector<1000x128xf32>
    %select_n3A_19 = arith.select %gt3A_16, %div3A, %broadcast_in_dim3A_18 : vector<1000x128xi1>, vector<1000x128xf32>
    %swap3A = arith.constant 0 : index
    %swap3A_20 = arith.constant 0 : index
    %swap3A_21 = vector.load %arg5[%swap3A, %swap3A_20] : memref<1000x128xf32, #tpu.memory_space<vmem>>, vector<1000x128xf32>
    tpu.vector_store %arg5[%swap3A, %swap3A_20], %select_n3A_19 {strides = array<i32>} : memref<1000x128xf32, #tpu.memory_space<vmem>>, vector<1000x128xf32>,
    return
  }
  func.func @transform_0(%arg0: i32) -> (i32, i32) {
    %c0_i32 = arith.constant 0 : i32
    %c0_i32_0 = arith.constant 0 : i32
    return %arg0, %c0_i32 : i32, i32
  }
  func.func @transform_1(%arg0: i32) -> (i32, i32) {
    %c0_i32 = arith.constant 0 : i32
    %c0_i32_0 = arith.constant 0 : i32
    return %arg0, %c0_i32 : i32, i32
  }
  func.func @transform_2(%arg0: i32) -> (i32, i32) {
    %c0_i32 = arith.constant 0 : i32
    %c0_i32_0 = arith.constant 0 : i32
    return %arg0, %c0_i32 : i32, i32
  }
  func.func @transform_3(%arg0: i32) -> (i32, i32) {
    %c0_i32 = arith.constant 0 : i32
    %c0_i32_0 = arith.constant 0 : i32
    %c0_i32_1 = arith.constant 0 : i32
    return %c0_i32, %c0_i32_0 : i32, i32
  }
  func.func @transform_4(%arg0: i32) -> (i32, i32) {
    %c0_i32 = arith.constant 0 : i32
    %c0_i32_0 = arith.constant 0 : i32
    return %arg0, %c0_i32 : i32, i32
  }
}

</mosaic_0001>

<sc_bundles>
// kernel: kernel.6.cloned.1.call-start
scs
__scs_entry_jumppad:
0x0: {  	(pc) =	sbr.rel $0x88, $3  }
0x1: {  	(tag) =	ssettag $0x0;
	lr =	simm.s32 $0x1  }
0x2: {  	[smem:$0x3F99] =	sst lr;
	_ =	strace $0xD0000000  }
0x3: {  	_ = 	snop  }
0x4: {  	_ = 	snop  }
0x5: {  	_ = 	snop  }
0x6: {  	_ = 	snop  }
0x7: {  	_ = 	snop  }
__scs_overlays_trampoline_lowered:
0x8: {  	[smem:$0x3FA8] =	sst s0  }
0x9: {  	[smem:$0x3FA9] =	sst s1  }
0xa: {  	[smem:$0x3FAA] =	sst s2  }
0xb: {  	[smem:$0x3FAB] =	sst s3  }
0xc: {  	[smem:$0x3FAC] =	sst s4  }
0xd: {  	[smem:$0x3FAD] =	sst s5  }
0xe: {  	[smem:$0x3FAE] =	sst s6  }
0xf: {  	[smem:$0x3FAF] =	sst s7  }
0x10: {  	[smem:$0x3FB0] =	sst s8  }
0x11: {  	[smem:$0x3FB1] =	sst s9;
	s0 =	simm.s32 @!p0 $0x0  }
0x12: {  	s1 =	sld [smem:$0x3F97];
	s0 =	simm.s32 @p0 $0x1  }
0x13: {  	[smem:$0x3FB2] =	sst s0;
	s0 =	simm.s32 @!p1 $0x0  }
0x14: {  	s2 =	sld [smem:$0x3F96];
	s0 =	simm.s32 @p1 $0x1  }
0x15: {  	[smem:$0x3FB3] =	sst s0;
	s0 =	simm.s32 @!p2 $0x0  }
0x16: {  	s3 =	sld [smem:$0x3FDB];
	s0 =	simm.s32 @p2 $0x1  }
0x17: {  	s4 =	simm.s32 $0x1BF5;
	[smem:$0x3FB5] =	sst s0  }
0x18: {  	s0 =	sld [smem:$0x3F98];
	_ =	swait.ge [sflag:s4], $0x0  }
0x19: {  	s7 =	sld [smem:$0x3F99]  }
0x1a: {  	s8 =	sadd.s32 $0xFFFFE003, lr  }
0x1b: {  	s9 =	sadd.s32 $0xFFFFFEF7, lr;
	s5 =	simm.s32 $0xFFFFFFFF;
	p2 =	slt.u32 s8, $0xFFFFF086  }
0x1c: {  	p1 =	slt.u32 s9, $0xF7A;
	s5 =	simm.s32 @!p2 $0x0  }
0x1d: {  	s5 =	simm.s32 @p1 $0x1;
	p0 =	seq.s32 s7, s2  }
0x1e: {  	s7 =	smul.u32 @!p0 $0xF7A, s2;
	p2 =	seq.s32 @!p0 s5, $0x0  }
0x1f: {  	s9 =	smul.u32 $0xF7A, s1;
	s8 =	simm.s32 @!p0 $0x1BF5;
	p2 =	por !p2, p0  }
0x20: {  	[sflag:s8] =	ssyncset.s32 @!p0 $0xFFFFF086;
	s6 =	sadd.s32 @!p0 s3, s7;
	s7 =	simm.s32 @!p0 $0x108  }
0x21: {  	s3 =	sadd.s32 s3, s9;
	s6 =	sadd.s32 @!p0 $0x88, s6;
	s7 =	simm.s32 @p2 $0x1082  }
0x22: {  	[simem:s7], [sflag:s8] =	dma.local @!p0 [hbm:s6], $0xF7A  }
0x23: {  	s9 =	sor.u32 $0xD0000000, s2;
	s6 =	simm.s32 $0x108;
	_ =	swait.ge @!p0 [sflag:s8], $0x0  }
0x24: {  	s3 =	sadd.s32 $0x88, s3;
	s6 =	simm.s32 @!p1 $0x1082;
	[sflag:s4] =	ssyncset.s32 $0xFFFFF086  }
0x25: {  	[simem:s6], [sflag:s4] =	dma.local [hbm:s3], $0xF7A  }
0x26: {  	[smem:$0x3F99] =	sst s1;
	(tag) =	ssettag s2;
	_ =	strace s9  }
0x27: {  	s1 =	sld [smem:$0x3FA9]  }
0x28: {  	s2 =	sld [smem:$0x3FAA]  }
0x29: {  	s4 =	sld [smem:$0x3FAC]  }
0x2a: {  	p0 =	seq.s32 s5, $0x0;
	s5 =	sld [smem:$0x3FAD]  }
0x2b: {  	s6 =	sld [smem:$0x3FAE]  }
0x2c: {  	s7 =	sld [smem:$0x3FAF]  }
0x2d: {  	s3 =	simm.s32 $0x108;
	s8 =	sld [smem:$0x3FB0]  }
0x2e: {  	s3 =	simm.s32 @!p0 $0x1082;
	s9 =	sld [smem:$0x3FB1]  }
0x2f: {  	lr =	sadd.s32 s0, s3;
	s0 =	sld [smem:$0x3FA8]  }
0x30: {  	s3 =	sld [smem:$0x3FAB]  }
0x31: {  	[smem:$0x3FB4] =	sst s10  }
0x32: {  	s10 =	sld [smem:$0x3FB2];
	_ =	sdelay $0x3  }
0x33: {  	p0 =	seq.s32 s10, $0x1;
	s10 =	sld [smem:$0x3FB4];
	_ =	sdelay $0x3  }
0x34: {  	[smem:$0x3FB4] =	sst s10  }
0x35: {  	s10 =	sld [smem:$0x3FB3];
	_ =	sdelay $0x3  }
0x36: {  	p1 =	seq.s32 s10, $0x1;
	s10 =	sld [smem:$0x3FB4];
	_ =	sdelay $0x3  }
0x37: {  	[smem:$0x3FB4] =	sst s10  }
0x38: {  	s10 =	sld [smem:$0x3FB5]  }
0x39: {  	_ = 	snop;
	(pc) =	sbr.ind lr, $3  }
0x3a: {  	_ = 	snop  }
0x3b: {  	_ = 	snop  }
0x3c: {  	p2 =	seq.s32 s10, $0x1;
	s10 =	sld [smem:$0x3FB4]  }
0x3d: {  	_ =	shalt  }
0x3e: {  	_ =	shalt  }
0x3f: {  	_ =	shalt  }
0x40: {  	_ =	shalt  }
0x41: {  	_ =	shalt  }
0x42: {  	_ =	shalt  }
0x43: {  	_ =	shalt  }
0x44: {  	_ =	shalt  }
0x45: {  	_ =	shalt  }
0x46: {  	_ =	shalt  }
0x47: {  	_ =	shalt  }
0x48: {  	_ =	shalt  }
0x49: {  	_ =	shalt  }
0x4a: {  	_ =	shalt  }
0x4b: {  	_ =	shalt  }
0x4c: {  	_ =	shalt  }
0x4d: {  	_ =	shalt  }
0x4e: {  	_ =	shalt  }
0x4f: {  	_ =	shalt  }
0x50: {  	_ =	shalt  }
0x51: {  	_ =	shalt  }
0x52: {  	_ =	shalt  }
0x53: {  	_ =	shalt  }
0x54: {  	_ =	shalt  }
0x55: {  	_ =	shalt  }
0x56: {  	_ =	shalt  }
0x57: {  	_ =	shalt  }
0x58: {  	_ =	shalt  }
0x59: {  	_ =	shalt  }
0x5a: {  	_ =	shalt  }
0x5b: {  	_ =	shalt  }
0x5c: {  	_ =	shalt  }
0x5d: {  	_ =	shalt  }
0x5e: {  	_ =	shalt  }
0x5f: {  	_ =	shalt  }
0x60: {  	_ =	shalt  }
0x61: {  	_ =	shalt  }
0x62: {  	_ =	shalt  }
0x63: {  	_ =	shalt  }
0x64: {  	_ =	shalt  }
0x65: {  	_ =	shalt  }
0x66: {  	_ =	shalt  }
0x67: {  	_ =	shalt  }
0x68: {  	_ =	shalt  }
0x69: {  	_ =	shalt  }
0x6a: {  	_ =	shalt  }
0x6b: {  	_ =	shalt  }
0x6c: {  	_ =	shalt  }
0x6d: {  	_ =	shalt  }
0x6e: {  	_ =	shalt  }
0x6f: {  	_ =	shalt  }
0x70: {  	_ =	shalt  }
0x71: {  	_ =	shalt  }
0x72: {  	_ =	shalt  }
0x73: {  	_ =	shalt  }
0x74: {  	_ =	shalt  }
0x75: {  	_ =	shalt  }
0x76: {  	_ =	shalt  }
0x77: {  	_ =	shalt  }
0x78: {  	_ =	shalt  }
0x79: {  	_ =	shalt  }
0x7a: {  	_ =	shalt  }
0x7b: {  	_ =	shalt  }
0x7c: {  	_ =	shalt  }
0x7d: {  	_ =	shalt  }
0x7e: {  	_ =	shalt  }
0x7f: {  	_ =	shalt  }
0x80: {  	_ =	shalt  }
0x81: {  	_ =	shalt  }
0x82: {  	_ =	shalt  }
0x83: {  	_ =	shalt  }
0x84: {  	_ =	shalt  }
0x85: {  	_ =	shalt  }
0x86: {  	_ =	shalt  }
0x87: {  	_ =	shalt  }
.Lfunc_end0:
.L_simem_size_0:
called_computation_lowered:
.L_overlay_start_0:
0x88: {  	s2 =	sld [smem:$0x3FD9]  }
0x89: {  	s3 =	sld [smem:$0x3FFE];
	_ =	sdelay $0x1  }
0x8a: {  	s1 =	srdreg.scid  }
0x8b: {  	s0 =	sand.u32 $0x1, s1  }
0x8c: {  	s17 =	sshll.u32 s0, $0xA;
	s2 =	sadd.s32 s3, s2  }
0x8d: {  	s2 =	sadd.s32 s2, s17  }
0x8e: {  	[smem:$0x3FC0] =	sst s2  }
0x8f: {  	_ = 	snop  }
0x90: {  	s2 =	sld [smem:$0x3FD0];
	(tm) =	ssettm $0x1  }
0x91: {  	s18 =	sld [smem:$0x3FFB];
	_ =	sdelay $0x3  }
0x92: {  	_ =	strace s18  }
0x93: {  	s3 =	sld [smem:$0x3FFC];
	_ =	sdelay $0x3  }
0x94: {  	_ =	strace s3  }
0x95: {  	s3 =	sld [smem:$0x3FFD];
	_ =	sdelay $0x3  }
0x96: {  	_ =	strace s3  }
0x97: {  	_ =	strace $0x8FFFFFFF  }
0x98: {  	s19 =	sld [smem:$0x3FDB];
	_ =	sdelay $0x1  }
0x99: {  	s4 =	simm.s32 $_scs_section_size  }
0x9a: {  	s5 =	simm.s32 $_size__tile_overlayer_lowered;
	s6 =	simm.s32 $_tile_overlayer_lowered  }
0x9b: {  	s22 =	simm.s32 $0x1BFF;
	s21 =	sshll.u32 s6, $0x1;
	s3 =	sadd.s32 s4, s19  }
0x9c: {  	s7 =	simm.s32 $0x0;
	s20 =	sshll.u32 s5, $0x1;
	s5 =	sadd.s32 s21, s3  }
0x9d: {  	[timem:s7], [sflag:s22] =	dma.local [hbm:s5], s20  }
0x9e: {  	_ =	swait.ge [sflag:s22], s20  }
0x9f: {  	s4 =	ssub.s32 $0x0, s20;
	[sflag:s22] =	ssyncset.done $0x0  }
0xa0: {  	[sflag:s22] =	ssyncadd.s32 s4;
	_ =	sdelay $0x1  }
0xa1: {  	s23 =	simm.s32 $0x1B8B  }
0xa2: {  	_ =	swait.ge [sflag:s23], $0x1  }
0xa3: {  	[sflag:s23] =	ssyncset.done $0x0  }
0xa4: {  	s25 =	simm.s32 $0x1B8E;
	s24 =	sld [smem:$0x3FFE];
	[sflag:s23] =	ssyncadd.s32 $0xFFFFFFFF  }
0xa5: {  	s26 =	simm.s32 $execute0_lowered;
	[smem:$0x3FD2] =	sst s25  }
0xa6: {  	s5 =	sshll.u32 s26, $0x1;
	_ =	strace $0x80000046;
	[dreg:$0x1] =	wrdreg $0xFFFFFFFF  }
0xa7: {  	s28 =	simm.s32 $_size_execute0_lowered;
	s3 =	sadd.s32 s3, s5;
	[dreg:$0x0] =	wrdreg $0x0  }
0xa8: {  	s5 =	sshll.u32 s28, $0x1;
	[dreg:$0x2] =	wrdreg s3  }
0xa9: {  	[dreg:$0x3] =	wrdreg s5  }
0xaa: {  	[dreg:$0x4] =	wrdreg $0xC0  }
0xab: {  	_ =	task [dreg:s7], $0x5FFFF  }
0xac: {  	[dreg:$0x1] =	wrdreg $0xFFFFFFFF  }
0xad: {  	[dreg:$0x0] =	wrdreg $0x60  }
0xae: {  	[dreg:$0x2] =	wrdreg s2  }
0xaf: {  	[dreg:$0x3] =	wrdreg s24  }
0xb0: {  	[dreg:$0x4] =	wrdreg $0xBEC00  }
0xb1: {  	[dreg:$0x5] =	wrdreg $0x15B000  }
0xb2: {  	[dreg:$0x6] =	wrdreg $0x9  }
0xb3: {  	_ =	task.clear_ibuf [dreg:s7], $0x7FFFF;
	_ =	strace $0x90000046  }
0xb4: {  	s29 =	simm.s32 $0x9;
	_ =	strace $0x80000048  }
0xb5: {  	_ =	swait.ge [sflag:s29], $0x1  }
0xb6: {  	[sflag:s29] =	ssyncadd.s32 $0xFFFFFFFF  }
0xb7: {  	_ =	strace $0x90000048  }
0xb8: {  	_ =	sfence  }
0xb9: {  	s30 =	sld [smem:$0x0];
	_ =	sdelay $0x2  }
0xba: {  	s31 =	sshll.u32 s1, $0xD;
	s1 =	sshrl.u32 s1, $0x2  }
0xbb: {  	s3 =	sand.u32 $0x4000, s31;
	s1 =	sadd.s32 s1, s30  }
0xbc: {  	s0 =	sor.u32 s3, s0;
	s1 =	sshll.u32 s1, $0x11  }
0xbd: {  	s0 =	sor.u32 s1, s0  }
0xbe: {  	s0 =	sadd.s32 $0x8F2B, s0  }
0xbf: {  	[sflag:s0] =	ssyncadd.remote.s32 $0x1  }
0xc0: {  	_ =	sfence.sel $0xFFFF  }
0xc1: {  	[dreg:$0x0] =	wrdreg $0xFFFFFFFF;
	(pc) =	sbr.abs _section_cstart, $3  }
0xc2: {  	[dreg:$0x1] =	wrdreg $0xFFFFFFFF  }
0xc3: {  	_ =	task.clear_ibuf [dreg:s7], $0x2FFFF;
	_ =	strace $0x9FFFFFFF  }
0xc4: {  	(tm) =	ssettm $0x7FFFFFFF  }
0xc5: {  	_ =	shalt  }
tec
execute0_lowered:
.L_overlay_start_1:
0x0: {  	(tag) =	ssettag $0x1  }
0x1: {  	s15 =	rddreg [dreg:$0x0]  }
0x2: {  	s5 =	rddreg [dreg:$0x1]  }
0x3: {  	s2 =	rddreg [dreg:$0x2]  }
0x4: {  	s3 =	rddreg [dreg:$0x3];
	s4 =	simm.s32 $0x0;
	s12 =	stileid.u32  }
0x5: {  	s0 =	srdreg.scid;
	s28 =	simm.s32 $0x3;
	s29 =	simm.s32 $0x1A0  }
0x6: {  	s30 =	simm.s32 $0x340;
	s31 =	simm.s32 $0x64;
	s1 =	smul.u32 $0x1F40, s12  }
0x7: {  	[smem:$0x7FF] =	sst s4;
	s18 =	sadd.s32 $0x1200, s5;
	s16 =	smul.u32 $0x7D0, s12  }
0x8: {  	s7 =	sadd.s32 $0x14C00, s5;
	s21 =	sadd.s32 $0x19C00, s5;
	s9 =	smul.u32 $0x3E8, s12  }
0x9: {  	s26 =	sadd.s32 $0x67E00, s5;
	s6 =	sadd.s32 $0x72200, s5;
	s17 =	smul.u32 $0x3E800, s12  }
0xa: {  	v2 =	vlaneseq.u32;
	s0 =	sand.u32 $0x1, s0;
	s20 =	smul.u32 $0xFA00, s12;
	p2 =	sgt.u32 s12, $0x9  }
0xb: {  	v0 =	vmul.u32 $0x10, v2;
	_ =	strace $0x80000047;
	[dreg:$0x8] =	wrdreg s6;
	s8 =	ssub.s32 $0x2, s0  }
0xc: {  	v4 =	vimm.f32 $0.0e+00;
	v2 =	vmul.u32 $0x8, v2;
	s10 =	sshll.u32 s0, $0x1;
	p0 =	seq.s32 s0, $0x0;
	[dreg:$0x5] =	wrdreg s18  }
0xd: {  	p1 =	sne.s32 s0, $0x0;
	s0 =	simm.s32 $0xFC0;
	[dreg:$0x6] =	wrdreg s21;
	v1 =	vmov s10;
	v5 =	vor.u32 $0x2, v0;
	v6 =	vor.u32 $0x6, v0  }
0xe: {  	[dreg:$0x7] =	wrdreg s26;
	s1 =	sadd.s32 s1, s5;
	s11 =	sshrl.u32 s8, $0x1;
	v8 =	vor.u32 $0x3, v0;
	v11 =	vor.u32 $0x102, v0;
	v14 =	vor.u32 $0x103, v0  }
0xf: {  	s5 =	sadd.s32 s16, s5;
	s22 =	sshrl.u32 s17, $0x2;
	s23 =	sshrl.u32 s20, $0x2;
	v16 =	vor.u32 $0x83, v2;
	v17 =	vor.u32 $0x202, v0;
	v18 =	vor.u32 $0x206, v0  }
0x10: {  	s24 =	sadd.s32 $0xC8, s9;
	s10 =	sadd.s32 $0x190, s9;
	s13 =	sadd.s32 $0x258, s9;
	v19 =	vor.u32 $0x102, v2;
	v20 =	vor.u32 $0x203, v0;
	v21 =	vor.u32 $0x207, v0  }
0x11: {  	v22 =	vor.u32 $0x103, v2;
	v23 =	vor.u32 $0x302, v0;
	s17 =	sadd.s32 $0x320, s9;
	v24 =	vor.u32 $0x306, v0;
	s20 =	smov.u32 s18;
	s19 =	ssub.s32 s8, s11  }
0x12: {  	v25 =	vor.u32 $0x182, v2;
	v26 =	vor.u32 $0x303, v0;
	v27 =	vor.u32 $0x307, v0;
	s25 =	sshll.u32 s24, $0x6;
	s8 =	sshll.u32 s24, $0x4;
	s11 =	sshll.u32 s10, $0x6  }
0x13: {  	v28 =	vor.u32 $0x183, v2;
	v29 =	vor.u32 $0x402, v0;
	v30 =	vor.u32 $0x406, v0;
	s14 =	sshll.u32 s13, $0x6;
	s16 =	sshll.u32 s13, $0x4;
	s5 =	sadd.s32 $0xA3A00, s5  }
0x14: {  	v31 =	vor.u32 $0x202, v2;
	v32 =	vor.u32 $0x403, v0;
	v33 =	vor.u32 $0x407, v0;
	s20 =	smov.u32 @p0 s15;
	s6 =	smax.u32 s19, $0x1;
	[dreg:$0x14] =	wrdreg s5  }
0x15: {  	v34 =	vor.u32 $0x203, v2;
	v35 =	vor.u32 $0x502, v0;
	v36 =	vor.u32 $0x506, v0;
	s24 =	sadd.s32 $0x7C600, s1;
	s8 =	sadd.s32 s8, s3;
	[dreg:$0x9] =	wrdreg s6  }
0x16: {  	v37 =	vor.u32 $0x282, v2;
	v38 =	vor.u32 $0x503, v0;
	v39 =	vor.u32 $0x507, v0;
	s13 =	simm.s32 $0x73C0;
	s6 =	sadd.s32 s22, s2;
	[dreg:$0xd] =	wrdreg s8  }
0x17: {  	v40 =	vor.u32 $0x283, v2;
	v41 =	vor.u32 $0x602, v0;
	v42 =	vor.u32 $0x606, v0;
	s19 =	sshll.u32 s17, $0x6;
	s8 =	sadd.s32 s11, s2;
	[dreg:$0xa] =	wrdreg s6  }
0x18: {  	v43 =	vor.u32 $0x302, v2;
	v44 =	vor.u32 $0x603, v0;
	v45 =	vor.u32 $0x607, v0;
	s5 =	simm.s32 $0x1;
	s6 =	sadd.s32 s23, s3;
	[dreg:$0xe] =	wrdreg s8  }
0x19: {  	v46 =	vor.u32 $0x303, v2;
	v47 =	vor.u32 $0x702, v0;
	v48 =	vor.u32 $0x706, v0;
	s8 =	sshll.u32 s17, $0x4;
	[dreg:$0xb] =	wrdreg s6;
	s6 =	sadd.s32 s25, s2  }
0x1a: {  	v49 =	vor.u32 $0x382, v2;
	v50 =	vor.u32 $0x703, v0;
	[tilespmem:$0x1FF90] =	vst v6;
	v6 =	vor.u32 $0x2, v2;
	s23 =	smul.u32 $0xC8, s12;
	s22 =	sadd.s32 s8, s3;
	[dreg:$0xc] =	wrdreg s6  }
0x1b: {  	v51 =	vor.u32 $0x707, v0;
	v52 =	vor.u32 $0x383, v2;
	[tilespmem:$0x1FFA0] =	vst v6;
	v6 =	vor.u32 $0x7, v0;
	s11 =	simm.s32 $0x28C0;
	s6 =	sshll.u32 s10, $0x4;
	[dreg:$0x13] =	wrdreg s22  }
.Ltmp0:
0x1c: {  	v53 =	vor.u32 $0x802, v0;
	v54 =	vor.u32 $0x806, v0;
	[tilespmem:$0x1FFB0] =	vst v6;
	v6 =	vor.u32 $0x3, v2;
	[dreg:$0x15] =	wrdreg s23;
	s6 =	sadd.s32 s6, s3;
	(pc) =	sbr.rel .LBB2_1-.Ltmp0, $4  }
0x1d: {  	v55 =	vor.u32 $0x402, v2;
	v56 =	vor.u32 $0x803, v0;
	[tilespmem:$0x1FFC0] =	vst v6;
	v6 =	vor.u32 $0x106, v0;
	s25 =	sadd.s32 $0x90000, s1;
	[dreg:$0xf] =	wrdreg s6;
	s6 =	sadd.s32 s14, s2  }
0x1e: {  	v57 =	vor.u32 $0x807, v0;
	v58 =	vor.u32 $0x403, v2;
	[tilespmem:$0x1FFD0] =	vst v6;
	v6 =	vor.u32 $0x82, v2;
	s23 =	simm.s32 $0x270;
	[dreg:$0x10] =	wrdreg s6;
	s6 =	sadd.s32 s16, s3  }
0x1f: {  	v59 =	vor.u32 $0x902, v0;
	v60 =	vor.u32 $0x906, v0;
	[tilespmem:$0x1FFE0] =	vst v6;
	v6 =	vor.u32 $0x107, v0;
	s14 =	simm.s32 $0x41C0;
	[dreg:$0x11] =	wrdreg s6;
	s6 =	sadd.s32 s19, s2  }
0x20: {  	v61 =	vor.u32 $0x482, v2;
	v62 =	vor.u32 $0x903, v0;
	v3 =	vor.u32 $0x1, v1;
	[tilespmem:$0x1FFF0] =	vst v6;
	s19 =	simm.s32 $0xA5C0;
	[dreg:$0x12] =	wrdreg s6;
	s6 =	simm.s32 $0x0  }
.LBB2_11:
0x21: {  	s6 =	sadd.s32 $0x1, s6;
	s1 =	rddreg [dreg:$0x9]  }
0x22: {  	p3 =	sne.s32 s6, s1  }
.Ltmp1:
0x23: {  	_ = 	snop;
	(pc) =	sbr.rel @!p3 .LBB2_12-.Ltmp1, $1  }
0x24: {  	_ =	sdelay $0x3  }
.LBB2_1:
0x25: {  	s1 =	simm.s32 $0x41E0  }
0x26: {  	[tilespmem:s1+$0x0] =	vst v4  }
0x27: {  	[tilespmem:s1+$0xFFFFFFE0] =	vst v4  }
0x28: {  	[tilespmem:s1+$0x10] =	vst v4  }
0x29: {  	[dreg:$0x16] =	wrdreg s6;
	s6 =	simm.s32 $0x40;
	s8 =	simm.s32 $0x0;
	[tilespmem:s1+$0xFFFFFFF0] =	vst v4  }
.LBB2_2:
0x2a: {  	p3 =	sne.s32 s6, $0x63C0  }
0x2b: {  	[tilespmem:s8+$0xA5C0] =	vst v4;
	s1 =	sadd.s32 $0x40, s1;
	s8 =	smov.u32 s6;
	s6 =	sadd.s32 $0x40, s6  }
.Ltmp2:
0x2c: {  	[tilespmem:s1+$0x0] =	vst v4;
	(pc) =	sbr.rel @p3 .LBB2_2-.Ltmp2, $4  }
0x2d: {  	_ = 	snop  }
0x2e: {  	[tilespmem:s1+$0xFFFFFFE0] =	vst v4  }
0x2f: {  	[tilespmem:s1+$0x10] =	vst v4  }
0x30: {  	s8 =	sshra.s32 s8, $0x2;
	[tilespmem:s1+$0xFFFFFFF0] =	vst v4  }
0x31: {  	[tilespmem:s8+$0xA5C0] =	vst v4;
	s1 =	simm.s32 @!p2 $0x41C0;
	s6 =	rddreg [dreg:$0xa]  }
0x32: {  	[spmem:s6] =	stream.linear.scatter @!p2 [tilespmem:s1], [sflag:$0x2], $0x3200, $0x38;
	[tilespmem:$0x18210] =	vst v63  }
0x33: {  	s6 =	simm.s32 @!p2 $0x2  }
0x34: {  	_ =	swait.ge @!p2 [sflag:s6], $0x3200  }
0x35: {  	[sflag:s6] =	ssyncset.done @!p2 $0x0  }
0x36: {  	s8 =	simm.s32 @!p2 $0xA5C0;
	s9 =	rddreg [dreg:$0xb];
	[sflag:s6] =	ssyncadd.s32 @!p2 $0xFFFFCE00  }
0x37: {  	[spmem:s9] =	stream.linear.scatter @!p2 [tilespmem:s8], [sflag:$0x2], $0xC80, $0x38;
	[tilespmem:$0x18210] =	vst v63  }
0x38: {  	_ =	swait.ge @!p2 [sflag:s6], $0xC80  }
0x39: {  	[sflag:s6] =	ssyncset.done @!p2 $0x0  }
0x3a: {  	s9 =	rddreg [dreg:$0xc];
	[sflag:s6] =	ssyncadd.s32 @!p2 $0xFFFFF380  }
0x3b: {  	[spmem:s9] =	stream.linear.scatter @!p2 [tilespmem:s1], [sflag:$0x2], $0x3200, $0x38;
	[tilespmem:$0x18210] =	vst v63  }
0x3c: {  	_ =	swait.ge @!p2 [sflag:s6], $0x3200  }
0x3d: {  	[sflag:s6] =	ssyncset.done @!p2 $0x0  }
0x3e: {  	s9 =	rddreg [dreg:$0xd];
	[sflag:s6] =	ssyncadd.s32 @!p2 $0xFFFFCE00  }
0x3f: {  	[spmem:s9] =	stream.linear.scatter @!p2 [tilespmem:s8], [sflag:$0x2], $0xC80, $0x38;
	[tilespmem:$0x18210] =	vst v63  }
0x40: {  	_ =	swait.ge @!p2 [sflag:s6], $0xC80  }
0x41: {  	[sflag:s6] =	ssyncset.done @!p2 $0x0  }
0x42: {  	s9 =	rddreg [dreg:$0xe];
	[sflag:s6] =	ssyncadd.s32 @!p2 $0xFFFFF380  }
0x43: {  	[spmem:s9] =	stream.linear.scatter @!p2 [tilespmem:s1], [sflag:$0x2], $0x3200, $0x38;
	[tilespmem:$0x18210] =	vst v63  }
0x44: {  	_ =	swait.ge @!p2 [sflag:s6], $0x3200  }
0x45: {  	[sflag:s6] =	ssyncset.done @!p2 $0x0  }
0x46: {  	s9 =	rddreg [dreg:$0xf];
	[sflag:s6] =	ssyncadd.s32 @!p2 $0xFFFFCE00  }
0x47: {  	[spmem:s9] =	stream.linear.scatter @!p2 [tilespmem:s8], [sflag:$0x2], $0xC80, $0x38;
	[tilespmem:$0x18210] =	vst v63  }
0x48: {  	_ =	swait.ge @!p2 [sflag:s6], $0xC80  }
0x49: {  	[sflag:s6] =	ssyncset.done @!p2 $0x0  }
0x4a: {  	s9 =	rddreg [dreg:$0x10];
	[sflag:s6] =	ssyncadd.s32 @!p2 $0xFFFFF380  }
0x4b: {  	[spmem:s9] =	stream.linear.scatter @!p2 [tilespmem:s1], [sflag:$0x2], $0x3200, $0x38;
	[tilespmem:$0x18210] =	vst v63  }
0x4c: {  	_ =	swait.ge @!p2 [sflag:s6], $0x3200  }
0x4d: {  	[sflag:s6] =	ssyncset.done @!p2 $0x0  }
0x4e: {  	s9 =	rddreg [dreg:$0x11];
	[sflag:s6] =	ssyncadd.s32 @!p2 $0xFFFFCE00  }
0x4f: {  	[spmem:s9] =	stream.linear.scatter @!p2 [tilespmem:s8], [sflag:$0x2], $0xC80, $0x38;
	[tilespmem:$0x18210] =	vst v63  }
0x50: {  	_ =	swait.ge @!p2 [sflag:s6], $0xC80  }
0x51: {  	[sflag:s6] =	ssyncset.done @!p2 $0x0  }
0x52: {  	s9 =	rddreg [dreg:$0x12];
	[sflag:s6] =	ssyncadd.s32 @!p2 $0xFFFFF380  }
0x53: {  	[spmem:s9] =	stream.linear.scatter @!p2 [tilespmem:s1], [sflag:$0x2], $0x3200, $0x38;
	[tilespmem:$0x18210] =	vst v63  }
0x54: {  	_ =	swait.ge @!p2 [sflag:s6], $0x3200  }
0x55: {  	[sflag:s6] =	ssyncset.done @!p2 $0x0  }
0x56: {  	s1 =	rddreg [dreg:$0x13];
	[sflag:s6] =	ssyncadd.s32 @!p2 $0xFFFFCE00  }
0x57: {  	[spmem:s1] =	stream.linear.scatter @!p2 [tilespmem:s8], [sflag:$0x2], $0xC80, $0x38;
	[tilespmem:$0x18210] =	vst v63  }
0x58: {  	_ =	swait.ge @!p2 [sflag:s6], $0xC80  }
0x59: {  	[sflag:s6] =	ssyncset.done @!p2 $0x0  }
0x5a: {  	[sflag:s6] =	ssyncadd.s32 @!p2 $0xFFFFF380  }
0x5b: {  	s22 =	simm.s32 $0x0;
	[bflag:$0x0] =	sbarrier.arrive $0xFFFF  }
.LBB2_4:
0x5c: {  	s1 =	sshll.u32 s22, $0x2;
	s6 =	rddreg [dreg:$0x15]  }
0x5d: {  	s1 =	sadd.s32 s6, s1  }
0x5e: {  	s6 =	smul.u32 $0xD, s1;
	_ =	sdelay $0x1  }
0x5f: {  	s8 =	sadd.s32 s26, s6  }
0x60: {  	[tilespmem:s4], [sflag:$0x3] =	stream.linear.gather [hbm4b:s8+s4], $0x1A0, $0x38;
	[tilespmem:$0x18210] =	vst v63  }
0x61: {  	_ =	swait.ge [sflag:s28], $0x1A0  }
0x62: {  	[sflag:s28] =	ssyncset.done $0x0;
	s12 =	rddreg [dreg:$0x8]  }
0x63: {  	[sflag:s28] =	ssyncadd.s32 $0xFFFFFE60;
	s6 =	sadd.s32 s12, s6  }
0x64: {  	[tilespmem:s29], [sflag:$0x3] =	stream.linear.gather [hbm4b:s6+s4], $0x1A0, $0x38;
	[tilespmem:$0x18210] =	vst v63  }
0x65: {  	s1 =	smul.u32 $0x64, s1;
	_ =	swait.ge [sflag:s28], $0x1A0  }
0x66: {  	[sflag:s28] =	ssyncset.done $0x0  }
0x67: {  	s1 =	sadd.s32 s21, s1;
	[sflag:s28] =	ssyncadd.s32 $0xFFFFFE60  }
0x68: {  	[tilespmem:s30], [sflag:$0x3] =	stream.linear.gather [hbm4b:s1+s4], $0xC80, $0x38;
	[tilespmem:$0x18210] =	vst v63  }
0x69: {  	_ =	swait.ge [sflag:s28], $0xC80  }
0x6a: {  	[sflag:s28] =	ssyncset.done $0x0  }
0x6b: {  	[sflag:s28] =	ssyncadd.s32 $0xFFFFF380  }
0x6c: {  	[tilespmem:s0], [sflag:$0x1] =	stream.indirect.gather [hbm4b:s7+s31], $0x10, s4, s31, $0xb8;
	[tilespmem:$0x18210] =	vst v63  }
0x6d: {  	_ =	swait.ge [sflag:s5], $0x640  }
0x6e: {  	[sflag:s5] =	ssyncset.done $0x0  }
0x6f: {  	[sflag:s5] =	ssyncadd.s32 $0xFFFFF9C0  }
0x70: {  	[tilespmem:s11], [sflag:$0x1] =	stream.indirect.gather [hbm4b:s7+s31], $0x10, s29, s31, $0xb8;
	[tilespmem:$0x18210] =	vst v63  }
0x71: {  	_ =	swait.ge [sflag:s5], $0x640  }
0x72: {  	[sflag:s5] =	ssyncset.done $0x0  }
0x73: {  	[sflag:s5] =	ssyncadd.s32 $0xFFFFF9C0  }
0x74: {  	[tilespmem:s14], [sflag:$0x1] =	stream.indirect.gather [hbm4b:s20+s31], $0x40, s4, s31, $0xb8;
	[tilespmem:$0x18210] =	vst v63  }
0x75: {  	_ =	swait.ge [sflag:s5], $0x1900  }
0x76: {  	[sflag:s5] =	ssyncset.done $0x0  }
0x77: {  	s16 =	simm.s32 $0x68;
	s17 =	simm.s32 $0x1600;
	[sflag:s5] =	ssyncadd.s32 $0xFFFFE700  }
0x78: {  	[tilespmem:s17], [sflag:$0x1] =	stream.indirect.gather [hbm4b:s7+s31], $0x10, s16, s31, $0xb8;
	[tilespmem:$0x18210] =	vst v63  }
0x79: {  	_ =	swait.ge [sflag:s5], $0x640  }
0x7a: {  	[sflag:s5] =	ssyncset.done $0x0  }
0x7b: {  	s9 =	simm.s32 $0x2F00;
	s8 =	simm.s32 $0x208;
	[sflag:s5] =	ssyncadd.s32 $0xFFFFF9C0  }
0x7c: {  	[tilespmem:s9], [sflag:$0x1] =	stream.indirect.gather [hbm4b:s7+s31], $0x10, s8, s31, $0xb8;
	[tilespmem:$0x18210] =	vst v63  }
0x7d: {  	_ =	swait.ge [sflag:s5], $0x640  }
0x7e: {  	[sflag:s5] =	ssyncset.done $0x0  }
0x7f: {  	s10 =	simm.s32 $0x5AC0;
	[sflag:s5] =	ssyncadd.s32 $0xFFFFF9C0  }
0x80: {  	[tilespmem:s10], [sflag:$0x1] =	stream.indirect.gather [hbm4b:s20+s31], $0x40, s16, s31, $0xb8;
	[tilespmem:$0x18210] =	vst v63  }
0x81: {  	_ =	swait.ge [sflag:s5], $0x1900  }
0x82: {  	[sflag:s5] =	ssyncset.done $0x0  }
0x83: {  	s12 =	simm.s32 $0xD0;
	s16 =	simm.s32 $0x1C40;
	[sflag:s5] =	ssyncadd.s32 $0xFFFFE700  }
0x84: {  	[tilespmem:s16], [sflag:$0x1] =	stream.indirect.gather [hbm4b:s7+s31], $0x10, s12, s31, $0xb8;
	[tilespmem:$0x18210] =	vst v63  }
0x85: {  	_ =	swait.ge [sflag:s5], $0x640  }
0x86: {  	[sflag:s5] =	ssyncset.done $0x0  }
0x87: {  	s17 =	simm.s32 $0x3540;
	[sflag:s5] =	ssyncadd.s32 $0xFFFFF9C0  }
0x88: {  	[tilespmem:s17], [sflag:$0x1] =	stream.indirect.gather [hbm4b:s7+s31], $0x10, s23, s31, $0xb8;
	[tilespmem:$0x18210] =	vst v63  }
0x89: {  	_ =	swait.ge [sflag:s5], $0x640  }
0x8a: {  	[sflag:s5] =	ssyncset.done $0x0  }
0x8b: {  	[sflag:s5] =	ssyncadd.s32 $0xFFFFF9C0  }
0x8c: {  	[tilespmem:s13], [sflag:$0x1] =	stream.indirect.gather [hbm4b:s20+s31], $0x40, s12, s31, $0xb8;
	[tilespmem:$0x18210] =	vst v63  }
0x8d: {  	_ =	swait.ge [sflag:s5], $0x1900  }
0x8e: {  	[sflag:s5] =	ssyncset.done $0x0  }
0x8f: {  	s8 =	simm.s32 $0x138;
	s9 =	simm.s32 $0x2280;
	[sflag:s5] =	ssyncadd.s32 $0xFFFFE700  }
0x90: {  	[tilespmem:s9], [sflag:$0x1] =	stream.indirect.gather [hbm4b:s7+s31], $0x10, s8, s31, $0xb8;
	[tilespmem:$0x18210] =	vst v63  }
0x91: {  	_ =	swait.ge [sflag:s5], $0x640  }
0x92: {  	[sflag:s5] =	ssyncset.done $0x0  }
0x93: {  	s10 =	simm.s32 $0x2D8;
	s12 =	simm.s32 $0x3B80;
	[sflag:s5] =	ssyncadd.s32 $0xFFFFF9C0  }
0x94: {  	[tilespmem:s12], [sflag:$0x1] =	stream.indirect.gather [hbm4b:s7+s31], $0x10, s10, s31, $0xb8;
	[tilespmem:$0x18210] =	vst v63  }
0x95: {  	_ =	swait.ge [sflag:s5], $0x640  }
0x96: {  	v6 =	vlaneseq.u32 @p0;
	s6 =	simm.s32 @p0 $0x138;
	[sflag:s5] =	ssyncset.done $0x0  }
0x97: {  	v7 =	vmul.u32 @p0 $0x10, v6;
	s1 =	simm.s32 @p0 $0x64;
	s8 =	simm.s32 @p0 $0x8CC0;
	[sflag:s5] =	ssyncadd.s32 $0xFFFFF9C0  }
0x98: {  	[tilespmem:s8], [sflag:$0x1] =	stream.indirect.gather @p0 [hbm4b:s15+s1], $0x40, s6, s1, $0xb8;
	[tilespmem:$0x18210] =	vst v63  }
0x99: {  	v9 =	vor.u32 @p0 $0x4, v7;
	s1 =	simm.s32 @p0 $0x1  }
0x9a: {  	v6 =	vmul.u32 @p0 $0x8, v6;
	_ =	swait.ge @p0 [sflag:s1], $0x1900  }
0x9b: {  	[sflag:s1] =	ssyncset.done @p0 $0x0  }
0x9c: {  	[sflag:s1] =	ssyncadd.s32 @p0 $0xFFFFE700;
	s1 =	simm.s32 @p0 $0xFC0  }
0x9d: {  	s6 =	simm.s32 @p0 $0x28C0;
	v10 =	vld.idx.msk @p0 [tilespmem:v7+s1+$0x0], $0xffff  }
0x9e: {  	v9 =	vld.idx.msk @p0 [tilespmem:v9+s6+$0x0], $0xffff  }
0x9f: {  	s8 =	simm.s32 @p0 $0x340  }
0xa0: {  	v12 =	vld.idx.msk @p0 [tilespmem:v6+s8+$0x0], $0xffff;
	_ =	sdelay $0x2  }
0xa1: {  	v9 =	vadd.f32 @p0 v9, v10;
	_ =	sdelay $0x1  }
0xa2: {  	v9 =	vadd.f32 @p0 v12, v9;
	_ =	sdelay $0x1  }
0xa3: {  	v10 =	vmul.f32 @p0 $2.000000030e-01, v9  }
0xa4: {  	vm0 =	vge.f32 @p0 v9, $0.0e+00  }
0xa5: {  	v9 =	vsel @p0 vm0, v9, v10  }
0xa6: {  	v9 =	vmul.f32 @p0 $1.442695020e+00, v9;
	_ =	sdelay $0x1  }
0xa7: {  	(erf) = vpow2.f32 @p0 v9;
	_ =	sdelay $0x5  }
0xa8: {  	v9 =	vor.u32 @p0 $0x1, v7  }
0xa9: {  	v10 =	vor.u32 @p0 $0x5, v7;
	_ =	sdelay $0x1  }
0xaa: {  	s9 =	simm.s32 @p0 $0xA5C0;
	v6 =	vor.u32 @p0 $0x1, v6;
	v12 =	vpop @p0 (erf)  }
0xab: {  	[tilespmem:v7+s9+$0x0] =	vst.idx.msk @p0 $0xffff, v12  }
0xac: {  	v7 =	vld.idx.msk @p0 [tilespmem:v9+s1+$0x0], $0xffff  }
0xad: {  	v10 =	vld.idx.msk @p0 [tilespmem:v10+s6+$0x0], $0xffff;
	_ =	sdelay $0x1  }
0xae: {  	v6 =	vld.idx.msk @p0 [tilespmem:v6+s8+$0x0], $0xffff;
	_ =	sdelay $0x2  }
0xaf: {  	v7 =	vadd.f32 @p0 v10, v7;
	_ =	sdelay $0x1  }
0xb0: {  	v6 =	vadd.f32 @p0 v6, v7;
	_ =	sdelay $0x1  }
0xb1: {  	v7 =	vmul.f32 @p0 $2.000000030e-01, v6  }
0xb2: {  	vm0 =	vge.f32 @p0 v6, $0.0e+00  }
0xb3: {  	v6 =	vsel @p0 vm0, v6, v7  }
0xb4: {  	v6 =	vmul.f32 @p0 $1.442695020e+00, v6;
	_ =	sdelay $0x1  }
0xb5: {  	(erf) = vpow2.f32 @p0 v6;
	_ =	sdelay $0x8  }
0xb6: {  	v6 =	vpop @p0 (erf)  }
0xb7: {  	s1 =	simm.s32 @!p0 $0x64;
	s6 =	simm.s32 @!p0 $0x138;
	s8 =	simm.s32 @!p0 $0x8CC0;
	[tilespmem:v9+s9+$0x0] =	vst.idx.msk @p0 $0xffff, v6  }
0xb8: {  	[tilespmem:s8], [sflag:$0x1] =	stream.indirect.gather @!p0 [hbm4b:s18+s1], $0x40, s6, s1, $0xb8;
	[tilespmem:$0x18210] =	vst v63  }
0xb9: {  	s1 =	simm.s32 @!p0 $0x1  }
0xba: {  	_ =	swait.ge @!p0 [sflag:s1], $0x1900  }
0xbb: {  	v7 =	vld [tilespmem:$0x1FF90];
	_ =	sdelay $0x1  }
0xbc: {  	v9 =	vld [tilespmem:$0x1FFA0];
	_ =	sdelay $0x2  }
0xbd: {  	[sflag:s1] =	ssyncset.done @!p0 $0x0  }
0xbe: {  	[sflag:s1] =	ssyncadd.s32 @!p0 $0xFFFFE700  }
0xbf: {  	v6 =	vld.idx.msk [tilespmem:v5+s0+$0x0], $0xffff  }
0xc0: {  	v7 =	vld.idx.msk [tilespmem:v7+s11+$0x0], $0xffff;
	_ =	sdelay $0x1  }
0xc1: {  	v9 =	vld.idx.msk [tilespmem:v9+s30+$0x0], $0xffff;
	_ =	sdelay $0x2  }
0xc2: {  	v6 =	vadd.f32 v7, v6;
	_ =	sdelay $0x1  }
0xc3: {  	v6 =	vadd.f32 v9, v6;
	_ =	sdelay $0x1  }
0xc4: {  	v7 =	vmul.f32 $2.000000030e-01, v6  }
0xc5: {  	vm14 =	vge.f32 v6, $0.0e+00  }
0xc6: {  	v6 =	vsel vm14, v6, v7  }
0xc7: {  	v6 =	vmul.f32 $1.442695020e+00, v6;
	_ =	sdelay $0x1  }
0xc8: {  	(erf) = vpow2.f32 v6;
	_ =	sdelay $0x3  }
0xc9: {  	v7 =	vld [tilespmem:$0x1FFB0];
	_ =	sdelay $0x1  }
0xca: {  	v9 =	vld [tilespmem:$0x1FFC0];
	_ =	sdelay $0x2  }
0xcb: {  	v6 =	vpop (erf)  }
0xcc: {  	[tilespmem:v5+s19+$0x0] =	vst.idx.msk $0xffff, v6  }
0xcd: {  	v6 =	vld.idx.msk [tilespmem:v8+s0+$0x0], $0xffff  }
0xce: {  	v7 =	vld.idx.msk [tilespmem:v7+s11+$0x0], $0xffff;
	_ =	sdelay $0x1  }
0xcf: {  	v9 =	vld.idx.msk [tilespmem:v9+s30+$0x0], $0xffff;
	_ =	sdelay $0x2  }
0xd0: {  	v6 =	vadd.f32 v7, v6;
	_ =	sdelay $0x1  }
0xd1: {  	v6 =	vadd.f32 v9, v6;
	_ =	sdelay $0x1  }
0xd2: {  	v7 =	vmul.f32 $2.000000030e-01, v6  }
0xd3: {  	vm15 =	vge.f32 v6, $0.0e+00  }
0xd4: {  	v6 =	vsel vm15, v6, v7  }
0xd5: {  	v6 =	vmul.f32 $1.442695020e+00, v6;
	_ =	sdelay $0x1  }
0xd6: {  	(erf) = vpow2.f32 v6;
	_ =	sdelay $0x2  }
0xd7: {  	v6 =	vlaneseq.u32 @!p1  }
0xd8: {  	v63 =	vmul.u32 @!p1 $0x10, v6;
	_ =	sdelay $0x1  }
0xd9: {  	v7 =	vor.u32 @!p1 $0x100, v63  }
0xda: {  	v6 =	vmul.u32 @!p1 $0x8, v6;
	v9 =	vor.u32 @!p1 $0x104, v63;
	_ =	sdelay $0x1  }
0xdb: {  	v12 =	vor.u32 @!p1 $0x80, v6;
	v10 =	vpop (erf)  }
0xdc: {  	s12 =	simm.s32 @!p1 $0xFC0;
	[tilespmem:v8+s19+$0x0] =	vst.idx.msk $0xffff, v10  }
0xdd: {  	s1 =	simm.s32 @!p1 $0x28C0;
	v10 =	vld.idx.msk @!p1 [tilespmem:v7+s12+$0x0], $0xffff  }
0xde: {  	v9 =	vld.idx.msk @!p1 [tilespmem:v9+s1+$0x0], $0xffff  }
0xdf: {  	s16 =	simm.s32 @!p1 $0x340  }
0xe0: {  	v12 =	vld.idx.msk @!p1 [tilespmem:v12+s16+$0x0], $0xffff;
	_ =	sdelay $0x2  }
0xe1: {  	v9 =	vadd.f32 @!p1 v9, v10;
	_ =	sdelay $0x1  }
0xe2: {  	v9 =	vadd.f32 @!p1 v12, v9;
	_ =	sdelay $0x1  }
0xe3: {  	v10 =	vmul.f32 @!p1 $2.000000030e-01, v9  }
0xe4: {  	vm0 =	vge.f32 @!p1 v9, $0.0e+00  }
0xe5: {  	v9 =	vsel @!p1 vm0, v9, v10  }
0xe6: {  	v9 =	vmul.f32 @!p1 $1.442695020e+00, v9;
	_ =	sdelay $0x1  }
0xe7: {  	(erf) = vpow2.f32 @!p1 v9;
	_ =	sdelay $0x5  }
0xe8: {  	v9 =	vor.u32 @!p1 $0x101, v63  }
0xe9: {  	v10 =	vor.u32 @!p1 $0x105, v63;
	_ =	sdelay $0x1  }
0xea: {  	s17 =	simm.s32 @!p1 $0xA5C0;
	v13 =	vor.u32 @!p1 $0x81, v6;
	v12 =	vpop @!p1 (erf)  }
0xeb: {  	[tilespmem:v7+s17+$0x0] =	vst.idx.msk @!p1 $0xffff, v12  }
0xec: {  	v7 =	vld.idx.msk @!p1 [tilespmem:v9+s12+$0x0], $0xffff  }
0xed: {  	v10 =	vld.idx.msk @!p1 [tilespmem:v10+s1+$0x0], $0xffff;
	_ =	sdelay $0x1  }
0xee: {  	v12 =	vld.idx.msk @!p1 [tilespmem:v13+s16+$0x0], $0xffff;
	_ =	sdelay $0x2  }
0xef: {  	v7 =	vadd.f32 @!p1 v10, v7;
	_ =	sdelay $0x1  }
0xf0: {  	v7 =	vadd.f32 @!p1 v12, v7;
	_ =	sdelay $0x1  }
0xf1: {  	v10 =	vmul.f32 @!p1 $2.000000030e-01, v7  }
0xf2: {  	vm0 =	vge.f32 @!p1 v7, $0.0e+00  }
0xf3: {  	v7 =	vsel @!p1 vm0, v7, v10  }
0xf4: {  	v7 =	vmul.f32 @!p1 $1.442695020e+00, v7;
	_ =	sdelay $0x1  }
0xf5: {  	(erf) = vpow2.f32 @!p1 v7;
	_ =	sdelay $0x8  }
0xf6: {  	v7 =	vpop @!p1 (erf)  }
0xf7: {  	[tilespmem:v9+s17+$0x0] =	vst.idx.msk @!p1 $0xffff, v7;
	v9 =	vld [tilespmem:$0x1FFD0];
	_ =	sdelay $0x1  }
0xf8: {  	v10 =	vld [tilespmem:$0x1FFE0];
	_ =	sdelay $0x4  }
0xf9: {  	v7 =	vld.idx.msk [tilespmem:v11+s0+$0x0], $0xffff  }
0xfa: {  	v9 =	vld.idx.msk [tilespmem:v9+s11+$0x0], $0xffff;
	_ =	sdelay $0x1  }
0xfb: {  	v10 =	vld.idx.msk [tilespmem:v10+s30+$0x0], $0xffff;
	_ =	sdelay $0x2  }
0xfc: {  	v7 =	vadd.f32 v9, v7;
	_ =	sdelay $0x1  }
0xfd: {  	v7 =	vadd.f32 v10, v7;
	_ =	sdelay $0x1  }
0xfe: {  	v9 =	vmul.f32 $2.000000030e-01, v7  }
0xff: {  	vm4 =	vge.f32 v7, $0.0e+00  }
0x100: {  	v7 =	vsel vm4, v7, v9  }
0x101: {  	v7 =	vmul.f32 $1.442695020e+00, v7;
	_ =	sdelay $0x1  }
0x102: {  	(erf) = vpow2.f32 v7;
	_ =	sdelay $0x3  }
0x103: {  	v9 =	vld [tilespmem:$0x1FFF0];
	_ =	sdelay $0x4  }
0x104: {  	v7 =	vpop (erf)  }
0x105: {  	[tilespmem:v11+s19+$0x0] =	vst.idx.msk $0xffff, v7  }
0x106: {  	v7 =	vld.idx.msk [tilespmem:v14+s0+$0x0], $0xffff  }
0x107: {  	v9 =	vld.idx.msk [tilespmem:v9+s11+$0x0], $0xffff;
	_ =	sdelay $0x1  }
0x108: {  	v10 =	vld.idx.msk [tilespmem:v16+s30+$0x0], $0xffff;
	_ =	sdelay $0x2  }
0x109: {  	v7 =	vadd.f32 v9, v7;
	_ =	sdelay $0x1  }
0x10a: {  	v7 =	vadd.f32 v10, v7;
	_ =	sdelay $0x1  }
0x10b: {  	v9 =	vmul.f32 $2.000000030e-01, v7  }
0x10c: {  	vm5 =	vge.f32 v7, $0.0e+00  }
0x10d: {  	v7 =	vsel vm5, v7, v9  }
0x10e: {  	v7 =	vmul.f32 $1.442695020e+00, v7;
	_ =	sdelay $0x1  }
0x10f: {  	(erf) = vpow2.f32 v7;
	_ =	sdelay $0x5  }
0x110: {  	v7 =	vor.u32 @!p1 $0x200, v63  }
0x111: {  	v9 =	vor.u32 @!p1 $0x204, v63;
	_ =	sdelay $0x1  }
0x112: {  	v12 =	vor.u32 @!p1 $0x100, v6;
	v10 =	vpop (erf)  }
0x113: {  	[tilespmem:v14+s19+$0x0] =	vst.idx.msk $0xffff, v10  }
0x114: {  	v10 =	vld.idx.msk @!p1 [tilespmem:v7+s12+$0x0], $0xffff  }
0x115: {  	v9 =	vld.idx.msk @!p1 [tilespmem:v9+s1+$0x0], $0xffff;
	_ =	sdelay $0x1  }
0x116: {  	v12 =	vld.idx.msk @!p1 [tilespmem:v12+s16+$0x0], $0xffff;
	_ =	sdelay $0x2  }
0x117: {  	v9 =	vadd.f32 @!p1 v9, v10;
	_ =	sdelay $0x1  }
0x118: {  	v9 =	vadd.f32 @!p1 v12, v9;
	_ =	sdelay $0x1  }
0x119: {  	v10 =	vmul.f32 @!p1 $2.000000030e-01, v9  }
0x11a: {  	vm0 =	vge.f32 @!p1 v9, $0.0e+00  }
0x11b: {  	v9 =	vsel @!p1 vm0, v9, v10  }
0x11c: {  	v9 =	vmul.f32 @!p1 $1.442695020e+00, v9;
	_ =	sdelay $0x1  }
0x11d: {  	(erf) = vpow2.f32 @!p1 v9;
	_ =	sdelay $0x5  }
0x11e: {  	v9 =	vor.u32 @!p1 $0x201, v63  }
0x11f: {  	v10 =	vor.u32 @!p1 $0x205, v63;
	_ =	sdelay $0x1  }
0x120: {  	v13 =	vor.u32 @!p1 $0x101, v6;
	v12 =	vpop @!p1 (erf)  }
0x121: {  	[tilespmem:v7+s17+$0x0] =	vst.idx.msk @!p1 $0xffff, v12  }
0x122: {  	v7 =	vld.idx.msk @!p1 [tilespmem:v9+s12+$0x0], $0xffff  }
0x123: {  	v10 =	vld.idx.msk @!p1 [tilespmem:v10+s1+$0x0], $0xffff;
	_ =	sdelay $0x1  }
0x124: {  	v12 =	vld.idx.msk @!p1 [tilespmem:v13+s16+$0x0], $0xffff;
	_ =	sdelay $0x2  }
0x125: {  	v7 =	vadd.f32 @!p1 v10, v7;
	_ =	sdelay $0x1  }
0x126: {  	v7 =	vadd.f32 @!p1 v12, v7;
	_ =	sdelay $0x1  }
0x127: {  	v10 =	vmul.f32 @!p1 $2.000000030e-01, v7  }
0x128: {  	vm0 =	vge.f32 @!p1 v7, $0.0e+00  }
0x129: {  	v7 =	vsel @!p1 vm0, v7, v10  }
0x12a: {  	v7 =	vmul.f32 @!p1 $1.442695020e+00, v7;
	_ =	sdelay $0x1  }
0x12b: {  	(erf) = vpow2.f32 @!p1 v7;
	_ =	sdelay $0x8  }
0x12c: {  	v7 =	vpop @!p1 (erf)  }
0x12d: {  	[tilespmem:v9+s17+$0x0] =	vst.idx.msk @!p1 $0xffff, v7  }
0x12e: {  	v7 =	vld.idx.msk [tilespmem:v17+s0+$0x0], $0xffff  }
0x12f: {  	v9 =	vld.idx.msk [tilespmem:v18+s11+$0x0], $0xffff;
	_ =	sdelay $0x1  }
0x130: {  	v10 =	vld.idx.msk [tilespmem:v19+s30+$0x0], $0xffff;
	_ =	sdelay $0x2  }
0x131: {  	v7 =	vadd.f32 v9, v7;
	_ =	sdelay $0x1  }
0x132: {  	v7 =	vadd.f32 v10, v7;
	_ =	sdelay $0x1  }
0x133: {  	v9 =	vmul.f32 $2.000000030e-01, v7  }
0x134: {  	vm6 =	vge.f32 v7, $0.0e+00  }
0x135: {  	v7 =	vsel vm6, v7, v9  }
0x136: {  	v7 =	vmul.f32 $1.442695020e+00, v7;
	_ =	sdelay $0x1  }
0x137: {  	(erf) = vpow2.f32 v7;
	_ =	sdelay $0x8  }
0x138: {  	v7 =	vpop (erf)  }
0x139: {  	[tilespmem:v17+s19+$0x0] =	vst.idx.msk $0xffff, v7  }
0x13a: {  	v7 =	vld.idx.msk [tilespmem:v20+s0+$0x0], $0xffff  }
0x13b: {  	v9 =	vld.idx.msk [tilespmem:v21+s11+$0x0], $0xffff;
	_ =	sdelay $0x1  }
0x13c: {  	v10 =	vld.idx.msk [tilespmem:v22+s30+$0x0], $0xffff;
	_ =	sdelay $0x2  }
0x13d: {  	v7 =	vadd.f32 v9, v7;
	_ =	sdelay $0x1  }
0x13e: {  	v7 =	vadd.f32 v10, v7;
	_ =	sdelay $0x1  }
0x13f: {  	v9 =	vmul.f32 $2.000000030e-01, v7  }
0x140: {  	vm7 =	vge.f32 v7, $0.0e+00  }
0x141: {  	v7 =	vsel vm7, v7, v9  }
0x142: {  	v7 =	vmul.f32 $1.442695020e+00, v7;
	_ =	sdelay $0x1  }
0x143: {  	(erf) = vpow2.f32 v7;
	_ =	sdelay $0x5  }
0x144: {  	v7 =	vor.u32 @!p1 $0x300, v63  }
0x145: {  	v9 =	vor.u32 @!p1 $0x304, v63;
	_ =	sdelay $0x1  }
0x146: {  	v12 =	vor.u32 @!p1 $0x180, v6;
	v10 =	vpop (erf)  }
0x147: {  	[tilespmem:v20+s19+$0x0] =	vst.idx.msk $0xffff, v10  }
0x148: {  	v10 =	vld.idx.msk @!p1 [tilespmem:v7+s12+$0x0], $0xffff  }
0x149: {  	v9 =	vld.idx.msk @!p1 [tilespmem:v9+s1+$0x0], $0xffff;
	_ =	sdelay $0x1  }
0x14a: {  	v12 =	vld.idx.msk @!p1 [tilespmem:v12+s16+$0x0], $0xffff;
	_ =	sdelay $0x2  }
0x14b: {  	v9 =	vadd.f32 @!p1 v9, v10;
	_ =	sdelay $0x1  }
0x14c: {  	v9 =	vadd.f32 @!p1 v12, v9;
	_ =	sdelay $0x1  }
0x14d: {  	v10 =	vmul.f32 @!p1 $2.000000030e-01, v9  }
0x14e: {  	vm0 =	vge.f32 @!p1 v9, $0.0e+00  }
0x14f: {  	v9 =	vsel @!p1 vm0, v9, v10  }
0x150: {  	v9 =	vmul.f32 @!p1 $1.442695020e+00, v9;
	_ =	sdelay $0x1  }
0x151: {  	(erf) = vpow2.f32 @!p1 v9;
	_ =	sdelay $0x5  }
0x152: {  	v9 =	vor.u32 @!p1 $0x301, v63  }
0x153: {  	v10 =	vor.u32 @!p1 $0x305, v63;
	_ =	sdelay $0x1  }
0x154: {  	v13 =	vor.u32 @!p1 $0x181, v6;
	v12 =	vpop @!p1 (erf)  }
0x155: {  	[tilespmem:v7+s17+$0x0] =	vst.idx.msk @!p1 $0xffff, v12  }
0x156: {  	v7 =	vld.idx.msk @!p1 [tilespmem:v9+s12+$0x0], $0xffff  }
0x157: {  	v10 =	vld.idx.msk @!p1 [tilespmem:v10+s1+$0x0], $0xffff;
	_ =	sdelay $0x1  }
0x158: {  	v12 =	vld.idx.msk @!p1 [tilespmem:v13+s16+$0x0], $0xffff;
	_ =	sdelay $0x2  }
0x159: {  	v7 =	vadd.f32 @!p1 v10, v7;
	_ =	sdelay $0x1  }
0x15a: {  	v7 =	vadd.f32 @!p1 v12, v7;
	_ =	sdelay $0x1  }
0x15b: {  	v10 =	vmul.f32 @!p1 $2.000000030e-01, v7  }
0x15c: {  	vm0 =	vge.f32 @!p1 v7, $0.0e+00  }
0x15d: {  	v7 =	vsel @!p1 vm0, v7, v10  }
0x15e: {  	v7 =	vmul.f32 @!p1 $1.442695020e+00, v7;
	_ =	sdelay $0x1  }
0x15f: {  	(erf) = vpow2.f32 @!p1 v7;
	_ =	sdelay $0x8  }
0x160: {  	v7 =	vpop @!p1 (erf)  }
0x161: {  	[tilespmem:v9+s17+$0x0] =	vst.idx.msk @!p1 $0xffff, v7  }
0x162: {  	v7 =	vld.idx.msk [tilespmem:v23+s0+$0x0], $0xffff  }
0x163: {  	v9 =	vld.idx.msk [tilespmem:v24+s11+$0x0], $0xffff;
	_ =	sdelay $0x1  }
0x164: {  	v10 =	vld.idx.msk [tilespmem:v25+s30+$0x0], $0xffff;
	_ =	sdelay $0x2  }
0x165: {  	v7 =	vadd.f32 v9, v7;
	_ =	sdelay $0x1  }
0x166: {  	v7 =	vadd.f32 v10, v7;
	_ =	sdelay $0x1  }
0x167: {  	v9 =	vmul.f32 $2.000000030e-01, v7  }
0x168: {  	vm8 =	vge.f32 v7, $0.0e+00  }
0x169: {  	v7 =	vsel vm8, v7, v9  }
0x16a: {  	v7 =	vmul.f32 $1.442695020e+00, v7;
	_ =	sdelay $0x1  }
0x16b: {  	(erf) = vpow2.f32 v7;
	_ =	sdelay $0x8  }
0x16c: {  	v7 =	vpop (erf)  }
0x16d: {  	[tilespmem:v23+s19+$0x0] =	vst.idx.msk $0xffff, v7  }
0x16e: {  	v7 =	vld.idx.msk [tilespmem:v26+s0+$0x0], $0xffff  }
0x16f: {  	v9 =	vld.idx.msk [tilespmem:v27+s11+$0x0], $0xffff;
	_ =	sdelay $0x1  }
0x170: {  	v10 =	vld.idx.msk [tilespmem:v28+s30+$0x0], $0xffff;
	_ =	sdelay $0x2  }
0x171: {  	v7 =	vadd.f32 v9, v7;
	_ =	sdelay $0x1  }
0x172: {  	v7 =	vadd.f32 v10, v7;
	_ =	sdelay $0x1  }
0x173: {  	v9 =	vmul.f32 $2.000000030e-01, v7  }
0x174: {  	vm9 =	vge.f32 v7, $0.0e+00  }
0x175: {  	v7 =	vsel vm9, v7, v9  }
0x176: {  	v7 =	vmul.f32 $1.442695020e+00, v7;
	_ =	sdelay $0x1  }
0x177: {  	(erf) = vpow2.f32 v7;
	_ =	sdelay $0x5  }
0x178: {  	v7 =	vor.u32 @!p1 $0x400, v63  }
0x179: {  	v9 =	vor.u32 @!p1 $0x404, v63;
	_ =	sdelay $0x1  }
0x17a: {  	v12 =	vor.u32 @!p1 $0x200, v6;
	v10 =	vpop (erf)  }
0x17b: {  	[tilespmem:v26+s19+$0x0] =	vst.idx.msk $0xffff, v10  }
0x17c: {  	v10 =	vld.idx.msk @!p1 [tilespmem:v7+s12+$0x0], $0xffff  }
0x17d: {  	v9 =	vld.idx.msk @!p1 [tilespmem:v9+s1+$0x0], $0xffff;
	_ =	sdelay $0x1  }
0x17e: {  	v12 =	vld.idx.msk @!p1 [tilespmem:v12+s16+$0x0], $0xffff;
	_ =	sdelay $0x2  }
0x17f: {  	v9 =	vadd.f32 @!p1 v9, v10;
	_ =	sdelay $0x1  }
0x180: {  	v9 =	vadd.f32 @!p1 v12, v9;
	_ =	sdelay $0x1  }
0x181: {  	v10 =	vmul.f32 @!p1 $2.000000030e-01, v9  }
0x182: {  	vm0 =	vge.f32 @!p1 v9, $0.0e+00  }
0x183: {  	v9 =	vsel @!p1 vm0, v9, v10  }
0x184: {  	v9 =	vmul.f32 @!p1 $1.442695020e+00, v9;
	_ =	sdelay $0x1  }
0x185: {  	(erf) = vpow2.f32 @!p1 v9;
	_ =	sdelay $0x5  }
0x186: {  	v9 =	vor.u32 @!p1 $0x401, v63  }
0x187: {  	v10 =	vor.u32 @!p1 $0x405, v63;
	_ =	sdelay $0x1  }
0x188: {  	v13 =	vor.u32 @!p1 $0x201, v6;
	v12 =	vpop @!p1 (erf)  }
0x189: {  	[tilespmem:v7+s17+$0x0] =	vst.idx.msk @!p1 $0xffff, v12  }
0x18a: {  	v7 =	vld.idx.msk @!p1 [tilespmem:v9+s12+$0x0], $0xffff  }
0x18b: {  	v10 =	vld.idx.msk @!p1 [tilespmem:v10+s1+$0x0], $0xffff;
	_ =	sdelay $0x1  }
0x18c: {  	v12 =	vld.idx.msk @!p1 [tilespmem:v13+s16+$0x0], $0xffff;
	_ =	sdelay $0x2  }
0x18d: {  	v7 =	vadd.f32 @!p1 v10, v7;
	_ =	sdelay $0x1  }
0x18e: {  	v7 =	vadd.f32 @!p1 v12, v7;
	_ =	sdelay $0x1  }
0x18f: {  	v10 =	vmul.f32 @!p1 $2.000000030e-01, v7  }
0x190: {  	vm0 =	vge.f32 @!p1 v7, $0.0e+00  }
0x191: {  	v7 =	vsel @!p1 vm0, v7, v10  }
0x192: {  	v7 =	vmul.f32 @!p1 $1.442695020e+00, v7;
	_ =	sdelay $0x1  }
0x193: {  	(erf) = vpow2.f32 @!p1 v7;
	_ =	sdelay $0x8  }
0x194: {  	v7 =	vpop @!p1 (erf)  }
0x195: {  	[tilespmem:v9+s17+$0x0] =	vst.idx.msk @!p1 $0xffff, v7  }
0x196: {  	v7 =	vld.idx.msk [tilespmem:v29+s0+$0x0], $0xffff  }
0x197: {  	v9 =	vld.idx.msk [tilespmem:v30+s11+$0x0], $0xffff;
	_ =	sdelay $0x1  }
0x198: {  	v10 =	vld.idx.msk [tilespmem:v31+s30+$0x0], $0xffff;
	_ =	sdelay $0x2  }
0x199: {  	v7 =	vadd.f32 v9, v7;
	_ =	sdelay $0x1  }
0x19a: {  	v7 =	vadd.f32 v10, v7;
	_ =	sdelay $0x1  }
0x19b: {  	v9 =	vmul.f32 $2.000000030e-01, v7  }
0x19c: {  	vm10 =	vge.f32 v7, $0.0e+00  }
0x19d: {  	v7 =	vsel vm10, v7, v9  }
0x19e: {  	v7 =	vmul.f32 $1.442695020e+00, v7;
	_ =	sdelay $0x1  }
0x19f: {  	(erf) = vpow2.f32 v7;
	_ =	sdelay $0x8  }
0x1a0: {  	v7 =	vpop (erf)  }
0x1a1: {  	[tilespmem:v29+s19+$0x0] =	vst.idx.msk $0xffff, v7  }
0x1a2: {  	v7 =	vld.idx.msk [tilespmem:v32+s0+$0x0], $0xffff  }
0x1a3: {  	v9 =	vld.idx.msk [tilespmem:v33+s11+$0x0], $0xffff;
	_ =	sdelay $0x1  }
0x1a4: {  	v10 =	vld.idx.msk [tilespmem:v34+s30+$0x0], $0xffff;
	_ =	sdelay $0x2  }
0x1a5: {  	v7 =	vadd.f32 v9, v7;
	_ =	sdelay $0x1  }
0x1a6: {  	v7 =	vadd.f32 v10, v7;
	_ =	sdelay $0x1  }
0x1a7: {  	v9 =	vmul.f32 $2.000000030e-01, v7  }
0x1a8: {  	vm11 =	vge.f32 v7, $0.0e+00  }
0x1a9: {  	v7 =	vsel vm11, v7, v9  }
0x1aa: {  	v7 =	vmul.f32 $1.442695020e+00, v7;
	_ =	sdelay $0x1  }
0x1ab: {  	(erf) = vpow2.f32 v7;
	_ =	sdelay $0x5  }
0x1ac: {  	v7 =	vor.u32 @!p1 $0x500, v63  }
0x1ad: {  	v9 =	vor.u32 @!p1 $0x504, v63;
	_ =	sdelay $0x1  }
0x1ae: {  	v12 =	vor.u32 @!p1 $0x280, v6;
	v10 =	vpop (erf)  }
0x1af: {  	[tilespmem:v32+s19+$0x0] =	vst.idx.msk $0xffff, v10  }
0x1b0: {  	v10 =	vld.idx.msk @!p1 [tilespmem:v7+s12+$0x0], $0xffff  }
0x1b1: {  	v9 =	vld.idx.msk @!p1 [tilespmem:v9+s1+$0x0], $0xffff;
	_ =	sdelay $0x1  }
0x1b2: {  	v12 =	vld.idx.msk @!p1 [tilespmem:v12+s16+$0x0], $0xffff;
	_ =	sdelay $0x2  }
0x1b3: {  	v9 =	vadd.f32 @!p1 v9, v10;
	_ =	sdelay $0x1  }
0x1b4: {  	v9 =	vadd.f32 @!p1 v12, v9;
	_ =	sdelay $0x1  }
0x1b5: {  	v10 =	vmul.f32 @!p1 $2.000000030e-01, v9  }
0x1b6: {  	vm0 =	vge.f32 @!p1 v9, $0.0e+00  }
0x1b7: {  	v9 =	vsel @!p1 vm0, v9, v10  }
0x1b8: {  	v9 =	vmul.f32 @!p1 $1.442695020e+00, v9;
	_ =	sdelay $0x1  }
0x1b9: {  	(erf) = vpow2.f32 @!p1 v9;
	_ =	sdelay $0x5  }
0x1ba: {  	v9 =	vor.u32 @!p1 $0x501, v63  }
0x1bb: {  	v10 =	vor.u32 @!p1 $0x505, v63;
	_ =	sdelay $0x1  }
0x1bc: {  	v13 =	vor.u32 @!p1 $0x281, v6;
	v12 =	vpop @!p1 (erf)  }
0x1bd: {  	[tilespmem:v7+s17+$0x0] =	vst.idx.msk @!p1 $0xffff, v12  }
0x1be: {  	v7 =	vld.idx.msk @!p1 [tilespmem:v9+s12+$0x0], $0xffff  }
0x1bf: {  	v10 =	vld.idx.msk @!p1 [tilespmem:v10+s1+$0x0], $0xffff;
	_ =	sdelay $0x1  }
0x1c0: {  	v12 =	vld.idx.msk @!p1 [tilespmem:v13+s16+$0x0], $0xffff;
	_ =	sdelay $0x2  }
0x1c1: {  	v7 =	vadd.f32 @!p1 v10, v7;
	_ =	sdelay $0x1  }
0x1c2: {  	v7 =	vadd.f32 @!p1 v12, v7;
	_ =	sdelay $0x1  }
0x1c3: {  	v10 =	vmul.f32 @!p1 $2.000000030e-01, v7  }
0x1c4: {  	vm0 =	vge.f32 @!p1 v7, $0.0e+00  }
0x1c5: {  	v7 =	vsel @!p1 vm0, v7, v10  }
0x1c6: {  	v7 =	vmul.f32 @!p1 $1.442695020e+00, v7;
	_ =	sdelay $0x1  }
0x1c7: {  	(erf) = vpow2.f32 @!p1 v7;
	_ =	sdelay $0x8  }
0x1c8: {  	v7 =	vpop @!p1 (erf)  }
0x1c9: {  	[tilespmem:v9+s17+$0x0] =	vst.idx.msk @!p1 $0xffff, v7  }
0x1ca: {  	v7 =	vld.idx.msk [tilespmem:v35+s0+$0x0], $0xffff  }
0x1cb: {  	v9 =	vld.idx.msk [tilespmem:v36+s11+$0x0], $0xffff;
	_ =	sdelay $0x1  }
0x1cc: {  	v10 =	vld.idx.msk [tilespmem:v37+s30+$0x0], $0xffff;
	_ =	sdelay $0x2  }
0x1cd: {  	v7 =	vadd.f32 v9, v7;
	_ =	sdelay $0x1  }
0x1ce: {  	v7 =	vadd.f32 v10, v7;
	_ =	sdelay $0x1  }
0x1cf: {  	v9 =	vmul.f32 $2.000000030e-01, v7  }
0x1d0: {  	vm12 =	vge.f32 v7, $0.0e+00  }
0x1d1: {  	v7 =	vsel vm12, v7, v9  }
0x1d2: {  	v7 =	vmul.f32 $1.442695020e+00, v7;
	_ =	sdelay $0x1  }
0x1d3: {  	(erf) = vpow2.f32 v7;
	_ =	sdelay $0x8  }
0x1d4: {  	v7 =	vpop (erf)  }
0x1d5: {  	[tilespmem:v35+s19+$0x0] =	vst.idx.msk $0xffff, v7  }
0x1d6: {  	v7 =	vld.idx.msk [tilespmem:v38+s0+$0x0], $0xffff  }
0x1d7: {  	v9 =	vld.idx.msk [tilespmem:v39+s11+$0x0], $0xffff;
	_ =	sdelay $0x1  }
0x1d8: {  	v10 =	vld.idx.msk [tilespmem:v40+s30+$0x0], $0xffff;
	_ =	sdelay $0x2  }
0x1d9: {  	v7 =	vadd.f32 v9, v7;
	_ =	sdelay $0x1  }
0x1da: {  	v7 =	vadd.f32 v10, v7;
	_ =	sdelay $0x1  }
0x1db: {  	v9 =	vmul.f32 $2.000000030e-01, v7  }
0x1dc: {  	vm13 =	vge.f32 v7, $0.0e+00  }
0x1dd: {  	v7 =	vsel vm13, v7, v9  }
0x1de: {  	v7 =	vmul.f32 $1.442695020e+00, v7;
	_ =	sdelay $0x1  }
0x1df: {  	(erf) = vpow2.f32 v7;
	_ =	sdelay $0x5  }
0x1e0: {  	v7 =	vor.u32 @!p1 $0x600, v63  }
0x1e1: {  	v9 =	vor.u32 @!p1 $0x604, v63;
	_ =	sdelay $0x1  }
0x1e2: {  	v12 =	vor.u32 @!p1 $0x300, v6;
	v10 =	vpop (erf)  }
0x1e3: {  	[tilespmem:v38+s19+$0x0] =	vst.idx.msk $0xffff, v10  }
0x1e4: {  	v10 =	vld.idx.msk @!p1 [tilespmem:v7+s12+$0x0], $0xffff  }
0x1e5: {  	v9 =	vld.idx.msk @!p1 [tilespmem:v9+s1+$0x0], $0xffff;
	_ =	sdelay $0x1  }
0x1e6: {  	v12 =	vld.idx.msk @!p1 [tilespmem:v12+s16+$0x0], $0xffff;
	_ =	sdelay $0x2  }
0x1e7: {  	v9 =	vadd.f32 @!p1 v9, v10;
	_ =	sdelay $0x1  }
0x1e8: {  	v9 =	vadd.f32 @!p1 v12, v9;
	_ =	sdelay $0x1  }
0x1e9: {  	v10 =	vmul.f32 @!p1 $2.000000030e-01, v9  }
0x1ea: {  	vm0 =	vge.f32 @!p1 v9, $0.0e+00  }
0x1eb: {  	v9 =	vsel @!p1 vm0, v9, v10  }
0x1ec: {  	v9 =	vmul.f32 @!p1 $1.442695020e+00, v9;
	_ =	sdelay $0x1  }
0x1ed: {  	(erf) = vpow2.f32 @!p1 v9;
	_ =	sdelay $0x5  }
0x1ee: {  	v9 =	vor.u32 @!p1 $0x601, v63  }
0x1ef: {  	v10 =	vor.u32 @!p1 $0x605, v63;
	_ =	sdelay $0x1  }
0x1f0: {  	v13 =	vor.u32 @!p1 $0x301, v6;
	v12 =	vpop @!p1 (erf)  }
0x1f1: {  	[tilespmem:v7+s17+$0x0] =	vst.idx.msk @!p1 $0xffff, v12  }
0x1f2: {  	v7 =	vld.idx.msk @!p1 [tilespmem:v9+s12+$0x0], $0xffff  }
0x1f3: {  	v10 =	vld.idx.msk @!p1 [tilespmem:v10+s1+$0x0], $0xffff;
	_ =	sdelay $0x1  }
0x1f4: {  	v12 =	vld.idx.msk @!p1 [tilespmem:v13+s16+$0x0], $0xffff;
	_ =	sdelay $0x2  }
0x1f5: {  	v7 =	vadd.f32 @!p1 v10, v7;
	_ =	sdelay $0x1  }
0x1f6: {  	v7 =	vadd.f32 @!p1 v12, v7;
	_ =	sdelay $0x1  }
0x1f7: {  	v10 =	vmul.f32 @!p1 $2.000000030e-01, v7  }
0x1f8: {  	vm0 =	vge.f32 @!p1 v7, $0.0e+00  }
0x1f9: {  	v7 =	vsel @!p1 vm0, v7, v10  }
0x1fa: {  	v7 =	vmul.f32 @!p1 $1.442695020e+00, v7;
	_ =	sdelay $0x1  }
0x1fb: {  	(erf) = vpow2.f32 @!p1 v7;
	_ =	sdelay $0x8  }
0x1fc: {  	v7 =	vpop @!p1 (erf)  }
0x1fd: {  	[tilespmem:v9+s17+$0x0] =	vst.idx.msk @!p1 $0xffff, v7  }
0x1fe: {  	v7 =	vld.idx.msk [tilespmem:v41+s0+$0x0], $0xffff  }
0x1ff: {  	v9 =	vld.idx.msk [tilespmem:v42+s11+$0x0], $0xffff;
	_ =	sdelay $0x1  }
0x200: {  	v10 =	vld.idx.msk [tilespmem:v43+s30+$0x0], $0xffff;
	_ =	sdelay $0x2  }
0x201: {  	v7 =	vadd.f32 v9, v7;
	_ =	sdelay $0x1  }
0x202: {  	v7 =	vadd.f32 v10, v7;
	_ =	sdelay $0x1  }
0x203: {  	v9 =	vmul.f32 $2.000000030e-01, v7  }
0x204: {  	vm14 =	vge.f32 v7, $0.0e+00  }
0x205: {  	v7 =	vsel vm14, v7, v9  }
0x206: {  	v7 =	vmul.f32 $1.442695020e+00, v7;
	_ =	sdelay $0x1  }
0x207: {  	(erf) = vpow2.f32 v7;
	_ =	sdelay $0x8  }
0x208: {  	v7 =	vpop (erf)  }
0x209: {  	[tilespmem:v41+s19+$0x0] =	vst.idx.msk $0xffff, v7  }
0x20a: {  	v7 =	vld.idx.msk [tilespmem:v44+s0+$0x0], $0xffff  }
0x20b: {  	v9 =	vld.idx.msk [tilespmem:v45+s11+$0x0], $0xffff;
	_ =	sdelay $0x1  }
0x20c: {  	v10 =	vld.idx.msk [tilespmem:v46+s30+$0x0], $0xffff;
	_ =	sdelay $0x2  }
0x20d: {  	v7 =	vadd.f32 v9, v7;
	_ =	sdelay $0x1  }
0x20e: {  	v7 =	vadd.f32 v10, v7;
	_ =	sdelay $0x1  }
0x20f: {  	v9 =	vmul.f32 $2.000000030e-01, v7  }
0x210: {  	vm15 =	vge.f32 v7, $0.0e+00  }
0x211: {  	v7 =	vsel vm15, v7, v9  }
0x212: {  	v7 =	vmul.f32 $1.442695020e+00, v7;
	_ =	sdelay $0x1  }
0x213: {  	(erf) = vpow2.f32 v7;
	_ =	sdelay $0x5  }
0x214: {  	v7 =	vor.u32 @!p1 $0x700, v63  }
0x215: {  	v9 =	vor.u32 @!p1 $0x704, v63;
	_ =	sdelay $0x1  }
0x216: {  	v12 =	vor.u32 @!p1 $0x380, v6;
	v10 =	vpop (erf)  }
0x217: {  	[tilespmem:v44+s19+$0x0] =	vst.idx.msk $0xffff, v10  }
0x218: {  	v10 =	vld.idx.msk @!p1 [tilespmem:v7+s12+$0x0], $0xffff  }
0x219: {  	v9 =	vld.idx.msk @!p1 [tilespmem:v9+s1+$0x0], $0xffff;
	_ =	sdelay $0x1  }
0x21a: {  	v12 =	vld.idx.msk @!p1 [tilespmem:v12+s16+$0x0], $0xffff;
	_ =	sdelay $0x2  }
0x21b: {  	v9 =	vadd.f32 @!p1 v9, v10;
	_ =	sdelay $0x1  }
0x21c: {  	v9 =	vadd.f32 @!p1 v12, v9;
	_ =	sdelay $0x1  }
0x21d: {  	v10 =	vmul.f32 @!p1 $2.000000030e-01, v9  }
0x21e: {  	vm0 =	vge.f32 @!p1 v9, $0.0e+00  }
0x21f: {  	v9 =	vsel @!p1 vm0, v9, v10  }
0x220: {  	v9 =	vmul.f32 @!p1 $1.442695020e+00, v9;
	_ =	sdelay $0x1  }
0x221: {  	(erf) = vpow2.f32 @!p1 v9;
	_ =	sdelay $0x5  }
0x222: {  	v9 =	vor.u32 @!p1 $0x701, v63  }
0x223: {  	v10 =	vor.u32 @!p1 $0x705, v63;
	_ =	sdelay $0x1  }
0x224: {  	v13 =	vor.u32 @!p1 $0x381, v6;
	v12 =	vpop @!p1 (erf)  }
0x225: {  	[tilespmem:v7+s17+$0x0] =	vst.idx.msk @!p1 $0xffff, v12  }
0x226: {  	v7 =	vld.idx.msk @!p1 [tilespmem:v9+s12+$0x0], $0xffff  }
0x227: {  	v10 =	vld.idx.msk @!p1 [tilespmem:v10+s1+$0x0], $0xffff;
	_ =	sdelay $0x1  }
0x228: {  	v12 =	vld.idx.msk @!p1 [tilespmem:v13+s16+$0x0], $0xffff;
	_ =	sdelay $0x2  }
0x229: {  	v7 =	vadd.f32 @!p1 v10, v7;
	_ =	sdelay $0x1  }
0x22a: {  	v7 =	vadd.f32 @!p1 v12, v7;
	_ =	sdelay $0x1  }
0x22b: {  	v10 =	vmul.f32 @!p1 $2.000000030e-01, v7  }
0x22c: {  	vm0 =	vge.f32 @!p1 v7, $0.0e+00  }
0x22d: {  	v7 =	vsel @!p1 vm0, v7, v10  }
0x22e: {  	v7 =	vmul.f32 @!p1 $1.442695020e+00, v7;
	_ =	sdelay $0x1  }
0x22f: {  	(erf) = vpow2.f32 @!p1 v7;
	_ =	sdelay $0x8  }
0x230: {  	v7 =	vpop @!p1 (erf)  }
0x231: {  	[tilespmem:v9+s17+$0x0] =	vst.idx.msk @!p1 $0xffff, v7  }
0x232: {  	v7 =	vld.idx.msk [tilespmem:v47+s0+$0x0], $0xffff  }
0x233: {  	v9 =	vld.idx.msk [tilespmem:v48+s11+$0x0], $0xffff;
	_ =	sdelay $0x1  }
0x234: {  	v10 =	vld.idx.msk [tilespmem:v49+s30+$0x0], $0xffff;
	_ =	sdelay $0x2  }
0x235: {  	v7 =	vadd.f32 v9, v7;
	_ =	sdelay $0x1  }
0x236: {  	v7 =	vadd.f32 v10, v7;
	_ =	sdelay $0x1  }
0x237: {  	v9 =	vmul.f32 $2.000000030e-01, v7  }
0x238: {  	vm4 =	vge.f32 v7, $0.0e+00  }
0x239: {  	v7 =	vsel vm4, v7, v9  }
0x23a: {  	v7 =	vmul.f32 $1.442695020e+00, v7;
	_ =	sdelay $0x1  }
0x23b: {  	(erf) = vpow2.f32 v7;
	_ =	sdelay $0x8  }
0x23c: {  	v7 =	vpop (erf)  }
0x23d: {  	[tilespmem:v47+s19+$0x0] =	vst.idx.msk $0xffff, v7  }
0x23e: {  	v7 =	vld.idx.msk [tilespmem:v50+s0+$0x0], $0xffff  }
0x23f: {  	v9 =	vld.idx.msk [tilespmem:v51+s11+$0x0], $0xffff;
	_ =	sdelay $0x1  }
0x240: {  	v10 =	vld.idx.msk [tilespmem:v52+s30+$0x0], $0xffff;
	_ =	sdelay $0x2  }
0x241: {  	v7 =	vadd.f32 v9, v7;
	_ =	sdelay $0x1  }
0x242: {  	v7 =	vadd.f32 v10, v7;
	_ =	sdelay $0x1  }
0x243: {  	v9 =	vmul.f32 $2.000000030e-01, v7  }
0x244: {  	vm5 =	vge.f32 v7, $0.0e+00  }
0x245: {  	v7 =	vsel vm5, v7, v9  }
0x246: {  	v7 =	vmul.f32 $1.442695020e+00, v7;
	_ =	sdelay $0x1  }
0x247: {  	(erf) = vpow2.f32 v7;
	_ =	sdelay $0x5  }
0x248: {  	v7 =	vor.u32 @!p1 $0x800, v63  }
0x249: {  	v9 =	vor.u32 @!p1 $0x804, v63;
	_ =	sdelay $0x1  }
0x24a: {  	v12 =	vor.u32 @!p1 $0x400, v6;
	v10 =	vpop (erf)  }
0x24b: {  	[tilespmem:v50+s19+$0x0] =	vst.idx.msk $0xffff, v10  }
0x24c: {  	v10 =	vld.idx.msk @!p1 [tilespmem:v7+s12+$0x0], $0xffff  }
0x24d: {  	v9 =	vld.idx.msk @!p1 [tilespmem:v9+s1+$0x0], $0xffff;
	_ =	sdelay $0x1  }
0x24e: {  	v12 =	vld.idx.msk @!p1 [tilespmem:v12+s16+$0x0], $0xffff;
	_ =	sdelay $0x2  }
0x24f: {  	v9 =	vadd.f32 @!p1 v9, v10;
	_ =	sdelay $0x1  }
0x250: {  	v9 =	vadd.f32 @!p1 v12, v9;
	_ =	sdelay $0x1  }
0x251: {  	v10 =	vmul.f32 @!p1 $2.000000030e-01, v9  }
0x252: {  	vm0 =	vge.f32 @!p1 v9, $0.0e+00  }
0x253: {  	v9 =	vsel @!p1 vm0, v9, v10  }
0x254: {  	v9 =	vmul.f32 @!p1 $1.442695020e+00, v9;
	_ =	sdelay $0x1  }
0x255: {  	(erf) = vpow2.f32 @!p1 v9;
	_ =	sdelay $0x5  }
0x256: {  	v9 =	vor.u32 @!p1 $0x801, v63  }
0x257: {  	v10 =	vor.u32 @!p1 $0x805, v63;
	_ =	sdelay $0x1  }
0x258: {  	v13 =	vor.u32 @!p1 $0x401, v6;
	v12 =	vpop @!p1 (erf)  }
0x259: {  	[tilespmem:v7+s17+$0x0] =	vst.idx.msk @!p1 $0xffff, v12  }
0x25a: {  	v7 =	vld.idx.msk @!p1 [tilespmem:v9+s12+$0x0], $0xffff  }
0x25b: {  	v10 =	vld.idx.msk @!p1 [tilespmem:v10+s1+$0x0], $0xffff;
	_ =	sdelay $0x1  }
0x25c: {  	v12 =	vld.idx.msk @!p1 [tilespmem:v13+s16+$0x0], $0xffff;
	_ =	sdelay $0x2  }
0x25d: {  	v7 =	vadd.f32 @!p1 v10, v7;
	_ =	sdelay $0x1  }
0x25e: {  	v7 =	vadd.f32 @!p1 v12, v7;
	_ =	sdelay $0x1  }
0x25f: {  	v10 =	vmul.f32 @!p1 $2.000000030e-01, v7  }
0x260: {  	vm0 =	vge.f32 @!p1 v7, $0.0e+00  }
0x261: {  	v7 =	vsel @!p1 vm0, v7, v10  }
0x262: {  	v7 =	vmul.f32 @!p1 $1.442695020e+00, v7;
	_ =	sdelay $0x1  }
0x263: {  	(erf) = vpow2.f32 @!p1 v7;
	_ =	sdelay $0x8  }
0x264: {  	v7 =	vpop @!p1 (erf)  }
0x265: {  	[tilespmem:v9+s17+$0x0] =	vst.idx.msk @!p1 $0xffff, v7  }
0x266: {  	v7 =	vld.idx.msk [tilespmem:v53+s0+$0x0], $0xffff  }
0x267: {  	v9 =	vld.idx.msk [tilespmem:v54+s11+$0x0], $0xffff;
	_ =	sdelay $0x1  }
0x268: {  	v10 =	vld.idx.msk [tilespmem:v55+s30+$0x0], $0xffff;
	_ =	sdelay $0x2  }
0x269: {  	v7 =	vadd.f32 v9, v7;
	_ =	sdelay $0x1  }
0x26a: {  	v7 =	vadd.f32 v10, v7;
	_ =	sdelay $0x1  }
0x26b: {  	v9 =	vmul.f32 $2.000000030e-01, v7  }
0x26c: {  	vm6 =	vge.f32 v7, $0.0e+00  }
0x26d: {  	v7 =	vsel vm6, v7, v9  }
0x26e: {  	v7 =	vmul.f32 $1.442695020e+00, v7;
	_ =	sdelay $0x1  }
0x26f: {  	(erf) = vpow2.f32 v7;
	_ =	sdelay $0x8  }
0x270: {  	v7 =	vpop (erf)  }
0x271: {  	[tilespmem:v53+s19+$0x0] =	vst.idx.msk $0xffff, v7  }
0x272: {  	v7 =	vld.idx.msk [tilespmem:v56+s0+$0x0], $0xffff  }
0x273: {  	v9 =	vld.idx.msk [tilespmem:v57+s11+$0x0], $0xffff;
	_ =	sdelay $0x1  }
0x274: {  	v10 =	vld.idx.msk [tilespmem:v58+s30+$0x0], $0xffff;
	_ =	sdelay $0x2  }
0x275: {  	v7 =	vadd.f32 v9, v7;
	_ =	sdelay $0x1  }
0x276: {  	v7 =	vadd.f32 v10, v7;
	_ =	sdelay $0x1  }
0x277: {  	v9 =	vmul.f32 $2.000000030e-01, v7  }
0x278: {  	vm7 =	vge.f32 v7, $0.0e+00  }
0x279: {  	v7 =	vsel vm7, v7, v9  }
0x27a: {  	v7 =	vmul.f32 $1.442695020e+00, v7;
	_ =	sdelay $0x1  }
0x27b: {  	(erf) = vpow2.f32 v7;
	_ =	sdelay $0x5  }
0x27c: {  	v7 =	vor.u32 @!p1 $0x900, v63  }
0x27d: {  	v9 =	vor.u32 @!p1 $0x904, v63;
	_ =	sdelay $0x1  }
0x27e: {  	v12 =	vor.u32 @!p1 $0x480, v6;
	v10 =	vpop (erf)  }
0x27f: {  	[tilespmem:v56+s19+$0x0] =	vst.idx.msk $0xffff, v10  }
0x280: {  	v10 =	vld.idx.msk @!p1 [tilespmem:v7+s12+$0x0], $0xffff  }
0x281: {  	v9 =	vld.idx.msk @!p1 [tilespmem:v9+s1+$0x0], $0xffff;
	_ =	sdelay $0x1  }
0x282: {  	v12 =	vld.idx.msk @!p1 [tilespmem:v12+s16+$0x0], $0xffff;
	_ =	sdelay $0x2  }
0x283: {  	v9 =	vadd.f32 @!p1 v9, v10;
	_ =	sdelay $0x1  }
0x284: {  	v9 =	vadd.f32 @!p1 v12, v9;
	_ =	sdelay $0x1  }
0x285: {  	v10 =	vmul.f32 @!p1 $2.000000030e-01, v9  }
0x286: {  	vm0 =	vge.f32 @!p1 v9, $0.0e+00  }
0x287: {  	v9 =	vsel @!p1 vm0, v9, v10  }
0x288: {  	v9 =	vmul.f32 @!p1 $1.442695020e+00, v9;
	_ =	sdelay $0x1  }
0x289: {  	(erf) = vpow2.f32 @!p1 v9;
	_ =	sdelay $0x5  }
0x28a: {  	v9 =	vor.u32 @!p1 $0x901, v63  }
0x28b: {  	v10 =	vor.u32 @!p1 $0x905, v63;
	_ =	sdelay $0x1  }
0x28c: {  	v13 =	vor.u32 @!p1 $0x481, v6;
	v12 =	vpop @!p1 (erf)  }
0x28d: {  	[tilespmem:v7+s17+$0x0] =	vst.idx.msk @!p1 $0xffff, v12  }
0x28e: {  	v7 =	vld.idx.msk @!p1 [tilespmem:v9+s12+$0x0], $0xffff  }
0x28f: {  	v10 =	vld.idx.msk @!p1 [tilespmem:v10+s1+$0x0], $0xffff;
	_ =	sdelay $0x1  }
0x290: {  	v12 =	vld.idx.msk @!p1 [tilespmem:v13+s16+$0x0], $0xffff;
	_ =	sdelay $0x2  }
0x291: {  	v7 =	vadd.f32 @!p1 v10, v7;
	_ =	sdelay $0x1  }
0x292: {  	v7 =	vadd.f32 @!p1 v12, v7;
	_ =	sdelay $0x1  }
0x293: {  	v10 =	vmul.f32 @!p1 $2.000000030e-01, v7  }
0x294: {  	vm0 =	vge.f32 @!p1 v7, $0.0e+00  }
0x295: {  	v7 =	vsel @!p1 vm0, v7, v10  }
0x296: {  	v7 =	vmul.f32 @!p1 $1.442695020e+00, v7;
	_ =	sdelay $0x1  }
0x297: {  	(erf) = vpow2.f32 @!p1 v7;
	_ =	sdelay $0x8  }
0x298: {  	v7 =	vpop @!p1 (erf)  }
0x299: {  	[tilespmem:v9+s17+$0x0] =	vst.idx.msk @!p1 $0xffff, v7  }
0x29a: {  	v7 =	vld.idx.msk [tilespmem:v59+s0+$0x0], $0xffff  }
0x29b: {  	v9 =	vld.idx.msk [tilespmem:v60+s11+$0x0], $0xffff;
	_ =	sdelay $0x1  }
0x29c: {  	v10 =	vld.idx.msk [tilespmem:v61+s30+$0x0], $0xffff;
	_ =	sdelay $0x2  }
0x29d: {  	v7 =	vadd.f32 v9, v7;
	_ =	sdelay $0x1  }
0x29e: {  	v7 =	vadd.f32 v10, v7;
	_ =	sdelay $0x1  }
0x29f: {  	v9 =	vmul.f32 $2.000000030e-01, v7  }
0x2a0: {  	vm8 =	vge.f32 v7, $0.0e+00  }
0x2a1: {  	v7 =	vsel vm8, v7, v9  }
0x2a2: {  	v7 =	vmul.f32 $1.442695020e+00, v7;
	_ =	sdelay $0x1  }
0x2a3: {  	(erf) = vpow2.f32 v7;
	_ =	sdelay $0x6  }
0x2a4: {  	v7 =	vor.u32 $0x907, v0;
	_ =	sdelay $0x1  }
0x2a5: {  	v10 =	vor.u32 $0x483, v2;
	v9 =	vpop (erf)  }
0x2a6: {  	[tilespmem:v59+s19+$0x0] =	vst.idx.msk $0xffff, v9  }
0x2a7: {  	v9 =	vld.idx.msk [tilespmem:v62+s0+$0x0], $0xffff  }
0x2a8: {  	v7 =	vld.idx.msk [tilespmem:v7+s11+$0x0], $0xffff;
	_ =	sdelay $0x1  }
0x2a9: {  	v10 =	vld.idx.msk [tilespmem:v10+s30+$0x0], $0xffff;
	_ =	sdelay $0x2  }
0x2aa: {  	v7 =	vadd.f32 v7, v9;
	_ =	sdelay $0x1  }
0x2ab: {  	v7 =	vadd.f32 v10, v7;
	_ =	sdelay $0x1  }
0x2ac: {  	v9 =	vmul.f32 $2.000000030e-01, v7  }
0x2ad: {  	vm9 =	vge.f32 v7, $0.0e+00  }
0x2ae: {  	v7 =	vsel vm9, v7, v9  }
0x2af: {  	v7 =	vmul.f32 $1.442695020e+00, v7;
	_ =	sdelay $0x1  }
0x2b0: {  	(erf) = vpow2.f32 v7;
	_ =	sdelay $0x5  }
0x2b1: {  	v7 =	vor.u32 @!p1 $0xA00, v63  }
0x2b2: {  	v9 =	vor.u32 @!p1 $0xA04, v63;
	_ =	sdelay $0x1  }
0x2b3: {  	v12 =	vor.u32 @!p1 $0x500, v6;
	v10 =	vpop (erf)  }
0x2b4: {  	[tilespmem:v62+s19+$0x0] =	vst.idx.msk $0xffff, v10  }
0x2b5: {  	v10 =	vld.idx.msk @!p1 [tilespmem:v7+s12+$0x0], $0xffff  }
0x2b6: {  	v9 =	vld.idx.msk @!p1 [tilespmem:v9+s1+$0x0], $0xffff;
	_ =	sdelay $0x1  }
0x2b7: {  	v12 =	vld.idx.msk @!p1 [tilespmem:v12+s16+$0x0], $0xffff;
	_ =	sdelay $0x2  }
0x2b8: {  	v9 =	vadd.f32 @!p1 v9, v10;
	_ =	sdelay $0x1  }
0x2b9: {  	v9 =	vadd.f32 @!p1 v12, v9;
	_ =	sdelay $0x1  }
0x2ba: {  	v10 =	vmul.f32 @!p1 $2.000000030e-01, v9  }
0x2bb: {  	vm0 =	vge.f32 @!p1 v9, $0.0e+00  }
0x2bc: {  	v9 =	vsel @!p1 vm0, v9, v10  }
0x2bd: {  	v9 =	vmul.f32 @!p1 $1.442695020e+00, v9;
	_ =	sdelay $0x1  }
0x2be: {  	(erf) = vpow2.f32 @!p1 v9;
	_ =	sdelay $0x5  }
0x2bf: {  	v9 =	vor.u32 @!p1 $0xA01, v63  }
0x2c0: {  	v10 =	vor.u32 @!p1 $0xA05, v63;
	_ =	sdelay $0x1  }
0x2c1: {  	v13 =	vor.u32 @!p1 $0x501, v6;
	v12 =	vpop @!p1 (erf)  }
0x2c2: {  	[tilespmem:v7+s17+$0x0] =	vst.idx.msk @!p1 $0xffff, v12  }
0x2c3: {  	v7 =	vld.idx.msk @!p1 [tilespmem:v9+s12+$0x0], $0xffff  }
0x2c4: {  	v10 =	vld.idx.msk @!p1 [tilespmem:v10+s1+$0x0], $0xffff;
	_ =	sdelay $0x1  }
0x2c5: {  	v12 =	vld.idx.msk @!p1 [tilespmem:v13+s16+$0x0], $0xffff;
	_ =	sdelay $0x2  }
0x2c6: {  	v7 =	vadd.f32 @!p1 v10, v7;
	_ =	sdelay $0x1  }
0x2c7: {  	v7 =	vadd.f32 @!p1 v12, v7;
	_ =	sdelay $0x1  }
0x2c8: {  	v10 =	vmul.f32 @!p1 $2.000000030e-01, v7  }
0x2c9: {  	vm0 =	vge.f32 @!p1 v7, $0.0e+00  }
0x2ca: {  	v7 =	vsel @!p1 vm0, v7, v10  }
0x2cb: {  	v7 =	vmul.f32 @!p1 $1.442695020e+00, v7;
	_ =	sdelay $0x1  }
0x2cc: {  	(erf) = vpow2.f32 @!p1 v7;
	_ =	sdelay $0x5  }
0x2cd: {  	v7 =	vor.u32 $0xA02, v0  }
0x2ce: {  	v10 =	vor.u32 $0xA06, v0;
	_ =	sdelay $0x1  }
0x2cf: {  	v13 =	vor.u32 $0x502, v2;
	v12 =	vpop @!p1 (erf)  }
0x2d0: {  	[tilespmem:v9+s17+$0x0] =	vst.idx.msk @!p1 $0xffff, v12  }
0x2d1: {  	v9 =	vld.idx.msk [tilespmem:v7+s0+$0x0], $0xffff  }
0x2d2: {  	v10 =	vld.idx.msk [tilespmem:v10+s11+$0x0], $0xffff;
	_ =	sdelay $0x1  }
0x2d3: {  	v12 =	vld.idx.msk [tilespmem:v13+s30+$0x0], $0xffff;
	_ =	sdelay $0x2  }
0x2d4: {  	v9 =	vadd.f32 v10, v9;
	_ =	sdelay $0x1  }
0x2d5: {  	v9 =	vadd.f32 v12, v9;
	_ =	sdelay $0x1  }
0x2d6: {  	v10 =	vmul.f32 $2.000000030e-01, v9  }
0x2d7: {  	vm10 =	vge.f32 v9, $0.0e+00  }
0x2d8: {  	v9 =	vsel vm10, v9, v10  }
0x2d9: {  	v9 =	vmul.f32 $1.442695020e+00, v9;
	_ =	sdelay $0x1  }
0x2da: {  	(erf) = vpow2.f32 v9;
	_ =	sdelay $0x5  }
0x2db: {  	v9 =	vor.u32 $0xA03, v0  }
0x2dc: {  	v10 =	vor.u32 $0xA07, v0;
	_ =	sdelay $0x1  }
0x2dd: {  	v13 =	vor.u32 $0x503, v2;
	v12 =	vpop (erf)  }
0x2de: {  	[tilespmem:v7+s19+$0x0] =	vst.idx.msk $0xffff, v12  }
0x2df: {  	v7 =	vld.idx.msk [tilespmem:v9+s0+$0x0], $0xffff  }
0x2e0: {  	v10 =	vld.idx.msk [tilespmem:v10+s11+$0x0], $0xffff;
	_ =	sdelay $0x1  }
0x2e1: {  	v12 =	vld.idx.msk [tilespmem:v13+s30+$0x0], $0xffff;
	_ =	sdelay $0x2  }
0x2e2: {  	v7 =	vadd.f32 v10, v7;
	_ =	sdelay $0x1  }
0x2e3: {  	v7 =	vadd.f32 v12, v7;
	_ =	sdelay $0x1  }
0x2e4: {  	v10 =	vmul.f32 $2.000000030e-01, v7  }
0x2e5: {  	vm11 =	vge.f32 v7, $0.0e+00  }
0x2e6: {  	v7 =	vsel vm11, v7, v10  }
0x2e7: {  	v7 =	vmul.f32 $1.442695020e+00, v7;
	_ =	sdelay $0x1  }
0x2e8: {  	(erf) = vpow2.f32 v7;
	_ =	sdelay $0x5  }
0x2e9: {  	v7 =	vor.u32 @!p1 $0xB00, v63  }
0x2ea: {  	v10 =	vor.u32 @!p1 $0xB04, v63;
	_ =	sdelay $0x1  }
0x2eb: {  	v13 =	vor.u32 @!p1 $0x580, v6;
	v12 =	vpop (erf)  }
0x2ec: {  	[tilespmem:v9+s19+$0x0] =	vst.idx.msk $0xffff, v12  }
0x2ed: {  	v9 =	vld.idx.msk @!p1 [tilespmem:v7+s12+$0x0], $0xffff  }
0x2ee: {  	v10 =	vld.idx.msk @!p1 [tilespmem:v10+s1+$0x0], $0xffff;
	_ =	sdelay $0x1  }
0x2ef: {  	v12 =	vld.idx.msk @!p1 [tilespmem:v13+s16+$0x0], $0xffff;
	_ =	sdelay $0x2  }
0x2f0: {  	v9 =	vadd.f32 @!p1 v10, v9;
	_ =	sdelay $0x1  }
0x2f1: {  	v9 =	vadd.f32 @!p1 v12, v9;
	_ =	sdelay $0x1  }
0x2f2: {  	v10 =	vmul.f32 @!p1 $2.000000030e-01, v9  }
0x2f3: {  	vm0 =	vge.f32 @!p1 v9, $0.0e+00  }
0x2f4: {  	v9 =	vsel @!p1 vm0, v9, v10  }
0x2f5: {  	v9 =	vmul.f32 @!p1 $1.442695020e+00, v9;
	_ =	sdelay $0x1  }
0x2f6: {  	(erf) = vpow2.f32 @!p1 v9;
	_ =	sdelay $0x5  }
0x2f7: {  	v9 =	vor.u32 @!p1 $0xB01, v63  }
0x2f8: {  	v10 =	vor.u32 @!p1 $0xB05, v63;
	_ =	sdelay $0x1  }
0x2f9: {  	v13 =	vor.u32 @!p1 $0x581, v6;
	v12 =	vpop @!p1 (erf)  }
0x2fa: {  	[tilespmem:v7+s17+$0x0] =	vst.idx.msk @!p1 $0xffff, v12  }
0x2fb: {  	v7 =	vld.idx.msk @!p1 [tilespmem:v9+s12+$0x0], $0xffff  }
0x2fc: {  	v10 =	vld.idx.msk @!p1 [tilespmem:v10+s1+$0x0], $0xffff;
	_ =	sdelay $0x1  }
0x2fd: {  	v12 =	vld.idx.msk @!p1 [tilespmem:v13+s16+$0x0], $0xffff;
	_ =	sdelay $0x2  }
0x2fe: {  	v7 =	vadd.f32 @!p1 v10, v7;
	_ =	sdelay $0x1  }
0x2ff: {  	v7 =	vadd.f32 @!p1 v12, v7;
	_ =	sdelay $0x1  }
0x300: {  	v10 =	vmul.f32 @!p1 $2.000000030e-01, v7  }
0x301: {  	vm0 =	vge.f32 @!p1 v7, $0.0e+00  }
0x302: {  	v7 =	vsel @!p1 vm0, v7, v10  }
0x303: {  	v7 =	vmul.f32 @!p1 $1.442695020e+00, v7;
	_ =	sdelay $0x1  }
0x304: {  	(erf) = vpow2.f32 @!p1 v7;
	_ =	sdelay $0x5  }
0x305: {  	v7 =	vor.u32 $0xB02, v0  }
0x306: {  	v10 =	vor.u32 $0xB06, v0;
	_ =	sdelay $0x1  }
0x307: {  	v13 =	vor.u32 $0x582, v2;
	v12 =	vpop @!p1 (erf)  }
0x308: {  	[tilespmem:v9+s17+$0x0] =	vst.idx.msk @!p1 $0xffff, v12  }
0x309: {  	v9 =	vld.idx.msk [tilespmem:v7+s0+$0x0], $0xffff  }
0x30a: {  	v10 =	vld.idx.msk [tilespmem:v10+s11+$0x0], $0xffff;
	_ =	sdelay $0x1  }
0x30b: {  	v12 =	vld.idx.msk [tilespmem:v13+s30+$0x0], $0xffff;
	_ =	sdelay $0x2  }
0x30c: {  	v9 =	vadd.f32 v10, v9;
	_ =	sdelay $0x1  }
0x30d: {  	v9 =	vadd.f32 v12, v9;
	_ =	sdelay $0x1  }
0x30e: {  	v10 =	vmul.f32 $2.000000030e-01, v9  }
0x30f: {  	vm12 =	vge.f32 v9, $0.0e+00  }
0x310: {  	v9 =	vsel vm12, v9, v10  }
0x311: {  	v9 =	vmul.f32 $1.442695020e+00, v9;
	_ =	sdelay $0x1  }
0x312: {  	(erf) = vpow2.f32 v9;
	_ =	sdelay $0x5  }
0x313: {  	v9 =	vor.u32 $0xB03, v0  }
0x314: {  	v10 =	vor.u32 $0xB07, v0;
	_ =	sdelay $0x1  }
0x315: {  	v13 =	vor.u32 $0x583, v2;
	v12 =	vpop (erf)  }
0x316: {  	[tilespmem:v7+s19+$0x0] =	vst.idx.msk $0xffff, v12  }
0x317: {  	v7 =	vld.idx.msk [tilespmem:v9+s0+$0x0], $0xffff  }
0x318: {  	v10 =	vld.idx.msk [tilespmem:v10+s11+$0x0], $0xffff;
	_ =	sdelay $0x1  }
0x319: {  	v12 =	vld.idx.msk [tilespmem:v13+s30+$0x0], $0xffff;
	_ =	sdelay $0x2  }
0x31a: {  	v7 =	vadd.f32 v10, v7;
	_ =	sdelay $0x1  }
0x31b: {  	v7 =	vadd.f32 v12, v7;
	_ =	sdelay $0x1  }
0x31c: {  	v10 =	vmul.f32 $2.000000030e-01, v7  }
0x31d: {  	vm13 =	vge.f32 v7, $0.0e+00  }
0x31e: {  	v7 =	vsel vm13, v7, v10  }
0x31f: {  	v7 =	vmul.f32 $1.442695020e+00, v7;
	_ =	sdelay $0x1  }
0x320: {  	(erf) = vpow2.f32 v7;
	_ =	sdelay $0x5  }
0x321: {  	v7 =	vor.u32 @!p1 $0xC00, v63  }
0x322: {  	v10 =	vor.u32 @!p1 $0xC04, v63;
	_ =	sdelay $0x1  }
0x323: {  	v13 =	vor.u32 @!p1 $0x600, v6;
	v12 =	vpop (erf)  }
0x324: {  	[tilespmem:v9+s19+$0x0] =	vst.idx.msk $0xffff, v12  }
0x325: {  	v9 =	vld.idx.msk @!p1 [tilespmem:v7+s12+$0x0], $0xffff  }
0x326: {  	v10 =	vld.idx.msk @!p1 [tilespmem:v10+s1+$0x0], $0xffff;
	_ =	sdelay $0x1  }
0x327: {  	v12 =	vld.idx.msk @!p1 [tilespmem:v13+s16+$0x0], $0xffff;
	_ =	sdelay $0x2  }
0x328: {  	v9 =	vadd.f32 @!p1 v10, v9;
	_ =	sdelay $0x1  }
0x329: {  	v9 =	vadd.f32 @!p1 v12, v9;
	_ =	sdelay $0x1  }
0x32a: {  	v10 =	vmul.f32 @!p1 $2.000000030e-01, v9  }
0x32b: {  	vm0 =	vge.f32 @!p1 v9, $0.0e+00  }
0x32c: {  	v9 =	vsel @!p1 vm0, v9, v10  }
0x32d: {  	v9 =	vmul.f32 @!p1 $1.442695020e+00, v9;
	_ =	sdelay $0x1  }
0x32e: {  	(erf) = vpow2.f32 @!p1 v9;
	_ =	sdelay $0x5  }
0x32f: {  	v9 =	vor.u32 @!p1 $0xC01, v63  }
0x330: {  	v10 =	vor.u32 @!p1 $0xC05, v63;
	_ =	sdelay $0x1  }
0x331: {  	v13 =	vor.u32 @!p1 $0x601, v6;
	v12 =	vpop @!p1 (erf)  }
0x332: {  	[tilespmem:v7+s17+$0x0] =	vst.idx.msk @!p1 $0xffff, v12  }
0x333: {  	v7 =	vld.idx.msk @!p1 [tilespmem:v9+s12+$0x0], $0xffff  }
0x334: {  	v10 =	vld.idx.msk @!p1 [tilespmem:v10+s1+$0x0], $0xffff;
	_ =	sdelay $0x1  }
0x335: {  	v12 =	vld.idx.msk @!p1 [tilespmem:v13+s16+$0x0], $0xffff;
	_ =	sdelay $0x2  }
0x336: {  	v7 =	vadd.f32 @!p1 v10, v7;
	_ =	sdelay $0x1  }
0x337: {  	v7 =	vadd.f32 @!p1 v12, v7;
	_ =	sdelay $0x1  }
0x338: {  	v10 =	vmul.f32 @!p1 $2.000000030e-01, v7  }
0x339: {  	vm0 =	vge.f32 @!p1 v7, $0.0e+00  }
0x33a: {  	v7 =	vsel @!p1 vm0, v7, v10  }
0x33b: {  	v7 =	vmul.f32 @!p1 $1.442695020e+00, v7;
	_ =	sdelay $0x1  }
0x33c: {  	(erf) = vpow2.f32 @!p1 v7;
	_ =	sdelay $0x5  }
0x33d: {  	v7 =	vor.u32 $0xC02, v0  }
0x33e: {  	v10 =	vor.u32 $0xC06, v0;
	_ =	sdelay $0x1  }
0x33f: {  	v13 =	vor.u32 $0x602, v2;
	v12 =	vpop @!p1 (erf)  }
0x340: {  	[tilespmem:v9+s17+$0x0] =	vst.idx.msk @!p1 $0xffff, v12  }
0x341: {  	v9 =	vld.idx.msk [tilespmem:v7+s0+$0x0], $0xffff  }
0x342: {  	v10 =	vld.idx.msk [tilespmem:v10+s11+$0x0], $0xffff;
	_ =	sdelay $0x1  }
0x343: {  	v12 =	vld.idx.msk [tilespmem:v13+s30+$0x0], $0xffff;
	_ =	sdelay $0x2  }
0x344: {  	v9 =	vadd.f32 v10, v9;
	_ =	sdelay $0x1  }
0x345: {  	v9 =	vadd.f32 v12, v9;
	_ =	sdelay $0x1  }
0x346: {  	v10 =	vmul.f32 $2.000000030e-01, v9  }
0x347: {  	vm14 =	vge.f32 v9, $0.0e+00  }
0x348: {  	v9 =	vsel vm14, v9, v10  }
0x349: {  	v9 =	vmul.f32 $1.442695020e+00, v9;
	_ =	sdelay $0x1  }
0x34a: {  	(erf) = vpow2.f32 v9;
	_ =	sdelay $0x5  }
0x34b: {  	v9 =	vor.u32 $0xC03, v0  }
0x34c: {  	v10 =	vor.u32 $0xC07, v0;
	_ =	sdelay $0x1  }
0x34d: {  	v13 =	vor.u32 $0x603, v2;
	v12 =	vpop (erf)  }
0x34e: {  	[tilespmem:v7+s19+$0x0] =	vst.idx.msk $0xffff, v12  }
0x34f: {  	v7 =	vld.idx.msk [tilespmem:v9+s0+$0x0], $0xffff  }
0x350: {  	v10 =	vld.idx.msk [tilespmem:v10+s11+$0x0], $0xffff;
	_ =	sdelay $0x1  }
0x351: {  	v12 =	vld.idx.msk [tilespmem:v13+s30+$0x0], $0xffff;
	_ =	sdelay $0x2  }
0x352: {  	v7 =	vadd.f32 v10, v7;
	_ =	sdelay $0x1  }
0x353: {  	v7 =	vadd.f32 v12, v7;
	_ =	sdelay $0x1  }
0x354: {  	v10 =	vmul.f32 $2.000000030e-01, v7  }
0x355: {  	vm15 =	vge.f32 v7, $0.0e+00  }
0x356: {  	v7 =	vsel vm15, v7, v10  }
0x357: {  	v7 =	vmul.f32 $1.442695020e+00, v7;
	_ =	sdelay $0x1  }
0x358: {  	(erf) = vpow2.f32 v7;
	_ =	sdelay $0x5  }
0x359: {  	v7 =	vor.u32 @!p1 $0xD00, v63  }
0x35a: {  	v10 =	vor.u32 @!p1 $0xD04, v63;
	_ =	sdelay $0x1  }
0x35b: {  	v13 =	vor.u32 @!p1 $0x680, v6;
	v12 =	vpop (erf)  }
0x35c: {  	[tilespmem:v9+s19+$0x0] =	vst.idx.msk $0xffff, v12  }
0x35d: {  	v9 =	vld.idx.msk @!p1 [tilespmem:v7+s12+$0x0], $0xffff  }
0x35e: {  	v10 =	vld.idx.msk @!p1 [tilespmem:v10+s1+$0x0], $0xffff;
	_ =	sdelay $0x1  }
0x35f: {  	v12 =	vld.idx.msk @!p1 [tilespmem:v13+s16+$0x0], $0xffff;
	_ =	sdelay $0x2  }
0x360: {  	v9 =	vadd.f32 @!p1 v10, v9;
	_ =	sdelay $0x1  }
0x361: {  	v9 =	vadd.f32 @!p1 v12, v9;
	_ =	sdelay $0x1  }
0x362: {  	v10 =	vmul.f32 @!p1 $2.000000030e-01, v9  }
0x363: {  	vm0 =	vge.f32 @!p1 v9, $0.0e+00  }
0x364: {  	v9 =	vsel @!p1 vm0, v9, v10  }
0x365: {  	v9 =	vmul.f32 @!p1 $1.442695020e+00, v9;
	_ =	sdelay $0x1  }
0x366: {  	(erf) = vpow2.f32 @!p1 v9;
	_ =	sdelay $0x5  }
0x367: {  	v9 =	vor.u32 @!p1 $0xD01, v63  }
0x368: {  	v10 =	vor.u32 @!p1 $0xD05, v63;
	_ =	sdelay $0x1  }
0x369: {  	v13 =	vor.u32 @!p1 $0x681, v6;
	v12 =	vpop @!p1 (erf)  }
0x36a: {  	[tilespmem:v7+s17+$0x0] =	vst.idx.msk @!p1 $0xffff, v12  }
0x36b: {  	v7 =	vld.idx.msk @!p1 [tilespmem:v9+s12+$0x0], $0xffff  }
0x36c: {  	v10 =	vld.idx.msk @!p1 [tilespmem:v10+s1+$0x0], $0xffff;
	_ =	sdelay $0x1  }
0x36d: {  	v12 =	vld.idx.msk @!p1 [tilespmem:v13+s16+$0x0], $0xffff;
	_ =	sdelay $0x2  }
0x36e: {  	v7 =	vadd.f32 @!p1 v10, v7;
	_ =	sdelay $0x1  }
0x36f: {  	v7 =	vadd.f32 @!p1 v12, v7;
	_ =	sdelay $0x1  }
0x370: {  	v10 =	vmul.f32 @!p1 $2.000000030e-01, v7  }
0x371: {  	vm0 =	vge.f32 @!p1 v7, $0.0e+00  }
0x372: {  	v7 =	vsel @!p1 vm0, v7, v10  }
0x373: {  	v7 =	vmul.f32 @!p1 $1.442695020e+00, v7;
	_ =	sdelay $0x1  }
0x374: {  	(erf) = vpow2.f32 @!p1 v7;
	_ =	sdelay $0x5  }
0x375: {  	v7 =	vor.u32 $0xD02, v0  }
0x376: {  	v10 =	vor.u32 $0xD06, v0;
	_ =	sdelay $0x1  }
0x377: {  	v13 =	vor.u32 $0x682, v2;
	v12 =	vpop @!p1 (erf)  }
0x378: {  	[tilespmem:v9+s17+$0x0] =	vst.idx.msk @!p1 $0xffff, v12  }
0x379: {  	v9 =	vld.idx.msk [tilespmem:v7+s0+$0x0], $0xffff  }
0x37a: {  	v10 =	vld.idx.msk [tilespmem:v10+s11+$0x0], $0xffff;
	_ =	sdelay $0x1  }
0x37b: {  	v12 =	vld.idx.msk [tilespmem:v13+s30+$0x0], $0xffff;
	_ =	sdelay $0x2  }
0x37c: {  	v9 =	vadd.f32 v10, v9;
	_ =	sdelay $0x1  }
0x37d: {  	v9 =	vadd.f32 v12, v9;
	_ =	sdelay $0x1  }
0x37e: {  	v10 =	vmul.f32 $2.000000030e-01, v9  }
0x37f: {  	vm4 =	vge.f32 v9, $0.0e+00  }
0x380: {  	v9 =	vsel vm4, v9, v10  }
0x381: {  	v9 =	vmul.f32 $1.442695020e+00, v9;
	_ =	sdelay $0x1  }
0x382: {  	(erf) = vpow2.f32 v9;
	_ =	sdelay $0x5  }
0x383: {  	v9 =	vor.u32 $0xD03, v0  }
0x384: {  	v10 =	vor.u32 $0xD07, v0;
	_ =	sdelay $0x1  }
0x385: {  	v13 =	vor.u32 $0x683, v2;
	v12 =	vpop (erf)  }
0x386: {  	[tilespmem:v7+s19+$0x0] =	vst.idx.msk $0xffff, v12  }
0x387: {  	v7 =	vld.idx.msk [tilespmem:v9+s0+$0x0], $0xffff  }
0x388: {  	v10 =	vld.idx.msk [tilespmem:v10+s11+$0x0], $0xffff;
	_ =	sdelay $0x1  }
0x389: {  	v12 =	vld.idx.msk [tilespmem:v13+s30+$0x0], $0xffff;
	_ =	sdelay $0x2  }
0x38a: {  	v7 =	vadd.f32 v10, v7;
	_ =	sdelay $0x1  }
0x38b: {  	v7 =	vadd.f32 v12, v7;
	_ =	sdelay $0x1  }
0x38c: {  	v10 =	vmul.f32 $2.000000030e-01, v7  }
0x38d: {  	vm5 =	vge.f32 v7, $0.0e+00  }
0x38e: {  	v7 =	vsel vm5, v7, v10  }
0x38f: {  	v7 =	vmul.f32 $1.442695020e+00, v7;
	_ =	sdelay $0x1  }
0x390: {  	(erf) = vpow2.f32 v7;
	_ =	sdelay $0x5  }
0x391: {  	v7 =	vor.u32 @!p1 $0xE00, v63  }
0x392: {  	v10 =	vor.u32 @!p1 $0xE04, v63;
	_ =	sdelay $0x1  }
0x393: {  	v13 =	vor.u32 @!p1 $0x700, v6;
	v12 =	vpop (erf)  }
0x394: {  	[tilespmem:v9+s19+$0x0] =	vst.idx.msk $0xffff, v12  }
0x395: {  	v9 =	vld.idx.msk @!p1 [tilespmem:v7+s12+$0x0], $0xffff  }
0x396: {  	v10 =	vld.idx.msk @!p1 [tilespmem:v10+s1+$0x0], $0xffff;
	_ =	sdelay $0x1  }
0x397: {  	v12 =	vld.idx.msk @!p1 [tilespmem:v13+s16+$0x0], $0xffff;
	_ =	sdelay $0x2  }
0x398: {  	v9 =	vadd.f32 @!p1 v10, v9;
	_ =	sdelay $0x1  }
0x399: {  	v9 =	vadd.f32 @!p1 v12, v9;
	_ =	sdelay $0x1  }
0x39a: {  	v10 =	vmul.f32 @!p1 $2.000000030e-01, v9  }
0x39b: {  	vm0 =	vge.f32 @!p1 v9, $0.0e+00  }
0x39c: {  	v9 =	vsel @!p1 vm0, v9, v10  }
0x39d: {  	v9 =	vmul.f32 @!p1 $1.442695020e+00, v9;
	_ =	sdelay $0x1  }
0x39e: {  	(erf) = vpow2.f32 @!p1 v9;
	_ =	sdelay $0x5  }
0x39f: {  	v9 =	vor.u32 @!p1 $0xE01, v63  }
0x3a0: {  	v10 =	vor.u32 @!p1 $0xE05, v63;
	_ =	sdelay $0x1  }
0x3a1: {  	v13 =	vor.u32 @!p1 $0x701, v6;
	v12 =	vpop @!p1 (erf)  }
0x3a2: {  	[tilespmem:v7+s17+$0x0] =	vst.idx.msk @!p1 $0xffff, v12  }
0x3a3: {  	v7 =	vld.idx.msk @!p1 [tilespmem:v9+s12+$0x0], $0xffff  }
0x3a4: {  	v10 =	vld.idx.msk @!p1 [tilespmem:v10+s1+$0x0], $0xffff;
	_ =	sdelay $0x1  }
0x3a5: {  	v12 =	vld.idx.msk @!p1 [tilespmem:v13+s16+$0x0], $0xffff;
	_ =	sdelay $0x2  }
0x3a6: {  	v7 =	vadd.f32 @!p1 v10, v7;
	_ =	sdelay $0x1  }
0x3a7: {  	v7 =	vadd.f32 @!p1 v12, v7;
	_ =	sdelay $0x1  }
0x3a8: {  	v10 =	vmul.f32 @!p1 $2.000000030e-01, v7  }
0x3a9: {  	vm0 =	vge.f32 @!p1 v7, $0.0e+00  }
0x3aa: {  	v7 =	vsel @!p1 vm0, v7, v10  }
0x3ab: {  	v7 =	vmul.f32 @!p1 $1.442695020e+00, v7;
	_ =	sdelay $0x1  }
0x3ac: {  	(erf) = vpow2.f32 @!p1 v7;
	_ =	sdelay $0x5  }
0x3ad: {  	v7 =	vor.u32 $0xE02, v0  }
0x3ae: {  	v10 =	vor.u32 $0xE06, v0;
	_ =	sdelay $0x1  }
0x3af: {  	v13 =	vor.u32 $0x702, v2;
	v12 =	vpop @!p1 (erf)  }
0x3b0: {  	[tilespmem:v9+s17+$0x0] =	vst.idx.msk @!p1 $0xffff, v12  }
0x3b1: {  	v9 =	vld.idx.msk [tilespmem:v7+s0+$0x0], $0xffff  }
0x3b2: {  	v10 =	vld.idx.msk [tilespmem:v10+s11+$0x0], $0xffff;
	_ =	sdelay $0x1  }
0x3b3: {  	v12 =	vld.idx.msk [tilespmem:v13+s30+$0x0], $0xffff;
	_ =	sdelay $0x2  }
0x3b4: {  	v9 =	vadd.f32 v10, v9;
	_ =	sdelay $0x1  }
0x3b5: {  	v9 =	vadd.f32 v12, v9;
	_ =	sdelay $0x1  }
0x3b6: {  	v10 =	vmul.f32 $2.000000030e-01, v9  }
0x3b7: {  	vm6 =	vge.f32 v9, $0.0e+00  }
0x3b8: {  	v9 =	vsel vm6, v9, v10  }
0x3b9: {  	v9 =	vmul.f32 $1.442695020e+00, v9;
	_ =	sdelay $0x1  }
0x3ba: {  	(erf) = vpow2.f32 v9;
	_ =	sdelay $0x5  }
0x3bb: {  	v9 =	vor.u32 $0xE03, v0  }
0x3bc: {  	v10 =	vor.u32 $0xE07, v0;
	_ =	sdelay $0x1  }
0x3bd: {  	v13 =	vor.u32 $0x703, v2;
	v12 =	vpop (erf)  }
0x3be: {  	[tilespmem:v7+s19+$0x0] =	vst.idx.msk $0xffff, v12  }
0x3bf: {  	v7 =	vld.idx.msk [tilespmem:v9+s0+$0x0], $0xffff  }
0x3c0: {  	v10 =	vld.idx.msk [tilespmem:v10+s11+$0x0], $0xffff;
	_ =	sdelay $0x1  }
0x3c1: {  	v12 =	vld.idx.msk [tilespmem:v13+s30+$0x0], $0xffff;
	_ =	sdelay $0x2  }
0x3c2: {  	v7 =	vadd.f32 v10, v7;
	_ =	sdelay $0x1  }
0x3c3: {  	v7 =	vadd.f32 v12, v7;
	_ =	sdelay $0x1  }
0x3c4: {  	v10 =	vmul.f32 $2.000000030e-01, v7  }
0x3c5: {  	vm7 =	vge.f32 v7, $0.0e+00  }
0x3c6: {  	v7 =	vsel vm7, v7, v10  }
0x3c7: {  	v7 =	vmul.f32 $1.442695020e+00, v7;
	_ =	sdelay $0x1  }
0x3c8: {  	(erf) = vpow2.f32 v7;
	_ =	sdelay $0x5  }
0x3c9: {  	v7 =	vor.u32 @!p1 $0xF00, v63  }
0x3ca: {  	v10 =	vor.u32 @!p1 $0xF04, v63;
	_ =	sdelay $0x1  }
0x3cb: {  	v13 =	vor.u32 @!p1 $0x780, v6;
	v12 =	vpop (erf)  }
0x3cc: {  	[tilespmem:v9+s19+$0x0] =	vst.idx.msk $0xffff, v12  }
0x3cd: {  	v9 =	vld.idx.msk @!p1 [tilespmem:v7+s12+$0x0], $0xffff  }
0x3ce: {  	v10 =	vld.idx.msk @!p1 [tilespmem:v10+s1+$0x0], $0xffff;
	_ =	sdelay $0x1  }
0x3cf: {  	v12 =	vld.idx.msk @!p1 [tilespmem:v13+s16+$0x0], $0xffff;
	_ =	sdelay $0x2  }
0x3d0: {  	v9 =	vadd.f32 @!p1 v10, v9;
	_ =	sdelay $0x1  }
0x3d1: {  	v9 =	vadd.f32 @!p1 v12, v9;
	_ =	sdelay $0x1  }
0x3d2: {  	v10 =	vmul.f32 @!p1 $2.000000030e-01, v9  }
0x3d3: {  	vm0 =	vge.f32 @!p1 v9, $0.0e+00  }
0x3d4: {  	v9 =	vsel @!p1 vm0, v9, v10  }
0x3d5: {  	v9 =	vmul.f32 @!p1 $1.442695020e+00, v9;
	_ =	sdelay $0x1  }
0x3d6: {  	(erf) = vpow2.f32 @!p1 v9;
	_ =	sdelay $0x5  }
0x3d7: {  	v9 =	vor.u32 @!p1 $0xF01, v63  }
0x3d8: {  	v10 =	vor.u32 @!p1 $0xF05, v63;
	_ =	sdelay $0x1  }
0x3d9: {  	v13 =	vor.u32 @!p1 $0x781, v6;
	v12 =	vpop @!p1 (erf)  }
0x3da: {  	[tilespmem:v7+s17+$0x0] =	vst.idx.msk @!p1 $0xffff, v12  }
0x3db: {  	v7 =	vld.idx.msk @!p1 [tilespmem:v9+s12+$0x0], $0xffff  }
0x3dc: {  	v10 =	vld.idx.msk @!p1 [tilespmem:v10+s1+$0x0], $0xffff;
	_ =	sdelay $0x1  }
0x3dd: {  	v12 =	vld.idx.msk @!p1 [tilespmem:v13+s16+$0x0], $0xffff;
	_ =	sdelay $0x2  }
0x3de: {  	v7 =	vadd.f32 @!p1 v10, v7;
	_ =	sdelay $0x1  }
0x3df: {  	v7 =	vadd.f32 @!p1 v12, v7;
	_ =	sdelay $0x1  }
0x3e0: {  	v10 =	vmul.f32 @!p1 $2.000000030e-01, v7  }
0x3e1: {  	vm0 =	vge.f32 @!p1 v7, $0.0e+00  }
0x3e2: {  	v7 =	vsel @!p1 vm0, v7, v10  }
0x3e3: {  	v7 =	vmul.f32 @!p1 $1.442695020e+00, v7;
	_ =	sdelay $0x1  }
0x3e4: {  	(erf) = vpow2.f32 @!p1 v7;
	_ =	sdelay $0x5  }
0x3e5: {  	v7 =	vor.u32 $0xF02, v0  }
0x3e6: {  	v10 =	vor.u32 $0xF06, v0;
	_ =	sdelay $0x1  }
0x3e7: {  	v13 =	vor.u32 $0x782, v2;
	v12 =	vpop @!p1 (erf)  }
0x3e8: {  	[tilespmem:v9+s17+$0x0] =	vst.idx.msk @!p1 $0xffff, v12  }
0x3e9: {  	v9 =	vld.idx.msk [tilespmem:v7+s0+$0x0], $0xffff  }
0x3ea: {  	v10 =	vld.idx.msk [tilespmem:v10+s11+$0x0], $0xffff;
	_ =	sdelay $0x1  }
0x3eb: {  	v12 =	vld.idx.msk [tilespmem:v13+s30+$0x0], $0xffff;
	_ =	sdelay $0x2  }
0x3ec: {  	v9 =	vadd.f32 v10, v9;
	_ =	sdelay $0x1  }
0x3ed: {  	v9 =	vadd.f32 v12, v9;
	_ =	sdelay $0x1  }
0x3ee: {  	v10 =	vmul.f32 $2.000000030e-01, v9  }
0x3ef: {  	vm8 =	vge.f32 v9, $0.0e+00  }
0x3f0: {  	v9 =	vsel vm8, v9, v10  }
0x3f1: {  	v9 =	vmul.f32 $1.442695020e+00, v9;
	_ =	sdelay $0x1  }
0x3f2: {  	(erf) = vpow2.f32 v9;
	_ =	sdelay $0x5  }
0x3f3: {  	v9 =	vor.u32 $0xF03, v0  }
0x3f4: {  	v10 =	vor.u32 $0xF07, v0;
	_ =	sdelay $0x1  }
0x3f5: {  	v13 =	vor.u32 $0x783, v2;
	v12 =	vpop (erf)  }
0x3f6: {  	[tilespmem:v7+s19+$0x0] =	vst.idx.msk $0xffff, v12  }
0x3f7: {  	v7 =	vld.idx.msk [tilespmem:v9+s0+$0x0], $0xffff  }
0x3f8: {  	v10 =	vld.idx.msk [tilespmem:v10+s11+$0x0], $0xffff;
	_ =	sdelay $0x1  }
0x3f9: {  	v12 =	vld.idx.msk [tilespmem:v13+s30+$0x0], $0xffff;
	_ =	sdelay $0x2  }
0x3fa: {  	v7 =	vadd.f32 v10, v7;
	_ =	sdelay $0x1  }
0x3fb: {  	v7 =	vadd.f32 v12, v7;
	_ =	sdelay $0x1  }
0x3fc: {  	v10 =	vmul.f32 $2.000000030e-01, v7  }
0x3fd: {  	vm9 =	vge.f32 v7, $0.0e+00  }
0x3fe: {  	v7 =	vsel vm9, v7, v10  }
0x3ff: {  	v7 =	vmul.f32 $1.442695020e+00, v7;
	_ =	sdelay $0x1  }
0x400: {  	(erf) = vpow2.f32 v7;
	_ =	sdelay $0x5  }
0x401: {  	v7 =	vor.u32 @!p1 $0x1000, v63  }
0x402: {  	v10 =	vor.u32 @!p1 $0x1004, v63;
	_ =	sdelay $0x1  }
0x403: {  	v13 =	vor.u32 @!p1 $0x800, v6;
	v12 =	vpop (erf)  }
0x404: {  	[tilespmem:v9+s19+$0x0] =	vst.idx.msk $0xffff, v12  }
0x405: {  	v9 =	vld.idx.msk @!p1 [tilespmem:v7+s12+$0x0], $0xffff  }
0x406: {  	v10 =	vld.idx.msk @!p1 [tilespmem:v10+s1+$0x0], $0xffff;
	_ =	sdelay $0x1  }
0x407: {  	v12 =	vld.idx.msk @!p1 [tilespmem:v13+s16+$0x0], $0xffff;
	_ =	sdelay $0x2  }
0x408: {  	v9 =	vadd.f32 @!p1 v10, v9;
	_ =	sdelay $0x1  }
0x409: {  	v9 =	vadd.f32 @!p1 v12, v9;
	_ =	sdelay $0x1  }
0x40a: {  	v10 =	vmul.f32 @!p1 $2.000000030e-01, v9  }
0x40b: {  	vm0 =	vge.f32 @!p1 v9, $0.0e+00  }
0x40c: {  	v9 =	vsel @!p1 vm0, v9, v10  }
0x40d: {  	v9 =	vmul.f32 @!p1 $1.442695020e+00, v9;
	_ =	sdelay $0x1  }
0x40e: {  	(erf) = vpow2.f32 @!p1 v9;
	_ =	sdelay $0x5  }
0x40f: {  	v9 =	vor.u32 @!p1 $0x1001, v63  }
0x410: {  	v10 =	vor.u32 @!p1 $0x1005, v63;
	_ =	sdelay $0x1  }
0x411: {  	v13 =	vor.u32 @!p1 $0x801, v6;
	v12 =	vpop @!p1 (erf)  }
0x412: {  	[tilespmem:v7+s17+$0x0] =	vst.idx.msk @!p1 $0xffff, v12  }
0x413: {  	v7 =	vld.idx.msk @!p1 [tilespmem:v9+s12+$0x0], $0xffff  }
0x414: {  	v10 =	vld.idx.msk @!p1 [tilespmem:v10+s1+$0x0], $0xffff;
	_ =	sdelay $0x1  }
0x415: {  	v12 =	vld.idx.msk @!p1 [tilespmem:v13+s16+$0x0], $0xffff;
	_ =	sdelay $0x2  }
0x416: {  	v7 =	vadd.f32 @!p1 v10, v7;
	_ =	sdelay $0x1  }
0x417: {  	v7 =	vadd.f32 @!p1 v12, v7;
	_ =	sdelay $0x1  }
0x418: {  	v10 =	vmul.f32 @!p1 $2.000000030e-01, v7  }
0x419: {  	vm0 =	vge.f32 @!p1 v7, $0.0e+00  }
0x41a: {  	v7 =	vsel @!p1 vm0, v7, v10  }
0x41b: {  	v7 =	vmul.f32 @!p1 $1.442695020e+00, v7;
	_ =	sdelay $0x1  }
0x41c: {  	(erf) = vpow2.f32 @!p1 v7;
	_ =	sdelay $0x5  }
0x41d: {  	v7 =	vor.u32 $0x1002, v0  }
0x41e: {  	v10 =	vor.u32 $0x1006, v0;
	_ =	sdelay $0x1  }
0x41f: {  	v13 =	vor.u32 $0x802, v2;
	v12 =	vpop @!p1 (erf)  }
0x420: {  	[tilespmem:v9+s17+$0x0] =	vst.idx.msk @!p1 $0xffff, v12  }
0x421: {  	v9 =	vld.idx.msk [tilespmem:v7+s0+$0x0], $0xffff  }
0x422: {  	v10 =	vld.idx.msk [tilespmem:v10+s11+$0x0], $0xffff;
	_ =	sdelay $0x1  }
0x423: {  	v12 =	vld.idx.msk [tilespmem:v13+s30+$0x0], $0xffff;
	_ =	sdelay $0x2  }
0x424: {  	v9 =	vadd.f32 v10, v9;
	_ =	sdelay $0x1  }
0x425: {  	v9 =	vadd.f32 v12, v9;
	_ =	sdelay $0x1  }
0x426: {  	v10 =	vmul.f32 $2.000000030e-01, v9  }
0x427: {  	vm10 =	vge.f32 v9, $0.0e+00  }
0x428: {  	v9 =	vsel vm10, v9, v10  }
0x429: {  	v9 =	vmul.f32 $1.442695020e+00, v9;
	_ =	sdelay $0x1  }
0x42a: {  	(erf) = vpow2.f32 v9;
	_ =	sdelay $0x5  }
0x42b: {  	v9 =	vor.u32 $0x1003, v0  }
0x42c: {  	v10 =	vor.u32 $0x1007, v0;
	_ =	sdelay $0x1  }
0x42d: {  	v13 =	vor.u32 $0x803, v2;
	v12 =	vpop (erf)  }
0x42e: {  	[tilespmem:v7+s19+$0x0] =	vst.idx.msk $0xffff, v12  }
0x42f: {  	v7 =	vld.idx.msk [tilespmem:v9+s0+$0x0], $0xffff  }
0x430: {  	v10 =	vld.idx.msk [tilespmem:v10+s11+$0x0], $0xffff;
	_ =	sdelay $0x1  }
0x431: {  	v12 =	vld.idx.msk [tilespmem:v13+s30+$0x0], $0xffff;
	_ =	sdelay $0x2  }
0x432: {  	v7 =	vadd.f32 v10, v7;
	_ =	sdelay $0x1  }
0x433: {  	v7 =	vadd.f32 v12, v7;
	_ =	sdelay $0x1  }
0x434: {  	v10 =	vmul.f32 $2.000000030e-01, v7  }
0x435: {  	vm11 =	vge.f32 v7, $0.0e+00  }
0x436: {  	v7 =	vsel vm11, v7, v10  }
0x437: {  	v7 =	vmul.f32 $1.442695020e+00, v7;
	_ =	sdelay $0x1  }
0x438: {  	(erf) = vpow2.f32 v7;
	_ =	sdelay $0x5  }
0x439: {  	v7 =	vor.u32 @!p1 $0x1100, v63  }
0x43a: {  	v10 =	vor.u32 @!p1 $0x1104, v63;
	_ =	sdelay $0x1  }
0x43b: {  	v13 =	vor.u32 @!p1 $0x880, v6;
	v12 =	vpop (erf)  }
0x43c: {  	[tilespmem:v9+s19+$0x0] =	vst.idx.msk $0xffff, v12  }
0x43d: {  	v9 =	vld.idx.msk @!p1 [tilespmem:v7+s12+$0x0], $0xffff  }
0x43e: {  	v10 =	vld.idx.msk @!p1 [tilespmem:v10+s1+$0x0], $0xffff;
	_ =	sdelay $0x1  }
0x43f: {  	v12 =	vld.idx.msk @!p1 [tilespmem:v13+s16+$0x0], $0xffff;
	_ =	sdelay $0x2  }
0x440: {  	v9 =	vadd.f32 @!p1 v10, v9;
	_ =	sdelay $0x1  }
0x441: {  	v9 =	vadd.f32 @!p1 v12, v9;
	_ =	sdelay $0x1  }
0x442: {  	v10 =	vmul.f32 @!p1 $2.000000030e-01, v9  }
0x443: {  	vm0 =	vge.f32 @!p1 v9, $0.0e+00  }
0x444: {  	v9 =	vsel @!p1 vm0, v9, v10  }
0x445: {  	v9 =	vmul.f32 @!p1 $1.442695020e+00, v9;
	_ =	sdelay $0x1  }
0x446: {  	(erf) = vpow2.f32 @!p1 v9;
	_ =	sdelay $0x5  }
0x447: {  	v9 =	vor.u32 @!p1 $0x1101, v63  }
0x448: {  	v10 =	vor.u32 @!p1 $0x1105, v63;
	_ =	sdelay $0x1  }
0x449: {  	v13 =	vor.u32 @!p1 $0x881, v6;
	v12 =	vpop @!p1 (erf)  }
0x44a: {  	[tilespmem:v7+s17+$0x0] =	vst.idx.msk @!p1 $0xffff, v12  }
0x44b: {  	v7 =	vld.idx.msk @!p1 [tilespmem:v9+s12+$0x0], $0xffff  }
0x44c: {  	v10 =	vld.idx.msk @!p1 [tilespmem:v10+s1+$0x0], $0xffff;
	_ =	sdelay $0x1  }
0x44d: {  	v12 =	vld.idx.msk @!p1 [tilespmem:v13+s16+$0x0], $0xffff;
	_ =	sdelay $0x2  }
0x44e: {  	v7 =	vadd.f32 @!p1 v10, v7;
	_ =	sdelay $0x1  }
0x44f: {  	v7 =	vadd.f32 @!p1 v12, v7;
	_ =	sdelay $0x1  }
0x450: {  	v10 =	vmul.f32 @!p1 $2.000000030e-01, v7  }
0x451: {  	vm0 =	vge.f32 @!p1 v7, $0.0e+00  }
0x452: {  	v7 =	vsel @!p1 vm0, v7, v10  }
0x453: {  	v7 =	vmul.f32 @!p1 $1.442695020e+00, v7;
	_ =	sdelay $0x1  }
0x454: {  	(erf) = vpow2.f32 @!p1 v7;
	_ =	sdelay $0x5  }
0x455: {  	v7 =	vor.u32 $0x1102, v0  }
0x456: {  	v10 =	vor.u32 $0x1106, v0;
	_ =	sdelay $0x1  }
0x457: {  	v13 =	vor.u32 $0x882, v2;
	v12 =	vpop @!p1 (erf)  }
0x458: {  	[tilespmem:v9+s17+$0x0] =	vst.idx.msk @!p1 $0xffff, v12  }
0x459: {  	v9 =	vld.idx.msk [tilespmem:v7+s0+$0x0], $0xffff  }
0x45a: {  	v10 =	vld.idx.msk [tilespmem:v10+s11+$0x0], $0xffff;
	_ =	sdelay $0x1  }
0x45b: {  	v12 =	vld.idx.msk [tilespmem:v13+s30+$0x0], $0xffff;
	_ =	sdelay $0x2  }
0x45c: {  	v9 =	vadd.f32 v10, v9;
	_ =	sdelay $0x1  }
0x45d: {  	v9 =	vadd.f32 v12, v9;
	_ =	sdelay $0x1  }
0x45e: {  	v10 =	vmul.f32 $2.000000030e-01, v9  }
0x45f: {  	vm12 =	vge.f32 v9, $0.0e+00  }
0x460: {  	v9 =	vsel vm12, v9, v10  }
0x461: {  	v9 =	vmul.f32 $1.442695020e+00, v9;
	_ =	sdelay $0x1  }
0x462: {  	(erf) = vpow2.f32 v9;
	_ =	sdelay $0x5  }
0x463: {  	v9 =	vor.u32 $0x1103, v0  }
0x464: {  	v10 =	vor.u32 $0x1107, v0;
	_ =	sdelay $0x1  }
0x465: {  	v13 =	vor.u32 $0x883, v2;
	v12 =	vpop (erf)  }
0x466: {  	[tilespmem:v7+s19+$0x0] =	vst.idx.msk $0xffff, v12  }
0x467: {  	v7 =	vld.idx.msk [tilespmem:v9+s0+$0x0], $0xffff  }
0x468: {  	v10 =	vld.idx.msk [tilespmem:v10+s11+$0x0], $0xffff;
	_ =	sdelay $0x1  }
0x469: {  	v12 =	vld.idx.msk [tilespmem:v13+s30+$0x0], $0xffff;
	_ =	sdelay $0x2  }
0x46a: {  	v7 =	vadd.f32 v10, v7;
	_ =	sdelay $0x1  }
0x46b: {  	v7 =	vadd.f32 v12, v7;
	_ =	sdelay $0x1  }
0x46c: {  	v10 =	vmul.f32 $2.000000030e-01, v7  }
0x46d: {  	vm13 =	vge.f32 v7, $0.0e+00  }
0x46e: {  	v7 =	vsel vm13, v7, v10  }
0x46f: {  	v7 =	vmul.f32 $1.442695020e+00, v7;
	_ =	sdelay $0x1  }
0x470: {  	(erf) = vpow2.f32 v7;
	_ =	sdelay $0x5  }
0x471: {  	v7 =	vor.u32 @!p1 $0x1200, v63  }
0x472: {  	v10 =	vor.u32 @!p1 $0x1204, v63;
	_ =	sdelay $0x1  }
0x473: {  	v13 =	vor.u32 @!p1 $0x900, v6;
	v12 =	vpop (erf)  }
0x474: {  	[tilespmem:v9+s19+$0x0] =	vst.idx.msk $0xffff, v12  }
0x475: {  	v9 =	vld.idx.msk @!p1 [tilespmem:v7+s12+$0x0], $0xffff  }
0x476: {  	v10 =	vld.idx.msk @!p1 [tilespmem:v10+s1+$0x0], $0xffff;
	_ =	sdelay $0x1  }
0x477: {  	v12 =	vld.idx.msk @!p1 [tilespmem:v13+s16+$0x0], $0xffff;
	_ =	sdelay $0x2  }
0x478: {  	v9 =	vadd.f32 @!p1 v10, v9;
	_ =	sdelay $0x1  }
0x479: {  	v9 =	vadd.f32 @!p1 v12, v9;
	_ =	sdelay $0x1  }
0x47a: {  	v10 =	vmul.f32 @!p1 $2.000000030e-01, v9  }
0x47b: {  	vm0 =	vge.f32 @!p1 v9, $0.0e+00  }
0x47c: {  	v9 =	vsel @!p1 vm0, v9, v10  }
0x47d: {  	v9 =	vmul.f32 @!p1 $1.442695020e+00, v9;
	_ =	sdelay $0x1  }
0x47e: {  	(erf) = vpow2.f32 @!p1 v9;
	_ =	sdelay $0x5  }
0x47f: {  	v9 =	vor.u32 @!p1 $0x1201, v63  }
0x480: {  	v10 =	vor.u32 @!p1 $0x1205, v63;
	_ =	sdelay $0x1  }
0x481: {  	v13 =	vor.u32 @!p1 $0x901, v6;
	v12 =	vpop @!p1 (erf)  }
0x482: {  	[tilespmem:v7+s17+$0x0] =	vst.idx.msk @!p1 $0xffff, v12  }
0x483: {  	v7 =	vld.idx.msk @!p1 [tilespmem:v9+s12+$0x0], $0xffff  }
0x484: {  	v10 =	vld.idx.msk @!p1 [tilespmem:v10+s1+$0x0], $0xffff;
	_ =	sdelay $0x1  }
0x485: {  	v12 =	vld.idx.msk @!p1 [tilespmem:v13+s16+$0x0], $0xffff;
	_ =	sdelay $0x2  }
0x486: {  	v7 =	vadd.f32 @!p1 v10, v7;
	_ =	sdelay $0x1  }
0x487: {  	v7 =	vadd.f32 @!p1 v12, v7;
	_ =	sdelay $0x1  }
0x488: {  	v10 =	vmul.f32 @!p1 $2.000000030e-01, v7  }
0x489: {  	vm0 =	vge.f32 @!p1 v7, $0.0e+00  }
0x48a: {  	v7 =	vsel @!p1 vm0, v7, v10  }
0x48b: {  	v7 =	vmul.f32 @!p1 $1.442695020e+00, v7;
	_ =	sdelay $0x1  }
0x48c: {  	(erf) = vpow2.f32 @!p1 v7;
	_ =	sdelay $0x5  }
0x48d: {  	v7 =	vor.u32 $0x1202, v0  }
0x48e: {  	v10 =	vor.u32 $0x1206, v0;
	_ =	sdelay $0x1  }
0x48f: {  	v13 =	vor.u32 $0x902, v2;
	v12 =	vpop @!p1 (erf)  }
0x490: {  	[tilespmem:v9+s17+$0x0] =	vst.idx.msk @!p1 $0xffff, v12  }
0x491: {  	v9 =	vld.idx.msk [tilespmem:v7+s0+$0x0], $0xffff  }
0x492: {  	v10 =	vld.idx.msk [tilespmem:v10+s11+$0x0], $0xffff;
	_ =	sdelay $0x1  }
0x493: {  	v12 =	vld.idx.msk [tilespmem:v13+s30+$0x0], $0xffff;
	_ =	sdelay $0x2  }
0x494: {  	v9 =	vadd.f32 v10, v9;
	_ =	sdelay $0x1  }
0x495: {  	v9 =	vadd.f32 v12, v9;
	_ =	sdelay $0x1  }
0x496: {  	v10 =	vmul.f32 $2.000000030e-01, v9  }
0x497: {  	vm14 =	vge.f32 v9, $0.0e+00  }
0x498: {  	v9 =	vsel vm14, v9, v10  }
0x499: {  	v9 =	vmul.f32 $1.442695020e+00, v9;
	_ =	sdelay $0x1  }
0x49a: {  	(erf) = vpow2.f32 v9;
	_ =	sdelay $0x5  }
0x49b: {  	v9 =	vor.u32 $0x1203, v0  }
0x49c: {  	v10 =	vor.u32 $0x1207, v0;
	_ =	sdelay $0x1  }
0x49d: {  	v13 =	vor.u32 $0x903, v2;
	v12 =	vpop (erf)  }
0x49e: {  	[tilespmem:v7+s19+$0x0] =	vst.idx.msk $0xffff, v12  }
0x49f: {  	v7 =	vld.idx.msk [tilespmem:v9+s0+$0x0], $0xffff  }
0x4a0: {  	v10 =	vld.idx.msk [tilespmem:v10+s11+$0x0], $0xffff;
	_ =	sdelay $0x1  }
0x4a1: {  	v12 =	vld.idx.msk [tilespmem:v13+s30+$0x0], $0xffff;
	_ =	sdelay $0x2  }
0x4a2: {  	v7 =	vadd.f32 v10, v7;
	_ =	sdelay $0x1  }
0x4a3: {  	v7 =	vadd.f32 v12, v7;
	_ =	sdelay $0x1  }
0x4a4: {  	v10 =	vmul.f32 $2.000000030e-01, v7  }
0x4a5: {  	vm15 =	vge.f32 v7, $0.0e+00  }
0x4a6: {  	v7 =	vsel vm15, v7, v10  }
0x4a7: {  	v7 =	vmul.f32 $1.442695020e+00, v7;
	_ =	sdelay $0x1  }
0x4a8: {  	(erf) = vpow2.f32 v7;
	_ =	sdelay $0x5  }
0x4a9: {  	v7 =	vor.u32 @!p1 $0x1300, v63  }
0x4aa: {  	v10 =	vor.u32 @!p1 $0x1304, v63;
	_ =	sdelay $0x1  }
0x4ab: {  	v13 =	vor.u32 @!p1 $0x980, v6;
	v12 =	vpop (erf)  }
0x4ac: {  	[tilespmem:v9+s19+$0x0] =	vst.idx.msk $0xffff, v12  }
0x4ad: {  	v9 =	vld.idx.msk @!p1 [tilespmem:v7+s12+$0x0], $0xffff  }
0x4ae: {  	v10 =	vld.idx.msk @!p1 [tilespmem:v10+s1+$0x0], $0xffff;
	_ =	sdelay $0x1  }
0x4af: {  	v12 =	vld.idx.msk @!p1 [tilespmem:v13+s16+$0x0], $0xffff;
	_ =	sdelay $0x2  }
0x4b0: {  	v9 =	vadd.f32 @!p1 v10, v9;
	_ =	sdelay $0x1  }
0x4b1: {  	v9 =	vadd.f32 @!p1 v12, v9;
	_ =	sdelay $0x1  }
0x4b2: {  	v10 =	vmul.f32 @!p1 $2.000000030e-01, v9  }
0x4b3: {  	vm0 =	vge.f32 @!p1 v9, $0.0e+00  }
0x4b4: {  	v9 =	vsel @!p1 vm0, v9, v10  }
0x4b5: {  	v9 =	vmul.f32 @!p1 $1.442695020e+00, v9;
	_ =	sdelay $0x1  }
0x4b6: {  	(erf) = vpow2.f32 @!p1 v9;
	_ =	sdelay $0x5  }
0x4b7: {  	v9 =	vor.u32 @!p1 $0x1301, v63  }
0x4b8: {  	v10 =	vor.u32 @!p1 $0x1305, v63;
	_ =	sdelay $0x1  }
0x4b9: {  	v13 =	vor.u32 @!p1 $0x981, v6;
	v12 =	vpop @!p1 (erf)  }
0x4ba: {  	[tilespmem:v7+s17+$0x0] =	vst.idx.msk @!p1 $0xffff, v12  }
0x4bb: {  	v7 =	vld.idx.msk @!p1 [tilespmem:v9+s12+$0x0], $0xffff  }
0x4bc: {  	v10 =	vld.idx.msk @!p1 [tilespmem:v10+s1+$0x0], $0xffff;
	_ =	sdelay $0x1  }
0x4bd: {  	v12 =	vld.idx.msk @!p1 [tilespmem:v13+s16+$0x0], $0xffff;
	_ =	sdelay $0x2  }
0x4be: {  	v7 =	vadd.f32 @!p1 v10, v7;
	_ =	sdelay $0x1  }
0x4bf: {  	v7 =	vadd.f32 @!p1 v12, v7;
	_ =	sdelay $0x1  }
0x4c0: {  	v10 =	vmul.f32 @!p1 $2.000000030e-01, v7  }
0x4c1: {  	vm0 =	vge.f32 @!p1 v7, $0.0e+00  }
0x4c2: {  	v7 =	vsel @!p1 vm0, v7, v10  }
0x4c3: {  	v7 =	vmul.f32 @!p1 $1.442695020e+00, v7;
	_ =	sdelay $0x1  }
0x4c4: {  	(erf) = vpow2.f32 @!p1 v7;
	_ =	sdelay $0x5  }
0x4c5: {  	v7 =	vor.u32 $0x1302, v0  }
0x4c6: {  	v10 =	vor.u32 $0x1306, v0;
	_ =	sdelay $0x1  }
0x4c7: {  	v13 =	vor.u32 $0x982, v2;
	v12 =	vpop @!p1 (erf)  }
0x4c8: {  	[tilespmem:v9+s17+$0x0] =	vst.idx.msk @!p1 $0xffff, v12  }
0x4c9: {  	v9 =	vld.idx.msk [tilespmem:v7+s0+$0x0], $0xffff  }
0x4ca: {  	v10 =	vld.idx.msk [tilespmem:v10+s11+$0x0], $0xffff;
	_ =	sdelay $0x1  }
0x4cb: {  	v12 =	vld.idx.msk [tilespmem:v13+s30+$0x0], $0xffff;
	_ =	sdelay $0x2  }
0x4cc: {  	v9 =	vadd.f32 v10, v9;
	_ =	sdelay $0x1  }
0x4cd: {  	v9 =	vadd.f32 v12, v9;
	_ =	sdelay $0x1  }
0x4ce: {  	v10 =	vmul.f32 $2.000000030e-01, v9  }
0x4cf: {  	vm4 =	vge.f32 v9, $0.0e+00  }
0x4d0: {  	v9 =	vsel vm4, v9, v10  }
0x4d1: {  	v9 =	vmul.f32 $1.442695020e+00, v9;
	_ =	sdelay $0x1  }
0x4d2: {  	(erf) = vpow2.f32 v9;
	_ =	sdelay $0x5  }
0x4d3: {  	v9 =	vor.u32 $0x1303, v0  }
0x4d4: {  	v10 =	vor.u32 $0x1307, v0;
	_ =	sdelay $0x1  }
0x4d5: {  	v13 =	vor.u32 $0x983, v2;
	v12 =	vpop (erf)  }
0x4d6: {  	[tilespmem:v7+s19+$0x0] =	vst.idx.msk $0xffff, v12  }
0x4d7: {  	v7 =	vld.idx.msk [tilespmem:v9+s0+$0x0], $0xffff  }
0x4d8: {  	v10 =	vld.idx.msk [tilespmem:v10+s11+$0x0], $0xffff;
	_ =	sdelay $0x1  }
0x4d9: {  	v12 =	vld.idx.msk [tilespmem:v13+s30+$0x0], $0xffff;
	_ =	sdelay $0x2  }
0x4da: {  	v7 =	vadd.f32 v10, v7;
	_ =	sdelay $0x1  }
0x4db: {  	v7 =	vadd.f32 v12, v7;
	_ =	sdelay $0x1  }
0x4dc: {  	v10 =	vmul.f32 $2.000000030e-01, v7  }
0x4dd: {  	vm5 =	vge.f32 v7, $0.0e+00  }
0x4de: {  	v7 =	vsel vm5, v7, v10  }
0x4df: {  	v7 =	vmul.f32 $1.442695020e+00, v7;
	_ =	sdelay $0x1  }
0x4e0: {  	(erf) = vpow2.f32 v7;
	_ =	sdelay $0x5  }
0x4e1: {  	v7 =	vor.u32 @!p1 $0x1400, v63  }
0x4e2: {  	v10 =	vor.u32 @!p1 $0x1404, v63;
	_ =	sdelay $0x1  }
0x4e3: {  	v13 =	vor.u32 @!p1 $0xA00, v6;
	v12 =	vpop (erf)  }
0x4e4: {  	[tilespmem:v9+s19+$0x0] =	vst.idx.msk $0xffff, v12  }
0x4e5: {  	v9 =	vld.idx.msk @!p1 [tilespmem:v7+s12+$0x0], $0xffff  }
0x4e6: {  	v10 =	vld.idx.msk @!p1 [tilespmem:v10+s1+$0x0], $0xffff;
	_ =	sdelay $0x1  }
0x4e7: {  	v12 =	vld.idx.msk @!p1 [tilespmem:v13+s16+$0x0], $0xffff;
	_ =	sdelay $0x2  }
0x4e8: {  	v9 =	vadd.f32 @!p1 v10, v9;
	_ =	sdelay $0x1  }
0x4e9: {  	v9 =	vadd.f32 @!p1 v12, v9;
	_ =	sdelay $0x1  }
0x4ea: {  	v10 =	vmul.f32 @!p1 $2.000000030e-01, v9  }
0x4eb: {  	vm0 =	vge.f32 @!p1 v9, $0.0e+00  }
0x4ec: {  	v9 =	vsel @!p1 vm0, v9, v10  }
0x4ed: {  	v9 =	vmul.f32 @!p1 $1.442695020e+00, v9;
	_ =	sdelay $0x1  }
0x4ee: {  	(erf) = vpow2.f32 @!p1 v9;
	_ =	sdelay $0x5  }
0x4ef: {  	v9 =	vor.u32 @!p1 $0x1401, v63  }
0x4f0: {  	v10 =	vor.u32 @!p1 $0x1405, v63;
	_ =	sdelay $0x1  }
0x4f1: {  	v13 =	vor.u32 @!p1 $0xA01, v6;
	v12 =	vpop @!p1 (erf)  }
0x4f2: {  	[tilespmem:v7+s17+$0x0] =	vst.idx.msk @!p1 $0xffff, v12  }
0x4f3: {  	v7 =	vld.idx.msk @!p1 [tilespmem:v9+s12+$0x0], $0xffff  }
0x4f4: {  	v10 =	vld.idx.msk @!p1 [tilespmem:v10+s1+$0x0], $0xffff;
	_ =	sdelay $0x1  }
0x4f5: {  	v12 =	vld.idx.msk @!p1 [tilespmem:v13+s16+$0x0], $0xffff;
	_ =	sdelay $0x2  }
0x4f6: {  	v7 =	vadd.f32 @!p1 v10, v7;
	_ =	sdelay $0x1  }
0x4f7: {  	v7 =	vadd.f32 @!p1 v12, v7;
	_ =	sdelay $0x1  }
0x4f8: {  	v10 =	vmul.f32 @!p1 $2.000000030e-01, v7  }
0x4f9: {  	vm0 =	vge.f32 @!p1 v7, $0.0e+00  }
0x4fa: {  	v7 =	vsel @!p1 vm0, v7, v10  }
0x4fb: {  	v7 =	vmul.f32 @!p1 $1.442695020e+00, v7;
	_ =	sdelay $0x1  }
0x4fc: {  	(erf) = vpow2.f32 @!p1 v7;
	_ =	sdelay $0x5  }
0x4fd: {  	v7 =	vor.u32 $0x1402, v0  }
0x4fe: {  	v10 =	vor.u32 $0x1406, v0;
	_ =	sdelay $0x1  }
0x4ff: {  	v13 =	vor.u32 $0xA02, v2;
	v12 =	vpop @!p1 (erf)  }
0x500: {  	[tilespmem:v9+s17+$0x0] =	vst.idx.msk @!p1 $0xffff, v12  }
0x501: {  	v9 =	vld.idx.msk [tilespmem:v7+s0+$0x0], $0xffff  }
0x502: {  	v10 =	vld.idx.msk [tilespmem:v10+s11+$0x0], $0xffff;
	_ =	sdelay $0x1  }
0x503: {  	v12 =	vld.idx.msk [tilespmem:v13+s30+$0x0], $0xffff;
	_ =	sdelay $0x2  }
0x504: {  	v9 =	vadd.f32 v10, v9;
	_ =	sdelay $0x1  }
0x505: {  	v9 =	vadd.f32 v12, v9;
	_ =	sdelay $0x1  }
0x506: {  	v10 =	vmul.f32 $2.000000030e-01, v9  }
0x507: {  	vm6 =	vge.f32 v9, $0.0e+00  }
0x508: {  	v9 =	vsel vm6, v9, v10  }
0x509: {  	v9 =	vmul.f32 $1.442695020e+00, v9;
	_ =	sdelay $0x1  }
0x50a: {  	(erf) = vpow2.f32 v9;
	_ =	sdelay $0x5  }
0x50b: {  	v9 =	vor.u32 $0x1403, v0  }
0x50c: {  	v10 =	vor.u32 $0x1407, v0;
	_ =	sdelay $0x1  }
0x50d: {  	v13 =	vor.u32 $0xA03, v2;
	v12 =	vpop (erf)  }
0x50e: {  	[tilespmem:v7+s19+$0x0] =	vst.idx.msk $0xffff, v12  }
0x50f: {  	v7 =	vld.idx.msk [tilespmem:v9+s0+$0x0], $0xffff  }
0x510: {  	v10 =	vld.idx.msk [tilespmem:v10+s11+$0x0], $0xffff;
	_ =	sdelay $0x1  }
0x511: {  	v12 =	vld.idx.msk [tilespmem:v13+s30+$0x0], $0xffff;
	_ =	sdelay $0x2  }
0x512: {  	v7 =	vadd.f32 v10, v7;
	_ =	sdelay $0x1  }
0x513: {  	v7 =	vadd.f32 v12, v7;
	_ =	sdelay $0x1  }
0x514: {  	v10 =	vmul.f32 $2.000000030e-01, v7  }
0x515: {  	vm7 =	vge.f32 v7, $0.0e+00  }
0x516: {  	v7 =	vsel vm7, v7, v10  }
0x517: {  	v7 =	vmul.f32 $1.442695020e+00, v7;
	_ =	sdelay $0x1  }
0x518: {  	(erf) = vpow2.f32 v7;
	_ =	sdelay $0x5  }
0x519: {  	v7 =	vor.u32 @!p1 $0x1500, v63  }
0x51a: {  	v10 =	vor.u32 @!p1 $0x1504, v63;
	_ =	sdelay $0x1  }
0x51b: {  	v13 =	vor.u32 @!p1 $0xA80, v6;
	v12 =	vpop (erf)  }
0x51c: {  	[tilespmem:v9+s19+$0x0] =	vst.idx.msk $0xffff, v12  }
0x51d: {  	v9 =	vld.idx.msk @!p1 [tilespmem:v7+s12+$0x0], $0xffff  }
0x51e: {  	v10 =	vld.idx.msk @!p1 [tilespmem:v10+s1+$0x0], $0xffff;
	_ =	sdelay $0x1  }
0x51f: {  	v12 =	vld.idx.msk @!p1 [tilespmem:v13+s16+$0x0], $0xffff;
	_ =	sdelay $0x2  }
0x520: {  	v9 =	vadd.f32 @!p1 v10, v9;
	_ =	sdelay $0x1  }
0x521: {  	v9 =	vadd.f32 @!p1 v12, v9;
	_ =	sdelay $0x1  }
0x522: {  	v10 =	vmul.f32 @!p1 $2.000000030e-01, v9  }
0x523: {  	vm0 =	vge.f32 @!p1 v9, $0.0e+00  }
0x524: {  	v9 =	vsel @!p1 vm0, v9, v10  }
0x525: {  	v9 =	vmul.f32 @!p1 $1.442695020e+00, v9;
	_ =	sdelay $0x1  }
0x526: {  	(erf) = vpow2.f32 @!p1 v9;
	_ =	sdelay $0x5  }
0x527: {  	v9 =	vor.u32 @!p1 $0x1501, v63  }
0x528: {  	v10 =	vor.u32 @!p1 $0x1505, v63;
	_ =	sdelay $0x1  }
0x529: {  	v13 =	vor.u32 @!p1 $0xA81, v6;
	v12 =	vpop @!p1 (erf)  }
0x52a: {  	[tilespmem:v7+s17+$0x0] =	vst.idx.msk @!p1 $0xffff, v12  }
0x52b: {  	v7 =	vld.idx.msk @!p1 [tilespmem:v9+s12+$0x0], $0xffff  }
0x52c: {  	v10 =	vld.idx.msk @!p1 [tilespmem:v10+s1+$0x0], $0xffff;
	_ =	sdelay $0x1  }
0x52d: {  	v12 =	vld.idx.msk @!p1 [tilespmem:v13+s16+$0x0], $0xffff;
	_ =	sdelay $0x2  }
0x52e: {  	v7 =	vadd.f32 @!p1 v10, v7;
	_ =	sdelay $0x1  }
0x52f: {  	v7 =	vadd.f32 @!p1 v12, v7;
	_ =	sdelay $0x1  }
0x530: {  	v10 =	vmul.f32 @!p1 $2.000000030e-01, v7  }
0x531: {  	vm0 =	vge.f32 @!p1 v7, $0.0e+00  }
0x532: {  	v7 =	vsel @!p1 vm0, v7, v10  }
0x533: {  	v7 =	vmul.f32 @!p1 $1.442695020e+00, v7;
	_ =	sdelay $0x1  }
0x534: {  	(erf) = vpow2.f32 @!p1 v7;
	_ =	sdelay $0x5  }
0x535: {  	v7 =	vor.u32 $0x1502, v0  }
0x536: {  	v10 =	vor.u32 $0x1506, v0;
	_ =	sdelay $0x1  }
0x537: {  	v13 =	vor.u32 $0xA82, v2;
	v12 =	vpop @!p1 (erf)  }
0x538: {  	[tilespmem:v9+s17+$0x0] =	vst.idx.msk @!p1 $0xffff, v12  }
0x539: {  	v9 =	vld.idx.msk [tilespmem:v7+s0+$0x0], $0xffff  }
0x53a: {  	v10 =	vld.idx.msk [tilespmem:v10+s11+$0x0], $0xffff;
	_ =	sdelay $0x1  }
0x53b: {  	v12 =	vld.idx.msk [tilespmem:v13+s30+$0x0], $0xffff;
	_ =	sdelay $0x2  }
0x53c: {  	v9 =	vadd.f32 v10, v9;
	_ =	sdelay $0x1  }
0x53d: {  	v9 =	vadd.f32 v12, v9;
	_ =	sdelay $0x1  }
0x53e: {  	v10 =	vmul.f32 $2.000000030e-01, v9  }
0x53f: {  	vm8 =	vge.f32 v9, $0.0e+00  }
0x540: {  	v9 =	vsel vm8, v9, v10  }
0x541: {  	v9 =	vmul.f32 $1.442695020e+00, v9;
	_ =	sdelay $0x1  }
0x542: {  	(erf) = vpow2.f32 v9;
	_ =	sdelay $0x5  }
0x543: {  	v9 =	vor.u32 $0x1503, v0  }
0x544: {  	v10 =	vor.u32 $0x1507, v0;
	_ =	sdelay $0x1  }
0x545: {  	v13 =	vor.u32 $0xA83, v2;
	v12 =	vpop (erf)  }
0x546: {  	[tilespmem:v7+s19+$0x0] =	vst.idx.msk $0xffff, v12  }
0x547: {  	v7 =	vld.idx.msk [tilespmem:v9+s0+$0x0], $0xffff  }
0x548: {  	v10 =	vld.idx.msk [tilespmem:v10+s11+$0x0], $0xffff;
	_ =	sdelay $0x1  }
0x549: {  	v12 =	vld.idx.msk [tilespmem:v13+s30+$0x0], $0xffff;
	_ =	sdelay $0x2  }
0x54a: {  	v7 =	vadd.f32 v10, v7;
	_ =	sdelay $0x1  }
0x54b: {  	v7 =	vadd.f32 v12, v7;
	_ =	sdelay $0x1  }
0x54c: {  	v10 =	vmul.f32 $2.000000030e-01, v7  }
0x54d: {  	vm9 =	vge.f32 v7, $0.0e+00  }
0x54e: {  	v7 =	vsel vm9, v7, v10  }
0x54f: {  	v7 =	vmul.f32 $1.442695020e+00, v7;
	_ =	sdelay $0x1  }
0x550: {  	(erf) = vpow2.f32 v7;
	_ =	sdelay $0x5  }
0x551: {  	v7 =	vor.u32 @!p1 $0x1600, v63  }
0x552: {  	v10 =	vor.u32 @!p1 $0x1604, v63;
	_ =	sdelay $0x1  }
0x553: {  	v13 =	vor.u32 @!p1 $0xB00, v6;
	v12 =	vpop (erf)  }
0x554: {  	[tilespmem:v9+s19+$0x0] =	vst.idx.msk $0xffff, v12  }
0x555: {  	v9 =	vld.idx.msk @!p1 [tilespmem:v7+s12+$0x0], $0xffff  }
0x556: {  	v10 =	vld.idx.msk @!p1 [tilespmem:v10+s1+$0x0], $0xffff;
	_ =	sdelay $0x1  }
0x557: {  	v12 =	vld.idx.msk @!p1 [tilespmem:v13+s16+$0x0], $0xffff;
	_ =	sdelay $0x2  }
0x558: {  	v9 =	vadd.f32 @!p1 v10, v9;
	_ =	sdelay $0x1  }
0x559: {  	v9 =	vadd.f32 @!p1 v12, v9;
	_ =	sdelay $0x1  }
0x55a: {  	v10 =	vmul.f32 @!p1 $2.000000030e-01, v9  }
0x55b: {  	vm0 =	vge.f32 @!p1 v9, $0.0e+00  }
0x55c: {  	v9 =	vsel @!p1 vm0, v9, v10  }
0x55d: {  	v9 =	vmul.f32 @!p1 $1.442695020e+00, v9;
	_ =	sdelay $0x1  }
0x55e: {  	(erf) = vpow2.f32 @!p1 v9;
	_ =	sdelay $0x5  }
0x55f: {  	v9 =	vor.u32 @!p1 $0x1601, v63  }
0x560: {  	v10 =	vor.u32 @!p1 $0x1605, v63;
	_ =	sdelay $0x1  }
0x561: {  	v13 =	vor.u32 @!p1 $0xB01, v6;
	v12 =	vpop @!p1 (erf)  }
0x562: {  	[tilespmem:v7+s17+$0x0] =	vst.idx.msk @!p1 $0xffff, v12  }
0x563: {  	v7 =	vld.idx.msk @!p1 [tilespmem:v9+s12+$0x0], $0xffff  }
0x564: {  	v10 =	vld.idx.msk @!p1 [tilespmem:v10+s1+$0x0], $0xffff;
	_ =	sdelay $0x1  }
0x565: {  	v12 =	vld.idx.msk @!p1 [tilespmem:v13+s16+$0x0], $0xffff;
	_ =	sdelay $0x2  }
0x566: {  	v7 =	vadd.f32 @!p1 v10, v7;
	_ =	sdelay $0x1  }
0x567: {  	v7 =	vadd.f32 @!p1 v12, v7;
	_ =	sdelay $0x1  }
0x568: {  	v10 =	vmul.f32 @!p1 $2.000000030e-01, v7  }
0x569: {  	vm0 =	vge.f32 @!p1 v7, $0.0e+00  }
0x56a: {  	v7 =	vsel @!p1 vm0, v7, v10  }
0x56b: {  	v7 =	vmul.f32 @!p1 $1.442695020e+00, v7;
	_ =	sdelay $0x1  }
0x56c: {  	(erf) = vpow2.f32 @!p1 v7;
	_ =	sdelay $0x5  }
0x56d: {  	v7 =	vor.u32 $0x1602, v0  }
0x56e: {  	v10 =	vor.u32 $0x1606, v0;
	_ =	sdelay $0x1  }
0x56f: {  	v13 =	vor.u32 $0xB02, v2;
	v12 =	vpop @!p1 (erf)  }
0x570: {  	[tilespmem:v9+s17+$0x0] =	vst.idx.msk @!p1 $0xffff, v12  }
0x571: {  	v9 =	vld.idx.msk [tilespmem:v7+s0+$0x0], $0xffff  }
0x572: {  	v10 =	vld.idx.msk [tilespmem:v10+s11+$0x0], $0xffff;
	_ =	sdelay $0x1  }
0x573: {  	v12 =	vld.idx.msk [tilespmem:v13+s30+$0x0], $0xffff;
	_ =	sdelay $0x2  }
0x574: {  	v9 =	vadd.f32 v10, v9;
	_ =	sdelay $0x1  }
0x575: {  	v9 =	vadd.f32 v12, v9;
	_ =	sdelay $0x1  }
0x576: {  	v10 =	vmul.f32 $2.000000030e-01, v9  }
0x577: {  	vm10 =	vge.f32 v9, $0.0e+00  }
0x578: {  	v9 =	vsel vm10, v9, v10  }
0x579: {  	v9 =	vmul.f32 $1.442695020e+00, v9;
	_ =	sdelay $0x1  }
0x57a: {  	(erf) = vpow2.f32 v9;
	_ =	sdelay $0x5  }
0x57b: {  	v9 =	vor.u32 $0x1603, v0  }
0x57c: {  	v10 =	vor.u32 $0x1607, v0;
	_ =	sdelay $0x1  }
0x57d: {  	v13 =	vor.u32 $0xB03, v2;
	v12 =	vpop (erf)  }
0x57e: {  	[tilespmem:v7+s19+$0x0] =	vst.idx.msk $0xffff, v12  }
0x57f: {  	v7 =	vld.idx.msk [tilespmem:v9+s0+$0x0], $0xffff  }
0x580: {  	v10 =	vld.idx.msk [tilespmem:v10+s11+$0x0], $0xffff;
	_ =	sdelay $0x1  }
0x581: {  	v12 =	vld.idx.msk [tilespmem:v13+s30+$0x0], $0xffff;
	_ =	sdelay $0x2  }
0x582: {  	v7 =	vadd.f32 v10, v7;
	_ =	sdelay $0x1  }
0x583: {  	v7 =	vadd.f32 v12, v7;
	_ =	sdelay $0x1  }
0x584: {  	v10 =	vmul.f32 $2.000000030e-01, v7  }
0x585: {  	vm11 =	vge.f32 v7, $0.0e+00  }
0x586: {  	v7 =	vsel vm11, v7, v10  }
0x587: {  	v7 =	vmul.f32 $1.442695020e+00, v7;
	_ =	sdelay $0x1  }
0x588: {  	(erf) = vpow2.f32 v7;
	_ =	sdelay $0x5  }
0x589: {  	v7 =	vor.u32 @!p1 $0x1700, v63  }
0x58a: {  	v10 =	vor.u32 @!p1 $0x1704, v63;
	_ =	sdelay $0x1  }
0x58b: {  	v13 =	vor.u32 @!p1 $0xB80, v6;
	v12 =	vpop (erf)  }
0x58c: {  	[tilespmem:v9+s19+$0x0] =	vst.idx.msk $0xffff, v12  }
0x58d: {  	v9 =	vld.idx.msk @!p1 [tilespmem:v7+s12+$0x0], $0xffff  }
0x58e: {  	v10 =	vld.idx.msk @!p1 [tilespmem:v10+s1+$0x0], $0xffff;
	_ =	sdelay $0x1  }
0x58f: {  	v12 =	vld.idx.msk @!p1 [tilespmem:v13+s16+$0x0], $0xffff;
	_ =	sdelay $0x2  }
0x590: {  	v9 =	vadd.f32 @!p1 v10, v9;
	_ =	sdelay $0x1  }
0x591: {  	v9 =	vadd.f32 @!p1 v12, v9;
	_ =	sdelay $0x1  }
0x592: {  	v10 =	vmul.f32 @!p1 $2.000000030e-01, v9  }
0x593: {  	vm0 =	vge.f32 @!p1 v9, $0.0e+00  }
0x594: {  	v9 =	vsel @!p1 vm0, v9, v10  }
0x595: {  	v9 =	vmul.f32 @!p1 $1.442695020e+00, v9;
	_ =	sdelay $0x1  }
0x596: {  	(erf) = vpow2.f32 @!p1 v9;
	_ =	sdelay $0x5  }
0x597: {  	v9 =	vor.u32 @!p1 $0x1701, v63  }
0x598: {  	v10 =	vor.u32 @!p1 $0x1705, v63;
	_ =	sdelay $0x1  }
0x599: {  	v13 =	vor.u32 @!p1 $0xB81, v6;
	v12 =	vpop @!p1 (erf)  }
0x59a: {  	[tilespmem:v7+s17+$0x0] =	vst.idx.msk @!p1 $0xffff, v12  }
0x59b: {  	v7 =	vld.idx.msk @!p1 [tilespmem:v9+s12+$0x0], $0xffff  }
0x59c: {  	v10 =	vld.idx.msk @!p1 [tilespmem:v10+s1+$0x0], $0xffff;
	_ =	sdelay $0x1  }
0x59d: {  	v12 =	vld.idx.msk @!p1 [tilespmem:v13+s16+$0x0], $0xffff;
	_ =	sdelay $0x2  }
0x59e: {  	v7 =	vadd.f32 @!p1 v10, v7;
	_ =	sdelay $0x1  }
0x59f: {  	v7 =	vadd.f32 @!p1 v12, v7;
	_ =	sdelay $0x1  }
0x5a0: {  	v10 =	vmul.f32 @!p1 $2.000000030e-01, v7  }
0x5a1: {  	vm0 =	vge.f32 @!p1 v7, $0.0e+00  }
0x5a2: {  	v7 =	vsel @!p1 vm0, v7, v10  }
0x5a3: {  	v7 =	vmul.f32 @!p1 $1.442695020e+00, v7;
	_ =	sdelay $0x1  }
0x5a4: {  	(erf) = vpow2.f32 @!p1 v7;
	_ =	sdelay $0x5  }
0x5a5: {  	v7 =	vor.u32 $0x1702, v0  }
0x5a6: {  	v10 =	vor.u32 $0x1706, v0;
	_ =	sdelay $0x1  }
0x5a7: {  	v13 =	vor.u32 $0xB82, v2;
	v12 =	vpop @!p1 (erf)  }
0x5a8: {  	[tilespmem:v9+s17+$0x0] =	vst.idx.msk @!p1 $0xffff, v12  }
0x5a9: {  	v9 =	vld.idx.msk [tilespmem:v7+s0+$0x0], $0xffff  }
0x5aa: {  	v10 =	vld.idx.msk [tilespmem:v10+s11+$0x0], $0xffff;
	_ =	sdelay $0x1  }
0x5ab: {  	v12 =	vld.idx.msk [tilespmem:v13+s30+$0x0], $0xffff;
	_ =	sdelay $0x2  }
0x5ac: {  	v9 =	vadd.f32 v10, v9;
	_ =	sdelay $0x1  }
0x5ad: {  	v9 =	vadd.f32 v12, v9;
	_ =	sdelay $0x1  }
0x5ae: {  	v10 =	vmul.f32 $2.000000030e-01, v9  }
0x5af: {  	vm12 =	vge.f32 v9, $0.0e+00  }
0x5b0: {  	v9 =	vsel vm12, v9, v10  }
0x5b1: {  	v9 =	vmul.f32 $1.442695020e+00, v9;
	_ =	sdelay $0x1  }
0x5b2: {  	(erf) = vpow2.f32 v9;
	_ =	sdelay $0x5  }
0x5b3: {  	v9 =	vor.u32 $0x1703, v0  }
0x5b4: {  	v10 =	vor.u32 $0x1707, v0;
	_ =	sdelay $0x1  }
0x5b5: {  	v13 =	vor.u32 $0xB83, v2;
	v12 =	vpop (erf)  }
0x5b6: {  	[tilespmem:v7+s19+$0x0] =	vst.idx.msk $0xffff, v12  }
0x5b7: {  	v7 =	vld.idx.msk [tilespmem:v9+s0+$0x0], $0xffff  }
0x5b8: {  	v10 =	vld.idx.msk [tilespmem:v10+s11+$0x0], $0xffff;
	_ =	sdelay $0x1  }
0x5b9: {  	v12 =	vld.idx.msk [tilespmem:v13+s30+$0x0], $0xffff;
	_ =	sdelay $0x2  }
0x5ba: {  	v7 =	vadd.f32 v10, v7;
	_ =	sdelay $0x1  }
0x5bb: {  	v7 =	vadd.f32 v12, v7;
	_ =	sdelay $0x1  }
0x5bc: {  	v10 =	vmul.f32 $2.000000030e-01, v7  }
0x5bd: {  	vm13 =	vge.f32 v7, $0.0e+00  }
0x5be: {  	v7 =	vsel vm13, v7, v10  }
0x5bf: {  	v7 =	vmul.f32 $1.442695020e+00, v7;
	_ =	sdelay $0x1  }
0x5c0: {  	(erf) = vpow2.f32 v7;
	_ =	sdelay $0x5  }
0x5c1: {  	v7 =	vor.u32 @!p1 $0x1800, v63  }
0x5c2: {  	v10 =	vor.u32 @!p1 $0x1804, v63;
	_ =	sdelay $0x1  }
0x5c3: {  	v13 =	vor.u32 @!p1 $0xC00, v6;
	v12 =	vpop (erf)  }
0x5c4: {  	[tilespmem:v9+s19+$0x0] =	vst.idx.msk $0xffff, v12  }
0x5c5: {  	v9 =	vld.idx.msk @!p1 [tilespmem:v7+s12+$0x0], $0xffff  }
0x5c6: {  	v10 =	vld.idx.msk @!p1 [tilespmem:v10+s1+$0x0], $0xffff;
	_ =	sdelay $0x1  }
0x5c7: {  	v12 =	vld.idx.msk @!p1 [tilespmem:v13+s16+$0x0], $0xffff;
	_ =	sdelay $0x2  }
0x5c8: {  	v9 =	vadd.f32 @!p1 v10, v9;
	_ =	sdelay $0x1  }
0x5c9: {  	v9 =	vadd.f32 @!p1 v12, v9;
	_ =	sdelay $0x1  }
0x5ca: {  	v10 =	vmul.f32 @!p1 $2.000000030e-01, v9  }
0x5cb: {  	vm0 =	vge.f32 @!p1 v9, $0.0e+00  }
0x5cc: {  	v9 =	vsel @!p1 vm0, v9, v10  }
0x5cd: {  	v9 =	vmul.f32 @!p1 $1.442695020e+00, v9;
	_ =	sdelay $0x1  }
0x5ce: {  	(erf) = vpow2.f32 @!p1 v9;
	_ =	sdelay $0x5  }
0x5cf: {  	v9 =	vor.u32 @!p1 $0x1801, v63  }
0x5d0: {  	v10 =	vor.u32 @!p1 $0x1805, v63;
	_ =	sdelay $0x1  }
0x5d1: {  	v6 =	vor.u32 @!p1 $0xC01, v6;
	v12 =	vpop @!p1 (erf)  }
0x5d2: {  	[tilespmem:v7+s17+$0x0] =	vst.idx.msk @!p1 $0xffff, v12  }
0x5d3: {  	v7 =	vld.idx.msk @!p1 [tilespmem:v9+s12+$0x0], $0xffff  }
0x5d4: {  	v10 =	vld.idx.msk @!p1 [tilespmem:v10+s1+$0x0], $0xffff;
	_ =	sdelay $0x1  }
0x5d5: {  	v6 =	vld.idx.msk @!p1 [tilespmem:v6+s16+$0x0], $0xffff;
	_ =	sdelay $0x2  }
0x5d6: {  	v7 =	vadd.f32 @!p1 v10, v7;
	_ =	sdelay $0x1  }
0x5d7: {  	v6 =	vadd.f32 @!p1 v6, v7;
	_ =	sdelay $0x1  }
0x5d8: {  	v7 =	vmul.f32 @!p1 $2.000000030e-01, v6  }
0x5d9: {  	vm0 =	vge.f32 @!p1 v6, $0.0e+00  }
0x5da: {  	v6 =	vsel @!p1 vm0, v6, v7  }
0x5db: {  	v6 =	vmul.f32 @!p1 $1.442695020e+00, v6;
	_ =	sdelay $0x1  }
0x5dc: {  	(erf) = vpow2.f32 @!p1 v6;
	_ =	sdelay $0x5  }
0x5dd: {  	v6 =	vor.u32 $0x1802, v0  }
0x5de: {  	v7 =	vor.u32 $0x1806, v0;
	_ =	sdelay $0x1  }
0x5df: {  	v12 =	vor.u32 $0xC02, v2;
	v10 =	vpop @!p1 (erf)  }
0x5e0: {  	[tilespmem:v9+s17+$0x0] =	vst.idx.msk @!p1 $0xffff, v10  }
0x5e1: {  	v9 =	vld.idx.msk [tilespmem:v6+s0+$0x0], $0xffff  }
0x5e2: {  	v7 =	vld.idx.msk [tilespmem:v7+s11+$0x0], $0xffff;
	_ =	sdelay $0x1  }
0x5e3: {  	v10 =	vld.idx.msk [tilespmem:v12+s30+$0x0], $0xffff;
	_ =	sdelay $0x2  }
0x5e4: {  	v7 =	vadd.f32 v7, v9;
	_ =	sdelay $0x1  }
0x5e5: {  	v7 =	vadd.f32 v10, v7;
	_ =	sdelay $0x1  }
0x5e6: {  	v9 =	vmul.f32 $2.000000030e-01, v7  }
0x5e7: {  	vm14 =	vge.f32 v7, $0.0e+00  }
0x5e8: {  	v7 =	vsel vm14, v7, v9  }
0x5e9: {  	v7 =	vmul.f32 $1.442695020e+00, v7;
	_ =	sdelay $0x1  }
0x5ea: {  	(erf) = vpow2.f32 v7;
	_ =	sdelay $0x5  }
0x5eb: {  	v7 =	vor.u32 $0x1803, v0  }
0x5ec: {  	v9 =	vor.u32 $0x1807, v0;
	_ =	sdelay $0x1  }
0x5ed: {  	v12 =	vor.u32 $0xC03, v2;
	v10 =	vpop (erf)  }
0x5ee: {  	[tilespmem:v6+s19+$0x0] =	vst.idx.msk $0xffff, v10  }
0x5ef: {  	v6 =	vld.idx.msk [tilespmem:v7+s0+$0x0], $0xffff  }
0x5f0: {  	v9 =	vld.idx.msk [tilespmem:v9+s11+$0x0], $0xffff;
	_ =	sdelay $0x1  }
0x5f1: {  	v10 =	vld.idx.msk [tilespmem:v12+s30+$0x0], $0xffff;
	_ =	sdelay $0x2  }
0x5f2: {  	v6 =	vadd.f32 v9, v6;
	_ =	sdelay $0x1  }
0x5f3: {  	v6 =	vadd.f32 v10, v6;
	_ =	sdelay $0x1  }
0x5f4: {  	v9 =	vmul.f32 $2.000000030e-01, v6  }
0x5f5: {  	vm15 =	vge.f32 v6, $0.0e+00  }
0x5f6: {  	v6 =	vsel vm15, v6, v9  }
0x5f7: {  	v6 =	vmul.f32 $1.442695020e+00, v6;
	_ =	sdelay $0x1  }
0x5f8: {  	(erf) = vpow2.f32 v6;
	_ =	sdelay $0x6  }
0x5f9: {  	s16 =	simm.s32 $0x0  }
0x5fa: {  	v6 =	vor.u32 s16, v1  }
0x5fb: {  	v10 =	vor.u32 s16, v3;
	v9 =	vpop (erf)  }
0x5fc: {  	s1 =	simm.s32 $0x41E0;
	[tilespmem:v7+s19+$0x0] =	vst.idx.msk $0xffff, v9  }
0x5fd: {  	v7 =	vld [tilespmem:s1+$0xFFFFFFF0]  }
0x5fe: {  	v12 =	vld [tilespmem:s1+$0xFFFFFFE0]  }
0x5ff: {  	v6 =	vld.idx.msk [tilespmem:v6+s19+$0x0], $0xffff  }
0x600: {  	v9 =	vld.idx.msk [tilespmem:v10+s19+$0x0], $0xffff  }
0x601: {  	v13 =	vld [tilespmem:s1+$0x0];
	_ =	sdelay $0x1  }
0x602: {  	v10 =	vld [tilespmem:s1+$0x10]  }
0x603: {  	s17 =	simm.s32 $0x10  }
0x604: {  	v63 =	vor.u32 s17, v3;
	v12 =	vmul.f32 v12, v6  }
0x605: {  	s6 =	simm.s32 $0x2;
	s8 =	simm.s32 $0x41E0;
	v6 =	vmul.f32 v7, v6;
	v7 =	vor.u32 s17, v1;
	v13 =	vmul.f32 v13, v9  }
.LBB2_5:
0x606: {  	p3 =	sne.s32 s6, $0x18F  }
0x607: {  	[tilespmem:s1+$0xFFFFFFE0] =	vst v12;
	v9 =	vmul.f32 v10, v9;
	s8 =	sadd.s32 $0x40, s8;
	s9 =	smov.u32 s6;
	s6 =	sadd.s32 $0x1, s6  }
0x608: {  	[tilespmem:s1+$0x0] =	vst v13  }
0x609: {  	v13 =	vld [tilespmem:s8+$0xFFFFFFF0];
	[tilespmem:s1+$0x10] =	vst v9  }
0x60a: {  	v12 =	vld [tilespmem:s8+$0xFFFFFFE0];
	[tilespmem:s1+$0xFFFFFFF0] =	vst v6;
	s1 =	smov.u32 s8  }
0x60b: {  	v6 =	vld.idx.msk [tilespmem:v7+s19+$0x0], $0xffff  }
0x60c: {  	v9 =	vld.idx.msk [tilespmem:v63+s19+$0x0], $0xffff  }
0x60d: {  	v15 =	vld [tilespmem:s8+$0x0]  }
.Ltmp3:
0x60e: {  	v10 =	vld [tilespmem:s8+$0x10];
	(pc) =	sbr.rel @p3 .LBB2_5-.Ltmp3, $3  }
0x60f: {  	_ =	sdelay $0x1  }
0x610: {  	s9 =	sshll.u32 s9, $0x4;
	v12 =	vmul.f32 v12, v6;
	v6 =	vmul.f32 v13, v6  }
0x611: {  	v7 =	vor.u32 s9, v1;
	v63 =	vor.u32 s9, v3;
	v13 =	vmul.f32 v15, v9  }
0x612: {  	[tilespmem:s1+$0xFFFFFFE0] =	vst v12;
	v9 =	vmul.f32 v10, v9  }
0x613: {  	s6 =	sadd.s32 $0x40, s8;
	[tilespmem:s1+$0x0] =	vst v13  }
0x614: {  	v10 =	vld [tilespmem:s6+$0xFFFFFFF0];
	[tilespmem:s1+$0x10] =	vst v9  }
0x615: {  	v9 =	vld [tilespmem:s6+$0xFFFFFFE0];
	[tilespmem:s1+$0xFFFFFFF0] =	vst v6  }
0x616: {  	v6 =	vld.idx.msk [tilespmem:v7+s19+$0x0], $0xffff  }
0x617: {  	v7 =	vld.idx.msk [tilespmem:v63+s19+$0x0], $0xffff  }
0x618: {  	v12 =	vld [tilespmem:s6+$0x0]  }
0x619: {  	v13 =	vld [tilespmem:s6+$0x10];
	_ =	sdelay $0x2  }
0x61a: {  	v9 =	vmul.f32 v9, v6  }
0x61b: {  	v12 =	vmul.f32 v12, v7  }
0x61c: {  	v7 =	vmul.f32 v13, v7;
	[tilespmem:s6+$0xFFFFFFE0] =	vst v9  }
0x61d: {  	v6 =	vmul.f32 v10, v6;
	[tilespmem:s6+$0x0] =	vst v12  }
0x61e: {  	[tilespmem:s6+$0x10] =	vst v7  }
0x61f: {  	[tilespmem:s6+$0xFFFFFFF0] =	vst v6  }
0x620: {  	[spmem:s2] =	stream.indirect.scatter.add.f32 [tilespmem:s14], [sflag:$0x3], $0x40, s29, s31, $0xb8;
	[tilespmem:$0x18210] =	vst v63  }
0x621: {  	_ =	swait.ge [sflag:s28], $0x1900  }
0x622: {  	s8 =	simm.s32 @p1 $0x5AC0;
	[sflag:s28] =	ssyncset.done $0x0  }
0x623: {  	s1 =	simm.s32 @p1 $0x64;
	s6 =	simm.s32 @p1 $0x208;
	[sflag:s28] =	ssyncadd.s32 $0xFFFFE700  }
0x624: {  	[spmem:s2] =	stream.indirect.scatter.add.f32 @p1 [tilespmem:s8], [sflag:$0x3], $0x40, s6, s1, $0xb8;
	[tilespmem:$0x18210] =	vst v63  }
0x625: {  	s6 =	simm.s32 @p1 $0x3  }
0x626: {  	_ =	swait.ge @p1 [sflag:s6], $0x1900  }
0x627: {  	s9 =	simm.s32 @!p1 $0x1A0;
	[sflag:s6] =	ssyncset.done @p1 $0x0  }
0x628: {  	s10 =	simm.s32 @!p1 $0xA5C0;
	s8 =	simm.s32 @!p1 $0x64;
	[sflag:s6] =	ssyncadd.s32 @p1 $0xFFFFE700  }
0x629: {  	[spmem:s3] =	stream.indirect.scatter.add.f32 @!p1 [tilespmem:s10], [sflag:$0x3], $0x10, s9, s8, $0xb8;
	[tilespmem:$0x18210] =	vst v63  }
0x62a: {  	s9 =	simm.s32 @!p1 $0x3  }
0x62b: {  	_ =	swait.ge @!p1 [sflag:s9], $0x640  }
0x62c: {  	[sflag:s9] =	ssyncset.done @!p1 $0x0  }
0x62d: {  	s12 =	simm.s32 @!p1 $0x5AC0;
	s10 =	simm.s32 @!p1 $0x208;
	[sflag:s9] =	ssyncadd.s32 @!p1 $0xFFFFF9C0  }
0x62e: {  	[spmem:s2] =	stream.indirect.scatter.add.f32 @!p1 [tilespmem:s12], [sflag:$0x3], $0x40, s10, s8, $0xb8;
	[tilespmem:$0x18210] =	vst v63  }
0x62f: {  	_ =	swait.ge @!p1 [sflag:s9], $0x1900  }
0x630: {  	[sflag:s9] =	ssyncset.done @!p1 $0x0  }
0x631: {  	s12 =	simm.s32 @!p1 $0xAC00;
	[sflag:s9] =	ssyncadd.s32 @!p1 $0xFFFFE700  }
0x632: {  	[spmem:s3] =	stream.indirect.scatter.add.f32 @!p1 [tilespmem:s12], [sflag:$0x3], $0x10, s10, s8, $0xb8;
	[tilespmem:$0x18210] =	vst v63  }
0x633: {  	_ =	swait.ge @!p1 [sflag:s9], $0x640  }
0x634: {  	[sflag:s9] =	ssyncset.done @!p1 $0x0  }
0x635: {  	[sflag:s9] =	ssyncadd.s32 @!p1 $0xFFFFF9C0  }
0x636: {  	[spmem:s2] =	stream.indirect.scatter.add.f32 [tilespmem:s13], [sflag:$0x3], $0x40, s23, s31, $0xb8;
	[tilespmem:$0x18210] =	vst v63  }
0x637: {  	_ =	swait.ge [sflag:s28], $0x1900  }
0x638: {  	[sflag:s28] =	ssyncset.done $0x0  }
0x639: {  	s10 =	simm.s32 @p1 $0x2D8;
	s12 =	simm.s32 @p1 $0x8CC0;
	[sflag:s28] =	ssyncadd.s32 $0xFFFFE700  }
0x63a: {  	[spmem:s2] =	stream.indirect.scatter.add.f32 @p1 [tilespmem:s12], [sflag:$0x3], $0x40, s10, s1, $0xb8;
	[tilespmem:$0x18210] =	vst v63  }
0x63b: {  	_ =	swait.ge @p1 [sflag:s6], $0x1900  }
0x63c: {  	[sflag:s6] =	ssyncset.done @p1 $0x0  }
0x63d: {  	s1 =	simm.s32 @!p1 $0x270;
	[sflag:s6] =	ssyncadd.s32 @p1 $0xFFFFE700;
	s6 =	simm.s32 @!p1 $0xB240  }
0x63e: {  	[spmem:s3] =	stream.indirect.scatter.add.f32 @!p1 [tilespmem:s6], [sflag:$0x3], $0x10, s1, s8, $0xb8;
	[tilespmem:$0x18210] =	vst v63  }
0x63f: {  	_ =	swait.ge @!p1 [sflag:s9], $0x640  }
0x640: {  	[sflag:s9] =	ssyncset.done @!p1 $0x0  }
0x641: {  	s1 =	simm.s32 @!p1 $0x2D8;
	s6 =	simm.s32 @!p1 $0x8CC0;
	[sflag:s9] =	ssyncadd.s32 @!p1 $0xFFFFF9C0  }
0x642: {  	[spmem:s2] =	stream.indirect.scatter.add.f32 @!p1 [tilespmem:s6], [sflag:$0x3], $0x40, s1, s8, $0xb8;
	[tilespmem:$0x18210] =	vst v63  }
0x643: {  	_ =	swait.ge @!p1 [sflag:s9], $0x1900  }
0x644: {  	s22 =	sadd.s32 $0x1, s22;
	[sflag:s9] =	ssyncset.done @!p1 $0x0  }
0x645: {  	p3 =	sne.s32 s22, $0x32;
	s6 =	simm.s32 @!p1 $0xB880;
	[sflag:s9] =	ssyncadd.s32 @!p1 $0xFFFFE700  }
0x646: {  	[spmem:s3] =	stream.indirect.scatter.add.f32 @!p1 [tilespmem:s6], [sflag:$0x2], $0x10, s1, s8, $0xb8;
	[tilespmem:$0x18210] =	vst v63  }
.Ltmp4:
0x647: {  	_ = 	snop;
	(pc) =	sbr.rel @p3 .LBB2_4-.Ltmp4, $4  }
0x648: {  	s1 =	simm.s32 @!p1 $0x2  }
0x649: {  	_ =	swait.ge @!p1 [sflag:s1], $0x640  }
0x64a: {  	[sflag:s1] =	ssyncset.done @!p1 $0x0  }
0x64b: {  	[sflag:s1] =	ssyncadd.s32 @!p1 $0xFFFFF9C0  }
.Ltmp5:
0x64c: {  	(pc) =	sbr.rel @p2 .LBB2_11-.Ltmp5, $3  }
0x64d: {  	_ =	sdelay $0x1  }
0x64e: {  	[bflag:$0x0] =	sbarrier.arrive $0xFFFF  }
0x64f: {  	s6 =	rddreg [dreg:$0x16]  }
0x650: {  	s10 =	rddreg [dreg:$0xa]  }
0x651: {  	[tilespmem:s14], [sflag:$0x3] =	stream.linear.gather [spmem:s10], $0x3200, $0x38;
	[tilespmem:$0x18210] =	vst v63  }
0x652: {  	_ =	swait.ge [sflag:s28], $0x3200  }
0x653: {  	s1 =	simm.s32 @p1 $0x41C0;
	s12 =	simm.s32 @p1 $0x2;
	[sflag:s28] =	ssyncset.done $0x0  }
0x654: {  	s6 =	sadd.s32 @p1 $0x0, s25;
	s16 =	simm.s32 @p1 $0x0;
	[sflag:s28] =	ssyncadd.s32 $0xFFFFCE00  }
0x655: {  	[hbm4b:s6+s16] =	stream.linear.scatter @p1 [tilespmem:s1], [sflag:$0x2], $0x3200, $0x38;
	[tilespmem:$0x18210] =	vst v63  }
0x656: {  	_ =	swait.ge @p1 [sflag:s12], $0x3200  }
0x657: {  	s22 =	simm.s32 @!p1 $0x41C0;
	s17 =	simm.s32 @!p1 $0x3;
	[sflag:s12] =	ssyncset.done @p1 $0x0  }
0x658: {  	s18 =	simm.s32 @!p1 $0x0;
	s6 =	sadd.s32 @!p1 $0x0, s24;
	[sflag:s12] =	ssyncadd.s32 @p1 $0xFFFFCE00  }
0x659: {  	[hbm4b:s6+s18] =	stream.linear.scatter @!p1 [tilespmem:s22], [sflag:$0x3], $0x3200, $0x38;
	[tilespmem:$0x18210] =	vst v63  }
0x65a: {  	_ =	swait.ge @!p1 [sflag:s17], $0x3200  }
0x65b: {  	[sflag:s17] =	ssyncset.done @!p1 $0x0  }
0x65c: {  	s8 =	simm.s32 @!p1 $0xA5C0;
	s6 =	rddreg [dreg:$0xb];
	[sflag:s17] =	ssyncadd.s32 @!p1 $0xFFFFCE00  }
0x65d: {  	[tilespmem:s8], [sflag:$0x3] =	stream.linear.gather @!p1 [spmem:s6], $0xC80, $0x38;
	[tilespmem:$0x18210] =	vst v63  }
0x65e: {  	_ =	swait.ge @!p1 [sflag:s17], $0xC80  }
0x65f: {  	[sflag:s17] =	ssyncset.done @!p1 $0x0  }
0x660: {  	s26 =	rddreg [dreg:$0x14];
	[sflag:s17] =	ssyncadd.s32 @!p1 $0xFFFFF380  }
0x661: {  	[hbm4b:s26+s18] =	stream.linear.scatter @!p1 [tilespmem:s8], [sflag:$0x3], $0xC80, $0x38;
	[tilespmem:$0x18210] =	vst v63  }
0x662: {  	s9 =	simm.s32 $0x640;
	_ =	swait.ge @!p1 [sflag:s17], $0xC80  }
0x663: {  	s10 =	sadd.s32 $0x3200, s10;
	s6 =	sadd.s32 $0xC80, s6;
	[sflag:s17] =	ssyncset.done @!p1 $0x0  }
.LBB2_9:
0x664: {  	[sflag:s17] =	ssyncadd.s32 @!p1 $0xFFFFF380  }
0x665: {  	s26 =	sadd.s32 $0x190, s26;
	s15 =	smov.u32 s9;
	s9 =	sadd.s32 $0x640, s9  }
0x666: {  	[tilespmem:s14], [sflag:$0x3] =	stream.linear.gather [spmem:s10], $0x3200, $0x38;
	[tilespmem:$0x18210] =	vst v63  }
0x667: {  	p3 =	sne.s32 s9, $0x1F40;
	_ =	swait.ge [sflag:s28], $0x3200  }
0x668: {  	[sflag:s28] =	ssyncset.done $0x0  }
0x669: {  	s21 =	sadd.s32 @p1 s15, s25;
	[sflag:s28] =	ssyncadd.s32 $0xFFFFCE00  }
0x66a: {  	[hbm4b:s21+s16] =	stream.linear.scatter @p1 [tilespmem:s1], [sflag:$0x2], $0x3200, $0x38;
	[tilespmem:$0x18210] =	vst v63  }
0x66b: {  	_ =	swait.ge @p1 [sflag:s12], $0x3200  }
0x66c: {  	[sflag:s12] =	ssyncset.done @p1 $0x0  }
0x66d: {  	s15 =	sadd.s32 @!p1 s15, s24;
	[sflag:s12] =	ssyncadd.s32 @p1 $0xFFFFCE00  }
0x66e: {  	[hbm4b:s15+s18] =	stream.linear.scatter @!p1 [tilespmem:s22], [sflag:$0x3], $0x3200, $0x38;
	[tilespmem:$0x18210] =	vst v63  }
0x66f: {  	_ =	swait.ge @!p1 [sflag:s17], $0x3200  }
0x670: {  	[sflag:s17] =	ssyncset.done @!p1 $0x0  }
0x671: {  	[sflag:s17] =	ssyncadd.s32 @!p1 $0xFFFFCE00  }
0x672: {  	[tilespmem:s8], [sflag:$0x3] =	stream.linear.gather @!p1 [spmem:s6], $0xC80, $0x38;
	[tilespmem:$0x18210] =	vst v63  }
0x673: {  	_ =	swait.ge @!p1 [sflag:s17], $0xC80  }
.Ltmp6:
0x674: {  	[sflag:s17] =	ssyncset.done @!p1 $0x0;
	(pc) =	sbr.rel @p3 .LBB2_9-.Ltmp6, $4  }
0x675: {  	[sflag:s17] =	ssyncadd.s32 @!p1 $0xFFFFF380  }
0x676: {  	[hbm4b:s26+s18] =	stream.linear.scatter @!p1 [tilespmem:s8], [sflag:$0x3], $0xC80, $0x38;
	[tilespmem:$0x18210] =	vst v63  }
0x677: {  	_ =	swait.ge @!p1 [sflag:s17], $0xC80  }
0x678: {  	s10 =	sadd.s32 $0x3200, s10;
	s6 =	sadd.s32 $0xC80, s6;
	[sflag:s17] =	ssyncset.done @!p1 $0x0  }
.Ltmp7:
0x679: {  	s18 =	rddreg [dreg:$0x5];
	(pc) =	sbr.rel .LBB2_11-.Ltmp7, $4  }
0x67a: {  	s21 =	rddreg [dreg:$0x6]  }
0x67b: {  	s26 =	rddreg [dreg:$0x7]  }
0x67c: {  	[sflag:s17] =	ssyncadd.s32 @!p1 $0xFFFFF380;
	s6 =	rddreg [dreg:$0x16]  }
0x67d: {  	s15 =	rddreg [dreg:$0x0]  }
.LBB2_12:
0x67e: {  	_ =	sfence.sel $0x180000  }
0x67f: {  	[bflag:$0x0] =	sbarrier.arrive $0xFFFF  }
0x680: {  	_ =	strace $0x90000047  }
0x681: {  	s0 =	stileid.u32;
	[bflag:$0x2] =	sbarrier.arrive $0xFFFF  }
0x682: {  	p0 =	sne.s32 s0, $0x0;
	s0 =	rddreg [dreg:$0x4]  }
0x683: {  	s0 =	sadd.s32 @!p0 $0x100000, s0  }
0x684: {  	[sflag:s0] =	ssyncadd.tile.s32 @!p0 $0x1;
	_ =	shalt  }
.Lfunc_end2:
_tile_overlayer_lowered:
.L_overlay_start_2:
0x685: {  	(tag) =	ssettag $0x2  }
0x686: {  	s0 =	rddreg [dreg:$0x0];
	s2 =	stileid.u32  }
0x687: {  	s1 =	rddreg [dreg:$0x1];
	p0 =	sne.s32 s2, $0x0  }
0x688: {  	s3 =	rddreg [dreg:$0x2];
	[bflag:$0x3] =	sbarrier.arrive $0xFFFF;
	s2 =	simm.s32 @!p0 $0x1C02  }
0x689: {  	[timem:s3], [sflag:s2] =	dma.local @!p0 [hbm:s0], s1  }
0x68a: {  	s0 =	simm.s32 @!p0 $0x2  }
0x68b: {  	_ =	swait.ge @!p0 [sflag:s0], s1  }
0x68c: {  	s1 =	ssub.s32 @!p0 $0x0, s1;
	[sflag:s0] =	ssyncset.done @!p0 $0x0  }
0x68d: {  	[sflag:s0] =	ssyncadd.s32 @!p0 s1  }
0x68e: {  	[bflag:$0x3] =	sbarrier.arrive $0xFFFF  }
0x68f: {  	_ =	shalt  }

</sc_bundles>
